<compile_context>
chip_gen: v7x
topology: tpu7x:2x2x1
jax: 0.10.2.dev20260603
libtpu: 0.0.44.dev20260713+nightly
codegen_flags: <defaults>
</compile_context>

<pallas_src>
import functools

import jax
import jax.numpy as jnp
from jax import lax
from jax.experimental import pallas as pl
from jax.experimental.pallas import tpu as pltpu
from jax.experimental.pallas import tpu_sc as plsc

D = 1024
H = 4096
E = 8
T = 8192
CAP = T // E
NSLOT = E * CAP
DUMP = NSLOT

BT = 2048
HB = 2048
NH = H // HB

NC = 2
NS = 16
NW = NC * NS
LANES = 16

ROWS_PER_W = T // NW
CHUNK = 32


def _route_body(x_ref, wg_ref, bg_ref, slot_ref, scale_ref, cnt_ref):
    pi = pl.program_id(0)

    @pl.when(pi == 0)
    def _():
        cnt_ref[...] = jnp.zeros((1, E), jnp.int32)

    x = x_ref[...]
    logits = lax.dot_general(
        x, wg_ref[...], (((1,), (0,)), ((), ())),
        preferred_element_type=jnp.float32,
    ) + bg_ref[...]

    m = jnp.max(logits, axis=1, keepdims=True)
    p = jnp.exp(logits - m)
    denom = jnp.sum(p, axis=1, keepdims=True)
    gate = 1.0 / denom

    idx = jnp.argmax(logits, axis=1)[:, None].astype(jnp.int32)
    lane = lax.broadcasted_iota(jnp.int32, (BT, E), 1)
    oh = (lane == idx).astype(jnp.float32)
    SB = 256
    row = lax.broadcasted_iota(jnp.int32, (SB, SB), 0)
    col = lax.broadcasted_iota(jnp.int32, (SB, SB), 1)
    ltri = (row > col).astype(jnp.bfloat16)
    offs = cnt_ref[...].astype(jnp.float32)
    ranks = []
    for k in range(BT // SB):
        ohk = oh[k * SB:(k + 1) * SB]
        csub = lax.dot_general(ltri, ohk.astype(jnp.bfloat16),
                               (((1,), (0,)), ((), ())),
                               preferred_element_type=jnp.float32)
        rk = (jnp.sum(csub * ohk, axis=1, keepdims=True)
              + jnp.sum(ohk * offs, axis=1, keepdims=True))
        ranks.append(rk)
        offs = offs + jnp.sum(ohk, axis=0, keepdims=True)
    rank = jnp.concatenate(ranks, axis=0).astype(jnp.int32)
    cnt_ref[...] = offs.astype(jnp.int32)

    keep = rank < CAP
    slot_ref[...] = jnp.where(keep, idx * CAP + rank, DUMP)
    scale_ref[...] = jnp.where(keep, gate, 0.0)


def _route(xf, Wg, bg):
    return pl.pallas_call(
        _route_body,
        grid=(T // BT,),
        in_specs=[
            pl.BlockSpec((BT, D), lambda i: (i, 0)),
            pl.BlockSpec((D, E), lambda i: (0, 0)),
            pl.BlockSpec((1, E), lambda i: (0, 0)),
        ],
        out_specs=[
            pl.BlockSpec((BT, 1), lambda i: (i, 0)),
            pl.BlockSpec((BT, 1), lambda i: (i, 0)),
        ],
        out_shape=[
            jax.ShapeDtypeStruct((T, 1), jnp.int32),
            jax.ShapeDtypeStruct((T, 1), jnp.float32),
        ],
        scratch_shapes=[pltpu.VMEM((1, E), jnp.int32)],
        compiler_params=pltpu.CompilerParams(
            dimension_semantics=("arbitrary",),
        ),
    )(xf, Wg, bg.reshape(1, E))


def _invert(slot, scale):
    mesh = plsc.VectorSubcoreMesh(core_axis_name="c", subcore_axis_name="s")

    @functools.partial(
        pl.kernel,
        mesh=mesh,
        out_type=[
            jax.ShapeDtypeStruct((NSLOT,), jnp.int32),
            jax.ShapeDtypeStruct((NSLOT,), jnp.float32),
        ],
        scratch_types=[
            pltpu.VMEM((T,), jnp.int32),
            pltpu.VMEM((T,), jnp.float32),
            pltpu.VMEM((NSLOT,), jnp.int32),
            pltpu.VMEM((NSLOT,), jnp.float32),
        ],
        compiler_params=pltpu.CompilerParams(needs_layout_passes=False),
    )
    def k(slot_hbm, scale_hbm, src_hbm, sscale_hbm, slot_v, scale_v,
          src_v, sscale_v):
        wid = lax.axis_index("c") * NS + lax.axis_index("s")

        @pl.when(wid == 0)
        def _():
            pltpu.sync_copy(slot_hbm, slot_v)
            pltpu.sync_copy(scale_hbm, scale_v)
            zero_i = jnp.zeros((LANES,), jnp.int32)
            zero_f = jnp.zeros((LANES,), jnp.float32)

            UNROLL = 4

            def init(i, _):
                for u in range(UNROLL):
                    src_v[pl.ds((i * UNROLL + u) * LANES, LANES)] = zero_i
                    sscale_v[pl.ds((i * UNROLL + u) * LANES, LANES)] = zero_f
                return 0

            lax.fori_loop(0, NSLOT // LANES // UNROLL, init, 0)

            tbase = lax.iota(jnp.int32, LANES)

            def scat(i, _):
                for u in range(UNROLL):
                    j = i * UNROLL + u
                    s = slot_v[pl.ds(j * LANES, LANES)]
                    tok = tbase + j * LANES
                    plsc.store_scatter(src_v, [s], tok, mask=s < NSLOT)
                return 0

            lax.fori_loop(0, T // LANES // UNROLL, scat, 0)

            def gath(i, _):
                for u in range(UNROLL):
                    j = i * UNROLL + u
                    sv = plsc.load_gather(scale_v,
                                          [src_v[pl.ds(j * LANES, LANES)]])
                    sscale_v[pl.ds(j * LANES, LANES)] = sv
                return 0

            lax.fori_loop(0, NSLOT // LANES // UNROLL, gath, 0)

            pltpu.sync_copy(src_v, src_hbm)
            pltpu.sync_copy(sscale_v, sscale_hbm)

    return k(slot, scale)


def _gather_rows(table, idx, base=0, nrows=None):
    n = nrows if nrows is not None else idx.shape[0]
    mesh = plsc.VectorSubcoreMesh(core_axis_name="c", subcore_axis_name="s")

    rpw = n // NW
    nchunk = rpw // CHUNK

    @functools.partial(
        pl.kernel,
        mesh=mesh,
        out_type=jax.ShapeDtypeStruct((n, D), jnp.float32),
        scratch_types=[
            pltpu.VMEM((2, CHUNK), jnp.int32),
            pltpu.VMEM((2, CHUNK, D), jnp.float32),
            [pltpu.SemaphoreType.DMA] * 2,
            [pltpu.SemaphoreType.DMA] * 2,
        ],
        compiler_params=pltpu.CompilerParams(needs_layout_passes=False),
    )
    def k(table_hbm, idx_hbm, out_hbm, idx_v, rows_v, gsem, wsem):
        wid = lax.axis_index("c") * NS + lax.axis_index("s")

        def start_gather(c):
            b = c % 2
            lb = wid * rpw + c * CHUNK
            pltpu.sync_copy(idx_hbm.at[pl.ds(base + lb, CHUNK)], idx_v.at[b])
            return pltpu.async_copy(table_hbm.at[idx_v.at[b]], rows_v.at[b],
                                    gsem[b])

        gh = [None, None]
        wh = [None, None]
        gh[0] = start_gather(0)
        for c in range(nchunk):
            b = c % 2
            gh[b].wait()
            if c + 1 < nchunk:
                if wh[(c + 1) % 2] is not None:
                    wh[(c + 1) % 2].wait()
                gh[(c + 1) % 2] = start_gather(c + 1)
            lb = wid * rpw + c * CHUNK
            wh[b] = pltpu.async_copy(rows_v.at[b],
                                     out_hbm.at[pl.ds(lb, CHUNK)], wsem[b])
        wh[(nchunk - 1) % 2].wait()
        if nchunk >= 2:
            wh[(nchunk - 2) % 2].wait()

    return k(table, idx)


def _make_mlp_body(ne, zero_block, aliased):
    def body(xs_ref, w1_ref, b1_ref, w2_ref, b2_ref, ss_ref, *rest):
        if aliased:
            _, out_ref, acc_ref = rest
        else:
            out_ref, acc_ref = rest
        e = pl.program_id(0)
        h = pl.program_id(1)

        @pl.when(jnp.logical_and(e < ne, h == 0))
        def _():
            acc_ref[...] = jnp.zeros_like(acc_ref)

        @pl.when(e < ne)
        def _():
            xb = xs_ref[0].astype(jnp.bfloat16)
            hpre = lax.dot_general(
                xb, w1_ref[0].astype(jnp.bfloat16), (((1,), (0,)), ((), ())),
                preferred_element_type=jnp.float32) + b1_ref[0]
            hrelu = jnp.maximum(hpre, 0.0).astype(jnp.bfloat16)
            acc_ref[...] += lax.dot_general(
                hrelu, w2_ref[0].astype(jnp.bfloat16), (((1,), (0,)), ((), ())),
                preferred_element_type=jnp.float32)

        @pl.when(h == NH - 1)
        def _():
            @pl.when(e < ne)
            def _():
                out_ref[0] = (acc_ref[...] + b2_ref[0]) * ss_ref[0]

            if zero_block:
                @pl.when(e == ne)
                def _():
                    out_ref[0] = jnp.zeros_like(out_ref[0])

    return body


def _mlp_part(xs_half, W1, b1, W2, b2, sscale, e0, ne, zero_block, init):
    ng = ne + (1 if zero_block else 0)
    eix = lambda e: e0 + jnp.minimum(e, ne - 1)
    hix = lambda e, h: jnp.where(e < ne, h, NH - 1)
    in_specs = [
        pl.BlockSpec((1, CAP, D), lambda e, h: (jnp.minimum(e, ne - 1), 0, 0)),
        pl.BlockSpec((1, D, HB), lambda e, h: (eix(e), 0, hix(e, h))),
        pl.BlockSpec((1, 1, HB), lambda e, h: (eix(e), 0, hix(e, h))),
        pl.BlockSpec((1, HB, D), lambda e, h: (eix(e), hix(e, h), 0)),
        pl.BlockSpec((1, 1, D), lambda e, h: (eix(e), 0, 0)),
        pl.BlockSpec((1, CAP, 1), lambda e, h: (eix(e), 0, 0)),
    ]
    args = [xs_half.reshape(ne, CAP, D), W1, b1.reshape(E, 1, H), W2,
            b2.reshape(E, 1, D), sscale.reshape(E, CAP, 1)]
    io_aliases = {}
    if init is not None:
        in_specs.append(pl.BlockSpec(memory_space=pl.ANY))
        args.append(init)
        io_aliases = {6: 0}
    if zero_block:
        out_map = lambda e, h: (jnp.where(e < ne, e0 + e, E), 0, 0)
    else:
        out_map = lambda e, h: (e0 + e, 0, 0)
    return pl.pallas_call(
        _make_mlp_body(ne, zero_block, init is not None),
        grid=(ng, NH),
        in_specs=in_specs,
        out_specs=pl.BlockSpec((1, CAP, D), out_map),
        out_shape=jax.ShapeDtypeStruct((E + 1, CAP, D), jnp.float32),
        scratch_shapes=[pltpu.VMEM((CAP, D), jnp.float32)],
        input_output_aliases=io_aliases,
        compiler_params=pltpu.CompilerParams(
            dimension_semantics=("arbitrary", "arbitrary"),
            vmem_limit_bytes=100 * 1024 * 1024,
        ),
    )(*args)


def kernel(x, Wg, bg, W1, b1, W2, b2):
    orig_shape = x.shape
    xf = x.reshape(T, D)

    slot, scale = _route(xf, Wg, bg)
    slot = slot.reshape(T)
    scale = scale.reshape(T)

    src, sscale = _invert(slot, scale)
    xs = _gather_rows(xf, src)
    yb = _mlp_part(xs, W1, b1, W2, b2, sscale, 0, E, True, None)
    y = _gather_rows(yb.reshape((E + 1) * CAP, D), slot)
    return y.reshape(orig_shape)

# --- scband reference (transcript-rebuilt; emitter-appended) ---
"""Pipeline reference for scband-faster-mo-eoutput-only-mo-e-51462298141175 (READ-ONLY COPY).

The authoritative reference and input builder live on the scoring server;
editing this copy changes nothing except your own understanding.
"""

import jax, jax.numpy as jnp
import numpy as np

B, S, D, H, E = 2, 4096, 1024, 4096, 8


def setup_inputs(seed: int = 0) -> dict:
    key = jax.random.key(seed)
    ks = jax.random.split(key, 8)
    x = jax.random.normal(ks[0], (B, S, D), dtype=jnp.float32)
    Wg = jax.random.normal(ks[1], (D, E), dtype=jnp.float32) * 0.02
    bg = jnp.zeros((E,), dtype=jnp.float32)
    W1 = jax.random.normal(ks[2], (E, D, H), dtype=jnp.float32) * 0.02
    b1 = jnp.zeros((E, H), dtype=jnp.float32)
    W2 = jax.random.normal(ks[3], (E, H, D), dtype=jnp.float32) * 0.02
    b2 = jnp.zeros((E, D), dtype=jnp.float32)
    return {"x": x, "Wg": Wg, "bg": bg, "W1": W1, "b1": b1, "W2": W2, "b2": b2}


def reference(x, Wg, bg, W1, b1, W2, b2):
    # FasterMoE FMoETransformerMLP with SwitchGate (top-1), capacity factor 1.0 (eval).
    orig_shape = x.shape
    xf = x.reshape(-1, D)
    T = xf.shape[0]
    cap = int(np.ceil(1.0 * T / E))
    # Switch gate: linear -> softmax -> top-1 (eval mode: no noise)
    logits = xf @ Wg + bg
    score = jax.nn.softmax(logits, axis=-1)
    idx = jnp.argmax(logits, axis=-1)
    gate_val = jnp.take_along_axis(score, idx[:, None], axis=1)[:, 0]
    # capacity enforcement: token rank within its chosen expert, FIFO drop
    onehot = jax.nn.one_hot(idx, E, dtype=jnp.int32)
    rank = jnp.sum(jnp.cumsum(onehot, axis=0) * onehot, axis=-1) - 1
    keep = rank < cap
    pos = jnp.where(keep, rank, cap)  # cap -> out of range, dropped by scatter
    # dispatch to per-expert buffers (scatter)
    buf = jnp.zeros((E, cap, D), dtype=xf.dtype).at[idx, pos].set(xf, mode='drop')
    # expert MLP: Linear -> ReLU -> Linear, per expert
    h = jax.nn.relu(jnp.einsum('ecd,edh->ech', buf, W1) + b1[:, None, :])
    yb = jnp.einsum('ech,ehd->ecd', h, W2) + b2[:, None, :]
    # combine (gather) scaled by gate score; dropped tokens output zero
    y = yb[idx, jnp.minimum(pos, cap - 1)] * (gate_val * keep.astype(xf.dtype))[:, None]
    return y.reshape(orig_shape)

if __name__ == "__main__":
    import jax
    _d = setup_inputs()
    print(jax.jit(kernel)(*tuple(_d.values())))

</pallas_src>

<mosaic_0001>
#map = affine_map<(d0, d1) -> (0, 0)>
#map1 = affine_map<(d0, d1) -> (0)>
module attributes {stable_mosaic.version = 14 : i64} {
  func.func @k(%arg0: i32, %arg1: i32, %arg2: memref<8192x1024xf32, #tpu.memory_space<hbm>>, %arg3: memref<8192xi32, #tpu.memory_space<hbm>>, %arg4: memref<8192x1024xf32, #tpu.memory_space<hbm>>, %arg5: memref<2x32xi32, #tpu.memory_space<vmem>>, %arg6: memref<2x32x1024xf32, #tpu.memory_space<vmem>>, %arg7: memref<!tpu.dma_semaphore, #tpu.memory_space<semaphore_mem>>, %arg8: memref<!tpu.dma_semaphore, #tpu.memory_space<semaphore_mem>>, %arg9: memref<!tpu.dma_semaphore, #tpu.memory_space<semaphore_mem>>, %arg10: memref<!tpu.dma_semaphore, #tpu.memory_space<semaphore_mem>>) attributes {dimension_semantics = [#tpu.dimension_semantics<core_parallel>, #tpu.dimension_semantics<subcore_parallel>], iteration_bounds = array<i64: 2, 16>, scalar_prefetch = 0 : i64, scratch_operands = 6 : i64, tpu.core_type = #tpu.core_type<sc_vector_subcore>, window_params = [{transform_indices = #map}, {transform_indices = #map1}, {transform_indices = #map}]} {
    %mul3A = arith.constant 16 : i32
    %mul3A_0 = arith.muli %arg0, %mul3A : i32
    %add3A = arith.addi %mul3A_0, %arg1 : i32
    %mul3A_1 = arith.constant 256 : i32
    %mul3A_2 = arith.muli %add3A, %mul3A_1 : i32
    %add3A_3 = arith.constant 0 : i32
    %add3A_4 = arith.addi %mul3A_2, %add3A_3 : i32
    %add3A_5 = arith.constant 0 : i32
    %add3A_6 = arith.addi %add3A_5, %add3A_4 : i32
    %run_scoped3A = arith.constant 0 : i32
    "tpu.region"() ({
      %run_scoped3A_486 = tpu.sem_alloc : memref<!tpu.dma_semaphore, #tpu.memory_space<semaphore_mem>>
      %dma_start3A_487 = arith.constant 0 : i32
      %dma_start3A_488 = tpu.memref_slice %arg5[%run_scoped3A, %dma_start3A_487] : memref<2x32xi32, #tpu.memory_space<vmem>> -> memref<1x32xi32, #tpu.memory_space<vmem>>
      %dma_start3A_489 = tpu.memref_squeeze %dma_start3A_488 : memref<1x32xi32, #tpu.memory_space<vmem>> -> memref<32xi32, #tpu.memory_space<vmem>>
      %dma_start3A_490 = tpu.memref_slice %arg3[%add3A_6] : memref<8192xi32, #tpu.memory_space<hbm>> -> memref<32xi32, #tpu.memory_space<hbm>>
      %dma_start3A_491 = arith.constant 0 : i32
      %dma_start3A_492 = tpu.memref_slice %arg5[%run_scoped3A, %dma_start3A_491] : memref<2x32xi32, #tpu.memory_space<vmem>> -> memref<1x32xi32, #tpu.memory_space<vmem>>
      %dma_start3A_493 = tpu.memref_squeeze %dma_start3A_492 : memref<1x32xi32, #tpu.memory_space<vmem>> -> memref<32xi32, #tpu.memory_space<vmem>>
      %dma_start3A_494 = tpu.memref_slice %arg3[%add3A_6] : memref<8192xi32, #tpu.memory_space<hbm>> -> memref<32xi32, #tpu.memory_space<hbm>>
      tpu.enqueue_dma source(%dma_start3A_494 : memref<32xi32, #tpu.memory_space<hbm>>) target(%dma_start3A_493 : memref<32xi32, #tpu.memory_space<vmem>>) target_semaphore(%run_scoped3A_486 : memref<!tpu.dma_semaphore, #tpu.memory_space<semaphore_mem>>)
      %dma_wait3A_495 = arith.constant 0 : i32
      %dma_wait3A_496 = tpu.memref_slice %arg5[%run_scoped3A, %dma_wait3A_495] : memref<2x32xi32, #tpu.memory_space<vmem>> -> memref<1x32xi32, #tpu.memory_space<vmem>>
      %dma_wait3A_497 = tpu.memref_squeeze %dma_wait3A_496 : memref<1x32xi32, #tpu.memory_space<vmem>> -> memref<32xi32, #tpu.memory_space<vmem>>
      %dma_wait3A_498 = tpu.memref_slice %arg3[%add3A_6] : memref<8192xi32, #tpu.memory_space<hbm>> -> memref<32xi32, #tpu.memory_space<hbm>>
      %dma_wait3A_499 = arith.constant 0 : i32
      %dma_wait3A_500 = tpu.memref_slice %arg5[%run_scoped3A, %dma_wait3A_499] : memref<2x32xi32, #tpu.memory_space<vmem>> -> memref<1x32xi32, #tpu.memory_space<vmem>>
      %dma_wait3A_501 = tpu.memref_squeeze %dma_wait3A_500 : memref<1x32xi32, #tpu.memory_space<vmem>> -> memref<32xi32, #tpu.memory_space<vmem>>
      %dma_wait3A_502 = tpu.memref_slice %arg3[%add3A_6] : memref<8192xi32, #tpu.memory_space<hbm>> -> memref<32xi32, #tpu.memory_space<hbm>>
      tpu.wait_dma2 semaphore(%run_scoped3A_486 : memref<!tpu.dma_semaphore, #tpu.memory_space<semaphore_mem>>) src(%dma_wait3A_502 : memref<32xi32, #tpu.memory_space<hbm>>) dst(%dma_wait3A_501 : memref<32xi32, #tpu.memory_space<vmem>>)
      tpu.yield
    }) : () -> ()
    %dma_start3A = arith.constant 0 : i32
    %dma_start3A_7 = arith.constant 0 : i32
    %dma_start3A_8 = arith.constant 0 : i32
    %dma_start3A_9 = arith.constant 0 : i32
    %dma_start3A_10 = tpu.memref_slice %arg6[%dma_start3A_7, %dma_start3A_8, %dma_start3A_9] : memref<2x32x1024xf32, #tpu.memory_space<vmem>> -> memref<1x32x1024xf32, #tpu.memory_space<vmem>>
    %dma_start3A_11 = tpu.memref_squeeze %dma_start3A_10 : memref<1x32x1024xf32, #tpu.memory_space<vmem>> -> memref<32x1024xf32, #tpu.memory_space<vmem>>
    %dma_start3A_12 = arith.constant 0 : i32
    %dma_start3A_13 = tpu.memref_slice %arg5[%dma_start3A, %dma_start3A_12] : memref<2x32xi32, #tpu.memory_space<vmem>> -> memref<1x32xi32, #tpu.memory_space<vmem>>
    %dma_start3A_14 = tpu.memref_squeeze %dma_start3A_13 : memref<1x32xi32, #tpu.memory_space<vmem>> -> memref<32xi32, #tpu.memory_space<vmem>>
    %dma_start3A_15 = arith.constant 0 : i32
    %dma_start3A_16 = arith.constant 0 : i32
    %dma_start3A_17 = tpu.memref_slice %arg2[%dma_start3A_15, %dma_start3A_16] : memref<8192x1024xf32, #tpu.memory_space<hbm>> -> memref<8192x1024xf32, #tpu.memory_space<hbm>>
    tpu.enqueue_indirect_dma source(%dma_start3A_17 : memref<8192x1024xf32, #tpu.memory_space<hbm>>) target(%dma_start3A_11 : memref<32x1024xf32, #tpu.memory_space<vmem>>) offsets(%dma_start3A_14 : memref<32xi32, #tpu.memory_space<vmem>>) semaphore(%arg7 : memref<!tpu.dma_semaphore, #tpu.memory_space<semaphore_mem>>)
    %dma_wait3A = arith.constant 0 : i32
    %dma_wait3A_18 = arith.constant 0 : i32
    %dma_wait3A_19 = arith.constant 0 : i32
    %dma_wait3A_20 = arith.constant 0 : i32
    %dma_wait3A_21 = tpu.memref_slice %arg6[%dma_wait3A_18, %dma_wait3A_19, %dma_wait3A_20] : memref<2x32x1024xf32, #tpu.memory_space<vmem>> -> memref<1x32x1024xf32, #tpu.memory_space<vmem>>
    %dma_wait3A_22 = tpu.memref_squeeze %dma_wait3A_21 : memref<1x32x1024xf32, #tpu.memory_space<vmem>> -> memref<32x1024xf32, #tpu.memory_space<vmem>>
    %dma_wait3A_23 = arith.constant 0 : i32
    %dma_wait3A_24 = tpu.memref_slice %arg5[%dma_wait3A, %dma_wait3A_23] : memref<2x32xi32, #tpu.memory_space<vmem>> -> memref<1x32xi32, #tpu.memory_space<vmem>>
    %dma_wait3A_25 = tpu.memref_squeeze %dma_wait3A_24 : memref<1x32xi32, #tpu.memory_space<vmem>> -> memref<32xi32, #tpu.memory_space<vmem>>
    %dma_wait3A_26 = arith.constant 0 : i32
    %dma_wait3A_27 = arith.constant 0 : i32
    %dma_wait3A_28 = tpu.memref_slice %arg2[%dma_wait3A_26, %dma_wait3A_27] : memref<8192x1024xf32, #tpu.memory_space<hbm>> -> memref<8192x1024xf32, #tpu.memory_space<hbm>>
    tpu.wait_indirect_dma semaphore(%arg7 : memref<!tpu.dma_semaphore, #tpu.memory_space<semaphore_mem>>) src(%dma_wait3A_28 : memref<8192x1024xf32, #tpu.memory_space<hbm>>) dst(%dma_wait3A_22 : memref<32x1024xf32, #tpu.memory_space<vmem>>)
    %mul3A_29 = arith.constant 256 : i32
    %mul3A_30 = arith.muli %add3A, %mul3A_29 : i32
    %add3A_31 = arith.constant 32 : i32
    %add3A_32 = arith.addi %mul3A_30, %add3A_31 : i32
    %add3A_33 = arith.constant 0 : i32
    %add3A_34 = arith.addi %add3A_33, %add3A_32 : i32
    %run_scoped3A_35 = arith.constant 1 : i32
    "tpu.region"() ({
      %run_scoped3A_486 = tpu.sem_alloc : memref<!tpu.dma_semaphore, #tpu.memory_space<semaphore_mem>>
      %dma_start3A_487 = arith.constant 0 : i32
      %dma_start3A_488 = tpu.memref_slice %arg5[%run_scoped3A_35, %dma_start3A_487] : memref<2x32xi32, #tpu.memory_space<vmem>> -> memref<1x32xi32, #tpu.memory_space<vmem>>
      %dma_start3A_489 = tpu.memref_squeeze %dma_start3A_488 : memref<1x32xi32, #tpu.memory_space<vmem>> -> memref<32xi32, #tpu.memory_space<vmem>>
      %dma_start3A_490 = tpu.memref_slice %arg3[%add3A_34] : memref<8192xi32, #tpu.memory_space<hbm>> -> memref<32xi32, #tpu.memory_space<hbm>>
      %dma_start3A_491 = arith.constant 0 : i32
      %dma_start3A_492 = tpu.memref_slice %arg5[%run_scoped3A_35, %dma_start3A_491] : memref<2x32xi32, #tpu.memory_space<vmem>> -> memref<1x32xi32, #tpu.memory_space<vmem>>
      %dma_start3A_493 = tpu.memref_squeeze %dma_start3A_492 : memref<1x32xi32, #tpu.memory_space<vmem>> -> memref<32xi32, #tpu.memory_space<vmem>>
      %dma_start3A_494 = tpu.memref_slice %arg3[%add3A_34] : memref<8192xi32, #tpu.memory_space<hbm>> -> memref<32xi32, #tpu.memory_space<hbm>>
      tpu.enqueue_dma source(%dma_start3A_494 : memref<32xi32, #tpu.memory_space<hbm>>) target(%dma_start3A_493 : memref<32xi32, #tpu.memory_space<vmem>>) target_semaphore(%run_scoped3A_486 : memref<!tpu.dma_semaphore, #tpu.memory_space<semaphore_mem>>)
      %dma_wait3A_495 = arith.constant 0 : i32
      %dma_wait3A_496 = tpu.memref_slice %arg5[%run_scoped3A_35, %dma_wait3A_495] : memref<2x32xi32, #tpu.memory_space<vmem>> -> memref<1x32xi32, #tpu.memory_space<vmem>>
      %dma_wait3A_497 = tpu.memref_squeeze %dma_wait3A_496 : memref<1x32xi32, #tpu.memory_space<vmem>> -> memref<32xi32, #tpu.memory_space<vmem>>
      %dma_wait3A_498 = tpu.memref_slice %arg3[%add3A_34] : memref<8192xi32, #tpu.memory_space<hbm>> -> memref<32xi32, #tpu.memory_space<hbm>>
      %dma_wait3A_499 = arith.constant 0 : i32
      %dma_wait3A_500 = tpu.memref_slice %arg5[%run_scoped3A_35, %dma_wait3A_499] : memref<2x32xi32, #tpu.memory_space<vmem>> -> memref<1x32xi32, #tpu.memory_space<vmem>>
      %dma_wait3A_501 = tpu.memref_squeeze %dma_wait3A_500 : memref<1x32xi32, #tpu.memory_space<vmem>> -> memref<32xi32, #tpu.memory_space<vmem>>
      %dma_wait3A_502 = tpu.memref_slice %arg3[%add3A_34] : memref<8192xi32, #tpu.memory_space<hbm>> -> memref<32xi32, #tpu.memory_space<hbm>>
      tpu.wait_dma2 semaphore(%run_scoped3A_486 : memref<!tpu.dma_semaphore, #tpu.memory_space<semaphore_mem>>) src(%dma_wait3A_502 : memref<32xi32, #tpu.memory_space<hbm>>) dst(%dma_wait3A_501 : memref<32xi32, #tpu.memory_space<vmem>>)
      tpu.yield
    }) : () -> ()
    %dma_start3A_36 = arith.constant 1 : i32
    %dma_start3A_37 = arith.constant 1 : i32
    %dma_start3A_38 = arith.constant 0 : i32
    %dma_start3A_39 = arith.constant 0 : i32
    %dma_start3A_40 = tpu.memref_slice %arg6[%dma_start3A_37, %dma_start3A_38, %dma_start3A_39] : memref<2x32x1024xf32, #tpu.memory_space<vmem>> -> memref<1x32x1024xf32, #tpu.memory_space<vmem>>
    %dma_start3A_41 = tpu.memref_squeeze %dma_start3A_40 : memref<1x32x1024xf32, #tpu.memory_space<vmem>> -> memref<32x1024xf32, #tpu.memory_space<vmem>>
    %dma_start3A_42 = arith.constant 0 : i32
    %dma_start3A_43 = tpu.memref_slice %arg5[%dma_start3A_36, %dma_start3A_42] : memref<2x32xi32, #tpu.memory_space<vmem>> -> memref<1x32xi32, #tpu.memory_space<vmem>>
    %dma_start3A_44 = tpu.memref_squeeze %dma_start3A_43 : memref<1x32xi32, #tpu.memory_space<vmem>> -> memref<32xi32, #tpu.memory_space<vmem>>
    %dma_start3A_45 = arith.constant 0 : i32
    %dma_start3A_46 = arith.constant 0 : i32
    %dma_start3A_47 = tpu.memref_slice %arg2[%dma_start3A_45, %dma_start3A_46] : memref<8192x1024xf32, #tpu.memory_space<hbm>> -> memref<8192x1024xf32, #tpu.memory_space<hbm>>
    tpu.enqueue_indirect_dma source(%dma_start3A_47 : memref<8192x1024xf32, #tpu.memory_space<hbm>>) target(%dma_start3A_41 : memref<32x1024xf32, #tpu.memory_space<vmem>>) offsets(%dma_start3A_44 : memref<32xi32, #tpu.memory_space<vmem>>) semaphore(%arg8 : memref<!tpu.dma_semaphore, #tpu.memory_space<semaphore_mem>>)
    %mul3A_48 = arith.constant 256 : i32
    %mul3A_49 = arith.muli %add3A, %mul3A_48 : i32
    %add3A_50 = arith.constant 0 : i32
    %add3A_51 = arith.addi %mul3A_49, %add3A_50 : i32
    %dma_start3A_52 = arith.constant 0 : i32
    %dma_start3A_53 = arith.constant 0 : i32
    %dma_start3A_54 = arith.constant 0 : i32
    %dma_start3A_55 = tpu.memref_slice %arg6[%dma_start3A_52, %dma_start3A_53, %dma_start3A_54] : memref<2x32x1024xf32, #tpu.memory_space<vmem>> -> memref<1x32x1024xf32, #tpu.memory_space<vmem>>
    %dma_start3A_56 = tpu.memref_squeeze %dma_start3A_55 : memref<1x32x1024xf32, #tpu.memory_space<vmem>> -> memref<32x1024xf32, #tpu.memory_space<vmem>>
    %dma_start3A_57 = arith.constant 0 : i32
    %dma_start3A_58 = tpu.memref_slice %arg4[%add3A_51, %dma_start3A_57] : memref<8192x1024xf32, #tpu.memory_space<hbm>> -> memref<32x1024xf32, #tpu.memory_space<hbm>>
    %dma_start3A_59 = arith.constant 0 : i32
    %dma_start3A_60 = tpu.memref_slice %arg4[%add3A_51, %dma_start3A_59] : memref<8192x1024xf32, #tpu.memory_space<hbm>> -> memref<32x1024xf32, #tpu.memory_space<hbm>>
    %dma_start3A_61 = arith.constant 0 : i32
    %dma_start3A_62 = arith.constant 0 : i32
    %dma_start3A_63 = tpu.memref_slice %arg6[%dma_start3A_52, %dma_start3A_61, %dma_start3A_62] : memref<2x32x1024xf32, #tpu.memory_space<vmem>> -> memref<1x32x1024xf32, #tpu.memory_space<vmem>>
    %dma_start3A_64 = tpu.memref_squeeze %dma_start3A_63 : memref<1x32x1024xf32, #tpu.memory_space<vmem>> -> memref<32x1024xf32, #tpu.memory_space<vmem>>
    tpu.enqueue_dma source(%dma_start3A_64 : memref<32x1024xf32, #tpu.memory_space<vmem>>) target(%dma_start3A_60 : memref<32x1024xf32, #tpu.memory_space<hbm>>) target_semaphore(%arg9 : memref<!tpu.dma_semaphore, #tpu.memory_space<semaphore_mem>>)
    %dma_wait3A_65 = arith.constant 1 : i32
    %dma_wait3A_66 = arith.constant 1 : i32
    %dma_wait3A_67 = arith.constant 0 : i32
    %dma_wait3A_68 = arith.constant 0 : i32
    %dma_wait3A_69 = tpu.memref_slice %arg6[%dma_wait3A_66, %dma_wait3A_67, %dma_wait3A_68] : memref<2x32x1024xf32, #tpu.memory_space<vmem>> -> memref<1x32x1024xf32, #tpu.memory_space<vmem>>
    %dma_wait3A_70 = tpu.memref_squeeze %dma_wait3A_69 : memref<1x32x1024xf32, #tpu.memory_space<vmem>> -> memref<32x1024xf32, #tpu.memory_space<vmem>>
    %dma_wait3A_71 = arith.constant 0 : i32
    %dma_wait3A_72 = tpu.memref_slice %arg5[%dma_wait3A_65, %dma_wait3A_71] : memref<2x32xi32, #tpu.memory_space<vmem>> -> memref<1x32xi32, #tpu.memory_space<vmem>>
    %dma_wait3A_73 = tpu.memref_squeeze %dma_wait3A_72 : memref<1x32xi32, #tpu.memory_space<vmem>> -> memref<32xi32, #tpu.memory_space<vmem>>
    %dma_wait3A_74 = arith.constant 0 : i32
    %dma_wait3A_75 = arith.constant 0 : i32
    %dma_wait3A_76 = tpu.memref_slice %arg2[%dma_wait3A_74, %dma_wait3A_75] : memref<8192x1024xf32, #tpu.memory_space<hbm>> -> memref<8192x1024xf32, #tpu.memory_space<hbm>>
    tpu.wait_indirect_dma semaphore(%arg8 : memref<!tpu.dma_semaphore, #tpu.memory_space<semaphore_mem>>) src(%dma_wait3A_76 : memref<8192x1024xf32, #tpu.memory_space<hbm>>) dst(%dma_wait3A_70 : memref<32x1024xf32, #tpu.memory_space<vmem>>)
    %dma_wait3A_77 = arith.constant 0 : i32
    %dma_wait3A_78 = arith.constant 0 : i32
    %dma_wait3A_79 = arith.constant 0 : i32
    %dma_wait3A_80 = tpu.memref_slice %arg6[%dma_wait3A_77, %dma_wait3A_78, %dma_wait3A_79] : memref<2x32x1024xf32, #tpu.memory_space<vmem>> -> memref<1x32x1024xf32, #tpu.memory_space<vmem>>
    %dma_wait3A_81 = tpu.memref_squeeze %dma_wait3A_80 : memref<1x32x1024xf32, #tpu.memory_space<vmem>> -> memref<32x1024xf32, #tpu.memory_space<vmem>>
    %dma_wait3A_82 = arith.constant 0 : i32
    %dma_wait3A_83 = tpu.memref_slice %arg4[%add3A_51, %dma_wait3A_82] : memref<8192x1024xf32, #tpu.memory_space<hbm>> -> memref<32x1024xf32, #tpu.memory_space<hbm>>
    %dma_wait3A_84 = arith.constant 0 : i32
    %dma_wait3A_85 = tpu.memref_slice %arg4[%add3A_51, %dma_wait3A_84] : memref<8192x1024xf32, #tpu.memory_space<hbm>> -> memref<32x1024xf32, #tpu.memory_space<hbm>>
    %dma_wait3A_86 = arith.constant 0 : i32
    %dma_wait3A_87 = arith.constant 0 : i32
    %dma_wait3A_88 = tpu.memref_slice %arg6[%dma_wait3A_77, %dma_wait3A_86, %dma_wait3A_87] : memref<2x32x1024xf32, #tpu.memory_space<vmem>> -> memref<1x32x1024xf32, #tpu.memory_space<vmem>>
    %dma_wait3A_89 = tpu.memref_squeeze %dma_wait3A_88 : memref<1x32x1024xf32, #tpu.memory_space<vmem>> -> memref<32x1024xf32, #tpu.memory_space<vmem>>
    tpu.wait_dma2 semaphore(%arg9 : memref<!tpu.dma_semaphore, #tpu.memory_space<semaphore_mem>>) src(%dma_wait3A_89 : memref<32x1024xf32, #tpu.memory_space<vmem>>) dst(%dma_wait3A_85 : memref<32x1024xf32, #tpu.memory_space<hbm>>)
    %mul3A_90 = arith.constant 256 : i32
    %mul3A_91 = arith.muli %add3A, %mul3A_90 : i32
    %add3A_92 = arith.constant 64 : i32
    %add3A_93 = arith.addi %mul3A_91, %add3A_92 : i32
    %add3A_94 = arith.constant 0 : i32
    %add3A_95 = arith.addi %add3A_94, %add3A_93 : i32
    %run_scoped3A_96 = arith.constant 0 : i32
    "tpu.region"() ({
      %run_scoped3A_486 = tpu.sem_alloc : memref<!tpu.dma_semaphore, #tpu.memory_space<semaphore_mem>>
      %dma_start3A_487 = arith.constant 0 : i32
      %dma_start3A_488 = tpu.memref_slice %arg5[%run_scoped3A_96, %dma_start3A_487] : memref<2x32xi32, #tpu.memory_space<vmem>> -> memref<1x32xi32, #tpu.memory_space<vmem>>
      %dma_start3A_489 = tpu.memref_squeeze %dma_start3A_488 : memref<1x32xi32, #tpu.memory_space<vmem>> -> memref<32xi32, #tpu.memory_space<vmem>>
      %dma_start3A_490 = tpu.memref_slice %arg3[%add3A_95] : memref<8192xi32, #tpu.memory_space<hbm>> -> memref<32xi32, #tpu.memory_space<hbm>>
      %dma_start3A_491 = arith.constant 0 : i32
      %dma_start3A_492 = tpu.memref_slice %arg5[%run_scoped3A_96, %dma_start3A_491] : memref<2x32xi32, #tpu.memory_space<vmem>> -> memref<1x32xi32, #tpu.memory_space<vmem>>
      %dma_start3A_493 = tpu.memref_squeeze %dma_start3A_492 : memref<1x32xi32, #tpu.memory_space<vmem>> -> memref<32xi32, #tpu.memory_space<vmem>>
      %dma_start3A_494 = tpu.memref_slice %arg3[%add3A_95] : memref<8192xi32, #tpu.memory_space<hbm>> -> memref<32xi32, #tpu.memory_space<hbm>>
      tpu.enqueue_dma source(%dma_start3A_494 : memref<32xi32, #tpu.memory_space<hbm>>) target(%dma_start3A_493 : memref<32xi32, #tpu.memory_space<vmem>>) target_semaphore(%run_scoped3A_486 : memref<!tpu.dma_semaphore, #tpu.memory_space<semaphore_mem>>)
      %dma_wait3A_495 = arith.constant 0 : i32
      %dma_wait3A_496 = tpu.memref_slice %arg5[%run_scoped3A_96, %dma_wait3A_495] : memref<2x32xi32, #tpu.memory_space<vmem>> -> memref<1x32xi32, #tpu.memory_space<vmem>>
      %dma_wait3A_497 = tpu.memref_squeeze %dma_wait3A_496 : memref<1x32xi32, #tpu.memory_space<vmem>> -> memref<32xi32, #tpu.memory_space<vmem>>
      %dma_wait3A_498 = tpu.memref_slice %arg3[%add3A_95] : memref<8192xi32, #tpu.memory_space<hbm>> -> memref<32xi32, #tpu.memory_space<hbm>>
      %dma_wait3A_499 = arith.constant 0 : i32
      %dma_wait3A_500 = tpu.memref_slice %arg5[%run_scoped3A_96, %dma_wait3A_499] : memref<2x32xi32, #tpu.memory_space<vmem>> -> memref<1x32xi32, #tpu.memory_space<vmem>>
      %dma_wait3A_501 = tpu.memref_squeeze %dma_wait3A_500 : memref<1x32xi32, #tpu.memory_space<vmem>> -> memref<32xi32, #tpu.memory_space<vmem>>
      %dma_wait3A_502 = tpu.memref_slice %arg3[%add3A_95] : memref<8192xi32, #tpu.memory_space<hbm>> -> memref<32xi32, #tpu.memory_space<hbm>>
      tpu.wait_dma2 semaphore(%run_scoped3A_486 : memref<!tpu.dma_semaphore, #tpu.memory_space<semaphore_mem>>) src(%dma_wait3A_502 : memref<32xi32, #tpu.memory_space<hbm>>) dst(%dma_wait3A_501 : memref<32xi32, #tpu.memory_space<vmem>>)
      tpu.yield
    }) : () -> ()
    %dma_start3A_97 = arith.constant 0 : i32
    %dma_start3A_98 = arith.constant 0 : i32
    %dma_start3A_99 = arith.constant 0 : i32
    %dma_start3A_100 = arith.constant 0 : i32
    %dma_start3A_101 = tpu.memref_slice %arg6[%dma_start3A_98, %dma_start3A_99, %dma_start3A_100] : memref<2x32x1024xf32, #tpu.memory_space<vmem>> -> memref<1x32x1024xf32, #tpu.memory_space<vmem>>
    %dma_start3A_102 = tpu.memref_squeeze %dma_start3A_101 : memref<1x32x1024xf32, #tpu.memory_space<vmem>> -> memref<32x1024xf32, #tpu.memory_space<vmem>>
    %dma_start3A_103 = arith.constant 0 : i32
    %dma_start3A_104 = tpu.memref_slice %arg5[%dma_start3A_97, %dma_start3A_103] : memref<2x32xi32, #tpu.memory_space<vmem>> -> memref<1x32xi32, #tpu.memory_space<vmem>>
    %dma_start3A_105 = tpu.memref_squeeze %dma_start3A_104 : memref<1x32xi32, #tpu.memory_space<vmem>> -> memref<32xi32, #tpu.memory_space<vmem>>
    %dma_start3A_106 = arith.constant 0 : i32
    %dma_start3A_107 = arith.constant 0 : i32
    %dma_start3A_108 = tpu.memref_slice %arg2[%dma_start3A_106, %dma_start3A_107] : memref<8192x1024xf32, #tpu.memory_space<hbm>> -> memref<8192x1024xf32, #tpu.memory_space<hbm>>
    tpu.enqueue_indirect_dma source(%dma_start3A_108 : memref<8192x1024xf32, #tpu.memory_space<hbm>>) target(%dma_start3A_102 : memref<32x1024xf32, #tpu.memory_space<vmem>>) offsets(%dma_start3A_105 : memref<32xi32, #tpu.memory_space<vmem>>) semaphore(%arg7 : memref<!tpu.dma_semaphore, #tpu.memory_space<semaphore_mem>>)
    %mul3A_109 = arith.constant 256 : i32
    %mul3A_110 = arith.muli %add3A, %mul3A_109 : i32
    %add3A_111 = arith.constant 32 : i32
    %add3A_112 = arith.addi %mul3A_110, %add3A_111 : i32
    %dma_start3A_113 = arith.constant 1 : i32
    %dma_start3A_114 = arith.constant 0 : i32
    %dma_start3A_115 = arith.constant 0 : i32
    %dma_start3A_116 = tpu.memref_slice %arg6[%dma_start3A_113, %dma_start3A_114, %dma_start3A_115] : memref<2x32x1024xf32, #tpu.memory_space<vmem>> -> memref<1x32x1024xf32, #tpu.memory_space<vmem>>
    %dma_start3A_117 = tpu.memref_squeeze %dma_start3A_116 : memref<1x32x1024xf32, #tpu.memory_space<vmem>> -> memref<32x1024xf32, #tpu.memory_space<vmem>>
    %dma_start3A_118 = arith.constant 0 : i32
    %dma_start3A_119 = tpu.memref_slice %arg4[%add3A_112, %dma_start3A_118] : memref<8192x1024xf32, #tpu.memory_space<hbm>> -> memref<32x1024xf32, #tpu.memory_space<hbm>>
    %dma_start3A_120 = arith.constant 0 : i32
    %dma_start3A_121 = tpu.memref_slice %arg4[%add3A_112, %dma_start3A_120] : memref<8192x1024xf32, #tpu.memory_space<hbm>> -> memref<32x1024xf32, #tpu.memory_space<hbm>>
    %dma_start3A_122 = arith.constant 0 : i32
    %dma_start3A_123 = arith.constant 0 : i32
    %dma_start3A_124 = tpu.memref_slice %arg6[%dma_start3A_113, %dma_start3A_122, %dma_start3A_123] : memref<2x32x1024xf32, #tpu.memory_space<vmem>> -> memref<1x32x1024xf32, #tpu.memory_space<vmem>>
    %dma_start3A_125 = tpu.memref_squeeze %dma_start3A_124 : memref<1x32x1024xf32, #tpu.memory_space<vmem>> -> memref<32x1024xf32, #tpu.memory_space<vmem>>
    tpu.enqueue_dma source(%dma_start3A_125 : memref<32x1024xf32, #tpu.memory_space<vmem>>) target(%dma_start3A_121 : memref<32x1024xf32, #tpu.memory_space<hbm>>) target_semaphore(%arg10 : memref<!tpu.dma_semaphore, #tpu.memory_space<semaphore_mem>>)
    %dma_wait3A_126 = arith.constant 0 : i32
    %dma_wait3A_127 = arith.constant 0 : i32
    %dma_wait3A_128 = arith.constant 0 : i32
    %dma_wait3A_129 = arith.constant 0 : i32
    %dma_wait3A_130 = tpu.memref_slice %arg6[%dma_wait3A_127, %dma_wait3A_128, %dma_wait3A_129] : memref<2x32x1024xf32, #tpu.memory_space<vmem>> -> memref<1x32x1024xf32, #tpu.memory_space<vmem>>
    %dma_wait3A_131 = tpu.memref_squeeze %dma_wait3A_130 : memref<1x32x1024xf32, #tpu.memory_space<vmem>> -> memref<32x1024xf32, #tpu.memory_space<vmem>>
    %dma_wait3A_132 = arith.constant 0 : i32
    %dma_wait3A_133 = tpu.memref_slice %arg5[%dma_wait3A_126, %dma_wait3A_132] : memref<2x32xi32, #tpu.memory_space<vmem>> -> memref<1x32xi32, #tpu.memory_space<vmem>>
    %dma_wait3A_134 = tpu.memref_squeeze %dma_wait3A_133 : memref<1x32xi32, #tpu.memory_space<vmem>> -> memref<32xi32, #tpu.memory_space<vmem>>
    %dma_wait3A_135 = arith.constant 0 : i32
    %dma_wait3A_136 = arith.constant 0 : i32
    %dma_wait3A_137 = tpu.memref_slice %arg2[%dma_wait3A_135, %dma_wait3A_136] : memref<8192x1024xf32, #tpu.memory_space<hbm>> -> memref<8192x1024xf32, #tpu.memory_space<hbm>>
    tpu.wait_indirect_dma semaphore(%arg7 : memref<!tpu.dma_semaphore, #tpu.memory_space<semaphore_mem>>) src(%dma_wait3A_137 : memref<8192x1024xf32, #tpu.memory_space<hbm>>) dst(%dma_wait3A_131 : memref<32x1024xf32, #tpu.memory_space<vmem>>)
    %dma_wait3A_138 = arith.constant 1 : i32
    %dma_wait3A_139 = arith.constant 0 : i32
    %dma_wait3A_140 = arith.constant 0 : i32
    %dma_wait3A_141 = tpu.memref_slice %arg6[%dma_wait3A_138, %dma_wait3A_139, %dma_wait3A_140] : memref<2x32x1024xf32, #tpu.memory_space<vmem>> -> memref<1x32x1024xf32, #tpu.memory_space<vmem>>
    %dma_wait3A_142 = tpu.memref_squeeze %dma_wait3A_141 : memref<1x32x1024xf32, #tpu.memory_space<vmem>> -> memref<32x1024xf32, #tpu.memory_space<vmem>>
    %dma_wait3A_143 = arith.constant 0 : i32
    %dma_wait3A_144 = tpu.memref_slice %arg4[%add3A_112, %dma_wait3A_143] : memref<8192x1024xf32, #tpu.memory_space<hbm>> -> memref<32x1024xf32, #tpu.memory_space<hbm>>
    %dma_wait3A_145 = arith.constant 0 : i32
    %dma_wait3A_146 = tpu.memref_slice %arg4[%add3A_112, %dma_wait3A_145] : memref<8192x1024xf32, #tpu.memory_space<hbm>> -> memref<32x1024xf32, #tpu.memory_space<hbm>>
    %dma_wait3A_147 = arith.constant 0 : i32
    %dma_wait3A_148 = arith.constant 0 : i32
    %dma_wait3A_149 = tpu.memref_slice %arg6[%dma_wait3A_138, %dma_wait3A_147, %dma_wait3A_148] : memref<2x32x1024xf32, #tpu.memory_space<vmem>> -> memref<1x32x1024xf32, #tpu.memory_space<vmem>>
    %dma_wait3A_150 = tpu.memref_squeeze %dma_wait3A_149 : memref<1x32x1024xf32, #tpu.memory_space<vmem>> -> memref<32x1024xf32, #tpu.memory_space<vmem>>
    tpu.wait_dma2 semaphore(%arg10 : memref<!tpu.dma_semaphore, #tpu.memory_space<semaphore_mem>>) src(%dma_wait3A_150 : memref<32x1024xf32, #tpu.memory_space<vmem>>) dst(%dma_wait3A_146 : memref<32x1024xf32, #tpu.memory_space<hbm>>)
    %mul3A_151 = arith.constant 256 : i32
    %mul3A_152 = arith.muli %add3A, %mul3A_151 : i32
    %add3A_153 = arith.constant 96 : i32
    %add3A_154 = arith.addi %mul3A_152, %add3A_153 : i32
    %add3A_155 = arith.constant 0 : i32
    %add3A_156 = arith.addi %add3A_155, %add3A_154 : i32
    %run_scoped3A_157 = arith.constant 1 : i32
    "tpu.region"() ({
      %run_scoped3A_486 = tpu.sem_alloc : memref<!tpu.dma_semaphore, #tpu.memory_space<semaphore_mem>>
      %dma_start3A_487 = arith.constant 0 : i32
      %dma_start3A_488 = tpu.memref_slice %arg5[%run_scoped3A_157, %dma_start3A_487] : memref<2x32xi32, #tpu.memory_space<vmem>> -> memref<1x32xi32, #tpu.memory_space<vmem>>
      %dma_start3A_489 = tpu.memref_squeeze %dma_start3A_488 : memref<1x32xi32, #tpu.memory_space<vmem>> -> memref<32xi32, #tpu.memory_space<vmem>>
      %dma_start3A_490 = tpu.memref_slice %arg3[%add3A_156] : memref<8192xi32, #tpu.memory_space<hbm>> -> memref<32xi32, #tpu.memory_space<hbm>>
      %dma_start3A_491 = arith.constant 0 : i32
      %dma_start3A_492 = tpu.memref_slice %arg5[%run_scoped3A_157, %dma_start3A_491] : memref<2x32xi32, #tpu.memory_space<vmem>> -> memref<1x32xi32, #tpu.memory_space<vmem>>
      %dma_start3A_493 = tpu.memref_squeeze %dma_start3A_492 : memref<1x32xi32, #tpu.memory_space<vmem>> -> memref<32xi32, #tpu.memory_space<vmem>>
      %dma_start3A_494 = tpu.memref_slice %arg3[%add3A_156] : memref<8192xi32, #tpu.memory_space<hbm>> -> memref<32xi32, #tpu.memory_space<hbm>>
      tpu.enqueue_dma source(%dma_start3A_494 : memref<32xi32, #tpu.memory_space<hbm>>) target(%dma_start3A_493 : memref<32xi32, #tpu.memory_space<vmem>>) target_semaphore(%run_scoped3A_486 : memref<!tpu.dma_semaphore, #tpu.memory_space<semaphore_mem>>)
      %dma_wait3A_495 = arith.constant 0 : i32
      %dma_wait3A_496 = tpu.memref_slice %arg5[%run_scoped3A_157, %dma_wait3A_495] : memref<2x32xi32, #tpu.memory_space<vmem>> -> memref<1x32xi32, #tpu.memory_space<vmem>>
      %dma_wait3A_497 = tpu.memref_squeeze %dma_wait3A_496 : memref<1x32xi32, #tpu.memory_space<vmem>> -> memref<32xi32, #tpu.memory_space<vmem>>
      %dma_wait3A_498 = tpu.memref_slice %arg3[%add3A_156] : memref<8192xi32, #tpu.memory_space<hbm>> -> memref<32xi32, #tpu.memory_space<hbm>>
      %dma_wait3A_499 = arith.constant 0 : i32
      %dma_wait3A_500 = tpu.memref_slice %arg5[%run_scoped3A_157, %dma_wait3A_499] : memref<2x32xi32, #tpu.memory_space<vmem>> -> memref<1x32xi32, #tpu.memory_space<vmem>>
      %dma_wait3A_501 = tpu.memref_squeeze %dma_wait3A_500 : memref<1x32xi32, #tpu.memory_space<vmem>> -> memref<32xi32, #tpu.memory_space<vmem>>
      %dma_wait3A_502 = tpu.memref_slice %arg3[%add3A_156] : memref<8192xi32, #tpu.memory_space<hbm>> -> memref<32xi32, #tpu.memory_space<hbm>>
      tpu.wait_dma2 semaphore(%run_scoped3A_486 : memref<!tpu.dma_semaphore, #tpu.memory_space<semaphore_mem>>) src(%dma_wait3A_502 : memref<32xi32, #tpu.memory_space<hbm>>) dst(%dma_wait3A_501 : memref<32xi32, #tpu.memory_space<vmem>>)
      tpu.yield
    }) : () -> ()
    %dma_start3A_158 = arith.constant 1 : i32
    %dma_start3A_159 = arith.constant 1 : i32
    %dma_start3A_160 = arith.constant 0 : i32
    %dma_start3A_161 = arith.constant 0 : i32
    %dma_start3A_162 = tpu.memref_slice %arg6[%dma_start3A_159, %dma_start3A_160, %dma_start3A_161] : memref<2x32x1024xf32, #tpu.memory_space<vmem>> -> memref<1x32x1024xf32, #tpu.memory_space<vmem>>
    %dma_start3A_163 = tpu.memref_squeeze %dma_start3A_162 : memref<1x32x1024xf32, #tpu.memory_space<vmem>> -> memref<32x1024xf32, #tpu.memory_space<vmem>>
    %dma_start3A_164 = arith.constant 0 : i32
    %dma_start3A_165 = tpu.memref_slice %arg5[%dma_start3A_158, %dma_start3A_164] : memref<2x32xi32, #tpu.memory_space<vmem>> -> memref<1x32xi32, #tpu.memory_space<vmem>>
    %dma_start3A_166 = tpu.memref_squeeze %dma_start3A_165 : memref<1x32xi32, #tpu.memory_space<vmem>> -> memref<32xi32, #tpu.memory_space<vmem>>
    %dma_start3A_167 = arith.constant 0 : i32
    %dma_start3A_168 = arith.constant 0 : i32
    %dma_start3A_169 = tpu.memref_slice %arg2[%dma_start3A_167, %dma_start3A_168] : memref<8192x1024xf32, #tpu.memory_space<hbm>> -> memref<8192x1024xf32, #tpu.memory_space<hbm>>
    tpu.enqueue_indirect_dma source(%dma_start3A_169 : memref<8192x1024xf32, #tpu.memory_space<hbm>>) target(%dma_start3A_163 : memref<32x1024xf32, #tpu.memory_space<vmem>>) offsets(%dma_start3A_166 : memref<32xi32, #tpu.memory_space<vmem>>) semaphore(%arg8 : memref<!tpu.dma_semaphore, #tpu.memory_space<semaphore_mem>>)
    %mul3A_170 = arith.constant 256 : i32
    %mul3A_171 = arith.muli %add3A, %mul3A_170 : i32
    %add3A_172 = arith.constant 64 : i32
    %add3A_173 = arith.addi %mul3A_171, %add3A_172 : i32
    %dma_start3A_174 = arith.constant 0 : i32
    %dma_start3A_175 = arith.constant 0 : i32
    %dma_start3A_176 = arith.constant 0 : i32
    %dma_start3A_177 = tpu.memref_slice %arg6[%dma_start3A_174, %dma_start3A_175, %dma_start3A_176] : memref<2x32x1024xf32, #tpu.memory_space<vmem>> -> memref<1x32x1024xf32, #tpu.memory_space<vmem>>
    %dma_start3A_178 = tpu.memref_squeeze %dma_start3A_177 : memref<1x32x1024xf32, #tpu.memory_space<vmem>> -> memref<32x1024xf32, #tpu.memory_space<vmem>>
    %dma_start3A_179 = arith.constant 0 : i32
    %dma_start3A_180 = tpu.memref_slice %arg4[%add3A_173, %dma_start3A_179] : memref<8192x1024xf32, #tpu.memory_space<hbm>> -> memref<32x1024xf32, #tpu.memory_space<hbm>>
    %dma_start3A_181 = arith.constant 0 : i32
    %dma_start3A_182 = tpu.memref_slice %arg4[%add3A_173, %dma_start3A_181] : memref<8192x1024xf32, #tpu.memory_space<hbm>> -> memref<32x1024xf32, #tpu.memory_space<hbm>>
    %dma_start3A_183 = arith.constant 0 : i32
    %dma_start3A_184 = arith.constant 0 : i32
    %dma_start3A_185 = tpu.memref_slice %arg6[%dma_start3A_174, %dma_start3A_183, %dma_start3A_184] : memref<2x32x1024xf32, #tpu.memory_space<vmem>> -> memref<1x32x1024xf32, #tpu.memory_space<vmem>>
    %dma_start3A_186 = tpu.memref_squeeze %dma_start3A_185 : memref<1x32x1024xf32, #tpu.memory_space<vmem>> -> memref<32x1024xf32, #tpu.memory_space<vmem>>
    tpu.enqueue_dma source(%dma_start3A_186 : memref<32x1024xf32, #tpu.memory_space<vmem>>) target(%dma_start3A_182 : memref<32x1024xf32, #tpu.memory_space<hbm>>) target_semaphore(%arg9 : memref<!tpu.dma_semaphore, #tpu.memory_space<semaphore_mem>>)
    %dma_wait3A_187 = arith.constant 1 : i32
    %dma_wait3A_188 = arith.constant 1 : i32
    %dma_wait3A_189 = arith.constant 0 : i32
    %dma_wait3A_190 = arith.constant 0 : i32
    %dma_wait3A_191 = tpu.memref_slice %arg6[%dma_wait3A_188, %dma_wait3A_189, %dma_wait3A_190] : memref<2x32x1024xf32, #tpu.memory_space<vmem>> -> memref<1x32x1024xf32, #tpu.memory_space<vmem>>
    %dma_wait3A_192 = tpu.memref_squeeze %dma_wait3A_191 : memref<1x32x1024xf32, #tpu.memory_space<vmem>> -> memref<32x1024xf32, #tpu.memory_space<vmem>>
    %dma_wait3A_193 = arith.constant 0 : i32
    %dma_wait3A_194 = tpu.memref_slice %arg5[%dma_wait3A_187, %dma_wait3A_193] : memref<2x32xi32, #tpu.memory_space<vmem>> -> memref<1x32xi32, #tpu.memory_space<vmem>>
    %dma_wait3A_195 = tpu.memref_squeeze %dma_wait3A_194 : memref<1x32xi32, #tpu.memory_space<vmem>> -> memref<32xi32, #tpu.memory_space<vmem>>
    %dma_wait3A_196 = arith.constant 0 : i32
    %dma_wait3A_197 = arith.constant 0 : i32
    %dma_wait3A_198 = tpu.memref_slice %arg2[%dma_wait3A_196, %dma_wait3A_197] : memref<8192x1024xf32, #tpu.memory_space<hbm>> -> memref<8192x1024xf32, #tpu.memory_space<hbm>>
    tpu.wait_indirect_dma semaphore(%arg8 : memref<!tpu.dma_semaphore, #tpu.memory_space<semaphore_mem>>) src(%dma_wait3A_198 : memref<8192x1024xf32, #tpu.memory_space<hbm>>) dst(%dma_wait3A_192 : memref<32x1024xf32, #tpu.memory_space<vmem>>)
    %dma_wait3A_199 = arith.constant 0 : i32
    %dma_wait3A_200 = arith.constant 0 : i32
    %dma_wait3A_201 = arith.constant 0 : i32
    %dma_wait3A_202 = tpu.memref_slice %arg6[%dma_wait3A_199, %dma_wait3A_200, %dma_wait3A_201] : memref<2x32x1024xf32, #tpu.memory_space<vmem>> -> memref<1x32x1024xf32, #tpu.memory_space<vmem>>
    %dma_wait3A_203 = tpu.memref_squeeze %dma_wait3A_202 : memref<1x32x1024xf32, #tpu.memory_space<vmem>> -> memref<32x1024xf32, #tpu.memory_space<vmem>>
    %dma_wait3A_204 = arith.constant 0 : i32
    %dma_wait3A_205 = tpu.memref_slice %arg4[%add3A_173, %dma_wait3A_204] : memref<8192x1024xf32, #tpu.memory_space<hbm>> -> memref<32x1024xf32, #tpu.memory_space<hbm>>
    %dma_wait3A_206 = arith.constant 0 : i32
    %dma_wait3A_207 = tpu.memref_slice %arg4[%add3A_173, %dma_wait3A_206] : memref<8192x1024xf32, #tpu.memory_space<hbm>> -> memref<32x1024xf32, #tpu.memory_space<hbm>>
    %dma_wait3A_208 = arith.constant 0 : i32
    %dma_wait3A_209 = arith.constant 0 : i32
    %dma_wait3A_210 = tpu.memref_slice %arg6[%dma_wait3A_199, %dma_wait3A_208, %dma_wait3A_209] : memref<2x32x1024xf32, #tpu.memory_space<vmem>> -> memref<1x32x1024xf32, #tpu.memory_space<vmem>>
    %dma_wait3A_211 = tpu.memref_squeeze %dma_wait3A_210 : memref<1x32x1024xf32, #tpu.memory_space<vmem>> -> memref<32x1024xf32, #tpu.memory_space<vmem>>
    tpu.wait_dma2 semaphore(%arg9 : memref<!tpu.dma_semaphore, #tpu.memory_space<semaphore_mem>>) src(%dma_wait3A_211 : memref<32x1024xf32, #tpu.memory_space<vmem>>) dst(%dma_wait3A_207 : memref<32x1024xf32, #tpu.memory_space<hbm>>)
    %mul3A_212 = arith.constant 256 : i32
    %mul3A_213 = arith.muli %add3A, %mul3A_212 : i32
    %add3A_214 = arith.constant 128 : i32
    %add3A_215 = arith.addi %mul3A_213, %add3A_214 : i32
    %add3A_216 = arith.constant 0 : i32
    %add3A_217 = arith.addi %add3A_216, %add3A_215 : i32
    %run_scoped3A_218 = arith.constant 0 : i32
    "tpu.region"() ({
      %run_scoped3A_486 = tpu.sem_alloc : memref<!tpu.dma_semaphore, #tpu.memory_space<semaphore_mem>>
      %dma_start3A_487 = arith.constant 0 : i32
      %dma_start3A_488 = tpu.memref_slice %arg5[%run_scoped3A_218, %dma_start3A_487] : memref<2x32xi32, #tpu.memory_space<vmem>> -> memref<1x32xi32, #tpu.memory_space<vmem>>
      %dma_start3A_489 = tpu.memref_squeeze %dma_start3A_488 : memref<1x32xi32, #tpu.memory_space<vmem>> -> memref<32xi32, #tpu.memory_space<vmem>>
      %dma_start3A_490 = tpu.memref_slice %arg3[%add3A_217] : memref<8192xi32, #tpu.memory_space<hbm>> -> memref<32xi32, #tpu.memory_space<hbm>>
      %dma_start3A_491 = arith.constant 0 : i32
      %dma_start3A_492 = tpu.memref_slice %arg5[%run_scoped3A_218, %dma_start3A_491] : memref<2x32xi32, #tpu.memory_space<vmem>> -> memref<1x32xi32, #tpu.memory_space<vmem>>
      %dma_start3A_493 = tpu.memref_squeeze %dma_start3A_492 : memref<1x32xi32, #tpu.memory_space<vmem>> -> memref<32xi32, #tpu.memory_space<vmem>>
      %dma_start3A_494 = tpu.memref_slice %arg3[%add3A_217] : memref<8192xi32, #tpu.memory_space<hbm>> -> memref<32xi32, #tpu.memory_space<hbm>>
      tpu.enqueue_dma source(%dma_start3A_494 : memref<32xi32, #tpu.memory_space<hbm>>) target(%dma_start3A_493 : memref<32xi32, #tpu.memory_space<vmem>>) target_semaphore(%run_scoped3A_486 : memref<!tpu.dma_semaphore, #tpu.memory_space<semaphore_mem>>)
      %dma_wait3A_495 = arith.constant 0 : i32
      %dma_wait3A_496 = tpu.memref_slice %arg5[%run_scoped3A_218, %dma_wait3A_495] : memref<2x32xi32, #tpu.memory_space<vmem>> -> memref<1x32xi32, #tpu.memory_space<vmem>>
      %dma_wait3A_497 = tpu.memref_squeeze %dma_wait3A_496 : memref<1x32xi32, #tpu.memory_space<vmem>> -> memref<32xi32, #tpu.memory_space<vmem>>
      %dma_wait3A_498 = tpu.memref_slice %arg3[%add3A_217] : memref<8192xi32, #tpu.memory_space<hbm>> -> memref<32xi32, #tpu.memory_space<hbm>>
      %dma_wait3A_499 = arith.constant 0 : i32
      %dma_wait3A_500 = tpu.memref_slice %arg5[%run_scoped3A_218, %dma_wait3A_499] : memref<2x32xi32, #tpu.memory_space<vmem>> -> memref<1x32xi32, #tpu.memory_space<vmem>>
      %dma_wait3A_501 = tpu.memref_squeeze %dma_wait3A_500 : memref<1x32xi32, #tpu.memory_space<vmem>> -> memref<32xi32, #tpu.memory_space<vmem>>
      %dma_wait3A_502 = tpu.memref_slice %arg3[%add3A_217] : memref<8192xi32, #tpu.memory_space<hbm>> -> memref<32xi32, #tpu.memory_space<hbm>>
      tpu.wait_dma2 semaphore(%run_scoped3A_486 : memref<!tpu.dma_semaphore, #tpu.memory_space<semaphore_mem>>) src(%dma_wait3A_502 : memref<32xi32, #tpu.memory_space<hbm>>) dst(%dma_wait3A_501 : memref<32xi32, #tpu.memory_space<vmem>>)
      tpu.yield
    }) : () -> ()
    %dma_start3A_219 = arith.constant 0 : i32
    %dma_start3A_220 = arith.constant 0 : i32
    %dma_start3A_221 = arith.constant 0 : i32
    %dma_start3A_222 = arith.constant 0 : i32
    %dma_start3A_223 = tpu.memref_slice %arg6[%dma_start3A_220, %dma_start3A_221, %dma_start3A_222] : memref<2x32x1024xf32, #tpu.memory_space<vmem>> -> memref<1x32x1024xf32, #tpu.memory_space<vmem>>
    %dma_start3A_224 = tpu.memref_squeeze %dma_start3A_223 : memref<1x32x1024xf32, #tpu.memory_space<vmem>> -> memref<32x1024xf32, #tpu.memory_space<vmem>>
    %dma_start3A_225 = arith.constant 0 : i32
    %dma_start3A_226 = tpu.memref_slice %arg5[%dma_start3A_219, %dma_start3A_225] : memref<2x32xi32, #tpu.memory_space<vmem>> -> memref<1x32xi32, #tpu.memory_space<vmem>>
    %dma_start3A_227 = tpu.memref_squeeze %dma_start3A_226 : memref<1x32xi32, #tpu.memory_space<vmem>> -> memref<32xi32, #tpu.memory_space<vmem>>
    %dma_start3A_228 = arith.constant 0 : i32
    %dma_start3A_229 = arith.constant 0 : i32
    %dma_start3A_230 = tpu.memref_slice %arg2[%dma_start3A_228, %dma_start3A_229] : memref<8192x1024xf32, #tpu.memory_space<hbm>> -> memref<8192x1024xf32, #tpu.memory_space<hbm>>
    tpu.enqueue_indirect_dma source(%dma_start3A_230 : memref<8192x1024xf32, #tpu.memory_space<hbm>>) target(%dma_start3A_224 : memref<32x1024xf32, #tpu.memory_space<vmem>>) offsets(%dma_start3A_227 : memref<32xi32, #tpu.memory_space<vmem>>) semaphore(%arg7 : memref<!tpu.dma_semaphore, #tpu.memory_space<semaphore_mem>>)
    %mul3A_231 = arith.constant 256 : i32
    %mul3A_232 = arith.muli %add3A, %mul3A_231 : i32
    %add3A_233 = arith.constant 96 : i32
    %add3A_234 = arith.addi %mul3A_232, %add3A_233 : i32
    %dma_start3A_235 = arith.constant 1 : i32
    %dma_start3A_236 = arith.constant 0 : i32
    %dma_start3A_237 = arith.constant 0 : i32
    %dma_start3A_238 = tpu.memref_slice %arg6[%dma_start3A_235, %dma_start3A_236, %dma_start3A_237] : memref<2x32x1024xf32, #tpu.memory_space<vmem>> -> memref<1x32x1024xf32, #tpu.memory_space<vmem>>
    %dma_start3A_239 = tpu.memref_squeeze %dma_start3A_238 : memref<1x32x1024xf32, #tpu.memory_space<vmem>> -> memref<32x1024xf32, #tpu.memory_space<vmem>>
    %dma_start3A_240 = arith.constant 0 : i32
    %dma_start3A_241 = tpu.memref_slice %arg4[%add3A_234, %dma_start3A_240] : memref<8192x1024xf32, #tpu.memory_space<hbm>> -> memref<32x1024xf32, #tpu.memory_space<hbm>>
    %dma_start3A_242 = arith.constant 0 : i32
    %dma_start3A_243 = tpu.memref_slice %arg4[%add3A_234, %dma_start3A_242] : memref<8192x1024xf32, #tpu.memory_space<hbm>> -> memref<32x1024xf32, #tpu.memory_space<hbm>>
    %dma_start3A_244 = arith.constant 0 : i32
    %dma_start3A_245 = arith.constant 0 : i32
    %dma_start3A_246 = tpu.memref_slice %arg6[%dma_start3A_235, %dma_start3A_244, %dma_start3A_245] : memref<2x32x1024xf32, #tpu.memory_space<vmem>> -> memref<1x32x1024xf32, #tpu.memory_space<vmem>>
    %dma_start3A_247 = tpu.memref_squeeze %dma_start3A_246 : memref<1x32x1024xf32, #tpu.memory_space<vmem>> -> memref<32x1024xf32, #tpu.memory_space<vmem>>
    tpu.enqueue_dma source(%dma_start3A_247 : memref<32x1024xf32, #tpu.memory_space<vmem>>) target(%dma_start3A_243 : memref<32x1024xf32, #tpu.memory_space<hbm>>) target_semaphore(%arg10 : memref<!tpu.dma_semaphore, #tpu.memory_space<semaphore_mem>>)
    %dma_wait3A_248 = arith.constant 0 : i32
    %dma_wait3A_249 = arith.constant 0 : i32
    %dma_wait3A_250 = arith.constant 0 : i32
    %dma_wait3A_251 = arith.constant 0 : i32
    %dma_wait3A_252 = tpu.memref_slice %arg6[%dma_wait3A_249, %dma_wait3A_250, %dma_wait3A_251] : memref<2x32x1024xf32, #tpu.memory_space<vmem>> -> memref<1x32x1024xf32, #tpu.memory_space<vmem>>
    %dma_wait3A_253 = tpu.memref_squeeze %dma_wait3A_252 : memref<1x32x1024xf32, #tpu.memory_space<vmem>> -> memref<32x1024xf32, #tpu.memory_space<vmem>>
    %dma_wait3A_254 = arith.constant 0 : i32
    %dma_wait3A_255 = tpu.memref_slice %arg5[%dma_wait3A_248, %dma_wait3A_254] : memref<2x32xi32, #tpu.memory_space<vmem>> -> memref<1x32xi32, #tpu.memory_space<vmem>>
    %dma_wait3A_256 = tpu.memref_squeeze %dma_wait3A_255 : memref<1x32xi32, #tpu.memory_space<vmem>> -> memref<32xi32, #tpu.memory_space<vmem>>
    %dma_wait3A_257 = arith.constant 0 : i32
    %dma_wait3A_258 = arith.constant 0 : i32
    %dma_wait3A_259 = tpu.memref_slice %arg2[%dma_wait3A_257, %dma_wait3A_258] : memref<8192x1024xf32, #tpu.memory_space<hbm>> -> memref<8192x1024xf32, #tpu.memory_space<hbm>>
    tpu.wait_indirect_dma semaphore(%arg7 : memref<!tpu.dma_semaphore, #tpu.memory_space<semaphore_mem>>) src(%dma_wait3A_259 : memref<8192x1024xf32, #tpu.memory_space<hbm>>) dst(%dma_wait3A_253 : memref<32x1024xf32, #tpu.memory_space<vmem>>)
    %dma_wait3A_260 = arith.constant 1 : i32
    %dma_wait3A_261 = arith.constant 0 : i32
    %dma_wait3A_262 = arith.constant 0 : i32
    %dma_wait3A_263 = tpu.memref_slice %arg6[%dma_wait3A_260, %dma_wait3A_261, %dma_wait3A_262] : memref<2x32x1024xf32, #tpu.memory_space<vmem>> -> memref<1x32x1024xf32, #tpu.memory_space<vmem>>
    %dma_wait3A_264 = tpu.memref_squeeze %dma_wait3A_263 : memref<1x32x1024xf32, #tpu.memory_space<vmem>> -> memref<32x1024xf32, #tpu.memory_space<vmem>>
    %dma_wait3A_265 = arith.constant 0 : i32
    %dma_wait3A_266 = tpu.memref_slice %arg4[%add3A_234, %dma_wait3A_265] : memref<8192x1024xf32, #tpu.memory_space<hbm>> -> memref<32x1024xf32, #tpu.memory_space<hbm>>
    %dma_wait3A_267 = arith.constant 0 : i32
    %dma_wait3A_268 = tpu.memref_slice %arg4[%add3A_234, %dma_wait3A_267] : memref<8192x1024xf32, #tpu.memory_space<hbm>> -> memref<32x1024xf32, #tpu.memory_space<hbm>>
    %dma_wait3A_269 = arith.constant 0 : i32
    %dma_wait3A_270 = arith.constant 0 : i32
    %dma_wait3A_271 = tpu.memref_slice %arg6[%dma_wait3A_260, %dma_wait3A_269, %dma_wait3A_270] : memref<2x32x1024xf32, #tpu.memory_space<vmem>> -> memref<1x32x1024xf32, #tpu.memory_space<vmem>>
    %dma_wait3A_272 = tpu.memref_squeeze %dma_wait3A_271 : memref<1x32x1024xf32, #tpu.memory_space<vmem>> -> memref<32x1024xf32, #tpu.memory_space<vmem>>
    tpu.wait_dma2 semaphore(%arg10 : memref<!tpu.dma_semaphore, #tpu.memory_space<semaphore_mem>>) src(%dma_wait3A_272 : memref<32x1024xf32, #tpu.memory_space<vmem>>) dst(%dma_wait3A_268 : memref<32x1024xf32, #tpu.memory_space<hbm>>)
    %mul3A_273 = arith.constant 256 : i32
    %mul3A_274 = arith.muli %add3A, %mul3A_273 : i32
    %add3A_275 = arith.constant 160 : i32
    %add3A_276 = arith.addi %mul3A_274, %add3A_275 : i32
    %add3A_277 = arith.constant 0 : i32
    %add3A_278 = arith.addi %add3A_277, %add3A_276 : i32
    %run_scoped3A_279 = arith.constant 1 : i32
    "tpu.region"() ({
      %run_scoped3A_486 = tpu.sem_alloc : memref<!tpu.dma_semaphore, #tpu.memory_space<semaphore_mem>>
      %dma_start3A_487 = arith.constant 0 : i32
      %dma_start3A_488 = tpu.memref_slice %arg5[%run_scoped3A_279, %dma_start3A_487] : memref<2x32xi32, #tpu.memory_space<vmem>> -> memref<1x32xi32, #tpu.memory_space<vmem>>
      %dma_start3A_489 = tpu.memref_squeeze %dma_start3A_488 : memref<1x32xi32, #tpu.memory_space<vmem>> -> memref<32xi32, #tpu.memory_space<vmem>>
      %dma_start3A_490 = tpu.memref_slice %arg3[%add3A_278] : memref<8192xi32, #tpu.memory_space<hbm>> -> memref<32xi32, #tpu.memory_space<hbm>>
      %dma_start3A_491 = arith.constant 0 : i32
      %dma_start3A_492 = tpu.memref_slice %arg5[%run_scoped3A_279, %dma_start3A_491] : memref<2x32xi32, #tpu.memory_space<vmem>> -> memref<1x32xi32, #tpu.memory_space<vmem>>
      %dma_start3A_493 = tpu.memref_squeeze %dma_start3A_492 : memref<1x32xi32, #tpu.memory_space<vmem>> -> memref<32xi32, #tpu.memory_space<vmem>>
      %dma_start3A_494 = tpu.memref_slice %arg3[%add3A_278] : memref<8192xi32, #tpu.memory_space<hbm>> -> memref<32xi32, #tpu.memory_space<hbm>>
      tpu.enqueue_dma source(%dma_start3A_494 : memref<32xi32, #tpu.memory_space<hbm>>) target(%dma_start3A_493 : memref<32xi32, #tpu.memory_space<vmem>>) target_semaphore(%run_scoped3A_486 : memref<!tpu.dma_semaphore, #tpu.memory_space<semaphore_mem>>)
      %dma_wait3A_495 = arith.constant 0 : i32
      %dma_wait3A_496 = tpu.memref_slice %arg5[%run_scoped3A_279, %dma_wait3A_495] : memref<2x32xi32, #tpu.memory_space<vmem>> -> memref<1x32xi32, #tpu.memory_space<vmem>>
      %dma_wait3A_497 = tpu.memref_squeeze %dma_wait3A_496 : memref<1x32xi32, #tpu.memory_space<vmem>> -> memref<32xi32, #tpu.memory_space<vmem>>
      %dma_wait3A_498 = tpu.memref_slice %arg3[%add3A_278] : memref<8192xi32, #tpu.memory_space<hbm>> -> memref<32xi32, #tpu.memory_space<hbm>>
      %dma_wait3A_499 = arith.constant 0 : i32
      %dma_wait3A_500 = tpu.memref_slice %arg5[%run_scoped3A_279, %dma_wait3A_499] : memref<2x32xi32, #tpu.memory_space<vmem>> -> memref<1x32xi32, #tpu.memory_space<vmem>>
      %dma_wait3A_501 = tpu.memref_squeeze %dma_wait3A_500 : memref<1x32xi32, #tpu.memory_space<vmem>> -> memref<32xi32, #tpu.memory_space<vmem>>
      %dma_wait3A_502 = tpu.memref_slice %arg3[%add3A_278] : memref<8192xi32, #tpu.memory_space<hbm>> -> memref<32xi32, #tpu.memory_space<hbm>>
      tpu.wait_dma2 semaphore(%run_scoped3A_486 : memref<!tpu.dma_semaphore, #tpu.memory_space<semaphore_mem>>) src(%dma_wait3A_502 : memref<32xi32, #tpu.memory_space<hbm>>) dst(%dma_wait3A_501 : memref<32xi32, #tpu.memory_space<vmem>>)
      tpu.yield
    }) : () -> ()
    %dma_start3A_280 = arith.constant 1 : i32
    %dma_start3A_281 = arith.constant 1 : i32
    %dma_start3A_282 = arith.constant 0 : i32
    %dma_start3A_283 = arith.constant 0 : i32
    %dma_start3A_284 = tpu.memref_slice %arg6[%dma_start3A_281, %dma_start3A_282, %dma_start3A_283] : memref<2x32x1024xf32, #tpu.memory_space<vmem>> -> memref<1x32x1024xf32, #tpu.memory_space<vmem>>
    %dma_start3A_285 = tpu.memref_squeeze %dma_start3A_284 : memref<1x32x1024xf32, #tpu.memory_space<vmem>> -> memref<32x1024xf32, #tpu.memory_space<vmem>>
    %dma_start3A_286 = arith.constant 0 : i32
    %dma_start3A_287 = tpu.memref_slice %arg5[%dma_start3A_280, %dma_start3A_286] : memref<2x32xi32, #tpu.memory_space<vmem>> -> memref<1x32xi32, #tpu.memory_space<vmem>>
    %dma_start3A_288 = tpu.memref_squeeze %dma_start3A_287 : memref<1x32xi32, #tpu.memory_space<vmem>> -> memref<32xi32, #tpu.memory_space<vmem>>
    %dma_start3A_289 = arith.constant 0 : i32
    %dma_start3A_290 = arith.constant 0 : i32
    %dma_start3A_291 = tpu.memref_slice %arg2[%dma_start3A_289, %dma_start3A_290] : memref<8192x1024xf32, #tpu.memory_space<hbm>> -> memref<8192x1024xf32, #tpu.memory_space<hbm>>
    tpu.enqueue_indirect_dma source(%dma_start3A_291 : memref<8192x1024xf32, #tpu.memory_space<hbm>>) target(%dma_start3A_285 : memref<32x1024xf32, #tpu.memory_space<vmem>>) offsets(%dma_start3A_288 : memref<32xi32, #tpu.memory_space<vmem>>) semaphore(%arg8 : memref<!tpu.dma_semaphore, #tpu.memory_space<semaphore_mem>>)
    %mul3A_292 = arith.constant 256 : i32
    %mul3A_293 = arith.muli %add3A, %mul3A_292 : i32
    %add3A_294 = arith.constant 128 : i32
    %add3A_295 = arith.addi %mul3A_293, %add3A_294 : i32
    %dma_start3A_296 = arith.constant 0 : i32
    %dma_start3A_297 = arith.constant 0 : i32
    %dma_start3A_298 = arith.constant 0 : i32
    %dma_start3A_299 = tpu.memref_slice %arg6[%dma_start3A_296, %dma_start3A_297, %dma_start3A_298] : memref<2x32x1024xf32, #tpu.memory_space<vmem>> -> memref<1x32x1024xf32, #tpu.memory_space<vmem>>
    %dma_start3A_300 = tpu.memref_squeeze %dma_start3A_299 : memref<1x32x1024xf32, #tpu.memory_space<vmem>> -> memref<32x1024xf32, #tpu.memory_space<vmem>>
    %dma_start3A_301 = arith.constant 0 : i32
    %dma_start3A_302 = tpu.memref_slice %arg4[%add3A_295, %dma_start3A_301] : memref<8192x1024xf32, #tpu.memory_space<hbm>> -> memref<32x1024xf32, #tpu.memory_space<hbm>>
    %dma_start3A_303 = arith.constant 0 : i32
    %dma_start3A_304 = tpu.memref_slice %arg4[%add3A_295, %dma_start3A_303] : memref<8192x1024xf32, #tpu.memory_space<hbm>> -> memref<32x1024xf32, #tpu.memory_space<hbm>>
    %dma_start3A_305 = arith.constant 0 : i32
    %dma_start3A_306 = arith.constant 0 : i32
    %dma_start3A_307 = tpu.memref_slice %arg6[%dma_start3A_296, %dma_start3A_305, %dma_start3A_306] : memref<2x32x1024xf32, #tpu.memory_space<vmem>> -> memref<1x32x1024xf32, #tpu.memory_space<vmem>>
    %dma_start3A_308 = tpu.memref_squeeze %dma_start3A_307 : memref<1x32x1024xf32, #tpu.memory_space<vmem>> -> memref<32x1024xf32, #tpu.memory_space<vmem>>
    tpu.enqueue_dma source(%dma_start3A_308 : memref<32x1024xf32, #tpu.memory_space<vmem>>) target(%dma_start3A_304 : memref<32x1024xf32, #tpu.memory_space<hbm>>) target_semaphore(%arg9 : memref<!tpu.dma_semaphore, #tpu.memory_space<semaphore_mem>>)
    %dma_wait3A_309 = arith.constant 1 : i32
    %dma_wait3A_310 = arith.constant 1 : i32
    %dma_wait3A_311 = arith.constant 0 : i32
    %dma_wait3A_312 = arith.constant 0 : i32
    %dma_wait3A_313 = tpu.memref_slice %arg6[%dma_wait3A_310, %dma_wait3A_311, %dma_wait3A_312] : memref<2x32x1024xf32, #tpu.memory_space<vmem>> -> memref<1x32x1024xf32, #tpu.memory_space<vmem>>
    %dma_wait3A_314 = tpu.memref_squeeze %dma_wait3A_313 : memref<1x32x1024xf32, #tpu.memory_space<vmem>> -> memref<32x1024xf32, #tpu.memory_space<vmem>>
    %dma_wait3A_315 = arith.constant 0 : i32
    %dma_wait3A_316 = tpu.memref_slice %arg5[%dma_wait3A_309, %dma_wait3A_315] : memref<2x32xi32, #tpu.memory_space<vmem>> -> memref<1x32xi32, #tpu.memory_space<vmem>>
    %dma_wait3A_317 = tpu.memref_squeeze %dma_wait3A_316 : memref<1x32xi32, #tpu.memory_space<vmem>> -> memref<32xi32, #tpu.memory_space<vmem>>
    %dma_wait3A_318 = arith.constant 0 : i32
    %dma_wait3A_319 = arith.constant 0 : i32
    %dma_wait3A_320 = tpu.memref_slice %arg2[%dma_wait3A_318, %dma_wait3A_319] : memref<8192x1024xf32, #tpu.memory_space<hbm>> -> memref<8192x1024xf32, #tpu.memory_space<hbm>>
    tpu.wait_indirect_dma semaphore(%arg8 : memref<!tpu.dma_semaphore, #tpu.memory_space<semaphore_mem>>) src(%dma_wait3A_320 : memref<8192x1024xf32, #tpu.memory_space<hbm>>) dst(%dma_wait3A_314 : memref<32x1024xf32, #tpu.memory_space<vmem>>)
    %dma_wait3A_321 = arith.constant 0 : i32
    %dma_wait3A_322 = arith.constant 0 : i32
    %dma_wait3A_323 = arith.constant 0 : i32
    %dma_wait3A_324 = tpu.memref_slice %arg6[%dma_wait3A_321, %dma_wait3A_322, %dma_wait3A_323] : memref<2x32x1024xf32, #tpu.memory_space<vmem>> -> memref<1x32x1024xf32, #tpu.memory_space<vmem>>
    %dma_wait3A_325 = tpu.memref_squeeze %dma_wait3A_324 : memref<1x32x1024xf32, #tpu.memory_space<vmem>> -> memref<32x1024xf32, #tpu.memory_space<vmem>>
    %dma_wait3A_326 = arith.constant 0 : i32
    %dma_wait3A_327 = tpu.memref_slice %arg4[%add3A_295, %dma_wait3A_326] : memref<8192x1024xf32, #tpu.memory_space<hbm>> -> memref<32x1024xf32, #tpu.memory_space<hbm>>
    %dma_wait3A_328 = arith.constant 0 : i32
    %dma_wait3A_329 = tpu.memref_slice %arg4[%add3A_295, %dma_wait3A_328] : memref<8192x1024xf32, #tpu.memory_space<hbm>> -> memref<32x1024xf32, #tpu.memory_space<hbm>>
    %dma_wait3A_330 = arith.constant 0 : i32
    %dma_wait3A_331 = arith.constant 0 : i32
    %dma_wait3A_332 = tpu.memref_slice %arg6[%dma_wait3A_321, %dma_wait3A_330, %dma_wait3A_331] : memref<2x32x1024xf32, #tpu.memory_space<vmem>> -> memref<1x32x1024xf32, #tpu.memory_space<vmem>>
    %dma_wait3A_333 = tpu.memref_squeeze %dma_wait3A_332 : memref<1x32x1024xf32, #tpu.memory_space<vmem>> -> memref<32x1024xf32, #tpu.memory_space<vmem>>
    tpu.wait_dma2 semaphore(%arg9 : memref<!tpu.dma_semaphore, #tpu.memory_space<semaphore_mem>>) src(%dma_wait3A_333 : memref<32x1024xf32, #tpu.memory_space<vmem>>) dst(%dma_wait3A_329 : memref<32x1024xf32, #tpu.memory_space<hbm>>)
    %mul3A_334 = arith.constant 256 : i32
    %mul3A_335 = arith.muli %add3A, %mul3A_334 : i32
    %add3A_336 = arith.constant 192 : i32
    %add3A_337 = arith.addi %mul3A_335, %add3A_336 : i32
    %add3A_338 = arith.constant 0 : i32
    %add3A_339 = arith.addi %add3A_338, %add3A_337 : i32
    %run_scoped3A_340 = arith.constant 0 : i32
    "tpu.region"() ({
      %run_scoped3A_486 = tpu.sem_alloc : memref<!tpu.dma_semaphore, #tpu.memory_space<semaphore_mem>>
      %dma_start3A_487 = arith.constant 0 : i32
      %dma_start3A_488 = tpu.memref_slice %arg5[%run_scoped3A_340, %dma_start3A_487] : memref<2x32xi32, #tpu.memory_space<vmem>> -> memref<1x32xi32, #tpu.memory_space<vmem>>
      %dma_start3A_489 = tpu.memref_squeeze %dma_start3A_488 : memref<1x32xi32, #tpu.memory_space<vmem>> -> memref<32xi32, #tpu.memory_space<vmem>>
      %dma_start3A_490 = tpu.memref_slice %arg3[%add3A_339] : memref<8192xi32, #tpu.memory_space<hbm>> -> memref<32xi32, #tpu.memory_space<hbm>>
      %dma_start3A_491 = arith.constant 0 : i32
      %dma_start3A_492 = tpu.memref_slice %arg5[%run_scoped3A_340, %dma_start3A_491] : memref<2x32xi32, #tpu.memory_space<vmem>> -> memref<1x32xi32, #tpu.memory_space<vmem>>
      %dma_start3A_493 = tpu.memref_squeeze %dma_start3A_492 : memref<1x32xi32, #tpu.memory_space<vmem>> -> memref<32xi32, #tpu.memory_space<vmem>>
      %dma_start3A_494 = tpu.memref_slice %arg3[%add3A_339] : memref<8192xi32, #tpu.memory_space<hbm>> -> memref<32xi32, #tpu.memory_space<hbm>>
      tpu.enqueue_dma source(%dma_start3A_494 : memref<32xi32, #tpu.memory_space<hbm>>) target(%dma_start3A_493 : memref<32xi32, #tpu.memory_space<vmem>>) target_semaphore(%run_scoped3A_486 : memref<!tpu.dma_semaphore, #tpu.memory_space<semaphore_mem>>)
      %dma_wait3A_495 = arith.constant 0 : i32
      %dma_wait3A_496 = tpu.memref_slice %arg5[%run_scoped3A_340, %dma_wait3A_495] : memref<2x32xi32, #tpu.memory_space<vmem>> -> memref<1x32xi32, #tpu.memory_space<vmem>>
      %dma_wait3A_497 = tpu.memref_squeeze %dma_wait3A_496 : memref<1x32xi32, #tpu.memory_space<vmem>> -> memref<32xi32, #tpu.memory_space<vmem>>
      %dma_wait3A_498 = tpu.memref_slice %arg3[%add3A_339] : memref<8192xi32, #tpu.memory_space<hbm>> -> memref<32xi32, #tpu.memory_space<hbm>>
      %dma_wait3A_499 = arith.constant 0 : i32
      %dma_wait3A_500 = tpu.memref_slice %arg5[%run_scoped3A_340, %dma_wait3A_499] : memref<2x32xi32, #tpu.memory_space<vmem>> -> memref<1x32xi32, #tpu.memory_space<vmem>>
      %dma_wait3A_501 = tpu.memref_squeeze %dma_wait3A_500 : memref<1x32xi32, #tpu.memory_space<vmem>> -> memref<32xi32, #tpu.memory_space<vmem>>
      %dma_wait3A_502 = tpu.memref_slice %arg3[%add3A_339] : memref<8192xi32, #tpu.memory_space<hbm>> -> memref<32xi32, #tpu.memory_space<hbm>>
      tpu.wait_dma2 semaphore(%run_scoped3A_486 : memref<!tpu.dma_semaphore, #tpu.memory_space<semaphore_mem>>) src(%dma_wait3A_502 : memref<32xi32, #tpu.memory_space<hbm>>) dst(%dma_wait3A_501 : memref<32xi32, #tpu.memory_space<vmem>>)
      tpu.yield
    }) : () -> ()
    %dma_start3A_341 = arith.constant 0 : i32
    %dma_start3A_342 = arith.constant 0 : i32
    %dma_start3A_343 = arith.constant 0 : i32
    %dma_start3A_344 = arith.constant 0 : i32
    %dma_start3A_345 = tpu.memref_slice %arg6[%dma_start3A_342, %dma_start3A_343, %dma_start3A_344] : memref<2x32x1024xf32, #tpu.memory_space<vmem>> -> memref<1x32x1024xf32, #tpu.memory_space<vmem>>
    %dma_start3A_346 = tpu.memref_squeeze %dma_start3A_345 : memref<1x32x1024xf32, #tpu.memory_space<vmem>> -> memref<32x1024xf32, #tpu.memory_space<vmem>>
    %dma_start3A_347 = arith.constant 0 : i32
    %dma_start3A_348 = tpu.memref_slice %arg5[%dma_start3A_341, %dma_start3A_347] : memref<2x32xi32, #tpu.memory_space<vmem>> -> memref<1x32xi32, #tpu.memory_space<vmem>>
    %dma_start3A_349 = tpu.memref_squeeze %dma_start3A_348 : memref<1x32xi32, #tpu.memory_space<vmem>> -> memref<32xi32, #tpu.memory_space<vmem>>
    %dma_start3A_350 = arith.constant 0 : i32
    %dma_start3A_351 = arith.constant 0 : i32
    %dma_start3A_352 = tpu.memref_slice %arg2[%dma_start3A_350, %dma_start3A_351] : memref<8192x1024xf32, #tpu.memory_space<hbm>> -> memref<8192x1024xf32, #tpu.memory_space<hbm>>
    tpu.enqueue_indirect_dma source(%dma_start3A_352 : memref<8192x1024xf32, #tpu.memory_space<hbm>>) target(%dma_start3A_346 : memref<32x1024xf32, #tpu.memory_space<vmem>>) offsets(%dma_start3A_349 : memref<32xi32, #tpu.memory_space<vmem>>) semaphore(%arg7 : memref<!tpu.dma_semaphore, #tpu.memory_space<semaphore_mem>>)
    %mul3A_353 = arith.constant 256 : i32
    %mul3A_354 = arith.muli %add3A, %mul3A_353 : i32
    %add3A_355 = arith.constant 160 : i32
    %add3A_356 = arith.addi %mul3A_354, %add3A_355 : i32
    %dma_start3A_357 = arith.constant 1 : i32
    %dma_start3A_358 = arith.constant 0 : i32
    %dma_start3A_359 = arith.constant 0 : i32
    %dma_start3A_360 = tpu.memref_slice %arg6[%dma_start3A_357, %dma_start3A_358, %dma_start3A_359] : memref<2x32x1024xf32, #tpu.memory_space<vmem>> -> memref<1x32x1024xf32, #tpu.memory_space<vmem>>
    %dma_start3A_361 = tpu.memref_squeeze %dma_start3A_360 : memref<1x32x1024xf32, #tpu.memory_space<vmem>> -> memref<32x1024xf32, #tpu.memory_space<vmem>>
    %dma_start3A_362 = arith.constant 0 : i32
    %dma_start3A_363 = tpu.memref_slice %arg4[%add3A_356, %dma_start3A_362] : memref<8192x1024xf32, #tpu.memory_space<hbm>> -> memref<32x1024xf32, #tpu.memory_space<hbm>>
    %dma_start3A_364 = arith.constant 0 : i32
    %dma_start3A_365 = tpu.memref_slice %arg4[%add3A_356, %dma_start3A_364] : memref<8192x1024xf32, #tpu.memory_space<hbm>> -> memref<32x1024xf32, #tpu.memory_space<hbm>>
    %dma_start3A_366 = arith.constant 0 : i32
    %dma_start3A_367 = arith.constant 0 : i32
    %dma_start3A_368 = tpu.memref_slice %arg6[%dma_start3A_357, %dma_start3A_366, %dma_start3A_367] : memref<2x32x1024xf32, #tpu.memory_space<vmem>> -> memref<1x32x1024xf32, #tpu.memory_space<vmem>>
    %dma_start3A_369 = tpu.memref_squeeze %dma_start3A_368 : memref<1x32x1024xf32, #tpu.memory_space<vmem>> -> memref<32x1024xf32, #tpu.memory_space<vmem>>
    tpu.enqueue_dma source(%dma_start3A_369 : memref<32x1024xf32, #tpu.memory_space<vmem>>) target(%dma_start3A_365 : memref<32x1024xf32, #tpu.memory_space<hbm>>) target_semaphore(%arg10 : memref<!tpu.dma_semaphore, #tpu.memory_space<semaphore_mem>>)
    %dma_wait3A_370 = arith.constant 0 : i32
    %dma_wait3A_371 = arith.constant 0 : i32
    %dma_wait3A_372 = arith.constant 0 : i32
    %dma_wait3A_373 = arith.constant 0 : i32
    %dma_wait3A_374 = tpu.memref_slice %arg6[%dma_wait3A_371, %dma_wait3A_372, %dma_wait3A_373] : memref<2x32x1024xf32, #tpu.memory_space<vmem>> -> memref<1x32x1024xf32, #tpu.memory_space<vmem>>
    %dma_wait3A_375 = tpu.memref_squeeze %dma_wait3A_374 : memref<1x32x1024xf32, #tpu.memory_space<vmem>> -> memref<32x1024xf32, #tpu.memory_space<vmem>>
    %dma_wait3A_376 = arith.constant 0 : i32
    %dma_wait3A_377 = tpu.memref_slice %arg5[%dma_wait3A_370, %dma_wait3A_376] : memref<2x32xi32, #tpu.memory_space<vmem>> -> memref<1x32xi32, #tpu.memory_space<vmem>>
    %dma_wait3A_378 = tpu.memref_squeeze %dma_wait3A_377 : memref<1x32xi32, #tpu.memory_space<vmem>> -> memref<32xi32, #tpu.memory_space<vmem>>
    %dma_wait3A_379 = arith.constant 0 : i32
    %dma_wait3A_380 = arith.constant 0 : i32
    %dma_wait3A_381 = tpu.memref_slice %arg2[%dma_wait3A_379, %dma_wait3A_380] : memref<8192x1024xf32, #tpu.memory_space<hbm>> -> memref<8192x1024xf32, #tpu.memory_space<hbm>>
    tpu.wait_indirect_dma semaphore(%arg7 : memref<!tpu.dma_semaphore, #tpu.memory_space<semaphore_mem>>) src(%dma_wait3A_381 : memref<8192x1024xf32, #tpu.memory_space<hbm>>) dst(%dma_wait3A_375 : memref<32x1024xf32, #tpu.memory_space<vmem>>)
    %dma_wait3A_382 = arith.constant 1 : i32
    %dma_wait3A_383 = arith.constant 0 : i32
    %dma_wait3A_384 = arith.constant 0 : i32
    %dma_wait3A_385 = tpu.memref_slice %arg6[%dma_wait3A_382, %dma_wait3A_383, %dma_wait3A_384] : memref<2x32x1024xf32, #tpu.memory_space<vmem>> -> memref<1x32x1024xf32, #tpu.memory_space<vmem>>
    %dma_wait3A_386 = tpu.memref_squeeze %dma_wait3A_385 : memref<1x32x1024xf32, #tpu.memory_space<vmem>> -> memref<32x1024xf32, #tpu.memory_space<vmem>>
    %dma_wait3A_387 = arith.constant 0 : i32
    %dma_wait3A_388 = tpu.memref_slice %arg4[%add3A_356, %dma_wait3A_387] : memref<8192x1024xf32, #tpu.memory_space<hbm>> -> memref<32x1024xf32, #tpu.memory_space<hbm>>
    %dma_wait3A_389 = arith.constant 0 : i32
    %dma_wait3A_390 = tpu.memref_slice %arg4[%add3A_356, %dma_wait3A_389] : memref<8192x1024xf32, #tpu.memory_space<hbm>> -> memref<32x1024xf32, #tpu.memory_space<hbm>>
    %dma_wait3A_391 = arith.constant 0 : i32
    %dma_wait3A_392 = arith.constant 0 : i32
    %dma_wait3A_393 = tpu.memref_slice %arg6[%dma_wait3A_382, %dma_wait3A_391, %dma_wait3A_392] : memref<2x32x1024xf32, #tpu.memory_space<vmem>> -> memref<1x32x1024xf32, #tpu.memory_space<vmem>>
    %dma_wait3A_394 = tpu.memref_squeeze %dma_wait3A_393 : memref<1x32x1024xf32, #tpu.memory_space<vmem>> -> memref<32x1024xf32, #tpu.memory_space<vmem>>
    tpu.wait_dma2 semaphore(%arg10 : memref<!tpu.dma_semaphore, #tpu.memory_space<semaphore_mem>>) src(%dma_wait3A_394 : memref<32x1024xf32, #tpu.memory_space<vmem>>) dst(%dma_wait3A_390 : memref<32x1024xf32, #tpu.memory_space<hbm>>)
    %mul3A_395 = arith.constant 256 : i32
    %mul3A_396 = arith.muli %add3A, %mul3A_395 : i32
    %add3A_397 = arith.constant 224 : i32
    %add3A_398 = arith.addi %mul3A_396, %add3A_397 : i32
    %add3A_399 = arith.constant 0 : i32
    %add3A_400 = arith.addi %add3A_399, %add3A_398 : i32
    %run_scoped3A_401 = arith.constant 1 : i32
    "tpu.region"() ({
      %run_scoped3A_486 = tpu.sem_alloc : memref<!tpu.dma_semaphore, #tpu.memory_space<semaphore_mem>>
      %dma_start3A_487 = arith.constant 0 : i32
      %dma_start3A_488 = tpu.memref_slice %arg5[%run_scoped3A_401, %dma_start3A_487] : memref<2x32xi32, #tpu.memory_space<vmem>> -> memref<1x32xi32, #tpu.memory_space<vmem>>
      %dma_start3A_489 = tpu.memref_squeeze %dma_start3A_488 : memref<1x32xi32, #tpu.memory_space<vmem>> -> memref<32xi32, #tpu.memory_space<vmem>>
      %dma_start3A_490 = tpu.memref_slice %arg3[%add3A_400] : memref<8192xi32, #tpu.memory_space<hbm>> -> memref<32xi32, #tpu.memory_space<hbm>>
      %dma_start3A_491 = arith.constant 0 : i32
      %dma_start3A_492 = tpu.memref_slice %arg5[%run_scoped3A_401, %dma_start3A_491] : memref<2x32xi32, #tpu.memory_space<vmem>> -> memref<1x32xi32, #tpu.memory_space<vmem>>
      %dma_start3A_493 = tpu.memref_squeeze %dma_start3A_492 : memref<1x32xi32, #tpu.memory_space<vmem>> -> memref<32xi32, #tpu.memory_space<vmem>>
      %dma_start3A_494 = tpu.memref_slice %arg3[%add3A_400] : memref<8192xi32, #tpu.memory_space<hbm>> -> memref<32xi32, #tpu.memory_space<hbm>>
      tpu.enqueue_dma source(%dma_start3A_494 : memref<32xi32, #tpu.memory_space<hbm>>) target(%dma_start3A_493 : memref<32xi32, #tpu.memory_space<vmem>>) target_semaphore(%run_scoped3A_486 : memref<!tpu.dma_semaphore, #tpu.memory_space<semaphore_mem>>)
      %dma_wait3A_495 = arith.constant 0 : i32
      %dma_wait3A_496 = tpu.memref_slice %arg5[%run_scoped3A_401, %dma_wait3A_495] : memref<2x32xi32, #tpu.memory_space<vmem>> -> memref<1x32xi32, #tpu.memory_space<vmem>>
      %dma_wait3A_497 = tpu.memref_squeeze %dma_wait3A_496 : memref<1x32xi32, #tpu.memory_space<vmem>> -> memref<32xi32, #tpu.memory_space<vmem>>
      %dma_wait3A_498 = tpu.memref_slice %arg3[%add3A_400] : memref<8192xi32, #tpu.memory_space<hbm>> -> memref<32xi32, #tpu.memory_space<hbm>>
      %dma_wait3A_499 = arith.constant 0 : i32
      %dma_wait3A_500 = tpu.memref_slice %arg5[%run_scoped3A_401, %dma_wait3A_499] : memref<2x32xi32, #tpu.memory_space<vmem>> -> memref<1x32xi32, #tpu.memory_space<vmem>>
      %dma_wait3A_501 = tpu.memref_squeeze %dma_wait3A_500 : memref<1x32xi32, #tpu.memory_space<vmem>> -> memref<32xi32, #tpu.memory_space<vmem>>
      %dma_wait3A_502 = tpu.memref_slice %arg3[%add3A_400] : memref<8192xi32, #tpu.memory_space<hbm>> -> memref<32xi32, #tpu.memory_space<hbm>>
      tpu.wait_dma2 semaphore(%run_scoped3A_486 : memref<!tpu.dma_semaphore, #tpu.memory_space<semaphore_mem>>) src(%dma_wait3A_502 : memref<32xi32, #tpu.memory_space<hbm>>) dst(%dma_wait3A_501 : memref<32xi32, #tpu.memory_space<vmem>>)
      tpu.yield
    }) : () -> ()
    %dma_start3A_402 = arith.constant 1 : i32
    %dma_start3A_403 = arith.constant 1 : i32
    %dma_start3A_404 = arith.constant 0 : i32
    %dma_start3A_405 = arith.constant 0 : i32
    %dma_start3A_406 = tpu.memref_slice %arg6[%dma_start3A_403, %dma_start3A_404, %dma_start3A_405] : memref<2x32x1024xf32, #tpu.memory_space<vmem>> -> memref<1x32x1024xf32, #tpu.memory_space<vmem>>
    %dma_start3A_407 = tpu.memref_squeeze %dma_start3A_406 : memref<1x32x1024xf32, #tpu.memory_space<vmem>> -> memref<32x1024xf32, #tpu.memory_space<vmem>>
    %dma_start3A_408 = arith.constant 0 : i32
    %dma_start3A_409 = tpu.memref_slice %arg5[%dma_start3A_402, %dma_start3A_408] : memref<2x32xi32, #tpu.memory_space<vmem>> -> memref<1x32xi32, #tpu.memory_space<vmem>>
    %dma_start3A_410 = tpu.memref_squeeze %dma_start3A_409 : memref<1x32xi32, #tpu.memory_space<vmem>> -> memref<32xi32, #tpu.memory_space<vmem>>
    %dma_start3A_411 = arith.constant 0 : i32
    %dma_start3A_412 = arith.constant 0 : i32
    %dma_start3A_413 = tpu.memref_slice %arg2[%dma_start3A_411, %dma_start3A_412] : memref<8192x1024xf32, #tpu.memory_space<hbm>> -> memref<8192x1024xf32, #tpu.memory_space<hbm>>
    tpu.enqueue_indirect_dma source(%dma_start3A_413 : memref<8192x1024xf32, #tpu.memory_space<hbm>>) target(%dma_start3A_407 : memref<32x1024xf32, #tpu.memory_space<vmem>>) offsets(%dma_start3A_410 : memref<32xi32, #tpu.memory_space<vmem>>) semaphore(%arg8 : memref<!tpu.dma_semaphore, #tpu.memory_space<semaphore_mem>>)
    %mul3A_414 = arith.constant 256 : i32
    %mul3A_415 = arith.muli %add3A, %mul3A_414 : i32
    %add3A_416 = arith.constant 192 : i32
    %add3A_417 = arith.addi %mul3A_415, %add3A_416 : i32
    %dma_start3A_418 = arith.constant 0 : i32
    %dma_start3A_419 = arith.constant 0 : i32
    %dma_start3A_420 = arith.constant 0 : i32
    %dma_start3A_421 = tpu.memref_slice %arg6[%dma_start3A_418, %dma_start3A_419, %dma_start3A_420] : memref<2x32x1024xf32, #tpu.memory_space<vmem>> -> memref<1x32x1024xf32, #tpu.memory_space<vmem>>
    %dma_start3A_422 = tpu.memref_squeeze %dma_start3A_421 : memref<1x32x1024xf32, #tpu.memory_space<vmem>> -> memref<32x1024xf32, #tpu.memory_space<vmem>>
    %dma_start3A_423 = arith.constant 0 : i32
    %dma_start3A_424 = tpu.memref_slice %arg4[%add3A_417, %dma_start3A_423] : memref<8192x1024xf32, #tpu.memory_space<hbm>> -> memref<32x1024xf32, #tpu.memory_space<hbm>>
    %dma_start3A_425 = arith.constant 0 : i32
    %dma_start3A_426 = tpu.memref_slice %arg4[%add3A_417, %dma_start3A_425] : memref<8192x1024xf32, #tpu.memory_space<hbm>> -> memref<32x1024xf32, #tpu.memory_space<hbm>>
    %dma_start3A_427 = arith.constant 0 : i32
    %dma_start3A_428 = arith.constant 0 : i32
    %dma_start3A_429 = tpu.memref_slice %arg6[%dma_start3A_418, %dma_start3A_427, %dma_start3A_428] : memref<2x32x1024xf32, #tpu.memory_space<vmem>> -> memref<1x32x1024xf32, #tpu.memory_space<vmem>>
    %dma_start3A_430 = tpu.memref_squeeze %dma_start3A_429 : memref<1x32x1024xf32, #tpu.memory_space<vmem>> -> memref<32x1024xf32, #tpu.memory_space<vmem>>
    tpu.enqueue_dma source(%dma_start3A_430 : memref<32x1024xf32, #tpu.memory_space<vmem>>) target(%dma_start3A_426 : memref<32x1024xf32, #tpu.memory_space<hbm>>) target_semaphore(%arg9 : memref<!tpu.dma_semaphore, #tpu.memory_space<semaphore_mem>>)
    %dma_wait3A_431 = arith.constant 1 : i32
    %dma_wait3A_432 = arith.constant 1 : i32
    %dma_wait3A_433 = arith.constant 0 : i32
    %dma_wait3A_434 = arith.constant 0 : i32
    %dma_wait3A_435 = tpu.memref_slice %arg6[%dma_wait3A_432, %dma_wait3A_433, %dma_wait3A_434] : memref<2x32x1024xf32, #tpu.memory_space<vmem>> -> memref<1x32x1024xf32, #tpu.memory_space<vmem>>
    %dma_wait3A_436 = tpu.memref_squeeze %dma_wait3A_435 : memref<1x32x1024xf32, #tpu.memory_space<vmem>> -> memref<32x1024xf32, #tpu.memory_space<vmem>>
    %dma_wait3A_437 = arith.constant 0 : i32
    %dma_wait3A_438 = tpu.memref_slice %arg5[%dma_wait3A_431, %dma_wait3A_437] : memref<2x32xi32, #tpu.memory_space<vmem>> -> memref<1x32xi32, #tpu.memory_space<vmem>>
    %dma_wait3A_439 = tpu.memref_squeeze %dma_wait3A_438 : memref<1x32xi32, #tpu.memory_space<vmem>> -> memref<32xi32, #tpu.memory_space<vmem>>
    %dma_wait3A_440 = arith.constant 0 : i32
    %dma_wait3A_441 = arith.constant 0 : i32
    %dma_wait3A_442 = tpu.memref_slice %arg2[%dma_wait3A_440, %dma_wait3A_441] : memref<8192x1024xf32, #tpu.memory_space<hbm>> -> memref<8192x1024xf32, #tpu.memory_space<hbm>>
    tpu.wait_indirect_dma semaphore(%arg8 : memref<!tpu.dma_semaphore, #tpu.memory_space<semaphore_mem>>) src(%dma_wait3A_442 : memref<8192x1024xf32, #tpu.memory_space<hbm>>) dst(%dma_wait3A_436 : memref<32x1024xf32, #tpu.memory_space<vmem>>)
    %mul3A_443 = arith.constant 256 : i32
    %mul3A_444 = arith.muli %add3A, %mul3A_443 : i32
    %add3A_445 = arith.constant 224 : i32
    %add3A_446 = arith.addi %mul3A_444, %add3A_445 : i32
    %dma_start3A_447 = arith.constant 1 : i32
    %dma_start3A_448 = arith.constant 0 : i32
    %dma_start3A_449 = arith.constant 0 : i32
    %dma_start3A_450 = tpu.memref_slice %arg6[%dma_start3A_447, %dma_start3A_448, %dma_start3A_449] : memref<2x32x1024xf32, #tpu.memory_space<vmem>> -> memref<1x32x1024xf32, #tpu.memory_space<vmem>>
    %dma_start3A_451 = tpu.memref_squeeze %dma_start3A_450 : memref<1x32x1024xf32, #tpu.memory_space<vmem>> -> memref<32x1024xf32, #tpu.memory_space<vmem>>
    %dma_start3A_452 = arith.constant 0 : i32
    %dma_start3A_453 = tpu.memref_slice %arg4[%add3A_446, %dma_start3A_452] : memref<8192x1024xf32, #tpu.memory_space<hbm>> -> memref<32x1024xf32, #tpu.memory_space<hbm>>
    %dma_start3A_454 = arith.constant 0 : i32
    %dma_start3A_455 = tpu.memref_slice %arg4[%add3A_446, %dma_start3A_454] : memref<8192x1024xf32, #tpu.memory_space<hbm>> -> memref<32x1024xf32, #tpu.memory_space<hbm>>
    %dma_start3A_456 = arith.constant 0 : i32
    %dma_start3A_457 = arith.constant 0 : i32
    %dma_start3A_458 = tpu.memref_slice %arg6[%dma_start3A_447, %dma_start3A_456, %dma_start3A_457] : memref<2x32x1024xf32, #tpu.memory_space<vmem>> -> memref<1x32x1024xf32, #tpu.memory_space<vmem>>
    %dma_start3A_459 = tpu.memref_squeeze %dma_start3A_458 : memref<1x32x1024xf32, #tpu.memory_space<vmem>> -> memref<32x1024xf32, #tpu.memory_space<vmem>>
    tpu.enqueue_dma source(%dma_start3A_459 : memref<32x1024xf32, #tpu.memory_space<vmem>>) target(%dma_start3A_455 : memref<32x1024xf32, #tpu.memory_space<hbm>>) target_semaphore(%arg10 : memref<!tpu.dma_semaphore, #tpu.memory_space<semaphore_mem>>)
    %dma_wait3A_460 = arith.constant 1 : i32
    %dma_wait3A_461 = arith.constant 0 : i32
    %dma_wait3A_462 = arith.constant 0 : i32
    %dma_wait3A_463 = tpu.memref_slice %arg6[%dma_wait3A_460, %dma_wait3A_461, %dma_wait3A_462] : memref<2x32x1024xf32, #tpu.memory_space<vmem>> -> memref<1x32x1024xf32, #tpu.memory_space<vmem>>
    %dma_wait3A_464 = tpu.memref_squeeze %dma_wait3A_463 : memref<1x32x1024xf32, #tpu.memory_space<vmem>> -> memref<32x1024xf32, #tpu.memory_space<vmem>>
    %dma_wait3A_465 = arith.constant 0 : i32
    %dma_wait3A_466 = tpu.memref_slice %arg4[%add3A_446, %dma_wait3A_465] : memref<8192x1024xf32, #tpu.memory_space<hbm>> -> memref<32x1024xf32, #tpu.memory_space<hbm>>
    %dma_wait3A_467 = arith.constant 0 : i32
    %dma_wait3A_468 = tpu.memref_slice %arg4[%add3A_446, %dma_wait3A_467] : memref<8192x1024xf32, #tpu.memory_space<hbm>> -> memref<32x1024xf32, #tpu.memory_space<hbm>>
    %dma_wait3A_469 = arith.constant 0 : i32
    %dma_wait3A_470 = arith.constant 0 : i32
    %dma_wait3A_471 = tpu.memref_slice %arg6[%dma_wait3A_460, %dma_wait3A_469, %dma_wait3A_470] : memref<2x32x1024xf32, #tpu.memory_space<vmem>> -> memref<1x32x1024xf32, #tpu.memory_space<vmem>>
    %dma_wait3A_472 = tpu.memref_squeeze %dma_wait3A_471 : memref<1x32x1024xf32, #tpu.memory_space<vmem>> -> memref<32x1024xf32, #tpu.memory_space<vmem>>
    tpu.wait_dma2 semaphore(%arg10 : memref<!tpu.dma_semaphore, #tpu.memory_space<semaphore_mem>>) src(%dma_wait3A_472 : memref<32x1024xf32, #tpu.memory_space<vmem>>) dst(%dma_wait3A_468 : memref<32x1024xf32, #tpu.memory_space<hbm>>)
    %dma_wait3A_473 = arith.constant 0 : i32
    %dma_wait3A_474 = arith.constant 0 : i32
    %dma_wait3A_475 = arith.constant 0 : i32
    %dma_wait3A_476 = tpu.memref_slice %arg6[%dma_wait3A_473, %dma_wait3A_474, %dma_wait3A_475] : memref<2x32x1024xf32, #tpu.memory_space<vmem>> -> memref<1x32x1024xf32, #tpu.memory_space<vmem>>
    %dma_wait3A_477 = tpu.memref_squeeze %dma_wait3A_476 : memref<1x32x1024xf32, #tpu.memory_space<vmem>> -> memref<32x1024xf32, #tpu.memory_space<vmem>>
    %dma_wait3A_478 = arith.constant 0 : i32
    %dma_wait3A_479 = tpu.memref_slice %arg4[%add3A_417, %dma_wait3A_478] : memref<8192x1024xf32, #tpu.memory_space<hbm>> -> memref<32x1024xf32, #tpu.memory_space<hbm>>
    %dma_wait3A_480 = arith.constant 0 : i32
    %dma_wait3A_481 = tpu.memref_slice %arg4[%add3A_417, %dma_wait3A_480] : memref<8192x1024xf32, #tpu.memory_space<hbm>> -> memref<32x1024xf32, #tpu.memory_space<hbm>>
    %dma_wait3A_482 = arith.constant 0 : i32
    %dma_wait3A_483 = arith.constant 0 : i32
    %dma_wait3A_484 = tpu.memref_slice %arg6[%dma_wait3A_473, %dma_wait3A_482, %dma_wait3A_483] : memref<2x32x1024xf32, #tpu.memory_space<vmem>> -> memref<1x32x1024xf32, #tpu.memory_space<vmem>>
    %dma_wait3A_485 = tpu.memref_squeeze %dma_wait3A_484 : memref<1x32x1024xf32, #tpu.memory_space<vmem>> -> memref<32x1024xf32, #tpu.memory_space<vmem>>
    tpu.wait_dma2 semaphore(%arg9 : memref<!tpu.dma_semaphore, #tpu.memory_space<semaphore_mem>>) src(%dma_wait3A_485 : memref<32x1024xf32, #tpu.memory_space<vmem>>) dst(%dma_wait3A_481 : memref<32x1024xf32, #tpu.memory_space<hbm>>)
    return
  }
}

#map = affine_map<(d0, d1) -> (0, 0)>
#map1 = affine_map<(d0, d1) -> (0)>
module attributes {stable_mosaic.version = 14 : i64} {
  func.func @k(%arg0: i32, %arg1: i32, %arg2: memref<9216x1024xf32, #tpu.memory_space<hbm>>, %arg3: memref<8192xi32, #tpu.memory_space<hbm>>, %arg4: memref<8192x1024xf32, #tpu.memory_space<hbm>>, %arg5: memref<2x32xi32, #tpu.memory_space<vmem>>, %arg6: memref<2x32x1024xf32, #tpu.memory_space<vmem>>, %arg7: memref<!tpu.dma_semaphore, #tpu.memory_space<semaphore_mem>>, %arg8: memref<!tpu.dma_semaphore, #tpu.memory_space<semaphore_mem>>, %arg9: memref<!tpu.dma_semaphore, #tpu.memory_space<semaphore_mem>>, %arg10: memref<!tpu.dma_semaphore, #tpu.memory_space<semaphore_mem>>) attributes {dimension_semantics = [#tpu.dimension_semantics<core_parallel>, #tpu.dimension_semantics<subcore_parallel>], iteration_bounds = array<i64: 2, 16>, scalar_prefetch = 0 : i64, scratch_operands = 6 : i64, tpu.core_type = #tpu.core_type<sc_vector_subcore>, window_params = [{transform_indices = #map}, {transform_indices = #map1}, {transform_indices = #map}]} {
    %mul3A = arith.constant 16 : i32
    %mul3A_0 = arith.muli %arg0, %mul3A : i32
    %add3A = arith.addi %mul3A_0, %arg1 : i32
    %mul3A_1 = arith.constant 256 : i32
    %mul3A_2 = arith.muli %add3A, %mul3A_1 : i32
    %add3A_3 = arith.constant 0 : i32
    %add3A_4 = arith.addi %mul3A_2, %add3A_3 : i32
    %add3A_5 = arith.constant 0 : i32
    %add3A_6 = arith.addi %add3A_5, %add3A_4 : i32
    %run_scoped3A = arith.constant 0 : i32
    "tpu.region"() ({
      %run_scoped3A_486 = tpu.sem_alloc : memref<!tpu.dma_semaphore, #tpu.memory_space<semaphore_mem>>
      %dma_start3A_487 = arith.constant 0 : i32
      %dma_start3A_488 = tpu.memref_slice %arg5[%run_scoped3A, %dma_start3A_487] : memref<2x32xi32, #tpu.memory_space<vmem>> -> memref<1x32xi32, #tpu.memory_space<vmem>>
      %dma_start3A_489 = tpu.memref_squeeze %dma_start3A_488 : memref<1x32xi32, #tpu.memory_space<vmem>> -> memref<32xi32, #tpu.memory_space<vmem>>
      %dma_start3A_490 = tpu.memref_slice %arg3[%add3A_6] : memref<8192xi32, #tpu.memory_space<hbm>> -> memref<32xi32, #tpu.memory_space<hbm>>
      %dma_start3A_491 = arith.constant 0 : i32
      %dma_start3A_492 = tpu.memref_slice %arg5[%run_scoped3A, %dma_start3A_491] : memref<2x32xi32, #tpu.memory_space<vmem>> -> memref<1x32xi32, #tpu.memory_space<vmem>>
      %dma_start3A_493 = tpu.memref_squeeze %dma_start3A_492 : memref<1x32xi32, #tpu.memory_space<vmem>> -> memref<32xi32, #tpu.memory_space<vmem>>
      %dma_start3A_494 = tpu.memref_slice %arg3[%add3A_6] : memref<8192xi32, #tpu.memory_space<hbm>> -> memref<32xi32, #tpu.memory_space<hbm>>
      tpu.enqueue_dma source(%dma_start3A_494 : memref<32xi32, #tpu.memory_space<hbm>>) target(%dma_start3A_493 : memref<32xi32, #tpu.memory_space<vmem>>) target_semaphore(%run_scoped3A_486 : memref<!tpu.dma_semaphore, #tpu.memory_space<semaphore_mem>>)
      %dma_wait3A_495 = arith.constant 0 : i32
      %dma_wait3A_496 = tpu.memref_slice %arg5[%run_scoped3A, %dma_wait3A_495] : memref<2x32xi32, #tpu.memory_space<vmem>> -> memref<1x32xi32, #tpu.memory_space<vmem>>
      %dma_wait3A_497 = tpu.memref_squeeze %dma_wait3A_496 : memref<1x32xi32, #tpu.memory_space<vmem>> -> memref<32xi32, #tpu.memory_space<vmem>>
      %dma_wait3A_498 = tpu.memref_slice %arg3[%add3A_6] : memref<8192xi32, #tpu.memory_space<hbm>> -> memref<32xi32, #tpu.memory_space<hbm>>
      %dma_wait3A_499 = arith.constant 0 : i32
      %dma_wait3A_500 = tpu.memref_slice %arg5[%run_scoped3A, %dma_wait3A_499] : memref<2x32xi32, #tpu.memory_space<vmem>> -> memref<1x32xi32, #tpu.memory_space<vmem>>
      %dma_wait3A_501 = tpu.memref_squeeze %dma_wait3A_500 : memref<1x32xi32, #tpu.memory_space<vmem>> -> memref<32xi32, #tpu.memory_space<vmem>>
      %dma_wait3A_502 = tpu.memref_slice %arg3[%add3A_6] : memref<8192xi32, #tpu.memory_space<hbm>> -> memref<32xi32, #tpu.memory_space<hbm>>
      tpu.wait_dma2 semaphore(%run_scoped3A_486 : memref<!tpu.dma_semaphore, #tpu.memory_space<semaphore_mem>>) src(%dma_wait3A_502 : memref<32xi32, #tpu.memory_space<hbm>>) dst(%dma_wait3A_501 : memref<32xi32, #tpu.memory_space<vmem>>)
      tpu.yield
    }) : () -> ()
    %dma_start3A = arith.constant 0 : i32
    %dma_start3A_7 = arith.constant 0 : i32
    %dma_start3A_8 = arith.constant 0 : i32
    %dma_start3A_9 = arith.constant 0 : i32
    %dma_start3A_10 = tpu.memref_slice %arg6[%dma_start3A_7, %dma_start3A_8, %dma_start3A_9] : memref<2x32x1024xf32, #tpu.memory_space<vmem>> -> memref<1x32x1024xf32, #tpu.memory_space<vmem>>
    %dma_start3A_11 = tpu.memref_squeeze %dma_start3A_10 : memref<1x32x1024xf32, #tpu.memory_space<vmem>> -> memref<32x1024xf32, #tpu.memory_space<vmem>>
    %dma_start3A_12 = arith.constant 0 : i32
    %dma_start3A_13 = tpu.memref_slice %arg5[%dma_start3A, %dma_start3A_12] : memref<2x32xi32, #tpu.memory_space<vmem>> -> memref<1x32xi32, #tpu.memory_space<vmem>>
    %dma_start3A_14 = tpu.memref_squeeze %dma_start3A_13 : memref<1x32xi32, #tpu.memory_space<vmem>> -> memref<32xi32, #tpu.memory_space<vmem>>
    %dma_start3A_15 = arith.constant 0 : i32
    %dma_start3A_16 = arith.constant 0 : i32
    %dma_start3A_17 = tpu.memref_slice %arg2[%dma_start3A_15, %dma_start3A_16] : memref<9216x1024xf32, #tpu.memory_space<hbm>> -> memref<9216x1024xf32, #tpu.memory_space<hbm>>
    tpu.enqueue_indirect_dma source(%dma_start3A_17 : memref<9216x1024xf32, #tpu.memory_space<hbm>>) target(%dma_start3A_11 : memref<32x1024xf32, #tpu.memory_space<vmem>>) offsets(%dma_start3A_14 : memref<32xi32, #tpu.memory_space<vmem>>) semaphore(%arg7 : memref<!tpu.dma_semaphore, #tpu.memory_space<semaphore_mem>>)
    %dma_wait3A = arith.constant 0 : i32
    %dma_wait3A_18 = arith.constant 0 : i32
    %dma_wait3A_19 = arith.constant 0 : i32
    %dma_wait3A_20 = arith.constant 0 : i32
    %dma_wait3A_21 = tpu.memref_slice %arg6[%dma_wait3A_18, %dma_wait3A_19, %dma_wait3A_20] : memref<2x32x1024xf32, #tpu.memory_space<vmem>> -> memref<1x32x1024xf32, #tpu.memory_space<vmem>>
    %dma_wait3A_22 = tpu.memref_squeeze %dma_wait3A_21 : memref<1x32x1024xf32, #tpu.memory_space<vmem>> -> memref<32x1024xf32, #tpu.memory_space<vmem>>
    %dma_wait3A_23 = arith.constant 0 : i32
    %dma_wait3A_24 = tpu.memref_slice %arg5[%dma_wait3A, %dma_wait3A_23] : memref<2x32xi32, #tpu.memory_space<vmem>> -> memref<1x32xi32, #tpu.memory_space<vmem>>
    %dma_wait3A_25 = tpu.memref_squeeze %dma_wait3A_24 : memref<1x32xi32, #tpu.memory_space<vmem>> -> memref<32xi32, #tpu.memory_space<vmem>>
    %dma_wait3A_26 = arith.constant 0 : i32
    %dma_wait3A_27 = arith.constant 0 : i32
    %dma_wait3A_28 = tpu.memref_slice %arg2[%dma_wait3A_26, %dma_wait3A_27] : memref<9216x1024xf32, #tpu.memory_space<hbm>> -> memref<9216x1024xf32, #tpu.memory_space<hbm>>
    tpu.wait_indirect_dma semaphore(%arg7 : memref<!tpu.dma_semaphore, #tpu.memory_space<semaphore_mem>>) src(%dma_wait3A_28 : memref<9216x1024xf32, #tpu.memory_space<hbm>>) dst(%dma_wait3A_22 : memref<32x1024xf32, #tpu.memory_space<vmem>>)
    %mul3A_29 = arith.constant 256 : i32
    %mul3A_30 = arith.muli %add3A, %mul3A_29 : i32
    %add3A_31 = arith.constant 32 : i32
    %add3A_32 = arith.addi %mul3A_30, %add3A_31 : i32
    %add3A_33 = arith.constant 0 : i32
    %add3A_34 = arith.addi %add3A_33, %add3A_32 : i32
    %run_scoped3A_35 = arith.constant 1 : i32
    "tpu.region"() ({
      %run_scoped3A_486 = tpu.sem_alloc : memref<!tpu.dma_semaphore, #tpu.memory_space<semaphore_mem>>
      %dma_start3A_487 = arith.constant 0 : i32
      %dma_start3A_488 = tpu.memref_slice %arg5[%run_scoped3A_35, %dma_start3A_487] : memref<2x32xi32, #tpu.memory_space<vmem>> -> memref<1x32xi32, #tpu.memory_space<vmem>>
      %dma_start3A_489 = tpu.memref_squeeze %dma_start3A_488 : memref<1x32xi32, #tpu.memory_space<vmem>> -> memref<32xi32, #tpu.memory_space<vmem>>
      %dma_start3A_490 = tpu.memref_slice %arg3[%add3A_34] : memref<8192xi32, #tpu.memory_space<hbm>> -> memref<32xi32, #tpu.memory_space<hbm>>
      %dma_start3A_491 = arith.constant 0 : i32
      %dma_start3A_492 = tpu.memref_slice %arg5[%run_scoped3A_35, %dma_start3A_491] : memref<2x32xi32, #tpu.memory_space<vmem>> -> memref<1x32xi32, #tpu.memory_space<vmem>>
      %dma_start3A_493 = tpu.memref_squeeze %dma_start3A_492 : memref<1x32xi32, #tpu.memory_space<vmem>> -> memref<32xi32, #tpu.memory_space<vmem>>
      %dma_start3A_494 = tpu.memref_slice %arg3[%add3A_34] : memref<8192xi32, #tpu.memory_space<hbm>> -> memref<32xi32, #tpu.memory_space<hbm>>
      tpu.enqueue_dma source(%dma_start3A_494 : memref<32xi32, #tpu.memory_space<hbm>>) target(%dma_start3A_493 : memref<32xi32, #tpu.memory_space<vmem>>) target_semaphore(%run_scoped3A_486 : memref<!tpu.dma_semaphore, #tpu.memory_space<semaphore_mem>>)
      %dma_wait3A_495 = arith.constant 0 : i32
      %dma_wait3A_496 = tpu.memref_slice %arg5[%run_scoped3A_35, %dma_wait3A_495] : memref<2x32xi32, #tpu.memory_space<vmem>> -> memref<1x32xi32, #tpu.memory_space<vmem>>
      %dma_wait3A_497 = tpu.memref_squeeze %dma_wait3A_496 : memref<1x32xi32, #tpu.memory_space<vmem>> -> memref<32xi32, #tpu.memory_space<vmem>>
      %dma_wait3A_498 = tpu.memref_slice %arg3[%add3A_34] : memref<8192xi32, #tpu.memory_space<hbm>> -> memref<32xi32, #tpu.memory_space<hbm>>
      %dma_wait3A_499 = arith.constant 0 : i32
      %dma_wait3A_500 = tpu.memref_slice %arg5[%run_scoped3A_35, %dma_wait3A_499] : memref<2x32xi32, #tpu.memory_space<vmem>> -> memref<1x32xi32, #tpu.memory_space<vmem>>
      %dma_wait3A_501 = tpu.memref_squeeze %dma_wait3A_500 : memref<1x32xi32, #tpu.memory_space<vmem>> -> memref<32xi32, #tpu.memory_space<vmem>>
      %dma_wait3A_502 = tpu.memref_slice %arg3[%add3A_34] : memref<8192xi32, #tpu.memory_space<hbm>> -> memref<32xi32, #tpu.memory_space<hbm>>
      tpu.wait_dma2 semaphore(%run_scoped3A_486 : memref<!tpu.dma_semaphore, #tpu.memory_space<semaphore_mem>>) src(%dma_wait3A_502 : memref<32xi32, #tpu.memory_space<hbm>>) dst(%dma_wait3A_501 : memref<32xi32, #tpu.memory_space<vmem>>)
      tpu.yield
    }) : () -> ()
    %dma_start3A_36 = arith.constant 1 : i32
    %dma_start3A_37 = arith.constant 1 : i32
    %dma_start3A_38 = arith.constant 0 : i32
    %dma_start3A_39 = arith.constant 0 : i32
    %dma_start3A_40 = tpu.memref_slice %arg6[%dma_start3A_37, %dma_start3A_38, %dma_start3A_39] : memref<2x32x1024xf32, #tpu.memory_space<vmem>> -> memref<1x32x1024xf32, #tpu.memory_space<vmem>>
    %dma_start3A_41 = tpu.memref_squeeze %dma_start3A_40 : memref<1x32x1024xf32, #tpu.memory_space<vmem>> -> memref<32x1024xf32, #tpu.memory_space<vmem>>
    %dma_start3A_42 = arith.constant 0 : i32
    %dma_start3A_43 = tpu.memref_slice %arg5[%dma_start3A_36, %dma_start3A_42] : memref<2x32xi32, #tpu.memory_space<vmem>> -> memref<1x32xi32, #tpu.memory_space<vmem>>
    %dma_start3A_44 = tpu.memref_squeeze %dma_start3A_43 : memref<1x32xi32, #tpu.memory_space<vmem>> -> memref<32xi32, #tpu.memory_space<vmem>>
    %dma_start3A_45 = arith.constant 0 : i32
    %dma_start3A_46 = arith.constant 0 : i32
    %dma_start3A_47 = tpu.memref_slice %arg2[%dma_start3A_45, %dma_start3A_46] : memref<9216x1024xf32, #tpu.memory_space<hbm>> -> memref<9216x1024xf32, #tpu.memory_space<hbm>>
    tpu.enqueue_indirect_dma source(%dma_start3A_47 : memref<9216x1024xf32, #tpu.memory_space<hbm>>) target(%dma_start3A_41 : memref<32x1024xf32, #tpu.memory_space<vmem>>) offsets(%dma_start3A_44 : memref<32xi32, #tpu.memory_space<vmem>>) semaphore(%arg8 : memref<!tpu.dma_semaphore, #tpu.memory_space<semaphore_mem>>)
    %mul3A_48 = arith.constant 256 : i32
    %mul3A_49 = arith.muli %add3A, %mul3A_48 : i32
    %add3A_50 = arith.constant 0 : i32
    %add3A_51 = arith.addi %mul3A_49, %add3A_50 : i32
    %dma_start3A_52 = arith.constant 0 : i32
    %dma_start3A_53 = arith.constant 0 : i32
    %dma_start3A_54 = arith.constant 0 : i32
    %dma_start3A_55 = tpu.memref_slice %arg6[%dma_start3A_52, %dma_start3A_53, %dma_start3A_54] : memref<2x32x1024xf32, #tpu.memory_space<vmem>> -> memref<1x32x1024xf32, #tpu.memory_space<vmem>>
    %dma_start3A_56 = tpu.memref_squeeze %dma_start3A_55 : memref<1x32x1024xf32, #tpu.memory_space<vmem>> -> memref<32x1024xf32, #tpu.memory_space<vmem>>
    %dma_start3A_57 = arith.constant 0 : i32
    %dma_start3A_58 = tpu.memref_slice %arg4[%add3A_51, %dma_start3A_57] : memref<8192x1024xf32, #tpu.memory_space<hbm>> -> memref<32x1024xf32, #tpu.memory_space<hbm>>
    %dma_start3A_59 = arith.constant 0 : i32
    %dma_start3A_60 = tpu.memref_slice %arg4[%add3A_51, %dma_start3A_59] : memref<8192x1024xf32, #tpu.memory_space<hbm>> -> memref<32x1024xf32, #tpu.memory_space<hbm>>
    %dma_start3A_61 = arith.constant 0 : i32
    %dma_start3A_62 = arith.constant 0 : i32
    %dma_start3A_63 = tpu.memref_slice %arg6[%dma_start3A_52, %dma_start3A_61, %dma_start3A_62] : memref<2x32x1024xf32, #tpu.memory_space<vmem>> -> memref<1x32x1024xf32, #tpu.memory_space<vmem>>
    %dma_start3A_64 = tpu.memref_squeeze %dma_start3A_63 : memref<1x32x1024xf32, #tpu.memory_space<vmem>> -> memref<32x1024xf32, #tpu.memory_space<vmem>>
    tpu.enqueue_dma source(%dma_start3A_64 : memref<32x1024xf32, #tpu.memory_space<vmem>>) target(%dma_start3A_60 : memref<32x1024xf32, #tpu.memory_space<hbm>>) target_semaphore(%arg9 : memref<!tpu.dma_semaphore, #tpu.memory_space<semaphore_mem>>)
    %dma_wait3A_65 = arith.constant 1 : i32
    %dma_wait3A_66 = arith.constant 1 : i32
    %dma_wait3A_67 = arith.constant 0 : i32
    %dma_wait3A_68 = arith.constant 0 : i32
    %dma_wait3A_69 = tpu.memref_slice %arg6[%dma_wait3A_66, %dma_wait3A_67, %dma_wait3A_68] : memref<2x32x1024xf32, #tpu.memory_space<vmem>> -> memref<1x32x1024xf32, #tpu.memory_space<vmem>>
    %dma_wait3A_70 = tpu.memref_squeeze %dma_wait3A_69 : memref<1x32x1024xf32, #tpu.memory_space<vmem>> -> memref<32x1024xf32, #tpu.memory_space<vmem>>
    %dma_wait3A_71 = arith.constant 0 : i32
    %dma_wait3A_72 = tpu.memref_slice %arg5[%dma_wait3A_65, %dma_wait3A_71] : memref<2x32xi32, #tpu.memory_space<vmem>> -> memref<1x32xi32, #tpu.memory_space<vmem>>
    %dma_wait3A_73 = tpu.memref_squeeze %dma_wait3A_72 : memref<1x32xi32, #tpu.memory_space<vmem>> -> memref<32xi32, #tpu.memory_space<vmem>>
    %dma_wait3A_74 = arith.constant 0 : i32
    %dma_wait3A_75 = arith.constant 0 : i32
    %dma_wait3A_76 = tpu.memref_slice %arg2[%dma_wait3A_74, %dma_wait3A_75] : memref<9216x1024xf32, #tpu.memory_space<hbm>> -> memref<9216x1024xf32, #tpu.memory_space<hbm>>
    tpu.wait_indirect_dma semaphore(%arg8 : memref<!tpu.dma_semaphore, #tpu.memory_space<semaphore_mem>>) src(%dma_wait3A_76 : memref<9216x1024xf32, #tpu.memory_space<hbm>>) dst(%dma_wait3A_70 : memref<32x1024xf32, #tpu.memory_space<vmem>>)
    %dma_wait3A_77 = arith.constant 0 : i32
    %dma_wait3A_78 = arith.constant 0 : i32
    %dma_wait3A_79 = arith.constant 0 : i32
    %dma_wait3A_80 = tpu.memref_slice %arg6[%dma_wait3A_77, %dma_wait3A_78, %dma_wait3A_79] : memref<2x32x1024xf32, #tpu.memory_space<vmem>> -> memref<1x32x1024xf32, #tpu.memory_space<vmem>>
    %dma_wait3A_81 = tpu.memref_squeeze %dma_wait3A_80 : memref<1x32x1024xf32, #tpu.memory_space<vmem>> -> memref<32x1024xf32, #tpu.memory_space<vmem>>
    %dma_wait3A_82 = arith.constant 0 : i32
    %dma_wait3A_83 = tpu.memref_slice %arg4[%add3A_51, %dma_wait3A_82] : memref<8192x1024xf32, #tpu.memory_space<hbm>> -> memref<32x1024xf32, #tpu.memory_space<hbm>>
    %dma_wait3A_84 = arith.constant 0 : i32
    %dma_wait3A_85 = tpu.memref_slice %arg4[%add3A_51, %dma_wait3A_84] : memref<8192x1024xf32, #tpu.memory_space<hbm>> -> memref<32x1024xf32, #tpu.memory_space<hbm>>
    %dma_wait3A_86 = arith.constant 0 : i32
    %dma_wait3A_87 = arith.constant 0 : i32
    %dma_wait3A_88 = tpu.memref_slice %arg6[%dma_wait3A_77, %dma_wait3A_86, %dma_wait3A_87] : memref<2x32x1024xf32, #tpu.memory_space<vmem>> -> memref<1x32x1024xf32, #tpu.memory_space<vmem>>
    %dma_wait3A_89 = tpu.memref_squeeze %dma_wait3A_88 : memref<1x32x1024xf32, #tpu.memory_space<vmem>> -> memref<32x1024xf32, #tpu.memory_space<vmem>>
    tpu.wait_dma2 semaphore(%arg9 : memref<!tpu.dma_semaphore, #tpu.memory_space<semaphore_mem>>) src(%dma_wait3A_89 : memref<32x1024xf32, #tpu.memory_space<vmem>>) dst(%dma_wait3A_85 : memref<32x1024xf32, #tpu.memory_space<hbm>>)
    %mul3A_90 = arith.constant 256 : i32
    %mul3A_91 = arith.muli %add3A, %mul3A_90 : i32
    %add3A_92 = arith.constant 64 : i32
    %add3A_93 = arith.addi %mul3A_91, %add3A_92 : i32
    %add3A_94 = arith.constant 0 : i32
    %add3A_95 = arith.addi %add3A_94, %add3A_93 : i32
    %run_scoped3A_96 = arith.constant 0 : i32
    "tpu.region"() ({
      %run_scoped3A_486 = tpu.sem_alloc : memref<!tpu.dma_semaphore, #tpu.memory_space<semaphore_mem>>
      %dma_start3A_487 = arith.constant 0 : i32
      %dma_start3A_488 = tpu.memref_slice %arg5[%run_scoped3A_96, %dma_start3A_487] : memref<2x32xi32, #tpu.memory_space<vmem>> -> memref<1x32xi32, #tpu.memory_space<vmem>>
      %dma_start3A_489 = tpu.memref_squeeze %dma_start3A_488 : memref<1x32xi32, #tpu.memory_space<vmem>> -> memref<32xi32, #tpu.memory_space<vmem>>
      %dma_start3A_490 = tpu.memref_slice %arg3[%add3A_95] : memref<8192xi32, #tpu.memory_space<hbm>> -> memref<32xi32, #tpu.memory_space<hbm>>
      %dma_start3A_491 = arith.constant 0 : i32
      %dma_start3A_492 = tpu.memref_slice %arg5[%run_scoped3A_96, %dma_start3A_491] : memref<2x32xi32, #tpu.memory_space<vmem>> -> memref<1x32xi32, #tpu.memory_space<vmem>>
      %dma_start3A_493 = tpu.memref_squeeze %dma_start3A_492 : memref<1x32xi32, #tpu.memory_space<vmem>> -> memref<32xi32, #tpu.memory_space<vmem>>
      %dma_start3A_494 = tpu.memref_slice %arg3[%add3A_95] : memref<8192xi32, #tpu.memory_space<hbm>> -> memref<32xi32, #tpu.memory_space<hbm>>
      tpu.enqueue_dma source(%dma_start3A_494 : memref<32xi32, #tpu.memory_space<hbm>>) target(%dma_start3A_493 : memref<32xi32, #tpu.memory_space<vmem>>) target_semaphore(%run_scoped3A_486 : memref<!tpu.dma_semaphore, #tpu.memory_space<semaphore_mem>>)
      %dma_wait3A_495 = arith.constant 0 : i32
      %dma_wait3A_496 = tpu.memref_slice %arg5[%run_scoped3A_96, %dma_wait3A_495] : memref<2x32xi32, #tpu.memory_space<vmem>> -> memref<1x32xi32, #tpu.memory_space<vmem>>
      %dma_wait3A_497 = tpu.memref_squeeze %dma_wait3A_496 : memref<1x32xi32, #tpu.memory_space<vmem>> -> memref<32xi32, #tpu.memory_space<vmem>>
      %dma_wait3A_498 = tpu.memref_slice %arg3[%add3A_95] : memref<8192xi32, #tpu.memory_space<hbm>> -> memref<32xi32, #tpu.memory_space<hbm>>
      %dma_wait3A_499 = arith.constant 0 : i32
      %dma_wait3A_500 = tpu.memref_slice %arg5[%run_scoped3A_96, %dma_wait3A_499] : memref<2x32xi32, #tpu.memory_space<vmem>> -> memref<1x32xi32, #tpu.memory_space<vmem>>
      %dma_wait3A_501 = tpu.memref_squeeze %dma_wait3A_500 : memref<1x32xi32, #tpu.memory_space<vmem>> -> memref<32xi32, #tpu.memory_space<vmem>>
      %dma_wait3A_502 = tpu.memref_slice %arg3[%add3A_95] : memref<8192xi32, #tpu.memory_space<hbm>> -> memref<32xi32, #tpu.memory_space<hbm>>
      tpu.wait_dma2 semaphore(%run_scoped3A_486 : memref<!tpu.dma_semaphore, #tpu.memory_space<semaphore_mem>>) src(%dma_wait3A_502 : memref<32xi32, #tpu.memory_space<hbm>>) dst(%dma_wait3A_501 : memref<32xi32, #tpu.memory_space<vmem>>)
      tpu.yield
    }) : () -> ()
    %dma_start3A_97 = arith.constant 0 : i32
    %dma_start3A_98 = arith.constant 0 : i32
    %dma_start3A_99 = arith.constant 0 : i32
    %dma_start3A_100 = arith.constant 0 : i32
    %dma_start3A_101 = tpu.memref_slice %arg6[%dma_start3A_98, %dma_start3A_99, %dma_start3A_100] : memref<2x32x1024xf32, #tpu.memory_space<vmem>> -> memref<1x32x1024xf32, #tpu.memory_space<vmem>>
    %dma_start3A_102 = tpu.memref_squeeze %dma_start3A_101 : memref<1x32x1024xf32, #tpu.memory_space<vmem>> -> memref<32x1024xf32, #tpu.memory_space<vmem>>
    %dma_start3A_103 = arith.constant 0 : i32
    %dma_start3A_104 = tpu.memref_slice %arg5[%dma_start3A_97, %dma_start3A_103] : memref<2x32xi32, #tpu.memory_space<vmem>> -> memref<1x32xi32, #tpu.memory_space<vmem>>
    %dma_start3A_105 = tpu.memref_squeeze %dma_start3A_104 : memref<1x32xi32, #tpu.memory_space<vmem>> -> memref<32xi32, #tpu.memory_space<vmem>>
    %dma_start3A_106 = arith.constant 0 : i32
    %dma_start3A_107 = arith.constant 0 : i32
    %dma_start3A_108 = tpu.memref_slice %arg2[%dma_start3A_106, %dma_start3A_107] : memref<9216x1024xf32, #tpu.memory_space<hbm>> -> memref<9216x1024xf32, #tpu.memory_space<hbm>>
    tpu.enqueue_indirect_dma source(%dma_start3A_108 : memref<9216x1024xf32, #tpu.memory_space<hbm>>) target(%dma_start3A_102 : memref<32x1024xf32, #tpu.memory_space<vmem>>) offsets(%dma_start3A_105 : memref<32xi32, #tpu.memory_space<vmem>>) semaphore(%arg7 : memref<!tpu.dma_semaphore, #tpu.memory_space<semaphore_mem>>)
    %mul3A_109 = arith.constant 256 : i32
    %mul3A_110 = arith.muli %add3A, %mul3A_109 : i32
    %add3A_111 = arith.constant 32 : i32
    %add3A_112 = arith.addi %mul3A_110, %add3A_111 : i32
    %dma_start3A_113 = arith.constant 1 : i32
    %dma_start3A_114 = arith.constant 0 : i32
    %dma_start3A_115 = arith.constant 0 : i32
    %dma_start3A_116 = tpu.memref_slice %arg6[%dma_start3A_113, %dma_start3A_114, %dma_start3A_115] : memref<2x32x1024xf32, #tpu.memory_space<vmem>> -> memref<1x32x1024xf32, #tpu.memory_space<vmem>>
    %dma_start3A_117 = tpu.memref_squeeze %dma_start3A_116 : memref<1x32x1024xf32, #tpu.memory_space<vmem>> -> memref<32x1024xf32, #tpu.memory_space<vmem>>
    %dma_start3A_118 = arith.constant 0 : i32
    %dma_start3A_119 = tpu.memref_slice %arg4[%add3A_112, %dma_start3A_118] : memref<8192x1024xf32, #tpu.memory_space<hbm>> -> memref<32x1024xf32, #tpu.memory_space<hbm>>
    %dma_start3A_120 = arith.constant 0 : i32
    %dma_start3A_121 = tpu.memref_slice %arg4[%add3A_112, %dma_start3A_120] : memref<8192x1024xf32, #tpu.memory_space<hbm>> -> memref<32x1024xf32, #tpu.memory_space<hbm>>
    %dma_start3A_122 = arith.constant 0 : i32
    %dma_start3A_123 = arith.constant 0 : i32
    %dma_start3A_124 = tpu.memref_slice %arg6[%dma_start3A_113, %dma_start3A_122, %dma_start3A_123] : memref<2x32x1024xf32, #tpu.memory_space<vmem>> -> memref<1x32x1024xf32, #tpu.memory_space<vmem>>
    %dma_start3A_125 = tpu.memref_squeeze %dma_start3A_124 : memref<1x32x1024xf32, #tpu.memory_space<vmem>> -> memref<32x1024xf32, #tpu.memory_space<vmem>>
    tpu.enqueue_dma source(%dma_start3A_125 : memref<32x1024xf32, #tpu.memory_space<vmem>>) target(%dma_start3A_121 : memref<32x1024xf32, #tpu.memory_space<hbm>>) target_semaphore(%arg10 : memref<!tpu.dma_semaphore, #tpu.memory_space<semaphore_mem>>)
    %dma_wait3A_126 = arith.constant 0 : i32
    %dma_wait3A_127 = arith.constant 0 : i32
    %dma_wait3A_128 = arith.constant 0 : i32
    %dma_wait3A_129 = arith.constant 0 : i32
    %dma_wait3A_130 = tpu.memref_slice %arg6[%dma_wait3A_127, %dma_wait3A_128, %dma_wait3A_129] : memref<2x32x1024xf32, #tpu.memory_space<vmem>> -> memref<1x32x1024xf32, #tpu.memory_space<vmem>>
    %dma_wait3A_131 = tpu.memref_squeeze %dma_wait3A_130 : memref<1x32x1024xf32, #tpu.memory_space<vmem>> -> memref<32x1024xf32, #tpu.memory_space<vmem>>
    %dma_wait3A_132 = arith.constant 0 : i32
    %dma_wait3A_133 = tpu.memref_slice %arg5[%dma_wait3A_126, %dma_wait3A_132] : memref<2x32xi32, #tpu.memory_space<vmem>> -> memref<1x32xi32, #tpu.memory_space<vmem>>
    %dma_wait3A_134 = tpu.memref_squeeze %dma_wait3A_133 : memref<1x32xi32, #tpu.memory_space<vmem>> -> memref<32xi32, #tpu.memory_space<vmem>>
    %dma_wait3A_135 = arith.constant 0 : i32
    %dma_wait3A_136 = arith.constant 0 : i32
    %dma_wait3A_137 = tpu.memref_slice %arg2[%dma_wait3A_135, %dma_wait3A_136] : memref<9216x1024xf32, #tpu.memory_space<hbm>> -> memref<9216x1024xf32, #tpu.memory_space<hbm>>
    tpu.wait_indirect_dma semaphore(%arg7 : memref<!tpu.dma_semaphore, #tpu.memory_space<semaphore_mem>>) src(%dma_wait3A_137 : memref<9216x1024xf32, #tpu.memory_space<hbm>>) dst(%dma_wait3A_131 : memref<32x1024xf32, #tpu.memory_space<vmem>>)
    %dma_wait3A_138 = arith.constant 1 : i32
    %dma_wait3A_139 = arith.constant 0 : i32
    %dma_wait3A_140 = arith.constant 0 : i32
    %dma_wait3A_141 = tpu.memref_slice %arg6[%dma_wait3A_138, %dma_wait3A_139, %dma_wait3A_140] : memref<2x32x1024xf32, #tpu.memory_space<vmem>> -> memref<1x32x1024xf32, #tpu.memory_space<vmem>>
    %dma_wait3A_142 = tpu.memref_squeeze %dma_wait3A_141 : memref<1x32x1024xf32, #tpu.memory_space<vmem>> -> memref<32x1024xf32, #tpu.memory_space<vmem>>
    %dma_wait3A_143 = arith.constant 0 : i32
    %dma_wait3A_144 = tpu.memref_slice %arg4[%add3A_112, %dma_wait3A_143] : memref<8192x1024xf32, #tpu.memory_space<hbm>> -> memref<32x1024xf32, #tpu.memory_space<hbm>>
    %dma_wait3A_145 = arith.constant 0 : i32
    %dma_wait3A_146 = tpu.memref_slice %arg4[%add3A_112, %dma_wait3A_145] : memref<8192x1024xf32, #tpu.memory_space<hbm>> -> memref<32x1024xf32, #tpu.memory_space<hbm>>
    %dma_wait3A_147 = arith.constant 0 : i32
    %dma_wait3A_148 = arith.constant 0 : i32
    %dma_wait3A_149 = tpu.memref_slice %arg6[%dma_wait3A_138, %dma_wait3A_147, %dma_wait3A_148] : memref<2x32x1024xf32, #tpu.memory_space<vmem>> -> memref<1x32x1024xf32, #tpu.memory_space<vmem>>
    %dma_wait3A_150 = tpu.memref_squeeze %dma_wait3A_149 : memref<1x32x1024xf32, #tpu.memory_space<vmem>> -> memref<32x1024xf32, #tpu.memory_space<vmem>>
    tpu.wait_dma2 semaphore(%arg10 : memref<!tpu.dma_semaphore, #tpu.memory_space<semaphore_mem>>) src(%dma_wait3A_150 : memref<32x1024xf32, #tpu.memory_space<vmem>>) dst(%dma_wait3A_146 : memref<32x1024xf32, #tpu.memory_space<hbm>>)
    %mul3A_151 = arith.constant 256 : i32
    %mul3A_152 = arith.muli %add3A, %mul3A_151 : i32
    %add3A_153 = arith.constant 96 : i32
    %add3A_154 = arith.addi %mul3A_152, %add3A_153 : i32
    %add3A_155 = arith.constant 0 : i32
    %add3A_156 = arith.addi %add3A_155, %add3A_154 : i32
    %run_scoped3A_157 = arith.constant 1 : i32
    "tpu.region"() ({
      %run_scoped3A_486 = tpu.sem_alloc : memref<!tpu.dma_semaphore, #tpu.memory_space<semaphore_mem>>
      %dma_start3A_487 = arith.constant 0 : i32
      %dma_start3A_488 = tpu.memref_slice %arg5[%run_scoped3A_157, %dma_start3A_487] : memref<2x32xi32, #tpu.memory_space<vmem>> -> memref<1x32xi32, #tpu.memory_space<vmem>>
      %dma_start3A_489 = tpu.memref_squeeze %dma_start3A_488 : memref<1x32xi32, #tpu.memory_space<vmem>> -> memref<32xi32, #tpu.memory_space<vmem>>
      %dma_start3A_490 = tpu.memref_slice %arg3[%add3A_156] : memref<8192xi32, #tpu.memory_space<hbm>> -> memref<32xi32, #tpu.memory_space<hbm>>
      %dma_start3A_491 = arith.constant 0 : i32
      %dma_start3A_492 = tpu.memref_slice %arg5[%run_scoped3A_157, %dma_start3A_491] : memref<2x32xi32, #tpu.memory_space<vmem>> -> memref<1x32xi32, #tpu.memory_space<vmem>>
      %dma_start3A_493 = tpu.memref_squeeze %dma_start3A_492 : memref<1x32xi32, #tpu.memory_space<vmem>> -> memref<32xi32, #tpu.memory_space<vmem>>
      %dma_start3A_494 = tpu.memref_slice %arg3[%add3A_156] : memref<8192xi32, #tpu.memory_space<hbm>> -> memref<32xi32, #tpu.memory_space<hbm>>
      tpu.enqueue_dma source(%dma_start3A_494 : memref<32xi32, #tpu.memory_space<hbm>>) target(%dma_start3A_493 : memref<32xi32, #tpu.memory_space<vmem>>) target_semaphore(%run_scoped3A_486 : memref<!tpu.dma_semaphore, #tpu.memory_space<semaphore_mem>>)
      %dma_wait3A_495 = arith.constant 0 : i32
      %dma_wait3A_496 = tpu.memref_slice %arg5[%run_scoped3A_157, %dma_wait3A_495] : memref<2x32xi32, #tpu.memory_space<vmem>> -> memref<1x32xi32, #tpu.memory_space<vmem>>
      %dma_wait3A_497 = tpu.memref_squeeze %dma_wait3A_496 : memref<1x32xi32, #tpu.memory_space<vmem>> -> memref<32xi32, #tpu.memory_space<vmem>>
      %dma_wait3A_498 = tpu.memref_slice %arg3[%add3A_156] : memref<8192xi32, #tpu.memory_space<hbm>> -> memref<32xi32, #tpu.memory_space<hbm>>
      %dma_wait3A_499 = arith.constant 0 : i32
      %dma_wait3A_500 = tpu.memref_slice %arg5[%run_scoped3A_157, %dma_wait3A_499] : memref<2x32xi32, #tpu.memory_space<vmem>> -> memref<1x32xi32, #tpu.memory_space<vmem>>
      %dma_wait3A_501 = tpu.memref_squeeze %dma_wait3A_500 : memref<1x32xi32, #tpu.memory_space<vmem>> -> memref<32xi32, #tpu.memory_space<vmem>>
      %dma_wait3A_502 = tpu.memref_slice %arg3[%add3A_156] : memref<8192xi32, #tpu.memory_space<hbm>> -> memref<32xi32, #tpu.memory_space<hbm>>
      tpu.wait_dma2 semaphore(%run_scoped3A_486 : memref<!tpu.dma_semaphore, #tpu.memory_space<semaphore_mem>>) src(%dma_wait3A_502 : memref<32xi32, #tpu.memory_space<hbm>>) dst(%dma_wait3A_501 : memref<32xi32, #tpu.memory_space<vmem>>)
      tpu.yield
    }) : () -> ()
    %dma_start3A_158 = arith.constant 1 : i32
    %dma_start3A_159 = arith.constant 1 : i32
    %dma_start3A_160 = arith.constant 0 : i32
    %dma_start3A_161 = arith.constant 0 : i32
    %dma_start3A_162 = tpu.memref_slice %arg6[%dma_start3A_159, %dma_start3A_160, %dma_start3A_161] : memref<2x32x1024xf32, #tpu.memory_space<vmem>> -> memref<1x32x1024xf32, #tpu.memory_space<vmem>>
    %dma_start3A_163 = tpu.memref_squeeze %dma_start3A_162 : memref<1x32x1024xf32, #tpu.memory_space<vmem>> -> memref<32x1024xf32, #tpu.memory_space<vmem>>
    %dma_start3A_164 = arith.constant 0 : i32
    %dma_start3A_165 = tpu.memref_slice %arg5[%dma_start3A_158, %dma_start3A_164] : memref<2x32xi32, #tpu.memory_space<vmem>> -> memref<1x32xi32, #tpu.memory_space<vmem>>
    %dma_start3A_166 = tpu.memref_squeeze %dma_start3A_165 : memref<1x32xi32, #tpu.memory_space<vmem>> -> memref<32xi32, #tpu.memory_space<vmem>>
    %dma_start3A_167 = arith.constant 0 : i32
    %dma_start3A_168 = arith.constant 0 : i32
    %dma_start3A_169 = tpu.memref_slice %arg2[%dma_start3A_167, %dma_start3A_168] : memref<9216x1024xf32, #tpu.memory_space<hbm>> -> memref<9216x1024xf32, #tpu.memory_space<hbm>>
    tpu.enqueue_indirect_dma source(%dma_start3A_169 : memref<9216x1024xf32, #tpu.memory_space<hbm>>) target(%dma_start3A_163 : memref<32x1024xf32, #tpu.memory_space<vmem>>) offsets(%dma_start3A_166 : memref<32xi32, #tpu.memory_space<vmem>>) semaphore(%arg8 : memref<!tpu.dma_semaphore, #tpu.memory_space<semaphore_mem>>)
    %mul3A_170 = arith.constant 256 : i32
    %mul3A_171 = arith.muli %add3A, %mul3A_170 : i32
    %add3A_172 = arith.constant 64 : i32
    %add3A_173 = arith.addi %mul3A_171, %add3A_172 : i32
    %dma_start3A_174 = arith.constant 0 : i32
    %dma_start3A_175 = arith.constant 0 : i32
    %dma_start3A_176 = arith.constant 0 : i32
    %dma_start3A_177 = tpu.memref_slice %arg6[%dma_start3A_174, %dma_start3A_175, %dma_start3A_176] : memref<2x32x1024xf32, #tpu.memory_space<vmem>> -> memref<1x32x1024xf32, #tpu.memory_space<vmem>>
    %dma_start3A_178 = tpu.memref_squeeze %dma_start3A_177 : memref<1x32x1024xf32, #tpu.memory_space<vmem>> -> memref<32x1024xf32, #tpu.memory_space<vmem>>
    %dma_start3A_179 = arith.constant 0 : i32
    %dma_start3A_180 = tpu.memref_slice %arg4[%add3A_173, %dma_start3A_179] : memref<8192x1024xf32, #tpu.memory_space<hbm>> -> memref<32x1024xf32, #tpu.memory_space<hbm>>
    %dma_start3A_181 = arith.constant 0 : i32
    %dma_start3A_182 = tpu.memref_slice %arg4[%add3A_173, %dma_start3A_181] : memref<8192x1024xf32, #tpu.memory_space<hbm>> -> memref<32x1024xf32, #tpu.memory_space<hbm>>
    %dma_start3A_183 = arith.constant 0 : i32
    %dma_start3A_184 = arith.constant 0 : i32
    %dma_start3A_185 = tpu.memref_slice %arg6[%dma_start3A_174, %dma_start3A_183, %dma_start3A_184] : memref<2x32x1024xf32, #tpu.memory_space<vmem>> -> memref<1x32x1024xf32, #tpu.memory_space<vmem>>
    %dma_start3A_186 = tpu.memref_squeeze %dma_start3A_185 : memref<1x32x1024xf32, #tpu.memory_space<vmem>> -> memref<32x1024xf32, #tpu.memory_space<vmem>>
    tpu.enqueue_dma source(%dma_start3A_186 : memref<32x1024xf32, #tpu.memory_space<vmem>>) target(%dma_start3A_182 : memref<32x1024xf32, #tpu.memory_space<hbm>>) target_semaphore(%arg9 : memref<!tpu.dma_semaphore, #tpu.memory_space<semaphore_mem>>)
    %dma_wait3A_187 = arith.constant 1 : i32
    %dma_wait3A_188 = arith.constant 1 : i32
    %dma_wait3A_189 = arith.constant 0 : i32
    %dma_wait3A_190 = arith.constant 0 : i32
    %dma_wait3A_191 = tpu.memref_slice %arg6[%dma_wait3A_188, %dma_wait3A_189, %dma_wait3A_190] : memref<2x32x1024xf32, #tpu.memory_space<vmem>> -> memref<1x32x1024xf32, #tpu.memory_space<vmem>>
    %dma_wait3A_192 = tpu.memref_squeeze %dma_wait3A_191 : memref<1x32x1024xf32, #tpu.memory_space<vmem>> -> memref<32x1024xf32, #tpu.memory_space<vmem>>
    %dma_wait3A_193 = arith.constant 0 : i32
    %dma_wait3A_194 = tpu.memref_slice %arg5[%dma_wait3A_187, %dma_wait3A_193] : memref<2x32xi32, #tpu.memory_space<vmem>> -> memref<1x32xi32, #tpu.memory_space<vmem>>
    %dma_wait3A_195 = tpu.memref_squeeze %dma_wait3A_194 : memref<1x32xi32, #tpu.memory_space<vmem>> -> memref<32xi32, #tpu.memory_space<vmem>>
    %dma_wait3A_196 = arith.constant 0 : i32
    %dma_wait3A_197 = arith.constant 0 : i32
    %dma_wait3A_198 = tpu.memref_slice %arg2[%dma_wait3A_196, %dma_wait3A_197] : memref<9216x1024xf32, #tpu.memory_space<hbm>> -> memref<9216x1024xf32, #tpu.memory_space<hbm>>
    tpu.wait_indirect_dma semaphore(%arg8 : memref<!tpu.dma_semaphore, #tpu.memory_space<semaphore_mem>>) src(%dma_wait3A_198 : memref<9216x1024xf32, #tpu.memory_space<hbm>>) dst(%dma_wait3A_192 : memref<32x1024xf32, #tpu.memory_space<vmem>>)
    %dma_wait3A_199 = arith.constant 0 : i32
    %dma_wait3A_200 = arith.constant 0 : i32
    %dma_wait3A_201 = arith.constant 0 : i32
    %dma_wait3A_202 = tpu.memref_slice %arg6[%dma_wait3A_199, %dma_wait3A_200, %dma_wait3A_201] : memref<2x32x1024xf32, #tpu.memory_space<vmem>> -> memref<1x32x1024xf32, #tpu.memory_space<vmem>>
    %dma_wait3A_203 = tpu.memref_squeeze %dma_wait3A_202 : memref<1x32x1024xf32, #tpu.memory_space<vmem>> -> memref<32x1024xf32, #tpu.memory_space<vmem>>
    %dma_wait3A_204 = arith.constant 0 : i32
    %dma_wait3A_205 = tpu.memref_slice %arg4[%add3A_173, %dma_wait3A_204] : memref<8192x1024xf32, #tpu.memory_space<hbm>> -> memref<32x1024xf32, #tpu.memory_space<hbm>>
    %dma_wait3A_206 = arith.constant 0 : i32
    %dma_wait3A_207 = tpu.memref_slice %arg4[%add3A_173, %dma_wait3A_206] : memref<8192x1024xf32, #tpu.memory_space<hbm>> -> memref<32x1024xf32, #tpu.memory_space<hbm>>
    %dma_wait3A_208 = arith.constant 0 : i32
    %dma_wait3A_209 = arith.constant 0 : i32
    %dma_wait3A_210 = tpu.memref_slice %arg6[%dma_wait3A_199, %dma_wait3A_208, %dma_wait3A_209] : memref<2x32x1024xf32, #tpu.memory_space<vmem>> -> memref<1x32x1024xf32, #tpu.memory_space<vmem>>
    %dma_wait3A_211 = tpu.memref_squeeze %dma_wait3A_210 : memref<1x32x1024xf32, #tpu.memory_space<vmem>> -> memref<32x1024xf32, #tpu.memory_space<vmem>>
    tpu.wait_dma2 semaphore(%arg9 : memref<!tpu.dma_semaphore, #tpu.memory_space<semaphore_mem>>) src(%dma_wait3A_211 : memref<32x1024xf32, #tpu.memory_space<vmem>>) dst(%dma_wait3A_207 : memref<32x1024xf32, #tpu.memory_space<hbm>>)
    %mul3A_212 = arith.constant 256 : i32
    %mul3A_213 = arith.muli %add3A, %mul3A_212 : i32
    %add3A_214 = arith.constant 128 : i32
    %add3A_215 = arith.addi %mul3A_213, %add3A_214 : i32
    %add3A_216 = arith.constant 0 : i32
    %add3A_217 = arith.addi %add3A_216, %add3A_215 : i32
    %run_scoped3A_218 = arith.constant 0 : i32
    "tpu.region"() ({
      %run_scoped3A_486 = tpu.sem_alloc : memref<!tpu.dma_semaphore, #tpu.memory_space<semaphore_mem>>
      %dma_start3A_487 = arith.constant 0 : i32
      %dma_start3A_488 = tpu.memref_slice %arg5[%run_scoped3A_218, %dma_start3A_487] : memref<2x32xi32, #tpu.memory_space<vmem>> -> memref<1x32xi32, #tpu.memory_space<vmem>>
      %dma_start3A_489 = tpu.memref_squeeze %dma_start3A_488 : memref<1x32xi32, #tpu.memory_space<vmem>> -> memref<32xi32, #tpu.memory_space<vmem>>
      %dma_start3A_490 = tpu.memref_slice %arg3[%add3A_217] : memref<8192xi32, #tpu.memory_space<hbm>> -> memref<32xi32, #tpu.memory_space<hbm>>
      %dma_start3A_491 = arith.constant 0 : i32
      %dma_start3A_492 = tpu.memref_slice %arg5[%run_scoped3A_218, %dma_start3A_491] : memref<2x32xi32, #tpu.memory_space<vmem>> -> memref<1x32xi32, #tpu.memory_space<vmem>>
      %dma_start3A_493 = tpu.memref_squeeze %dma_start3A_492 : memref<1x32xi32, #tpu.memory_space<vmem>> -> memref<32xi32, #tpu.memory_space<vmem>>
      %dma_start3A_494 = tpu.memref_slice %arg3[%add3A_217] : memref<8192xi32, #tpu.memory_space<hbm>> -> memref<32xi32, #tpu.memory_space<hbm>>
      tpu.enqueue_dma source(%dma_start3A_494 : memref<32xi32, #tpu.memory_space<hbm>>) target(%dma_start3A_493 : memref<32xi32, #tpu.memory_space<vmem>>) target_semaphore(%run_scoped3A_486 : memref<!tpu.dma_semaphore, #tpu.memory_space<semaphore_mem>>)
      %dma_wait3A_495 = arith.constant 0 : i32
      %dma_wait3A_496 = tpu.memref_slice %arg5[%run_scoped3A_218, %dma_wait3A_495] : memref<2x32xi32, #tpu.memory_space<vmem>> -> memref<1x32xi32, #tpu.memory_space<vmem>>
      %dma_wait3A_497 = tpu.memref_squeeze %dma_wait3A_496 : memref<1x32xi32, #tpu.memory_space<vmem>> -> memref<32xi32, #tpu.memory_space<vmem>>
      %dma_wait3A_498 = tpu.memref_slice %arg3[%add3A_217] : memref<8192xi32, #tpu.memory_space<hbm>> -> memref<32xi32, #tpu.memory_space<hbm>>
      %dma_wait3A_499 = arith.constant 0 : i32
      %dma_wait3A_500 = tpu.memref_slice %arg5[%run_scoped3A_218, %dma_wait3A_499] : memref<2x32xi32, #tpu.memory_space<vmem>> -> memref<1x32xi32, #tpu.memory_space<vmem>>
      %dma_wait3A_501 = tpu.memref_squeeze %dma_wait3A_500 : memref<1x32xi32, #tpu.memory_space<vmem>> -> memref<32xi32, #tpu.memory_space<vmem>>
      %dma_wait3A_502 = tpu.memref_slice %arg3[%add3A_217] : memref<8192xi32, #tpu.memory_space<hbm>> -> memref<32xi32, #tpu.memory_space<hbm>>
      tpu.wait_dma2 semaphore(%run_scoped3A_486 : memref<!tpu.dma_semaphore, #tpu.memory_space<semaphore_mem>>) src(%dma_wait3A_502 : memref<32xi32, #tpu.memory_space<hbm>>) dst(%dma_wait3A_501 : memref<32xi32, #tpu.memory_space<vmem>>)
      tpu.yield
    }) : () -> ()
    %dma_start3A_219 = arith.constant 0 : i32
    %dma_start3A_220 = arith.constant 0 : i32
    %dma_start3A_221 = arith.constant 0 : i32
    %dma_start3A_222 = arith.constant 0 : i32
    %dma_start3A_223 = tpu.memref_slice %arg6[%dma_start3A_220, %dma_start3A_221, %dma_start3A_222] : memref<2x32x1024xf32, #tpu.memory_space<vmem>> -> memref<1x32x1024xf32, #tpu.memory_space<vmem>>
    %dma_start3A_224 = tpu.memref_squeeze %dma_start3A_223 : memref<1x32x1024xf32, #tpu.memory_space<vmem>> -> memref<32x1024xf32, #tpu.memory_space<vmem>>
    %dma_start3A_225 = arith.constant 0 : i32
    %dma_start3A_226 = tpu.memref_slice %arg5[%dma_start3A_219, %dma_start3A_225] : memref<2x32xi32, #tpu.memory_space<vmem>> -> memref<1x32xi32, #tpu.memory_space<vmem>>
    %dma_start3A_227 = tpu.memref_squeeze %dma_start3A_226 : memref<1x32xi32, #tpu.memory_space<vmem>> -> memref<32xi32, #tpu.memory_space<vmem>>
    %dma_start3A_228 = arith.constant 0 : i32
    %dma_start3A_229 = arith.constant 0 : i32
    %dma_start3A_230 = tpu.memref_slice %arg2[%dma_start3A_228, %dma_start3A_229] : memref<9216x1024xf32, #tpu.memory_space<hbm>> -> memref<9216x1024xf32, #tpu.memory_space<hbm>>
    tpu.enqueue_indirect_dma source(%dma_start3A_230 : memref<9216x1024xf32, #tpu.memory_space<hbm>>) target(%dma_start3A_224 : memref<32x1024xf32, #tpu.memory_space<vmem>>) offsets(%dma_start3A_227 : memref<32xi32, #tpu.memory_space<vmem>>) semaphore(%arg7 : memref<!tpu.dma_semaphore, #tpu.memory_space<semaphore_mem>>)
    %mul3A_231 = arith.constant 256 : i32
    %mul3A_232 = arith.muli %add3A, %mul3A_231 : i32
    %add3A_233 = arith.constant 96 : i32
    %add3A_234 = arith.addi %mul3A_232, %add3A_233 : i32
    %dma_start3A_235 = arith.constant 1 : i32
    %dma_start3A_236 = arith.constant 0 : i32
    %dma_start3A_237 = arith.constant 0 : i32
    %dma_start3A_238 = tpu.memref_slice %arg6[%dma_start3A_235, %dma_start3A_236, %dma_start3A_237] : memref<2x32x1024xf32, #tpu.memory_space<vmem>> -> memref<1x32x1024xf32, #tpu.memory_space<vmem>>
    %dma_start3A_239 = tpu.memref_squeeze %dma_start3A_238 : memref<1x32x1024xf32, #tpu.memory_space<vmem>> -> memref<32x1024xf32, #tpu.memory_space<vmem>>
    %dma_start3A_240 = arith.constant 0 : i32
    %dma_start3A_241 = tpu.memref_slice %arg4[%add3A_234, %dma_start3A_240] : memref<8192x1024xf32, #tpu.memory_space<hbm>> -> memref<32x1024xf32, #tpu.memory_space<hbm>>
    %dma_start3A_242 = arith.constant 0 : i32
    %dma_start3A_243 = tpu.memref_slice %arg4[%add3A_234, %dma_start3A_242] : memref<8192x1024xf32, #tpu.memory_space<hbm>> -> memref<32x1024xf32, #tpu.memory_space<hbm>>
    %dma_start3A_244 = arith.constant 0 : i32
    %dma_start3A_245 = arith.constant 0 : i32
    %dma_start3A_246 = tpu.memref_slice %arg6[%dma_start3A_235, %dma_start3A_244, %dma_start3A_245] : memref<2x32x1024xf32, #tpu.memory_space<vmem>> -> memref<1x32x1024xf32, #tpu.memory_space<vmem>>
    %dma_start3A_247 = tpu.memref_squeeze %dma_start3A_246 : memref<1x32x1024xf32, #tpu.memory_space<vmem>> -> memref<32x1024xf32, #tpu.memory_space<vmem>>
    tpu.enqueue_dma source(%dma_start3A_247 : memref<32x1024xf32, #tpu.memory_space<vmem>>) target(%dma_start3A_243 : memref<32x1024xf32, #tpu.memory_space<hbm>>) target_semaphore(%arg10 : memref<!tpu.dma_semaphore, #tpu.memory_space<semaphore_mem>>)
    %dma_wait3A_248 = arith.constant 0 : i32
    %dma_wait3A_249 = arith.constant 0 : i32
    %dma_wait3A_250 = arith.constant 0 : i32
    %dma_wait3A_251 = arith.constant 0 : i32
    %dma_wait3A_252 = tpu.memref_slice %arg6[%dma_wait3A_249, %dma_wait3A_250, %dma_wait3A_251] : memref<2x32x1024xf32, #tpu.memory_space<vmem>> -> memref<1x32x1024xf32, #tpu.memory_space<vmem>>
    %dma_wait3A_253 = tpu.memref_squeeze %dma_wait3A_252 : memref<1x32x1024xf32, #tpu.memory_space<vmem>> -> memref<32x1024xf32, #tpu.memory_space<vmem>>
    %dma_wait3A_254 = arith.constant 0 : i32
    %dma_wait3A_255 = tpu.memref_slice %arg5[%dma_wait3A_248, %dma_wait3A_254] : memref<2x32xi32, #tpu.memory_space<vmem>> -> memref<1x32xi32, #tpu.memory_space<vmem>>
    %dma_wait3A_256 = tpu.memref_squeeze %dma_wait3A_255 : memref<1x32xi32, #tpu.memory_space<vmem>> -> memref<32xi32, #tpu.memory_space<vmem>>
    %dma_wait3A_257 = arith.constant 0 : i32
    %dma_wait3A_258 = arith.constant 0 : i32
    %dma_wait3A_259 = tpu.memref_slice %arg2[%dma_wait3A_257, %dma_wait3A_258] : memref<9216x1024xf32, #tpu.memory_space<hbm>> -> memref<9216x1024xf32, #tpu.memory_space<hbm>>
    tpu.wait_indirect_dma semaphore(%arg7 : memref<!tpu.dma_semaphore, #tpu.memory_space<semaphore_mem>>) src(%dma_wait3A_259 : memref<9216x1024xf32, #tpu.memory_space<hbm>>) dst(%dma_wait3A_253 : memref<32x1024xf32, #tpu.memory_space<vmem>>)
    %dma_wait3A_260 = arith.constant 1 : i32
    %dma_wait3A_261 = arith.constant 0 : i32
    %dma_wait3A_262 = arith.constant 0 : i32
    %dma_wait3A_263 = tpu.memref_slice %arg6[%dma_wait3A_260, %dma_wait3A_261, %dma_wait3A_262] : memref<2x32x1024xf32, #tpu.memory_space<vmem>> -> memref<1x32x1024xf32, #tpu.memory_space<vmem>>
    %dma_wait3A_264 = tpu.memref_squeeze %dma_wait3A_263 : memref<1x32x1024xf32, #tpu.memory_space<vmem>> -> memref<32x1024xf32, #tpu.memory_space<vmem>>
    %dma_wait3A_265 = arith.constant 0 : i32
    %dma_wait3A_266 = tpu.memref_slice %arg4[%add3A_234, %dma_wait3A_265] : memref<8192x1024xf32, #tpu.memory_space<hbm>> -> memref<32x1024xf32, #tpu.memory_space<hbm>>
    %dma_wait3A_267 = arith.constant 0 : i32
    %dma_wait3A_268 = tpu.memref_slice %arg4[%add3A_234, %dma_wait3A_267] : memref<8192x1024xf32, #tpu.memory_space<hbm>> -> memref<32x1024xf32, #tpu.memory_space<hbm>>
    %dma_wait3A_269 = arith.constant 0 : i32
    %dma_wait3A_270 = arith.constant 0 : i32
    %dma_wait3A_271 = tpu.memref_slice %arg6[%dma_wait3A_260, %dma_wait3A_269, %dma_wait3A_270] : memref<2x32x1024xf32, #tpu.memory_space<vmem>> -> memref<1x32x1024xf32, #tpu.memory_space<vmem>>
    %dma_wait3A_272 = tpu.memref_squeeze %dma_wait3A_271 : memref<1x32x1024xf32, #tpu.memory_space<vmem>> -> memref<32x1024xf32, #tpu.memory_space<vmem>>
    tpu.wait_dma2 semaphore(%arg10 : memref<!tpu.dma_semaphore, #tpu.memory_space<semaphore_mem>>) src(%dma_wait3A_272 : memref<32x1024xf32, #tpu.memory_space<vmem>>) dst(%dma_wait3A_268 : memref<32x1024xf32, #tpu.memory_space<hbm>>)
    %mul3A_273 = arith.constant 256 : i32
    %mul3A_274 = arith.muli %add3A, %mul3A_273 : i32
    %add3A_275 = arith.constant 160 : i32
    %add3A_276 = arith.addi %mul3A_274, %add3A_275 : i32
    %add3A_277 = arith.constant 0 : i32
    %add3A_278 = arith.addi %add3A_277, %add3A_276 : i32
    %run_scoped3A_279 = arith.constant 1 : i32
    "tpu.region"() ({
      %run_scoped3A_486 = tpu.sem_alloc : memref<!tpu.dma_semaphore, #tpu.memory_space<semaphore_mem>>
      %dma_start3A_487 = arith.constant 0 : i32
      %dma_start3A_488 = tpu.memref_slice %arg5[%run_scoped3A_279, %dma_start3A_487] : memref<2x32xi32, #tpu.memory_space<vmem>> -> memref<1x32xi32, #tpu.memory_space<vmem>>
      %dma_start3A_489 = tpu.memref_squeeze %dma_start3A_488 : memref<1x32xi32, #tpu.memory_space<vmem>> -> memref<32xi32, #tpu.memory_space<vmem>>
      %dma_start3A_490 = tpu.memref_slice %arg3[%add3A_278] : memref<8192xi32, #tpu.memory_space<hbm>> -> memref<32xi32, #tpu.memory_space<hbm>>
      %dma_start3A_491 = arith.constant 0 : i32
      %dma_start3A_492 = tpu.memref_slice %arg5[%run_scoped3A_279, %dma_start3A_491] : memref<2x32xi32, #tpu.memory_space<vmem>> -> memref<1x32xi32, #tpu.memory_space<vmem>>
      %dma_start3A_493 = tpu.memref_squeeze %dma_start3A_492 : memref<1x32xi32, #tpu.memory_space<vmem>> -> memref<32xi32, #tpu.memory_space<vmem>>
      %dma_start3A_494 = tpu.memref_slice %arg3[%add3A_278] : memref<8192xi32, #tpu.memory_space<hbm>> -> memref<32xi32, #tpu.memory_space<hbm>>
      tpu.enqueue_dma source(%dma_start3A_494 : memref<32xi32, #tpu.memory_space<hbm>>) target(%dma_start3A_493 : memref<32xi32, #tpu.memory_space<vmem>>) target_semaphore(%run_scoped3A_486 : memref<!tpu.dma_semaphore, #tpu.memory_space<semaphore_mem>>)
      %dma_wait3A_495 = arith.constant 0 : i32
      %dma_wait3A_496 = tpu.memref_slice %arg5[%run_scoped3A_279, %dma_wait3A_495] : memref<2x32xi32, #tpu.memory_space<vmem>> -> memref<1x32xi32, #tpu.memory_space<vmem>>
      %dma_wait3A_497 = tpu.memref_squeeze %dma_wait3A_496 : memref<1x32xi32, #tpu.memory_space<vmem>> -> memref<32xi32, #tpu.memory_space<vmem>>
      %dma_wait3A_498 = tpu.memref_slice %arg3[%add3A_278] : memref<8192xi32, #tpu.memory_space<hbm>> -> memref<32xi32, #tpu.memory_space<hbm>>
      %dma_wait3A_499 = arith.constant 0 : i32
      %dma_wait3A_500 = tpu.memref_slice %arg5[%run_scoped3A_279, %dma_wait3A_499] : memref<2x32xi32, #tpu.memory_space<vmem>> -> memref<1x32xi32, #tpu.memory_space<vmem>>
      %dma_wait3A_501 = tpu.memref_squeeze %dma_wait3A_500 : memref<1x32xi32, #tpu.memory_space<vmem>> -> memref<32xi32, #tpu.memory_space<vmem>>
      %dma_wait3A_502 = tpu.memref_slice %arg3[%add3A_278] : memref<8192xi32, #tpu.memory_space<hbm>> -> memref<32xi32, #tpu.memory_space<hbm>>
      tpu.wait_dma2 semaphore(%run_scoped3A_486 : memref<!tpu.dma_semaphore, #tpu.memory_space<semaphore_mem>>) src(%dma_wait3A_502 : memref<32xi32, #tpu.memory_space<hbm>>) dst(%dma_wait3A_501 : memref<32xi32, #tpu.memory_space<vmem>>)
      tpu.yield
    }) : () -> ()
    %dma_start3A_280 = arith.constant 1 : i32
    %dma_start3A_281 = arith.constant 1 : i32
    %dma_start3A_282 = arith.constant 0 : i32
    %dma_start3A_283 = arith.constant 0 : i32
    %dma_start3A_284 = tpu.memref_slice %arg6[%dma_start3A_281, %dma_start3A_282, %dma_start3A_283] : memref<2x32x1024xf32, #tpu.memory_space<vmem>> -> memref<1x32x1024xf32, #tpu.memory_space<vmem>>
    %dma_start3A_285 = tpu.memref_squeeze %dma_start3A_284 : memref<1x32x1024xf32, #tpu.memory_space<vmem>> -> memref<32x1024xf32, #tpu.memory_space<vmem>>
    %dma_start3A_286 = arith.constant 0 : i32
    %dma_start3A_287 = tpu.memref_slice %arg5[%dma_start3A_280, %dma_start3A_286] : memref<2x32xi32, #tpu.memory_space<vmem>> -> memref<1x32xi32, #tpu.memory_space<vmem>>
    %dma_start3A_288 = tpu.memref_squeeze %dma_start3A_287 : memref<1x32xi32, #tpu.memory_space<vmem>> -> memref<32xi32, #tpu.memory_space<vmem>>
    %dma_start3A_289 = arith.constant 0 : i32
    %dma_start3A_290 = arith.constant 0 : i32
    %dma_start3A_291 = tpu.memref_slice %arg2[%dma_start3A_289, %dma_start3A_290] : memref<9216x1024xf32, #tpu.memory_space<hbm>> -> memref<9216x1024xf32, #tpu.memory_space<hbm>>
    tpu.enqueue_indirect_dma source(%dma_start3A_291 : memref<9216x1024xf32, #tpu.memory_space<hbm>>) target(%dma_start3A_285 : memref<32x1024xf32, #tpu.memory_space<vmem>>) offsets(%dma_start3A_288 : memref<32xi32, #tpu.memory_space<vmem>>) semaphore(%arg8 : memref<!tpu.dma_semaphore, #tpu.memory_space<semaphore_mem>>)
    %mul3A_292 = arith.constant 256 : i32
    %mul3A_293 = arith.muli %add3A, %mul3A_292 : i32
    %add3A_294 = arith.constant 128 : i32
    %add3A_295 = arith.addi %mul3A_293, %add3A_294 : i32
    %dma_start3A_296 = arith.constant 0 : i32
    %dma_start3A_297 = arith.constant 0 : i32
    %dma_start3A_298 = arith.constant 0 : i32
    %dma_start3A_299 = tpu.memref_slice %arg6[%dma_start3A_296, %dma_start3A_297, %dma_start3A_298] : memref<2x32x1024xf32, #tpu.memory_space<vmem>> -> memref<1x32x1024xf32, #tpu.memory_space<vmem>>
    %dma_start3A_300 = tpu.memref_squeeze %dma_start3A_299 : memref<1x32x1024xf32, #tpu.memory_space<vmem>> -> memref<32x1024xf32, #tpu.memory_space<vmem>>
    %dma_start3A_301 = arith.constant 0 : i32
    %dma_start3A_302 = tpu.memref_slice %arg4[%add3A_295, %dma_start3A_301] : memref<8192x1024xf32, #tpu.memory_space<hbm>> -> memref<32x1024xf32, #tpu.memory_space<hbm>>
    %dma_start3A_303 = arith.constant 0 : i32
    %dma_start3A_304 = tpu.memref_slice %arg4[%add3A_295, %dma_start3A_303] : memref<8192x1024xf32, #tpu.memory_space<hbm>> -> memref<32x1024xf32, #tpu.memory_space<hbm>>
    %dma_start3A_305 = arith.constant 0 : i32
    %dma_start3A_306 = arith.constant 0 : i32
    %dma_start3A_307 = tpu.memref_slice %arg6[%dma_start3A_296, %dma_start3A_305, %dma_start3A_306] : memref<2x32x1024xf32, #tpu.memory_space<vmem>> -> memref<1x32x1024xf32, #tpu.memory_space<vmem>>
    %dma_start3A_308 = tpu.memref_squeeze %dma_start3A_307 : memref<1x32x1024xf32, #tpu.memory_space<vmem>> -> memref<32x1024xf32, #tpu.memory_space<vmem>>
    tpu.enqueue_dma source(%dma_start3A_308 : memref<32x1024xf32, #tpu.memory_space<vmem>>) target(%dma_start3A_304 : memref<32x1024xf32, #tpu.memory_space<hbm>>) target_semaphore(%arg9 : memref<!tpu.dma_semaphore, #tpu.memory_space<semaphore_mem>>)
    %dma_wait3A_309 = arith.constant 1 : i32
    %dma_wait3A_310 = arith.constant 1 : i32
    %dma_wait3A_311 = arith.constant 0 : i32
    %dma_wait3A_312 = arith.constant 0 : i32
    %dma_wait3A_313 = tpu.memref_slice %arg6[%dma_wait3A_310, %dma_wait3A_311, %dma_wait3A_312] : memref<2x32x1024xf32, #tpu.memory_space<vmem>> -> memref<1x32x1024xf32, #tpu.memory_space<vmem>>
    %dma_wait3A_314 = tpu.memref_squeeze %dma_wait3A_313 : memref<1x32x1024xf32, #tpu.memory_space<vmem>> -> memref<32x1024xf32, #tpu.memory_space<vmem>>
    %dma_wait3A_315 = arith.constant 0 : i32
    %dma_wait3A_316 = tpu.memref_slice %arg5[%dma_wait3A_309, %dma_wait3A_315] : memref<2x32xi32, #tpu.memory_space<vmem>> -> memref<1x32xi32, #tpu.memory_space<vmem>>
    %dma_wait3A_317 = tpu.memref_squeeze %dma_wait3A_316 : memref<1x32xi32, #tpu.memory_space<vmem>> -> memref<32xi32, #tpu.memory_space<vmem>>
    %dma_wait3A_318 = arith.constant 0 : i32
    %dma_wait3A_319 = arith.constant 0 : i32
    %dma_wait3A_320 = tpu.memref_slice %arg2[%dma_wait3A_318, %dma_wait3A_319] : memref<9216x1024xf32, #tpu.memory_space<hbm>> -> memref<9216x1024xf32, #tpu.memory_space<hbm>>
    tpu.wait_indirect_dma semaphore(%arg8 : memref<!tpu.dma_semaphore, #tpu.memory_space<semaphore_mem>>) src(%dma_wait3A_320 : memref<9216x1024xf32, #tpu.memory_space<hbm>>) dst(%dma_wait3A_314 : memref<32x1024xf32, #tpu.memory_space<vmem>>)
    %dma_wait3A_321 = arith.constant 0 : i32
    %dma_wait3A_322 = arith.constant 0 : i32
    %dma_wait3A_323 = arith.constant 0 : i32
    %dma_wait3A_324 = tpu.memref_slice %arg6[%dma_wait3A_321, %dma_wait3A_322, %dma_wait3A_323] : memref<2x32x1024xf32, #tpu.memory_space<vmem>> -> memref<1x32x1024xf32, #tpu.memory_space<vmem>>
    %dma_wait3A_325 = tpu.memref_squeeze %dma_wait3A_324 : memref<1x32x1024xf32, #tpu.memory_space<vmem>> -> memref<32x1024xf32, #tpu.memory_space<vmem>>
    %dma_wait3A_326 = arith.constant 0 : i32
    %dma_wait3A_327 = tpu.memref_slice %arg4[%add3A_295, %dma_wait3A_326] : memref<8192x1024xf32, #tpu.memory_space<hbm>> -> memref<32x1024xf32, #tpu.memory_space<hbm>>
    %dma_wait3A_328 = arith.constant 0 : i32
    %dma_wait3A_329 = tpu.memref_slice %arg4[%add3A_295, %dma_wait3A_328] : memref<8192x1024xf32, #tpu.memory_space<hbm>> -> memref<32x1024xf32, #tpu.memory_space<hbm>>
    %dma_wait3A_330 = arith.constant 0 : i32
    %dma_wait3A_331 = arith.constant 0 : i32
    %dma_wait3A_332 = tpu.memref_slice %arg6[%dma_wait3A_321, %dma_wait3A_330, %dma_wait3A_331] : memref<2x32x1024xf32, #tpu.memory_space<vmem>> -> memref<1x32x1024xf32, #tpu.memory_space<vmem>>
    %dma_wait3A_333 = tpu.memref_squeeze %dma_wait3A_332 : memref<1x32x1024xf32, #tpu.memory_space<vmem>> -> memref<32x1024xf32, #tpu.memory_space<vmem>>
    tpu.wait_dma2 semaphore(%arg9 : memref<!tpu.dma_semaphore, #tpu.memory_space<semaphore_mem>>) src(%dma_wait3A_333 : memref<32x1024xf32, #tpu.memory_space<vmem>>) dst(%dma_wait3A_329 : memref<32x1024xf32, #tpu.memory_space<hbm>>)
    %mul3A_334 = arith.constant 256 : i32
    %mul3A_335 = arith.muli %add3A, %mul3A_334 : i32
    %add3A_336 = arith.constant 192 : i32
    %add3A_337 = arith.addi %mul3A_335, %add3A_336 : i32
    %add3A_338 = arith.constant 0 : i32
    %add3A_339 = arith.addi %add3A_338, %add3A_337 : i32
    %run_scoped3A_340 = arith.constant 0 : i32
    "tpu.region"() ({
      %run_scoped3A_486 = tpu.sem_alloc : memref<!tpu.dma_semaphore, #tpu.memory_space<semaphore_mem>>
      %dma_start3A_487 = arith.constant 0 : i32
      %dma_start3A_488 = tpu.memref_slice %arg5[%run_scoped3A_340, %dma_start3A_487] : memref<2x32xi32, #tpu.memory_space<vmem>> -> memref<1x32xi32, #tpu.memory_space<vmem>>
      %dma_start3A_489 = tpu.memref_squeeze %dma_start3A_488 : memref<1x32xi32, #tpu.memory_space<vmem>> -> memref<32xi32, #tpu.memory_space<vmem>>
      %dma_start3A_490 = tpu.memref_slice %arg3[%add3A_339] : memref<8192xi32, #tpu.memory_space<hbm>> -> memref<32xi32, #tpu.memory_space<hbm>>
      %dma_start3A_491 = arith.constant 0 : i32
      %dma_start3A_492 = tpu.memref_slice %arg5[%run_scoped3A_340, %dma_start3A_491] : memref<2x32xi32, #tpu.memory_space<vmem>> -> memref<1x32xi32, #tpu.memory_space<vmem>>
      %dma_start3A_493 = tpu.memref_squeeze %dma_start3A_492 : memref<1x32xi32, #tpu.memory_space<vmem>> -> memref<32xi32, #tpu.memory_space<vmem>>
      %dma_start3A_494 = tpu.memref_slice %arg3[%add3A_339] : memref<8192xi32, #tpu.memory_space<hbm>> -> memref<32xi32, #tpu.memory_space<hbm>>
      tpu.enqueue_dma source(%dma_start3A_494 : memref<32xi32, #tpu.memory_space<hbm>>) target(%dma_start3A_493 : memref<32xi32, #tpu.memory_space<vmem>>) target_semaphore(%run_scoped3A_486 : memref<!tpu.dma_semaphore, #tpu.memory_space<semaphore_mem>>)
      %dma_wait3A_495 = arith.constant 0 : i32
      %dma_wait3A_496 = tpu.memref_slice %arg5[%run_scoped3A_340, %dma_wait3A_495] : memref<2x32xi32, #tpu.memory_space<vmem>> -> memref<1x32xi32, #tpu.memory_space<vmem>>
      %dma_wait3A_497 = tpu.memref_squeeze %dma_wait3A_496 : memref<1x32xi32, #tpu.memory_space<vmem>> -> memref<32xi32, #tpu.memory_space<vmem>>
      %dma_wait3A_498 = tpu.memref_slice %arg3[%add3A_339] : memref<8192xi32, #tpu.memory_space<hbm>> -> memref<32xi32, #tpu.memory_space<hbm>>
      %dma_wait3A_499 = arith.constant 0 : i32
      %dma_wait3A_500 = tpu.memref_slice %arg5[%run_scoped3A_340, %dma_wait3A_499] : memref<2x32xi32, #tpu.memory_space<vmem>> -> memref<1x32xi32, #tpu.memory_space<vmem>>
      %dma_wait3A_501 = tpu.memref_squeeze %dma_wait3A_500 : memref<1x32xi32, #tpu.memory_space<vmem>> -> memref<32xi32, #tpu.memory_space<vmem>>
      %dma_wait3A_502 = tpu.memref_slice %arg3[%add3A_339] : memref<8192xi32, #tpu.memory_space<hbm>> -> memref<32xi32, #tpu.memory_space<hbm>>
      tpu.wait_dma2 semaphore(%run_scoped3A_486 : memref<!tpu.dma_semaphore, #tpu.memory_space<semaphore_mem>>) src(%dma_wait3A_502 : memref<32xi32, #tpu.memory_space<hbm>>) dst(%dma_wait3A_501 : memref<32xi32, #tpu.memory_space<vmem>>)
      tpu.yield
    }) : () -> ()
    %dma_start3A_341 = arith.constant 0 : i32
    %dma_start3A_342 = arith.constant 0 : i32
    %dma_start3A_343 = arith.constant 0 : i32
    %dma_start3A_344 = arith.constant 0 : i32
    %dma_start3A_345 = tpu.memref_slice %arg6[%dma_start3A_342, %dma_start3A_343, %dma_start3A_344] : memref<2x32x1024xf32, #tpu.memory_space<vmem>> -> memref<1x32x1024xf32, #tpu.memory_space<vmem>>
    %dma_start3A_346 = tpu.memref_squeeze %dma_start3A_345 : memref<1x32x1024xf32, #tpu.memory_space<vmem>> -> memref<32x1024xf32, #tpu.memory_space<vmem>>
    %dma_start3A_347 = arith.constant 0 : i32
    %dma_start3A_348 = tpu.memref_slice %arg5[%dma_start3A_341, %dma_start3A_347] : memref<2x32xi32, #tpu.memory_space<vmem>> -> memref<1x32xi32, #tpu.memory_space<vmem>>
    %dma_start3A_349 = tpu.memref_squeeze %dma_start3A_348 : memref<1x32xi32, #tpu.memory_space<vmem>> -> memref<32xi32, #tpu.memory_space<vmem>>
    %dma_start3A_350 = arith.constant 0 : i32
    %dma_start3A_351 = arith.constant 0 : i32
    %dma_start3A_352 = tpu.memref_slice %arg2[%dma_start3A_350, %dma_start3A_351] : memref<9216x1024xf32, #tpu.memory_space<hbm>> -> memref<9216x1024xf32, #tpu.memory_space<hbm>>
    tpu.enqueue_indirect_dma source(%dma_start3A_352 : memref<9216x1024xf32, #tpu.memory_space<hbm>>) target(%dma_start3A_346 : memref<32x1024xf32, #tpu.memory_space<vmem>>) offsets(%dma_start3A_349 : memref<32xi32, #tpu.memory_space<vmem>>) semaphore(%arg7 : memref<!tpu.dma_semaphore, #tpu.memory_space<semaphore_mem>>)
    %mul3A_353 = arith.constant 256 : i32
    %mul3A_354 = arith.muli %add3A, %mul3A_353 : i32
    %add3A_355 = arith.constant 160 : i32
    %add3A_356 = arith.addi %mul3A_354, %add3A_355 : i32
    %dma_start3A_357 = arith.constant 1 : i32
    %dma_start3A_358 = arith.constant 0 : i32
    %dma_start3A_359 = arith.constant 0 : i32
    %dma_start3A_360 = tpu.memref_slice %arg6[%dma_start3A_357, %dma_start3A_358, %dma_start3A_359] : memref<2x32x1024xf32, #tpu.memory_space<vmem>> -> memref<1x32x1024xf32, #tpu.memory_space<vmem>>
    %dma_start3A_361 = tpu.memref_squeeze %dma_start3A_360 : memref<1x32x1024xf32, #tpu.memory_space<vmem>> -> memref<32x1024xf32, #tpu.memory_space<vmem>>
    %dma_start3A_362 = arith.constant 0 : i32
    %dma_start3A_363 = tpu.memref_slice %arg4[%add3A_356, %dma_start3A_362] : memref<8192x1024xf32, #tpu.memory_space<hbm>> -> memref<32x1024xf32, #tpu.memory_space<hbm>>
    %dma_start3A_364 = arith.constant 0 : i32
    %dma_start3A_365 = tpu.memref_slice %arg4[%add3A_356, %dma_start3A_364] : memref<8192x1024xf32, #tpu.memory_space<hbm>> -> memref<32x1024xf32, #tpu.memory_space<hbm>>
    %dma_start3A_366 = arith.constant 0 : i32
    %dma_start3A_367 = arith.constant 0 : i32
    %dma_start3A_368 = tpu.memref_slice %arg6[%dma_start3A_357, %dma_start3A_366, %dma_start3A_367] : memref<2x32x1024xf32, #tpu.memory_space<vmem>> -> memref<1x32x1024xf32, #tpu.memory_space<vmem>>
    %dma_start3A_369 = tpu.memref_squeeze %dma_start3A_368 : memref<1x32x1024xf32, #tpu.memory_space<vmem>> -> memref<32x1024xf32, #tpu.memory_space<vmem>>
    tpu.enqueue_dma source(%dma_start3A_369 : memref<32x1024xf32, #tpu.memory_space<vmem>>) target(%dma_start3A_365 : memref<32x1024xf32, #tpu.memory_space<hbm>>) target_semaphore(%arg10 : memref<!tpu.dma_semaphore, #tpu.memory_space<semaphore_mem>>)
    %dma_wait3A_370 = arith.constant 0 : i32
    %dma_wait3A_371 = arith.constant 0 : i32
    %dma_wait3A_372 = arith.constant 0 : i32
    %dma_wait3A_373 = arith.constant 0 : i32
    %dma_wait3A_374 = tpu.memref_slice %arg6[%dma_wait3A_371, %dma_wait3A_372, %dma_wait3A_373] : memref<2x32x1024xf32, #tpu.memory_space<vmem>> -> memref<1x32x1024xf32, #tpu.memory_space<vmem>>
    %dma_wait3A_375 = tpu.memref_squeeze %dma_wait3A_374 : memref<1x32x1024xf32, #tpu.memory_space<vmem>> -> memref<32x1024xf32, #tpu.memory_space<vmem>>
    %dma_wait3A_376 = arith.constant 0 : i32
    %dma_wait3A_377 = tpu.memref_slice %arg5[%dma_wait3A_370, %dma_wait3A_376] : memref<2x32xi32, #tpu.memory_space<vmem>> -> memref<1x32xi32, #tpu.memory_space<vmem>>
    %dma_wait3A_378 = tpu.memref_squeeze %dma_wait3A_377 : memref<1x32xi32, #tpu.memory_space<vmem>> -> memref<32xi32, #tpu.memory_space<vmem>>
    %dma_wait3A_379 = arith.constant 0 : i32
    %dma_wait3A_380 = arith.constant 0 : i32
    %dma_wait3A_381 = tpu.memref_slice %arg2[%dma_wait3A_379, %dma_wait3A_380] : memref<9216x1024xf32, #tpu.memory_space<hbm>> -> memref<9216x1024xf32, #tpu.memory_space<hbm>>
    tpu.wait_indirect_dma semaphore(%arg7 : memref<!tpu.dma_semaphore, #tpu.memory_space<semaphore_mem>>) src(%dma_wait3A_381 : memref<9216x1024xf32, #tpu.memory_space<hbm>>) dst(%dma_wait3A_375 : memref<32x1024xf32, #tpu.memory_space<vmem>>)
    %dma_wait3A_382 = arith.constant 1 : i32
    %dma_wait3A_383 = arith.constant 0 : i32
    %dma_wait3A_384 = arith.constant 0 : i32
    %dma_wait3A_385 = tpu.memref_slice %arg6[%dma_wait3A_382, %dma_wait3A_383, %dma_wait3A_384] : memref<2x32x1024xf32, #tpu.memory_space<vmem>> -> memref<1x32x1024xf32, #tpu.memory_space<vmem>>
    %dma_wait3A_386 = tpu.memref_squeeze %dma_wait3A_385 : memref<1x32x1024xf32, #tpu.memory_space<vmem>> -> memref<32x1024xf32, #tpu.memory_space<vmem>>
    %dma_wait3A_387 = arith.constant 0 : i32
    %dma_wait3A_388 = tpu.memref_slice %arg4[%add3A_356, %dma_wait3A_387] : memref<8192x1024xf32, #tpu.memory_space<hbm>> -> memref<32x1024xf32, #tpu.memory_space<hbm>>
    %dma_wait3A_389 = arith.constant 0 : i32
    %dma_wait3A_390 = tpu.memref_slice %arg4[%add3A_356, %dma_wait3A_389] : memref<8192x1024xf32, #tpu.memory_space<hbm>> -> memref<32x1024xf32, #tpu.memory_space<hbm>>
    %dma_wait3A_391 = arith.constant 0 : i32
    %dma_wait3A_392 = arith.constant 0 : i32
    %dma_wait3A_393 = tpu.memref_slice %arg6[%dma_wait3A_382, %dma_wait3A_391, %dma_wait3A_392] : memref<2x32x1024xf32, #tpu.memory_space<vmem>> -> memref<1x32x1024xf32, #tpu.memory_space<vmem>>
    %dma_wait3A_394 = tpu.memref_squeeze %dma_wait3A_393 : memref<1x32x1024xf32, #tpu.memory_space<vmem>> -> memref<32x1024xf32, #tpu.memory_space<vmem>>
    tpu.wait_dma2 semaphore(%arg10 : memref<!tpu.dma_semaphore, #tpu.memory_space<semaphore_mem>>) src(%dma_wait3A_394 : memref<32x1024xf32, #tpu.memory_space<vmem>>) dst(%dma_wait3A_390 : memref<32x1024xf32, #tpu.memory_space<hbm>>)
    %mul3A_395 = arith.constant 256 : i32
    %mul3A_396 = arith.muli %add3A, %mul3A_395 : i32
    %add3A_397 = arith.constant 224 : i32
    %add3A_398 = arith.addi %mul3A_396, %add3A_397 : i32
    %add3A_399 = arith.constant 0 : i32
    %add3A_400 = arith.addi %add3A_399, %add3A_398 : i32
    %run_scoped3A_401 = arith.constant 1 : i32
    "tpu.region"() ({
      %run_scoped3A_486 = tpu.sem_alloc : memref<!tpu.dma_semaphore, #tpu.memory_space<semaphore_mem>>
      %dma_start3A_487 = arith.constant 0 : i32
      %dma_start3A_488 = tpu.memref_slice %arg5[%run_scoped3A_401, %dma_start3A_487] : memref<2x32xi32, #tpu.memory_space<vmem>> -> memref<1x32xi32, #tpu.memory_space<vmem>>
      %dma_start3A_489 = tpu.memref_squeeze %dma_start3A_488 : memref<1x32xi32, #tpu.memory_space<vmem>> -> memref<32xi32, #tpu.memory_space<vmem>>
      %dma_start3A_490 = tpu.memref_slice %arg3[%add3A_400] : memref<8192xi32, #tpu.memory_space<hbm>> -> memref<32xi32, #tpu.memory_space<hbm>>
      %dma_start3A_491 = arith.constant 0 : i32
      %dma_start3A_492 = tpu.memref_slice %arg5[%run_scoped3A_401, %dma_start3A_491] : memref<2x32xi32, #tpu.memory_space<vmem>> -> memref<1x32xi32, #tpu.memory_space<vmem>>
      %dma_start3A_493 = tpu.memref_squeeze %dma_start3A_492 : memref<1x32xi32, #tpu.memory_space<vmem>> -> memref<32xi32, #tpu.memory_space<vmem>>
      %dma_start3A_494 = tpu.memref_slice %arg3[%add3A_400] : memref<8192xi32, #tpu.memory_space<hbm>> -> memref<32xi32, #tpu.memory_space<hbm>>
      tpu.enqueue_dma source(%dma_start3A_494 : memref<32xi32, #tpu.memory_space<hbm>>) target(%dma_start3A_493 : memref<32xi32, #tpu.memory_space<vmem>>) target_semaphore(%run_scoped3A_486 : memref<!tpu.dma_semaphore, #tpu.memory_space<semaphore_mem>>)
      %dma_wait3A_495 = arith.constant 0 : i32
      %dma_wait3A_496 = tpu.memref_slice %arg5[%run_scoped3A_401, %dma_wait3A_495] : memref<2x32xi32, #tpu.memory_space<vmem>> -> memref<1x32xi32, #tpu.memory_space<vmem>>
      %dma_wait3A_497 = tpu.memref_squeeze %dma_wait3A_496 : memref<1x32xi32, #tpu.memory_space<vmem>> -> memref<32xi32, #tpu.memory_space<vmem>>
      %dma_wait3A_498 = tpu.memref_slice %arg3[%add3A_400] : memref<8192xi32, #tpu.memory_space<hbm>> -> memref<32xi32, #tpu.memory_space<hbm>>
      %dma_wait3A_499 = arith.constant 0 : i32
      %dma_wait3A_500 = tpu.memref_slice %arg5[%run_scoped3A_401, %dma_wait3A_499] : memref<2x32xi32, #tpu.memory_space<vmem>> -> memref<1x32xi32, #tpu.memory_space<vmem>>
      %dma_wait3A_501 = tpu.memref_squeeze %dma_wait3A_500 : memref<1x32xi32, #tpu.memory_space<vmem>> -> memref<32xi32, #tpu.memory_space<vmem>>
      %dma_wait3A_502 = tpu.memref_slice %arg3[%add3A_400] : memref<8192xi32, #tpu.memory_space<hbm>> -> memref<32xi32, #tpu.memory_space<hbm>>
      tpu.wait_dma2 semaphore(%run_scoped3A_486 : memref<!tpu.dma_semaphore, #tpu.memory_space<semaphore_mem>>) src(%dma_wait3A_502 : memref<32xi32, #tpu.memory_space<hbm>>) dst(%dma_wait3A_501 : memref<32xi32, #tpu.memory_space<vmem>>)
      tpu.yield
    }) : () -> ()
    %dma_start3A_402 = arith.constant 1 : i32
    %dma_start3A_403 = arith.constant 1 : i32
    %dma_start3A_404 = arith.constant 0 : i32
    %dma_start3A_405 = arith.constant 0 : i32
    %dma_start3A_406 = tpu.memref_slice %arg6[%dma_start3A_403, %dma_start3A_404, %dma_start3A_405] : memref<2x32x1024xf32, #tpu.memory_space<vmem>> -> memref<1x32x1024xf32, #tpu.memory_space<vmem>>
    %dma_start3A_407 = tpu.memref_squeeze %dma_start3A_406 : memref<1x32x1024xf32, #tpu.memory_space<vmem>> -> memref<32x1024xf32, #tpu.memory_space<vmem>>
    %dma_start3A_408 = arith.constant 0 : i32
    %dma_start3A_409 = tpu.memref_slice %arg5[%dma_start3A_402, %dma_start3A_408] : memref<2x32xi32, #tpu.memory_space<vmem>> -> memref<1x32xi32, #tpu.memory_space<vmem>>
    %dma_start3A_410 = tpu.memref_squeeze %dma_start3A_409 : memref<1x32xi32, #tpu.memory_space<vmem>> -> memref<32xi32, #tpu.memory_space<vmem>>
    %dma_start3A_411 = arith.constant 0 : i32
    %dma_start3A_412 = arith.constant 0 : i32
    %dma_start3A_413 = tpu.memref_slice %arg2[%dma_start3A_411, %dma_start3A_412] : memref<9216x1024xf32, #tpu.memory_space<hbm>> -> memref<9216x1024xf32, #tpu.memory_space<hbm>>
    tpu.enqueue_indirect_dma source(%dma_start3A_413 : memref<9216x1024xf32, #tpu.memory_space<hbm>>) target(%dma_start3A_407 : memref<32x1024xf32, #tpu.memory_space<vmem>>) offsets(%dma_start3A_410 : memref<32xi32, #tpu.memory_space<vmem>>) semaphore(%arg8 : memref<!tpu.dma_semaphore, #tpu.memory_space<semaphore_mem>>)
    %mul3A_414 = arith.constant 256 : i32
    %mul3A_415 = arith.muli %add3A, %mul3A_414 : i32
    %add3A_416 = arith.constant 192 : i32
    %add3A_417 = arith.addi %mul3A_415, %add3A_416 : i32
    %dma_start3A_418 = arith.constant 0 : i32
    %dma_start3A_419 = arith.constant 0 : i32
    %dma_start3A_420 = arith.constant 0 : i32
    %dma_start3A_421 = tpu.memref_slice %arg6[%dma_start3A_418, %dma_start3A_419, %dma_start3A_420] : memref<2x32x1024xf32, #tpu.memory_space<vmem>> -> memref<1x32x1024xf32, #tpu.memory_space<vmem>>
    %dma_start3A_422 = tpu.memref_squeeze %dma_start3A_421 : memref<1x32x1024xf32, #tpu.memory_space<vmem>> -> memref<32x1024xf32, #tpu.memory_space<vmem>>
    %dma_start3A_423 = arith.constant 0 : i32
    %dma_start3A_424 = tpu.memref_slice %arg4[%add3A_417, %dma_start3A_423] : memref<8192x1024xf32, #tpu.memory_space<hbm>> -> memref<32x1024xf32, #tpu.memory_space<hbm>>
    %dma_start3A_425 = arith.constant 0 : i32
    %dma_start3A_426 = tpu.memref_slice %arg4[%add3A_417, %dma_start3A_425] : memref<8192x1024xf32, #tpu.memory_space<hbm>> -> memref<32x1024xf32, #tpu.memory_space<hbm>>
    %dma_start3A_427 = arith.constant 0 : i32
    %dma_start3A_428 = arith.constant 0 : i32
    %dma_start3A_429 = tpu.memref_slice %arg6[%dma_start3A_418, %dma_start3A_427, %dma_start3A_428] : memref<2x32x1024xf32, #tpu.memory_space<vmem>> -> memref<1x32x1024xf32, #tpu.memory_space<vmem>>
    %dma_start3A_430 = tpu.memref_squeeze %dma_start3A_429 : memref<1x32x1024xf32, #tpu.memory_space<vmem>> -> memref<32x1024xf32, #tpu.memory_space<vmem>>
    tpu.enqueue_dma source(%dma_start3A_430 : memref<32x1024xf32, #tpu.memory_space<vmem>>) target(%dma_start3A_426 : memref<32x1024xf32, #tpu.memory_space<hbm>>) target_semaphore(%arg9 : memref<!tpu.dma_semaphore, #tpu.memory_space<semaphore_mem>>)
    %dma_wait3A_431 = arith.constant 1 : i32
    %dma_wait3A_432 = arith.constant 1 : i32
    %dma_wait3A_433 = arith.constant 0 : i32
    %dma_wait3A_434 = arith.constant 0 : i32
    %dma_wait3A_435 = tpu.memref_slice %arg6[%dma_wait3A_432, %dma_wait3A_433, %dma_wait3A_434] : memref<2x32x1024xf32, #tpu.memory_space<vmem>> -> memref<1x32x1024xf32, #tpu.memory_space<vmem>>
    %dma_wait3A_436 = tpu.memref_squeeze %dma_wait3A_435 : memref<1x32x1024xf32, #tpu.memory_space<vmem>> -> memref<32x1024xf32, #tpu.memory_space<vmem>>
    %dma_wait3A_437 = arith.constant 0 : i32
    %dma_wait3A_438 = tpu.memref_slice %arg5[%dma_wait3A_431, %dma_wait3A_437] : memref<2x32xi32, #tpu.memory_space<vmem>> -> memref<1x32xi32, #tpu.memory_space<vmem>>
    %dma_wait3A_439 = tpu.memref_squeeze %dma_wait3A_438 : memref<1x32xi32, #tpu.memory_space<vmem>> -> memref<32xi32, #tpu.memory_space<vmem>>
    %dma_wait3A_440 = arith.constant 0 : i32
    %dma_wait3A_441 = arith.constant 0 : i32
    %dma_wait3A_442 = tpu.memref_slice %arg2[%dma_wait3A_440, %dma_wait3A_441] : memref<9216x1024xf32, #tpu.memory_space<hbm>> -> memref<9216x1024xf32, #tpu.memory_space<hbm>>
    tpu.wait_indirect_dma semaphore(%arg8 : memref<!tpu.dma_semaphore, #tpu.memory_space<semaphore_mem>>) src(%dma_wait3A_442 : memref<9216x1024xf32, #tpu.memory_space<hbm>>) dst(%dma_wait3A_436 : memref<32x1024xf32, #tpu.memory_space<vmem>>)
    %mul3A_443 = arith.constant 256 : i32
    %mul3A_444 = arith.muli %add3A, %mul3A_443 : i32
    %add3A_445 = arith.constant 224 : i32
    %add3A_446 = arith.addi %mul3A_444, %add3A_445 : i32
    %dma_start3A_447 = arith.constant 1 : i32
    %dma_start3A_448 = arith.constant 0 : i32
    %dma_start3A_449 = arith.constant 0 : i32
    %dma_start3A_450 = tpu.memref_slice %arg6[%dma_start3A_447, %dma_start3A_448, %dma_start3A_449] : memref<2x32x1024xf32, #tpu.memory_space<vmem>> -> memref<1x32x1024xf32, #tpu.memory_space<vmem>>
    %dma_start3A_451 = tpu.memref_squeeze %dma_start3A_450 : memref<1x32x1024xf32, #tpu.memory_space<vmem>> -> memref<32x1024xf32, #tpu.memory_space<vmem>>
    %dma_start3A_452 = arith.constant 0 : i32
    %dma_start3A_453 = tpu.memref_slice %arg4[%add3A_446, %dma_start3A_452] : memref<8192x1024xf32, #tpu.memory_space<hbm>> -> memref<32x1024xf32, #tpu.memory_space<hbm>>
    %dma_start3A_454 = arith.constant 0 : i32
    %dma_start3A_455 = tpu.memref_slice %arg4[%add3A_446, %dma_start3A_454] : memref<8192x1024xf32, #tpu.memory_space<hbm>> -> memref<32x1024xf32, #tpu.memory_space<hbm>>
    %dma_start3A_456 = arith.constant 0 : i32
    %dma_start3A_457 = arith.constant 0 : i32
    %dma_start3A_458 = tpu.memref_slice %arg6[%dma_start3A_447, %dma_start3A_456, %dma_start3A_457] : memref<2x32x1024xf32, #tpu.memory_space<vmem>> -> memref<1x32x1024xf32, #tpu.memory_space<vmem>>
    %dma_start3A_459 = tpu.memref_squeeze %dma_start3A_458 : memref<1x32x1024xf32, #tpu.memory_space<vmem>> -> memref<32x1024xf32, #tpu.memory_space<vmem>>
    tpu.enqueue_dma source(%dma_start3A_459 : memref<32x1024xf32, #tpu.memory_space<vmem>>) target(%dma_start3A_455 : memref<32x1024xf32, #tpu.memory_space<hbm>>) target_semaphore(%arg10 : memref<!tpu.dma_semaphore, #tpu.memory_space<semaphore_mem>>)
    %dma_wait3A_460 = arith.constant 1 : i32
    %dma_wait3A_461 = arith.constant 0 : i32
    %dma_wait3A_462 = arith.constant 0 : i32
    %dma_wait3A_463 = tpu.memref_slice %arg6[%dma_wait3A_460, %dma_wait3A_461, %dma_wait3A_462] : memref<2x32x1024xf32, #tpu.memory_space<vmem>> -> memref<1x32x1024xf32, #tpu.memory_space<vmem>>
    %dma_wait3A_464 = tpu.memref_squeeze %dma_wait3A_463 : memref<1x32x1024xf32, #tpu.memory_space<vmem>> -> memref<32x1024xf32, #tpu.memory_space<vmem>>
    %dma_wait3A_465 = arith.constant 0 : i32
    %dma_wait3A_466 = tpu.memref_slice %arg4[%add3A_446, %dma_wait3A_465] : memref<8192x1024xf32, #tpu.memory_space<hbm>> -> memref<32x1024xf32, #tpu.memory_space<hbm>>
    %dma_wait3A_467 = arith.constant 0 : i32
    %dma_wait3A_468 = tpu.memref_slice %arg4[%add3A_446, %dma_wait3A_467] : memref<8192x1024xf32, #tpu.memory_space<hbm>> -> memref<32x1024xf32, #tpu.memory_space<hbm>>
    %dma_wait3A_469 = arith.constant 0 : i32
    %dma_wait3A_470 = arith.constant 0 : i32
    %dma_wait3A_471 = tpu.memref_slice %arg6[%dma_wait3A_460, %dma_wait3A_469, %dma_wait3A_470] : memref<2x32x1024xf32, #tpu.memory_space<vmem>> -> memref<1x32x1024xf32, #tpu.memory_space<vmem>>
    %dma_wait3A_472 = tpu.memref_squeeze %dma_wait3A_471 : memref<1x32x1024xf32, #tpu.memory_space<vmem>> -> memref<32x1024xf32, #tpu.memory_space<vmem>>
    tpu.wait_dma2 semaphore(%arg10 : memref<!tpu.dma_semaphore, #tpu.memory_space<semaphore_mem>>) src(%dma_wait3A_472 : memref<32x1024xf32, #tpu.memory_space<vmem>>) dst(%dma_wait3A_468 : memref<32x1024xf32, #tpu.memory_space<hbm>>)
    %dma_wait3A_473 = arith.constant 0 : i32
    %dma_wait3A_474 = arith.constant 0 : i32
    %dma_wait3A_475 = arith.constant 0 : i32
    %dma_wait3A_476 = tpu.memref_slice %arg6[%dma_wait3A_473, %dma_wait3A_474, %dma_wait3A_475] : memref<2x32x1024xf32, #tpu.memory_space<vmem>> -> memref<1x32x1024xf32, #tpu.memory_space<vmem>>
    %dma_wait3A_477 = tpu.memref_squeeze %dma_wait3A_476 : memref<1x32x1024xf32, #tpu.memory_space<vmem>> -> memref<32x1024xf32, #tpu.memory_space<vmem>>
    %dma_wait3A_478 = arith.constant 0 : i32
    %dma_wait3A_479 = tpu.memref_slice %arg4[%add3A_417, %dma_wait3A_478] : memref<8192x1024xf32, #tpu.memory_space<hbm>> -> memref<32x1024xf32, #tpu.memory_space<hbm>>
    %dma_wait3A_480 = arith.constant 0 : i32
    %dma_wait3A_481 = tpu.memref_slice %arg4[%add3A_417, %dma_wait3A_480] : memref<8192x1024xf32, #tpu.memory_space<hbm>> -> memref<32x1024xf32, #tpu.memory_space<hbm>>
    %dma_wait3A_482 = arith.constant 0 : i32
    %dma_wait3A_483 = arith.constant 0 : i32
    %dma_wait3A_484 = tpu.memref_slice %arg6[%dma_wait3A_473, %dma_wait3A_482, %dma_wait3A_483] : memref<2x32x1024xf32, #tpu.memory_space<vmem>> -> memref<1x32x1024xf32, #tpu.memory_space<vmem>>
    %dma_wait3A_485 = tpu.memref_squeeze %dma_wait3A_484 : memref<1x32x1024xf32, #tpu.memory_space<vmem>> -> memref<32x1024xf32, #tpu.memory_space<vmem>>
    tpu.wait_dma2 semaphore(%arg9 : memref<!tpu.dma_semaphore, #tpu.memory_space<semaphore_mem>>) src(%dma_wait3A_485 : memref<32x1024xf32, #tpu.memory_space<vmem>>) dst(%dma_wait3A_481 : memref<32x1024xf32, #tpu.memory_space<hbm>>)
    return
  }
}

#map = affine_map<(d0, d1) -> (0)>
module attributes {stable_mosaic.version = 14 : i64} {
  func.func @k(%arg0: i32, %arg1: i32, %arg2: memref<8192xi32, #tpu.memory_space<hbm>>, %arg3: memref<8192xf32, #tpu.memory_space<hbm>>, %arg4: memref<8192xi32, #tpu.memory_space<hbm>>, %arg5: memref<8192xf32, #tpu.memory_space<hbm>>, %arg6: memref<8192xi32, #tpu.memory_space<vmem>>, %arg7: memref<8192xf32, #tpu.memory_space<vmem>>, %arg8: memref<8192xi32, #tpu.memory_space<vmem>>, %arg9: memref<8192xf32, #tpu.memory_space<vmem>>) attributes {dimension_semantics = [#tpu.dimension_semantics<core_parallel>, #tpu.dimension_semantics<subcore_parallel>], iteration_bounds = array<i64: 2, 16>, scalar_prefetch = 0 : i64, scratch_operands = 4 : i64, tpu.core_type = #tpu.core_type<sc_vector_subcore>, window_params = [{transform_indices = #map}, {transform_indices = #map}, {transform_indices = #map}, {transform_indices = #map}]} {
    %mul3A = arith.constant 16 : i32
    %mul3A_0 = arith.muli %arg0, %mul3A : i32
    %add3A = arith.addi %mul3A_0, %arg1 : i32
    %eq3A = arith.constant 0 : i32
    %eq3A_1 = arith.cmpi eq, %add3A, %eq3A : i32
    %convert_element_type3A = arith.extui %eq3A_1 : i1 to i32
    %cond3A = arith.constant 0 : i32
    %cond3A_2 = arith.cmpi ne, %convert_element_type3A, %cond3A : i32
    scf.if %cond3A_2 {
      "tpu.region"() ({
        %run_scoped3A = tpu.sem_alloc : memref<!tpu.dma_semaphore, #tpu.memory_space<semaphore_mem>>
        tpu.enqueue_dma source(%arg2 : memref<8192xi32, #tpu.memory_space<hbm>>) target(%arg6 : memref<8192xi32, #tpu.memory_space<vmem>>) target_semaphore(%run_scoped3A : memref<!tpu.dma_semaphore, #tpu.memory_space<semaphore_mem>>)
        tpu.wait_dma2 semaphore(%run_scoped3A : memref<!tpu.dma_semaphore, #tpu.memory_space<semaphore_mem>>) src(%arg2 : memref<8192xi32, #tpu.memory_space<hbm>>) dst(%arg6 : memref<8192xi32, #tpu.memory_space<vmem>>)
        tpu.yield
      }) : () -> ()
      "tpu.region"() ({
        %run_scoped3A = tpu.sem_alloc : memref<!tpu.dma_semaphore, #tpu.memory_space<semaphore_mem>>
        tpu.enqueue_dma source(%arg3 : memref<8192xf32, #tpu.memory_space<hbm>>) target(%arg7 : memref<8192xf32, #tpu.memory_space<vmem>>) target_semaphore(%run_scoped3A : memref<!tpu.dma_semaphore, #tpu.memory_space<semaphore_mem>>)
        tpu.wait_dma2 semaphore(%run_scoped3A : memref<!tpu.dma_semaphore, #tpu.memory_space<semaphore_mem>>) src(%arg3 : memref<8192xf32, #tpu.memory_space<hbm>>) dst(%arg7 : memref<8192xf32, #tpu.memory_space<vmem>>)
        tpu.yield
      }) : () -> ()
      %broadcast_in_dim3A = arith.constant 0 : i32
      %broadcast_in_dim3A_3 = vector.broadcast %broadcast_in_dim3A : i32 to vector<16xi32>
      %broadcast_in_dim3A_4 = arith.constant 0.000000e+00 : f32
      %broadcast_in_dim3A_5 = vector.broadcast %broadcast_in_dim3A_4 : f32 to vector<16xf32>
      %scan3A = arith.constant 0 : i32
      %scan3A_6 = arith.constant 0 : i32
      %scan3A_7 = arith.constant 128 : i32
      %scan3A_8 = arith.addi %scan3A_6, %scan3A_7 : i32
      %scan3A_9 = arith.constant 1 : i32
      %scan3A_10 = scf.for %scan3A_26 = %scan3A_6 to %scan3A_8 step %scan3A_9 iter_args(%scan3A_27 = %scan3A) -> (i32)  : i32 {
        %mul3A_28 = arith.constant 4 : i32
        %mul3A_29 = arith.muli %scan3A_26, %mul3A_28 : i32
        %add3A_30 = arith.constant 0 : i32
        %add3A_31 = arith.addi %mul3A_29, %add3A_30 : i32
        %mul3A_32 = arith.constant 16 : i32
        %mul3A_33 = arith.muli %add3A_31, %mul3A_32 : i32
        %swap3A = arith.index_cast %mul3A_33 : i32 to index
        %swap3A_34 = tpu.vector_load %arg8[%swap3A] {strides = array<i32>} : memref<8192xi32, #tpu.memory_space<vmem>>, vector<16xi32>,
        tpu.vector_store %arg8[%swap3A], %broadcast_in_dim3A_3 {strides = array<i32>} : memref<8192xi32, #tpu.memory_space<vmem>>, vector<16xi32>,
        %mul3A_35 = arith.constant 4 : i32
        %mul3A_36 = arith.muli %scan3A_26, %mul3A_35 : i32
        %add3A_37 = arith.constant 0 : i32
        %add3A_38 = arith.addi %mul3A_36, %add3A_37 : i32
        %mul3A_39 = arith.constant 16 : i32
        %mul3A_40 = arith.muli %add3A_38, %mul3A_39 : i32
        %swap3A_41 = arith.index_cast %mul3A_40 : i32 to index
        %swap3A_42 = tpu.vector_load %arg9[%swap3A_41] {strides = array<i32>} : memref<8192xf32, #tpu.memory_space<vmem>>, vector<16xf32>,
        tpu.vector_store %arg9[%swap3A_41], %broadcast_in_dim3A_5 {strides = array<i32>} : memref<8192xf32, #tpu.memory_space<vmem>>, vector<16xf32>,
        %mul3A_43 = arith.constant 4 : i32
        %mul3A_44 = arith.muli %scan3A_26, %mul3A_43 : i32
        %add3A_45 = arith.constant 1 : i32
        %add3A_46 = arith.addi %mul3A_44, %add3A_45 : i32
        %mul3A_47 = arith.constant 16 : i32
        %mul3A_48 = arith.muli %add3A_46, %mul3A_47 : i32
        %swap3A_49 = arith.index_cast %mul3A_48 : i32 to index
        %swap3A_50 = tpu.vector_load %arg8[%swap3A_49] {strides = array<i32>} : memref<8192xi32, #tpu.memory_space<vmem>>, vector<16xi32>,
        tpu.vector_store %arg8[%swap3A_49], %broadcast_in_dim3A_3 {strides = array<i32>} : memref<8192xi32, #tpu.memory_space<vmem>>, vector<16xi32>,
        %mul3A_51 = arith.constant 4 : i32
        %mul3A_52 = arith.muli %scan3A_26, %mul3A_51 : i32
        %add3A_53 = arith.constant 1 : i32
        %add3A_54 = arith.addi %mul3A_52, %add3A_53 : i32
        %mul3A_55 = arith.constant 16 : i32
        %mul3A_56 = arith.muli %add3A_54, %mul3A_55 : i32
        %swap3A_57 = arith.index_cast %mul3A_56 : i32 to index
        %swap3A_58 = tpu.vector_load %arg9[%swap3A_57] {strides = array<i32>} : memref<8192xf32, #tpu.memory_space<vmem>>, vector<16xf32>,
        tpu.vector_store %arg9[%swap3A_57], %broadcast_in_dim3A_5 {strides = array<i32>} : memref<8192xf32, #tpu.memory_space<vmem>>, vector<16xf32>,
        %mul3A_59 = arith.constant 4 : i32
        %mul3A_60 = arith.muli %scan3A_26, %mul3A_59 : i32
        %add3A_61 = arith.constant 2 : i32
        %add3A_62 = arith.addi %mul3A_60, %add3A_61 : i32
        %mul3A_63 = arith.constant 16 : i32
        %mul3A_64 = arith.muli %add3A_62, %mul3A_63 : i32
        %swap3A_65 = arith.index_cast %mul3A_64 : i32 to index
        %swap3A_66 = tpu.vector_load %arg8[%swap3A_65] {strides = array<i32>} : memref<8192xi32, #tpu.memory_space<vmem>>, vector<16xi32>,
        tpu.vector_store %arg8[%swap3A_65], %broadcast_in_dim3A_3 {strides = array<i32>} : memref<8192xi32, #tpu.memory_space<vmem>>, vector<16xi32>,
        %mul3A_67 = arith.constant 4 : i32
        %mul3A_68 = arith.muli %scan3A_26, %mul3A_67 : i32
        %add3A_69 = arith.constant 2 : i32
        %add3A_70 = arith.addi %mul3A_68, %add3A_69 : i32
        %mul3A_71 = arith.constant 16 : i32
        %mul3A_72 = arith.muli %add3A_70, %mul3A_71 : i32
        %swap3A_73 = arith.index_cast %mul3A_72 : i32 to index
        %swap3A_74 = tpu.vector_load %arg9[%swap3A_73] {strides = array<i32>} : memref<8192xf32, #tpu.memory_space<vmem>>, vector<16xf32>,
        tpu.vector_store %arg9[%swap3A_73], %broadcast_in_dim3A_5 {strides = array<i32>} : memref<8192xf32, #tpu.memory_space<vmem>>, vector<16xf32>,
        %mul3A_75 = arith.constant 4 : i32
        %mul3A_76 = arith.muli %scan3A_26, %mul3A_75 : i32
        %add3A_77 = arith.constant 3 : i32
        %add3A_78 = arith.addi %mul3A_76, %add3A_77 : i32
        %mul3A_79 = arith.constant 16 : i32
        %mul3A_80 = arith.muli %add3A_78, %mul3A_79 : i32
        %swap3A_81 = arith.index_cast %mul3A_80 : i32 to index
        %swap3A_82 = tpu.vector_load %arg8[%swap3A_81] {strides = array<i32>} : memref<8192xi32, #tpu.memory_space<vmem>>, vector<16xi32>,
        tpu.vector_store %arg8[%swap3A_81], %broadcast_in_dim3A_3 {strides = array<i32>} : memref<8192xi32, #tpu.memory_space<vmem>>, vector<16xi32>,
        %mul3A_83 = arith.constant 4 : i32
        %mul3A_84 = arith.muli %scan3A_26, %mul3A_83 : i32
        %add3A_85 = arith.constant 3 : i32
        %add3A_86 = arith.addi %mul3A_84, %add3A_85 : i32
        %mul3A_87 = arith.constant 16 : i32
        %mul3A_88 = arith.muli %add3A_86, %mul3A_87 : i32
        %swap3A_89 = arith.index_cast %mul3A_88 : i32 to index
        %swap3A_90 = tpu.vector_load %arg9[%swap3A_89] {strides = array<i32>} : memref<8192xf32, #tpu.memory_space<vmem>>, vector<16xf32>,
        tpu.vector_store %arg9[%swap3A_89], %broadcast_in_dim3A_5 {strides = array<i32>} : memref<8192xf32, #tpu.memory_space<vmem>>, vector<16xf32>,
        %scan3A_91 = arith.constant 0 : i32
        scf.yield %scan3A_91 : i32
      }
      %scan3A_11 = arith.constant 128 : i32
      %iota3A = tpu.iota {dimensions = array<i32: 0>} : vector<16xi32>
      %scan3A_12 = arith.constant 0 : i32
      %scan3A_13 = arith.constant 0 : i32
      %scan3A_14 = arith.constant 128 : i32
      %scan3A_15 = arith.addi %scan3A_13, %scan3A_14 : i32
      %scan3A_16 = arith.constant 1 : i32
      %scan3A_17 = scf.for %scan3A_26 = %scan3A_13 to %scan3A_15 step %scan3A_16 iter_args(%scan3A_27 = %scan3A_12) -> (i32)  : i32 {
        %mul3A_28 = arith.constant 4 : i32
        %mul3A_29 = arith.muli %scan3A_26, %mul3A_28 : i32
        %add3A_30 = arith.constant 0 : i32
        %add3A_31 = arith.addi %mul3A_29, %add3A_30 : i32
        %mul3A_32 = arith.constant 16 : i32
        %mul3A_33 = arith.muli %add3A_31, %mul3A_32 : i32
        %get3A = arith.index_cast %mul3A_33 : i32 to index
        %get3A_34 = tpu.vector_load %arg6[%get3A] {strides = array<i32>} : memref<8192xi32, #tpu.memory_space<vmem>>, vector<16xi32>,
        %mul3A_35 = arith.constant 16 : i32
        %mul3A_36 = arith.muli %add3A_31, %mul3A_35 : i32
        %add3A_37 = vector.broadcast %mul3A_36 : i32 to vector<16xi32>
        %add3A_38 = arith.addi %iota3A, %add3A_37 : vector<16xi32>
        %lt3A = arith.constant 8192 : i32
        %lt3A_39 = vector.broadcast %lt3A : i32 to vector<16xi32>
        %lt3A_40 = arith.cmpi slt, %get3A_34, %lt3A_39 : vector<16xi32>
        tpu.vector_store_idx %arg8[%get3A_34], %add3A_38 masked %lt3A_40 : memref<8192xi32, #tpu.memory_space<vmem>>[vector<16xi32>], vector<16xi32>, vector<16xi1>
        %mul3A_41 = arith.constant 4 : i32
        %mul3A_42 = arith.muli %scan3A_26, %mul3A_41 : i32
        %add3A_43 = arith.constant 1 : i32
        %add3A_44 = arith.addi %mul3A_42, %add3A_43 : i32
        %mul3A_45 = arith.constant 16 : i32
        %mul3A_46 = arith.muli %add3A_44, %mul3A_45 : i32
        %get3A_47 = arith.index_cast %mul3A_46 : i32 to index
        %get3A_48 = tpu.vector_load %arg6[%get3A_47] {strides = array<i32>} : memref<8192xi32, #tpu.memory_space<vmem>>, vector<16xi32>,
        %mul3A_49 = arith.constant 16 : i32
        %mul3A_50 = arith.muli %add3A_44, %mul3A_49 : i32
        %add3A_51 = vector.broadcast %mul3A_50 : i32 to vector<16xi32>
        %add3A_52 = arith.addi %iota3A, %add3A_51 : vector<16xi32>
        %lt3A_53 = arith.constant 8192 : i32
        %lt3A_54 = vector.broadcast %lt3A_53 : i32 to vector<16xi32>
        %lt3A_55 = arith.cmpi slt, %get3A_48, %lt3A_54 : vector<16xi32>
        tpu.vector_store_idx %arg8[%get3A_48], %add3A_52 masked %lt3A_55 : memref<8192xi32, #tpu.memory_space<vmem>>[vector<16xi32>], vector<16xi32>, vector<16xi1>
        %mul3A_56 = arith.constant 4 : i32
        %mul3A_57 = arith.muli %scan3A_26, %mul3A_56 : i32
        %add3A_58 = arith.constant 2 : i32
        %add3A_59 = arith.addi %mul3A_57, %add3A_58 : i32
        %mul3A_60 = arith.constant 16 : i32
        %mul3A_61 = arith.muli %add3A_59, %mul3A_60 : i32
        %get3A_62 = arith.index_cast %mul3A_61 : i32 to index
        %get3A_63 = tpu.vector_load %arg6[%get3A_62] {strides = array<i32>} : memref<8192xi32, #tpu.memory_space<vmem>>, vector<16xi32>,
        %mul3A_64 = arith.constant 16 : i32
        %mul3A_65 = arith.muli %add3A_59, %mul3A_64 : i32
        %add3A_66 = vector.broadcast %mul3A_65 : i32 to vector<16xi32>
        %add3A_67 = arith.addi %iota3A, %add3A_66 : vector<16xi32>
        %lt3A_68 = arith.constant 8192 : i32
        %lt3A_69 = vector.broadcast %lt3A_68 : i32 to vector<16xi32>
        %lt3A_70 = arith.cmpi slt, %get3A_63, %lt3A_69 : vector<16xi32>
        tpu.vector_store_idx %arg8[%get3A_63], %add3A_67 masked %lt3A_70 : memref<8192xi32, #tpu.memory_space<vmem>>[vector<16xi32>], vector<16xi32>, vector<16xi1>
        %mul3A_71 = arith.constant 4 : i32
        %mul3A_72 = arith.muli %scan3A_26, %mul3A_71 : i32
        %add3A_73 = arith.constant 3 : i32
        %add3A_74 = arith.addi %mul3A_72, %add3A_73 : i32
        %mul3A_75 = arith.constant 16 : i32
        %mul3A_76 = arith.muli %add3A_74, %mul3A_75 : i32
        %get3A_77 = arith.index_cast %mul3A_76 : i32 to index
        %get3A_78 = tpu.vector_load %arg6[%get3A_77] {strides = array<i32>} : memref<8192xi32, #tpu.memory_space<vmem>>, vector<16xi32>,
        %mul3A_79 = arith.constant 16 : i32
        %mul3A_80 = arith.muli %add3A_74, %mul3A_79 : i32
        %add3A_81 = vector.broadcast %mul3A_80 : i32 to vector<16xi32>
        %add3A_82 = arith.addi %iota3A, %add3A_81 : vector<16xi32>
        %lt3A_83 = arith.constant 8192 : i32
        %lt3A_84 = vector.broadcast %lt3A_83 : i32 to vector<16xi32>
        %lt3A_85 = arith.cmpi slt, %get3A_78, %lt3A_84 : vector<16xi32>
        tpu.vector_store_idx %arg8[%get3A_78], %add3A_82 masked %lt3A_85 : memref<8192xi32, #tpu.memory_space<vmem>>[vector<16xi32>], vector<16xi32>, vector<16xi1>
        %scan3A_86 = arith.constant 0 : i32
        scf.yield %scan3A_86 : i32
      }
      %scan3A_18 = arith.constant 128 : i32
      %scan3A_19 = arith.constant 0 : i32
      %scan3A_20 = arith.constant 0 : i32
      %scan3A_21 = arith.constant 128 : i32
      %scan3A_22 = arith.addi %scan3A_20, %scan3A_21 : i32
      %scan3A_23 = arith.constant 1 : i32
      %scan3A_24 = scf.for %scan3A_26 = %scan3A_20 to %scan3A_22 step %scan3A_23 iter_args(%scan3A_27 = %scan3A_19) -> (i32)  : i32 {
        %mul3A_28 = arith.constant 4 : i32
        %mul3A_29 = arith.muli %scan3A_26, %mul3A_28 : i32
        %add3A_30 = arith.constant 0 : i32
        %add3A_31 = arith.addi %mul3A_29, %add3A_30 : i32
        %mul3A_32 = arith.constant 16 : i32
        %mul3A_33 = arith.muli %add3A_31, %mul3A_32 : i32
        %get3A = arith.index_cast %mul3A_33 : i32 to index
        %get3A_34 = tpu.vector_load %arg8[%get3A] {strides = array<i32>} : memref<8192xi32, #tpu.memory_space<vmem>>, vector<16xi32>,
        %gather3A = tpu.vector_load_idx %arg7[%get3A_34] : memref<8192xf32, #tpu.memory_space<vmem>>[vector<16xi32>], vector<16xf32>,
        %mul3A_35 = arith.constant 16 : i32
        %mul3A_36 = arith.muli %add3A_31, %mul3A_35 : i32
        %swap3A = arith.index_cast %mul3A_36 : i32 to index
        %swap3A_37 = tpu.vector_load %arg9[%swap3A] {strides = array<i32>} : memref<8192xf32, #tpu.memory_space<vmem>>, vector<16xf32>,
        tpu.vector_store %arg9[%swap3A], %gather3A {strides = array<i32>} : memref<8192xf32, #tpu.memory_space<vmem>>, vector<16xf32>,
        %mul3A_38 = arith.constant 4 : i32
        %mul3A_39 = arith.muli %scan3A_26, %mul3A_38 : i32
        %add3A_40 = arith.constant 1 : i32
        %add3A_41 = arith.addi %mul3A_39, %add3A_40 : i32
        %mul3A_42 = arith.constant 16 : i32
        %mul3A_43 = arith.muli %add3A_41, %mul3A_42 : i32
        %get3A_44 = arith.index_cast %mul3A_43 : i32 to index
        %get3A_45 = tpu.vector_load %arg8[%get3A_44] {strides = array<i32>} : memref<8192xi32, #tpu.memory_space<vmem>>, vector<16xi32>,
        %gather3A_46 = tpu.vector_load_idx %arg7[%get3A_45] : memref<8192xf32, #tpu.memory_space<vmem>>[vector<16xi32>], vector<16xf32>,
        %mul3A_47 = arith.constant 16 : i32
        %mul3A_48 = arith.muli %add3A_41, %mul3A_47 : i32
        %swap3A_49 = arith.index_cast %mul3A_48 : i32 to index
        %swap3A_50 = tpu.vector_load %arg9[%swap3A_49] {strides = array<i32>} : memref<8192xf32, #tpu.memory_space<vmem>>, vector<16xf32>,
        tpu.vector_store %arg9[%swap3A_49], %gather3A_46 {strides = array<i32>} : memref<8192xf32, #tpu.memory_space<vmem>>, vector<16xf32>,
        %mul3A_51 = arith.constant 4 : i32
        %mul3A_52 = arith.muli %scan3A_26, %mul3A_51 : i32
        %add3A_53 = arith.constant 2 : i32
        %add3A_54 = arith.addi %mul3A_52, %add3A_53 : i32
        %mul3A_55 = arith.constant 16 : i32
        %mul3A_56 = arith.muli %add3A_54, %mul3A_55 : i32
        %get3A_57 = arith.index_cast %mul3A_56 : i32 to index
        %get3A_58 = tpu.vector_load %arg8[%get3A_57] {strides = array<i32>} : memref<8192xi32, #tpu.memory_space<vmem>>, vector<16xi32>,
        %gather3A_59 = tpu.vector_load_idx %arg7[%get3A_58] : memref<8192xf32, #tpu.memory_space<vmem>>[vector<16xi32>], vector<16xf32>,
        %mul3A_60 = arith.constant 16 : i32
        %mul3A_61 = arith.muli %add3A_54, %mul3A_60 : i32
        %swap3A_62 = arith.index_cast %mul3A_61 : i32 to index
        %swap3A_63 = tpu.vector_load %arg9[%swap3A_62] {strides = array<i32>} : memref<8192xf32, #tpu.memory_space<vmem>>, vector<16xf32>,
        tpu.vector_store %arg9[%swap3A_62], %gather3A_59 {strides = array<i32>} : memref<8192xf32, #tpu.memory_space<vmem>>, vector<16xf32>,
        %mul3A_64 = arith.constant 4 : i32
        %mul3A_65 = arith.muli %scan3A_26, %mul3A_64 : i32
        %add3A_66 = arith.constant 3 : i32
        %add3A_67 = arith.addi %mul3A_65, %add3A_66 : i32
        %mul3A_68 = arith.constant 16 : i32
        %mul3A_69 = arith.muli %add3A_67, %mul3A_68 : i32
        %get3A_70 = arith.index_cast %mul3A_69 : i32 to index
        %get3A_71 = tpu.vector_load %arg8[%get3A_70] {strides = array<i32>} : memref<8192xi32, #tpu.memory_space<vmem>>, vector<16xi32>,
        %gather3A_72 = tpu.vector_load_idx %arg7[%get3A_71] : memref<8192xf32, #tpu.memory_space<vmem>>[vector<16xi32>], vector<16xf32>,
        %mul3A_73 = arith.constant 16 : i32
        %mul3A_74 = arith.muli %add3A_67, %mul3A_73 : i32
        %swap3A_75 = arith.index_cast %mul3A_74 : i32 to index
        %swap3A_76 = tpu.vector_load %arg9[%swap3A_75] {strides = array<i32>} : memref<8192xf32, #tpu.memory_space<vmem>>, vector<16xf32>,
        tpu.vector_store %arg9[%swap3A_75], %gather3A_72 {strides = array<i32>} : memref<8192xf32, #tpu.memory_space<vmem>>, vector<16xf32>,
        %scan3A_77 = arith.constant 0 : i32
        scf.yield %scan3A_77 : i32
      }
      %scan3A_25 = arith.constant 128 : i32
      "tpu.region"() ({
        %run_scoped3A = tpu.sem_alloc : memref<!tpu.dma_semaphore, #tpu.memory_space<semaphore_mem>>
        tpu.enqueue_dma source(%arg8 : memref<8192xi32, #tpu.memory_space<vmem>>) target(%arg4 : memref<8192xi32, #tpu.memory_space<hbm>>) target_semaphore(%run_scoped3A : memref<!tpu.dma_semaphore, #tpu.memory_space<semaphore_mem>>)
        tpu.wait_dma2 semaphore(%run_scoped3A : memref<!tpu.dma_semaphore, #tpu.memory_space<semaphore_mem>>) src(%arg8 : memref<8192xi32, #tpu.memory_space<vmem>>) dst(%arg4 : memref<8192xi32, #tpu.memory_space<hbm>>)
        tpu.yield
      }) : () -> ()
      "tpu.region"() ({
        %run_scoped3A = tpu.sem_alloc : memref<!tpu.dma_semaphore, #tpu.memory_space<semaphore_mem>>
        tpu.enqueue_dma source(%arg9 : memref<8192xf32, #tpu.memory_space<vmem>>) target(%arg5 : memref<8192xf32, #tpu.memory_space<hbm>>) target_semaphore(%run_scoped3A : memref<!tpu.dma_semaphore, #tpu.memory_space<semaphore_mem>>)
        tpu.wait_dma2 semaphore(%run_scoped3A : memref<!tpu.dma_semaphore, #tpu.memory_space<semaphore_mem>>) src(%arg9 : memref<8192xf32, #tpu.memory_space<vmem>>) dst(%arg5 : memref<8192xf32, #tpu.memory_space<hbm>>)
        tpu.yield
      }) : () -> ()
    } else {
    }
    return
  }
}

module attributes {stable_mosaic.version = 14 : i64} {
  func.func @_route_body(%arg0: i32, %arg1: memref<2048x1024xf32, #tpu.memory_space<vmem>>, %arg2: memref<1024x8xf32, #tpu.memory_space<vmem>>, %arg3: memref<1x8xf32, #tpu.memory_space<vmem>>, %arg4: memref<2048x1xi32, #tpu.memory_space<vmem>>, %arg5: memref<2048x1xf32, #tpu.memory_space<vmem>>, %arg6: memref<1x8xi32, #tpu.memory_space<vmem>>) attributes {dimension_semantics = [#tpu.dimension_semantics<arbitrary>], iteration_bounds = array<i64: 4>, scalar_prefetch = 0 : i64, scratch_operands = 1 : i64, tpu.core_type = #tpu.core_type<tc>, window_params = [{transform_indices = @transform_0, window_bounds = array<i64: 2048, 1024>}, {pipeline_mode = #tpu.pipeline_mode<synchronous>, transform_indices = @transform_1, window_bounds = array<i64: 1024, 8>}, {pipeline_mode = #tpu.pipeline_mode<synchronous>, transform_indices = @transform_2, window_bounds = array<i64: 1, 8>}, {transform_indices = @transform_3, window_bounds = array<i64: 2048, 1>}, {transform_indices = @transform_4, window_bounds = array<i64: 2048, 1>}]} {
    %eq3A = arith.constant 0 : i32
    %eq3A_0 = arith.cmpi eq, %arg0, %eq3A : i32
    %convert_element_type3A = arith.extui %eq3A_0 : i1 to i32
    %cond3A = arith.constant 0 : i32
    %cond3A_1 = arith.cmpi ne, %convert_element_type3A, %cond3A : i32
    scf.if %cond3A_1 {
      %broadcast_in_dim3A_194 = arith.constant 0 : i32
      %broadcast_in_dim3A_195 = vector.broadcast %broadcast_in_dim3A_194 : i32 to vector<1x8xi32>
      %swap3A_196 = arith.constant 0 : index
      %swap3A_197 = arith.constant 0 : index
      %swap3A_198 = vector.load %arg6[%swap3A_196, %swap3A_197] : memref<1x8xi32, #tpu.memory_space<vmem>>, vector<1x8xi32>
      tpu.vector_store %arg6[%swap3A_196, %swap3A_197], %broadcast_in_dim3A_195 {strides = array<i32>} : memref<1x8xi32, #tpu.memory_space<vmem>>, vector<1x8xi32>,
    } else {
    }
    %get3A = arith.constant 0 : index
    %get3A_2 = arith.constant 0 : index
    %get3A_3 = vector.load %arg1[%get3A, %get3A_2] : memref<2048x1024xf32, #tpu.memory_space<vmem>>, vector<2048x1024xf32>
    %get3A_4 = arith.constant 0 : index
    %get3A_5 = arith.constant 0 : index
    %get3A_6 = vector.load %arg2[%get3A_4, %get3A_5] : memref<1024x8xf32, #tpu.memory_space<vmem>>, vector<1024x8xf32>
    %dot_general3A = arith.constant dense<0.000000e+00> : vector<2048x8xf32>
    %dot_general3A_7 = tpu.matmul %get3A_3, %get3A_6, %dot_general3A {dimension_numbers = #tpu.dot_dimension_numbers<[1], [0], [0], [1], [0, 0, 1, 1], [], []>, transpose_lhs_hint = false} : vector<2048x1024xf32>, vector<1024x8xf32>, vector<2048x8xf32> -> vector<2048x8xf32>
    %get3A_8 = arith.constant 0 : index
    %get3A_9 = arith.constant 0 : index
    %get3A_10 = vector.load %arg3[%get3A_8, %get3A_9] : memref<1x8xf32, #tpu.memory_space<vmem>>, vector<1x8xf32>
    %add3A = vector.broadcast %get3A_10 : vector<1x8xf32> to vector<2048x8xf32>
    %add3A_11 = arith.addf %dot_general3A_7, %add3A : vector<2048x8xf32>
    %reduce_max3A = arith.constant dense<0xFF800000> : vector<2048xf32>
    %reduce_max3A_12 = vector.multi_reduction <maximumf>, %add3A_11, %reduce_max3A [1] : vector<2048x8xf32> to vector<2048xf32>
    %broadcast_in_dim3A = vector.shape_cast %reduce_max3A_12 : vector<2048xf32> to vector<2048x1xf32>
    %sub3A = vector.broadcast %broadcast_in_dim3A : vector<2048x1xf32> to vector<2048x8xf32>
    %sub3A_13 = arith.subf %add3A_11, %sub3A : vector<2048x8xf32>
    %exp3A = math.exp %sub3A_13 : vector<2048x8xf32>
    %reduce_sum3A = arith.constant dense<0.000000e+00> : vector<2048xf32>
    %reduce_sum3A_14 = vector.multi_reduction <add>, %exp3A, %reduce_sum3A [1] : vector<2048x8xf32> to vector<2048xf32>
    %broadcast_in_dim3A_15 = vector.shape_cast %reduce_sum3A_14 : vector<2048xf32> to vector<2048x1xf32>
    %div3A = arith.constant 1.000000e+00 : f32
    %div3A_16 = vector.broadcast %div3A : f32 to vector<2048x1xf32>
    %div3A_17 = arith.divf %div3A_16, %broadcast_in_dim3A_15 : vector<2048x1xf32>
    %argmax3A = tpu.reduce_index %add3A_11 {axis = 1 : i32, kind = #tpu.reduction_kind<arg_max>} : vector<2048x8xf32> -> vector<2048xi32>
    %broadcast_in_dim3A_18 = vector.shape_cast %argmax3A : vector<2048xi32> to vector<2048x1xi32>
    %iota3A = tpu.iota {dimensions = array<i32: 1>} : vector<2048x8xi32>
    %eq3A_19 = vector.broadcast %broadcast_in_dim3A_18 : vector<2048x1xi32> to vector<2048x8xi32>
    %eq3A_20 = arith.cmpi eq, %iota3A, %eq3A_19 : vector<2048x8xi32>
    %convert_element_type3A_21 = arith.extui %eq3A_20 : vector<2048x8xi1> to vector<2048x8xi32>
    %convert_element_type3A_22 = arith.sitofp %convert_element_type3A_21 : vector<2048x8xi32> to vector<2048x8xf32>
    %iota3A_23 = tpu.iota {dimensions = array<i32: 0>} : vector<256x256xi32>
    %iota3A_24 = tpu.iota {dimensions = array<i32: 1>} : vector<256x256xi32>
    %gt3A = arith.cmpi sgt, %iota3A_23, %iota3A_24 : vector<256x256xi32>
    %convert_element_type3A_25 = arith.extui %gt3A : vector<256x256xi1> to vector<256x256xi32>
    %convert_element_type3A_26 = arith.sitofp %convert_element_type3A_25 : vector<256x256xi32> to vector<256x256xf32>
    %convert_element_type3A_27 = arith.truncf %convert_element_type3A_26 : vector<256x256xf32> to vector<256x256xbf16>
    %get3A_28 = arith.constant 0 : index
    %get3A_29 = arith.constant 0 : index
    %get3A_30 = vector.load %arg6[%get3A_28, %get3A_29] : memref<1x8xi32, #tpu.memory_space<vmem>>, vector<1x8xi32>
    %convert_element_type3A_31 = arith.sitofp %get3A_30 : vector<1x8xi32> to vector<1x8xf32>
    %slice3A = vector.extract_strided_slice %convert_element_type3A_22 {offsets = [0, 0], sizes = [256, 8], strides = [1, 1]} : vector<2048x8xf32> to vector<256x8xf32>
    %convert_element_type3A_32 = arith.truncf %slice3A : vector<256x8xf32> to vector<256x8xbf16>
    %dot_general3A_33 = arith.constant dense<0.000000e+00> : vector<256x8xf32>
    %dot_general3A_34 = tpu.matmul %convert_element_type3A_27, %convert_element_type3A_32, %dot_general3A_33 {dimension_numbers = #tpu.dot_dimension_numbers<[1], [0], [0], [1], [0, 0, 1, 1], [], []>, transpose_lhs_hint = false} : vector<256x256xbf16>, vector<256x8xbf16>, vector<256x8xf32> -> vector<256x8xf32>
    %mul3A = arith.mulf %dot_general3A_34, %slice3A : vector<256x8xf32>
    %reduce_sum3A_35 = arith.constant dense<0.000000e+00> : vector<256xf32>
    %reduce_sum3A_36 = vector.multi_reduction <add>, %mul3A, %reduce_sum3A_35 [1] : vector<256x8xf32> to vector<256xf32>
    %broadcast_in_dim3A_37 = vector.shape_cast %reduce_sum3A_36 : vector<256xf32> to vector<256x1xf32>
    %mul3A_38 = vector.broadcast %convert_element_type3A_31 : vector<1x8xf32> to vector<256x8xf32>
    %mul3A_39 = arith.mulf %slice3A, %mul3A_38 : vector<256x8xf32>
    %reduce_sum3A_40 = arith.constant dense<0.000000e+00> : vector<256xf32>
    %reduce_sum3A_41 = vector.multi_reduction <add>, %mul3A_39, %reduce_sum3A_40 [1] : vector<256x8xf32> to vector<256xf32>
    %broadcast_in_dim3A_42 = vector.shape_cast %reduce_sum3A_41 : vector<256xf32> to vector<256x1xf32>
    %add3A_43 = arith.addf %broadcast_in_dim3A_37, %broadcast_in_dim3A_42 : vector<256x1xf32>
    %reduce_sum3A_44 = arith.constant dense<0.000000e+00> : vector<8xf32>
    %reduce_sum3A_45 = vector.multi_reduction <add>, %slice3A, %reduce_sum3A_44 [0] : vector<256x8xf32> to vector<8xf32>
    %broadcast_in_dim3A_46 = vector.shape_cast %reduce_sum3A_45 : vector<8xf32> to vector<1x8xf32>
    %add3A_47 = arith.addf %convert_element_type3A_31, %broadcast_in_dim3A_46 : vector<1x8xf32>
    %slice3A_48 = vector.extract_strided_slice %convert_element_type3A_22 {offsets = [256, 0], sizes = [256, 8], strides = [1, 1]} : vector<2048x8xf32> to vector<256x8xf32>
    %convert_element_type3A_49 = arith.truncf %slice3A_48 : vector<256x8xf32> to vector<256x8xbf16>
    %dot_general3A_50 = arith.constant dense<0.000000e+00> : vector<256x8xf32>
    %dot_general3A_51 = tpu.matmul %convert_element_type3A_27, %convert_element_type3A_49, %dot_general3A_50 {dimension_numbers = #tpu.dot_dimension_numbers<[1], [0], [0], [1], [0, 0, 1, 1], [], []>, transpose_lhs_hint = false} : vector<256x256xbf16>, vector<256x8xbf16>, vector<256x8xf32> -> vector<256x8xf32>
    %mul3A_52 = arith.mulf %dot_general3A_51, %slice3A_48 : vector<256x8xf32>
    %reduce_sum3A_53 = arith.constant dense<0.000000e+00> : vector<256xf32>
    %reduce_sum3A_54 = vector.multi_reduction <add>, %mul3A_52, %reduce_sum3A_53 [1] : vector<256x8xf32> to vector<256xf32>
    %broadcast_in_dim3A_55 = vector.shape_cast %reduce_sum3A_54 : vector<256xf32> to vector<256x1xf32>
    %mul3A_56 = vector.broadcast %add3A_47 : vector<1x8xf32> to vector<256x8xf32>
    %mul3A_57 = arith.mulf %slice3A_48, %mul3A_56 : vector<256x8xf32>
    %reduce_sum3A_58 = arith.constant dense<0.000000e+00> : vector<256xf32>
    %reduce_sum3A_59 = vector.multi_reduction <add>, %mul3A_57, %reduce_sum3A_58 [1] : vector<256x8xf32> to vector<256xf32>
    %broadcast_in_dim3A_60 = vector.shape_cast %reduce_sum3A_59 : vector<256xf32> to vector<256x1xf32>
    %add3A_61 = arith.addf %broadcast_in_dim3A_55, %broadcast_in_dim3A_60 : vector<256x1xf32>
    %reduce_sum3A_62 = arith.constant dense<0.000000e+00> : vector<8xf32>
    %reduce_sum3A_63 = vector.multi_reduction <add>, %slice3A_48, %reduce_sum3A_62 [0] : vector<256x8xf32> to vector<8xf32>
    %broadcast_in_dim3A_64 = vector.shape_cast %reduce_sum3A_63 : vector<8xf32> to vector<1x8xf32>
    %add3A_65 = arith.addf %add3A_47, %broadcast_in_dim3A_64 : vector<1x8xf32>
    %slice3A_66 = vector.extract_strided_slice %convert_element_type3A_22 {offsets = [512, 0], sizes = [256, 8], strides = [1, 1]} : vector<2048x8xf32> to vector<256x8xf32>
    %convert_element_type3A_67 = arith.truncf %slice3A_66 : vector<256x8xf32> to vector<256x8xbf16>
    %dot_general3A_68 = arith.constant dense<0.000000e+00> : vector<256x8xf32>
    %dot_general3A_69 = tpu.matmul %convert_element_type3A_27, %convert_element_type3A_67, %dot_general3A_68 {dimension_numbers = #tpu.dot_dimension_numbers<[1], [0], [0], [1], [0, 0, 1, 1], [], []>, transpose_lhs_hint = false} : vector<256x256xbf16>, vector<256x8xbf16>, vector<256x8xf32> -> vector<256x8xf32>
    %mul3A_70 = arith.mulf %dot_general3A_69, %slice3A_66 : vector<256x8xf32>
    %reduce_sum3A_71 = arith.constant dense<0.000000e+00> : vector<256xf32>
    %reduce_sum3A_72 = vector.multi_reduction <add>, %mul3A_70, %reduce_sum3A_71 [1] : vector<256x8xf32> to vector<256xf32>
    %broadcast_in_dim3A_73 = vector.shape_cast %reduce_sum3A_72 : vector<256xf32> to vector<256x1xf32>
    %mul3A_74 = vector.broadcast %add3A_65 : vector<1x8xf32> to vector<256x8xf32>
    %mul3A_75 = arith.mulf %slice3A_66, %mul3A_74 : vector<256x8xf32>
    %reduce_sum3A_76 = arith.constant dense<0.000000e+00> : vector<256xf32>
    %reduce_sum3A_77 = vector.multi_reduction <add>, %mul3A_75, %reduce_sum3A_76 [1] : vector<256x8xf32> to vector<256xf32>
    %broadcast_in_dim3A_78 = vector.shape_cast %reduce_sum3A_77 : vector<256xf32> to vector<256x1xf32>
    %add3A_79 = arith.addf %broadcast_in_dim3A_73, %broadcast_in_dim3A_78 : vector<256x1xf32>
    %reduce_sum3A_80 = arith.constant dense<0.000000e+00> : vector<8xf32>
    %reduce_sum3A_81 = vector.multi_reduction <add>, %slice3A_66, %reduce_sum3A_80 [0] : vector<256x8xf32> to vector<8xf32>
    %broadcast_in_dim3A_82 = vector.shape_cast %reduce_sum3A_81 : vector<8xf32> to vector<1x8xf32>
    %add3A_83 = arith.addf %add3A_65, %broadcast_in_dim3A_82 : vector<1x8xf32>
    %slice3A_84 = vector.extract_strided_slice %convert_element_type3A_22 {offsets = [768, 0], sizes = [256, 8], strides = [1, 1]} : vector<2048x8xf32> to vector<256x8xf32>
    %convert_element_type3A_85 = arith.truncf %slice3A_84 : vector<256x8xf32> to vector<256x8xbf16>
    %dot_general3A_86 = arith.constant dense<0.000000e+00> : vector<256x8xf32>
    %dot_general3A_87 = tpu.matmul %convert_element_type3A_27, %convert_element_type3A_85, %dot_general3A_86 {dimension_numbers = #tpu.dot_dimension_numbers<[1], [0], [0], [1], [0, 0, 1, 1], [], []>, transpose_lhs_hint = false} : vector<256x256xbf16>, vector<256x8xbf16>, vector<256x8xf32> -> vector<256x8xf32>
    %mul3A_88 = arith.mulf %dot_general3A_87, %slice3A_84 : vector<256x8xf32>
    %reduce_sum3A_89 = arith.constant dense<0.000000e+00> : vector<256xf32>
    %reduce_sum3A_90 = vector.multi_reduction <add>, %mul3A_88, %reduce_sum3A_89 [1] : vector<256x8xf32> to vector<256xf32>
    %broadcast_in_dim3A_91 = vector.shape_cast %reduce_sum3A_90 : vector<256xf32> to vector<256x1xf32>
    %mul3A_92 = vector.broadcast %add3A_83 : vector<1x8xf32> to vector<256x8xf32>
    %mul3A_93 = arith.mulf %slice3A_84, %mul3A_92 : vector<256x8xf32>
    %reduce_sum3A_94 = arith.constant dense<0.000000e+00> : vector<256xf32>
    %reduce_sum3A_95 = vector.multi_reduction <add>, %mul3A_93, %reduce_sum3A_94 [1] : vector<256x8xf32> to vector<256xf32>
    %broadcast_in_dim3A_96 = vector.shape_cast %reduce_sum3A_95 : vector<256xf32> to vector<256x1xf32>
    %add3A_97 = arith.addf %broadcast_in_dim3A_91, %broadcast_in_dim3A_96 : vector<256x1xf32>
    %reduce_sum3A_98 = arith.constant dense<0.000000e+00> : vector<8xf32>
    %reduce_sum3A_99 = vector.multi_reduction <add>, %slice3A_84, %reduce_sum3A_98 [0] : vector<256x8xf32> to vector<8xf32>
    %broadcast_in_dim3A_100 = vector.shape_cast %reduce_sum3A_99 : vector<8xf32> to vector<1x8xf32>
    %add3A_101 = arith.addf %add3A_83, %broadcast_in_dim3A_100 : vector<1x8xf32>
    %slice3A_102 = vector.extract_strided_slice %convert_element_type3A_22 {offsets = [1024, 0], sizes = [256, 8], strides = [1, 1]} : vector<2048x8xf32> to vector<256x8xf32>
    %convert_element_type3A_103 = arith.truncf %slice3A_102 : vector<256x8xf32> to vector<256x8xbf16>
    %dot_general3A_104 = arith.constant dense<0.000000e+00> : vector<256x8xf32>
    %dot_general3A_105 = tpu.matmul %convert_element_type3A_27, %convert_element_type3A_103, %dot_general3A_104 {dimension_numbers = #tpu.dot_dimension_numbers<[1], [0], [0], [1], [0, 0, 1, 1], [], []>, transpose_lhs_hint = false} : vector<256x256xbf16>, vector<256x8xbf16>, vector<256x8xf32> -> vector<256x8xf32>
    %mul3A_106 = arith.mulf %dot_general3A_105, %slice3A_102 : vector<256x8xf32>
    %reduce_sum3A_107 = arith.constant dense<0.000000e+00> : vector<256xf32>
    %reduce_sum3A_108 = vector.multi_reduction <add>, %mul3A_106, %reduce_sum3A_107 [1] : vector<256x8xf32> to vector<256xf32>
    %broadcast_in_dim3A_109 = vector.shape_cast %reduce_sum3A_108 : vector<256xf32> to vector<256x1xf32>
    %mul3A_110 = vector.broadcast %add3A_101 : vector<1x8xf32> to vector<256x8xf32>
    %mul3A_111 = arith.mulf %slice3A_102, %mul3A_110 : vector<256x8xf32>
    %reduce_sum3A_112 = arith.constant dense<0.000000e+00> : vector<256xf32>
    %reduce_sum3A_113 = vector.multi_reduction <add>, %mul3A_111, %reduce_sum3A_112 [1] : vector<256x8xf32> to vector<256xf32>
    %broadcast_in_dim3A_114 = vector.shape_cast %reduce_sum3A_113 : vector<256xf32> to vector<256x1xf32>
    %add3A_115 = arith.addf %broadcast_in_dim3A_109, %broadcast_in_dim3A_114 : vector<256x1xf32>
    %reduce_sum3A_116 = arith.constant dense<0.000000e+00> : vector<8xf32>
    %reduce_sum3A_117 = vector.multi_reduction <add>, %slice3A_102, %reduce_sum3A_116 [0] : vector<256x8xf32> to vector<8xf32>
    %broadcast_in_dim3A_118 = vector.shape_cast %reduce_sum3A_117 : vector<8xf32> to vector<1x8xf32>
    %add3A_119 = arith.addf %add3A_101, %broadcast_in_dim3A_118 : vector<1x8xf32>
    %slice3A_120 = vector.extract_strided_slice %convert_element_type3A_22 {offsets = [1280, 0], sizes = [256, 8], strides = [1, 1]} : vector<2048x8xf32> to vector<256x8xf32>
    %convert_element_type3A_121 = arith.truncf %slice3A_120 : vector<256x8xf32> to vector<256x8xbf16>
    %dot_general3A_122 = arith.constant dense<0.000000e+00> : vector<256x8xf32>
    %dot_general3A_123 = tpu.matmul %convert_element_type3A_27, %convert_element_type3A_121, %dot_general3A_122 {dimension_numbers = #tpu.dot_dimension_numbers<[1], [0], [0], [1], [0, 0, 1, 1], [], []>, transpose_lhs_hint = false} : vector<256x256xbf16>, vector<256x8xbf16>, vector<256x8xf32> -> vector<256x8xf32>
    %mul3A_124 = arith.mulf %dot_general3A_123, %slice3A_120 : vector<256x8xf32>
    %reduce_sum3A_125 = arith.constant dense<0.000000e+00> : vector<256xf32>
    %reduce_sum3A_126 = vector.multi_reduction <add>, %mul3A_124, %reduce_sum3A_125 [1] : vector<256x8xf32> to vector<256xf32>
    %broadcast_in_dim3A_127 = vector.shape_cast %reduce_sum3A_126 : vector<256xf32> to vector<256x1xf32>
    %mul3A_128 = vector.broadcast %add3A_119 : vector<1x8xf32> to vector<256x8xf32>
    %mul3A_129 = arith.mulf %slice3A_120, %mul3A_128 : vector<256x8xf32>
    %reduce_sum3A_130 = arith.constant dense<0.000000e+00> : vector<256xf32>
    %reduce_sum3A_131 = vector.multi_reduction <add>, %mul3A_129, %reduce_sum3A_130 [1] : vector<256x8xf32> to vector<256xf32>
    %broadcast_in_dim3A_132 = vector.shape_cast %reduce_sum3A_131 : vector<256xf32> to vector<256x1xf32>
    %add3A_133 = arith.addf %broadcast_in_dim3A_127, %broadcast_in_dim3A_132 : vector<256x1xf32>
    %reduce_sum3A_134 = arith.constant dense<0.000000e+00> : vector<8xf32>
    %reduce_sum3A_135 = vector.multi_reduction <add>, %slice3A_120, %reduce_sum3A_134 [0] : vector<256x8xf32> to vector<8xf32>
    %broadcast_in_dim3A_136 = vector.shape_cast %reduce_sum3A_135 : vector<8xf32> to vector<1x8xf32>
    %add3A_137 = arith.addf %add3A_119, %broadcast_in_dim3A_136 : vector<1x8xf32>
    %slice3A_138 = vector.extract_strided_slice %convert_element_type3A_22 {offsets = [1536, 0], sizes = [256, 8], strides = [1, 1]} : vector<2048x8xf32> to vector<256x8xf32>
    %convert_element_type3A_139 = arith.truncf %slice3A_138 : vector<256x8xf32> to vector<256x8xbf16>
    %dot_general3A_140 = arith.constant dense<0.000000e+00> : vector<256x8xf32>
    %dot_general3A_141 = tpu.matmul %convert_element_type3A_27, %convert_element_type3A_139, %dot_general3A_140 {dimension_numbers = #tpu.dot_dimension_numbers<[1], [0], [0], [1], [0, 0, 1, 1], [], []>, transpose_lhs_hint = false} : vector<256x256xbf16>, vector<256x8xbf16>, vector<256x8xf32> -> vector<256x8xf32>
    %mul3A_142 = arith.mulf %dot_general3A_141, %slice3A_138 : vector<256x8xf32>
    %reduce_sum3A_143 = arith.constant dense<0.000000e+00> : vector<256xf32>
    %reduce_sum3A_144 = vector.multi_reduction <add>, %mul3A_142, %reduce_sum3A_143 [1] : vector<256x8xf32> to vector<256xf32>
    %broadcast_in_dim3A_145 = vector.shape_cast %reduce_sum3A_144 : vector<256xf32> to vector<256x1xf32>
    %mul3A_146 = vector.broadcast %add3A_137 : vector<1x8xf32> to vector<256x8xf32>
    %mul3A_147 = arith.mulf %slice3A_138, %mul3A_146 : vector<256x8xf32>
    %reduce_sum3A_148 = arith.constant dense<0.000000e+00> : vector<256xf32>
    %reduce_sum3A_149 = vector.multi_reduction <add>, %mul3A_147, %reduce_sum3A_148 [1] : vector<256x8xf32> to vector<256xf32>
    %broadcast_in_dim3A_150 = vector.shape_cast %reduce_sum3A_149 : vector<256xf32> to vector<256x1xf32>
    %add3A_151 = arith.addf %broadcast_in_dim3A_145, %broadcast_in_dim3A_150 : vector<256x1xf32>
    %reduce_sum3A_152 = arith.constant dense<0.000000e+00> : vector<8xf32>
    %reduce_sum3A_153 = vector.multi_reduction <add>, %slice3A_138, %reduce_sum3A_152 [0] : vector<256x8xf32> to vector<8xf32>
    %broadcast_in_dim3A_154 = vector.shape_cast %reduce_sum3A_153 : vector<8xf32> to vector<1x8xf32>
    %add3A_155 = arith.addf %add3A_137, %broadcast_in_dim3A_154 : vector<1x8xf32>
    %slice3A_156 = vector.extract_strided_slice %convert_element_type3A_22 {offsets = [1792, 0], sizes = [256, 8], strides = [1, 1]} : vector<2048x8xf32> to vector<256x8xf32>
    %convert_element_type3A_157 = arith.truncf %slice3A_156 : vector<256x8xf32> to vector<256x8xbf16>
    %dot_general3A_158 = arith.constant dense<0.000000e+00> : vector<256x8xf32>
    %dot_general3A_159 = tpu.matmul %convert_element_type3A_27, %convert_element_type3A_157, %dot_general3A_158 {dimension_numbers = #tpu.dot_dimension_numbers<[1], [0], [0], [1], [0, 0, 1, 1], [], []>, transpose_lhs_hint = false} : vector<256x256xbf16>, vector<256x8xbf16>, vector<256x8xf32> -> vector<256x8xf32>
    %mul3A_160 = arith.mulf %dot_general3A_159, %slice3A_156 : vector<256x8xf32>
    %reduce_sum3A_161 = arith.constant dense<0.000000e+00> : vector<256xf32>
    %reduce_sum3A_162 = vector.multi_reduction <add>, %mul3A_160, %reduce_sum3A_161 [1] : vector<256x8xf32> to vector<256xf32>
    %broadcast_in_dim3A_163 = vector.shape_cast %reduce_sum3A_162 : vector<256xf32> to vector<256x1xf32>
    %mul3A_164 = vector.broadcast %add3A_155 : vector<1x8xf32> to vector<256x8xf32>
    %mul3A_165 = arith.mulf %slice3A_156, %mul3A_164 : vector<256x8xf32>
    %reduce_sum3A_166 = arith.constant dense<0.000000e+00> : vector<256xf32>
    %reduce_sum3A_167 = vector.multi_reduction <add>, %mul3A_165, %reduce_sum3A_166 [1] : vector<256x8xf32> to vector<256xf32>
    %broadcast_in_dim3A_168 = vector.shape_cast %reduce_sum3A_167 : vector<256xf32> to vector<256x1xf32>
    %add3A_169 = arith.addf %broadcast_in_dim3A_163, %broadcast_in_dim3A_168 : vector<256x1xf32>
    %reduce_sum3A_170 = arith.constant dense<0.000000e+00> : vector<8xf32>
    %reduce_sum3A_171 = vector.multi_reduction <add>, %slice3A_156, %reduce_sum3A_170 [0] : vector<256x8xf32> to vector<8xf32>
    %broadcast_in_dim3A_172 = vector.shape_cast %reduce_sum3A_171 : vector<8xf32> to vector<1x8xf32>
    %add3A_173 = arith.addf %add3A_155, %broadcast_in_dim3A_172 : vector<1x8xf32>
    %concatenate3A = tpu.concatenate %add3A_43, %add3A_61, %add3A_79, %add3A_97, %add3A_115, %add3A_133, %add3A_151, %add3A_169 in 0 : vector<256x1xf32>, vector<256x1xf32>, vector<256x1xf32>, vector<256x1xf32>, vector<256x1xf32>, vector<256x1xf32>, vector<256x1xf32>, vector<256x1xf32> -> vector<2048x1xf32>
    %convert_element_type3A_174 = arith.fptosi %concatenate3A : vector<2048x1xf32> to vector<2048x1xi32>
    %convert_element_type3A_175 = arith.fptosi %add3A_173 : vector<1x8xf32> to vector<1x8xi32>
    %swap3A = arith.constant 0 : index
    %swap3A_176 = arith.constant 0 : index
    %swap3A_177 = vector.load %arg6[%swap3A, %swap3A_176] : memref<1x8xi32, #tpu.memory_space<vmem>>, vector<1x8xi32>
    tpu.vector_store %arg6[%swap3A, %swap3A_176], %convert_element_type3A_175 {strides = array<i32>} : memref<1x8xi32, #tpu.memory_space<vmem>>, vector<1x8xi32>,
    %lt3A = arith.constant 1024 : i32
    %lt3A_178 = vector.broadcast %lt3A : i32 to vector<2048x1xi32>
    %lt3A_179 = arith.cmpi slt, %convert_element_type3A_174, %lt3A_178 : vector<2048x1xi32>
    %mul3A_180 = arith.constant 1024 : i32
    %mul3A_181 = vector.broadcast %mul3A_180 : i32 to vector<2048x1xi32>
    %mul3A_182 = arith.muli %broadcast_in_dim3A_18, %mul3A_181 : vector<2048x1xi32>
    %add3A_183 = arith.addi %mul3A_182, %convert_element_type3A_174 : vector<2048x1xi32>
    %jit3A = arith.constant 8192 : i32
    %broadcast_in_dim3A_184 = vector.broadcast %jit3A : i32 to vector<2048x1xi32>
    %select_n3A = arith.select %lt3A_179, %add3A_183, %broadcast_in_dim3A_184 : vector<2048x1xi1>, vector<2048x1xi32>
    %swap3A_185 = arith.constant 0 : index
    %swap3A_186 = arith.constant 0 : index
    %swap3A_187 = vector.load %arg4[%swap3A_185, %swap3A_186] : memref<2048x1xi32, #tpu.memory_space<vmem>>, vector<2048x1xi32>
    tpu.vector_store %arg4[%swap3A_185, %swap3A_186], %select_n3A {strides = array<i32>} : memref<2048x1xi32, #tpu.memory_space<vmem>>, vector<2048x1xi32>,
    %jit3A_188 = arith.constant 0.000000e+00 : f32
    %broadcast_in_dim3A_189 = vector.broadcast %jit3A_188 : f32 to vector<2048x1xf32>
    %select_n3A_190 = arith.select %lt3A_179, %div3A_17, %broadcast_in_dim3A_189 : vector<2048x1xi1>, vector<2048x1xf32>
    %swap3A_191 = arith.constant 0 : index
    %swap3A_192 = arith.constant 0 : index
    %swap3A_193 = vector.load %arg5[%swap3A_191, %swap3A_192] : memref<2048x1xf32, #tpu.memory_space<vmem>>, vector<2048x1xf32>
    tpu.vector_store %arg5[%swap3A_191, %swap3A_192], %select_n3A_190 {strides = array<i32>} : memref<2048x1xf32, #tpu.memory_space<vmem>>, vector<2048x1xf32>,
    return
  }
  func.func @transform_0(%arg0: i32) -> (i32, i32) {
    %c0_i32 = arith.constant 0 : i32
    %c0_i32_0 = arith.constant 0 : i32
    return %arg0, %c0_i32 : i32, i32
  }
  func.func @transform_1(%arg0: i32) -> (i32, i32) {
    %c0_i32 = arith.constant 0 : i32
    %c0_i32_0 = arith.constant 0 : i32
    %c0_i32_1 = arith.constant 0 : i32
    return %c0_i32, %c0_i32_0 : i32, i32
  }
  func.func @transform_2(%arg0: i32) -> (i32, i32) {
    %c0_i32 = arith.constant 0 : i32
    %c0_i32_0 = arith.constant 0 : i32
    %c0_i32_1 = arith.constant 0 : i32
    return %c0_i32, %c0_i32_0 : i32, i32
  }
  func.func @transform_3(%arg0: i32) -> (i32, i32) {
    %c0_i32 = arith.constant 0 : i32
    %c0_i32_0 = arith.constant 0 : i32
    return %arg0, %c0_i32 : i32, i32
  }
  func.func @transform_4(%arg0: i32) -> (i32, i32) {
    %c0_i32 = arith.constant 0 : i32
    %c0_i32_0 = arith.constant 0 : i32
    return %arg0, %c0_i32 : i32, i32
  }
}

module attributes {stable_mosaic.version = 14 : i64} {
  func.func @body(%arg0: i32, %arg1: i32, %arg2: memref<1x1024x1024xf32, #tpu.memory_space<vmem>>, %arg3: memref<1x1024x2048xf32, #tpu.memory_space<vmem>>, %arg4: memref<1x1x2048xf32, #tpu.memory_space<vmem>>, %arg5: memref<1x2048x1024xf32, #tpu.memory_space<vmem>>, %arg6: memref<1x1x1024xf32, #tpu.memory_space<vmem>>, %arg7: memref<1x1024x1xf32, #tpu.memory_space<vmem>>, %arg8: memref<1x1024x1024xf32, #tpu.memory_space<vmem>>, %arg9: memref<1024x1024xf32, #tpu.memory_space<vmem>>) attributes {dimension_semantics = [#tpu.dimension_semantics<arbitrary>, #tpu.dimension_semantics<arbitrary>], iteration_bounds = array<i64: 9, 2>, scalar_prefetch = 0 : i64, scratch_operands = 1 : i64, tpu.core_type = #tpu.core_type<tc>, window_params = [{transform_indices = @transform_0, window_bounds = array<i64: 1, 1024, 1024>}, {transform_indices = @transform_1, window_bounds = array<i64: 1, 1024, 2048>}, {transform_indices = @transform_2, window_bounds = array<i64: 1, 1, 2048>}, {transform_indices = @transform_3, window_bounds = array<i64: 1, 2048, 1024>}, {transform_indices = @transform_4, window_bounds = array<i64: 1, 1, 1024>}, {transform_indices = @transform_5, window_bounds = array<i64: 1, 1024, 1>}, {transform_indices = @transform_6, window_bounds = array<i64: 1, 1024, 1024>}]} {
    %lt3A = arith.constant 8 : i32
    %lt3A_0 = arith.cmpi slt, %arg0, %lt3A : i32
    %eq3A = arith.constant 0 : i32
    %eq3A_1 = arith.cmpi eq, %arg1, %eq3A : i32
    %and3A = arith.andi %lt3A_0, %eq3A_1 : i1
    %convert_element_type3A = arith.extui %and3A : i1 to i32
    %cond3A = arith.constant 0 : i32
    %cond3A_2 = arith.cmpi ne, %convert_element_type3A, %cond3A : i32
    scf.if %cond3A_2 {
      %broadcast_in_dim3A = arith.constant 0.000000e+00 : f32
      %broadcast_in_dim3A_13 = vector.broadcast %broadcast_in_dim3A : f32 to vector<1024x1024xf32>
      %swap3A = arith.constant 0 : index
      %swap3A_14 = arith.constant 0 : index
      %swap3A_15 = vector.load %arg9[%swap3A, %swap3A_14] : memref<1024x1024xf32, #tpu.memory_space<vmem>>, vector<1024x1024xf32>
      tpu.vector_store %arg9[%swap3A, %swap3A_14], %broadcast_in_dim3A_13 {strides = array<i32>} : memref<1024x1024xf32, #tpu.memory_space<vmem>>, vector<1024x1024xf32>,
    } else {
    }
    %lt3A_3 = arith.constant 8 : i32
    %lt3A_4 = arith.cmpi slt, %arg0, %lt3A_3 : i32
    %convert_element_type3A_5 = arith.extui %lt3A_4 : i1 to i32
    %cond3A_6 = arith.constant 0 : i32
    %cond3A_7 = arith.cmpi ne, %convert_element_type3A_5, %cond3A_6 : i32
    scf.if %cond3A_7 {
      %get3A = arith.constant 0 : index
      %get3A_13 = arith.constant 0 : index
      %get3A_14 = arith.constant 0 : index
      %get3A_15 = vector.load %arg2[%get3A, %get3A_13, %get3A_14] : memref<1x1024x1024xf32, #tpu.memory_space<vmem>>, vector<1x1024x1024xf32>
      %get3A_16 = vector.shape_cast %get3A_15 : vector<1x1024x1024xf32> to vector<1024x1024xf32>
      %convert_element_type3A_17 = arith.truncf %get3A_16 : vector<1024x1024xf32> to vector<1024x1024xbf16>
      %get3A_18 = arith.constant 0 : index
      %get3A_19 = arith.constant 0 : index
      %get3A_20 = arith.constant 0 : index
      %get3A_21 = vector.load %arg3[%get3A_18, %get3A_19, %get3A_20] : memref<1x1024x2048xf32, #tpu.memory_space<vmem>>, vector<1x1024x2048xf32>
      %get3A_22 = vector.shape_cast %get3A_21 : vector<1x1024x2048xf32> to vector<1024x2048xf32>
      %convert_element_type3A_23 = arith.truncf %get3A_22 : vector<1024x2048xf32> to vector<1024x2048xbf16>
      %dot_general3A = arith.constant dense<0.000000e+00> : vector<1024x2048xf32>
      %dot_general3A_24 = tpu.matmul %convert_element_type3A_17, %convert_element_type3A_23, %dot_general3A {dimension_numbers = #tpu.dot_dimension_numbers<[1], [0], [0], [1], [0, 0, 1, 1], [], []>, transpose_lhs_hint = false} : vector<1024x1024xbf16>, vector<1024x2048xbf16>, vector<1024x2048xf32> -> vector<1024x2048xf32>
      %get3A_25 = arith.constant 0 : index
      %get3A_26 = arith.constant 0 : index
      %get3A_27 = arith.constant 0 : index
      %get3A_28 = vector.load %arg4[%get3A_25, %get3A_26, %get3A_27] : memref<1x1x2048xf32, #tpu.memory_space<vmem>>, vector<1x1x2048xf32>
      %get3A_29 = vector.shape_cast %get3A_28 : vector<1x1x2048xf32> to vector<1x2048xf32>
      %add3A = vector.broadcast %get3A_29 : vector<1x2048xf32> to vector<1024x2048xf32>
      %add3A_30 = arith.addf %dot_general3A_24, %add3A : vector<1024x2048xf32>
      %max3A = arith.constant 0.000000e+00 : f32
      %max3A_31 = vector.broadcast %max3A : f32 to vector<1024x2048xf32>
      %max3A_32 = arith.maximumf %add3A_30, %max3A_31 : vector<1024x2048xf32>
      %convert_element_type3A_33 = arith.truncf %max3A_32 : vector<1024x2048xf32> to vector<1024x2048xbf16>
      %get3A_34 = arith.constant 0 : index
      %get3A_35 = arith.constant 0 : index
      %get3A_36 = vector.load %arg9[%get3A_34, %get3A_35] : memref<1024x1024xf32, #tpu.memory_space<vmem>>, vector<1024x1024xf32>
      %get3A_37 = arith.constant 0 : index
      %get3A_38 = arith.constant 0 : index
      %get3A_39 = arith.constant 0 : index
      %get3A_40 = vector.load %arg5[%get3A_37, %get3A_38, %get3A_39] : memref<1x2048x1024xf32, #tpu.memory_space<vmem>>, vector<1x2048x1024xf32>
      %get3A_41 = vector.shape_cast %get3A_40 : vector<1x2048x1024xf32> to vector<2048x1024xf32>
      %convert_element_type3A_42 = arith.truncf %get3A_41 : vector<2048x1024xf32> to vector<2048x1024xbf16>
      %dot_general3A_43 = arith.constant dense<0.000000e+00> : vector<1024x1024xf32>
      %dot_general3A_44 = tpu.matmul %convert_element_type3A_33, %convert_element_type3A_42, %dot_general3A_43 {dimension_numbers = #tpu.dot_dimension_numbers<[1], [0], [0], [1], [0, 0, 1, 1], [], []>, transpose_lhs_hint = false} : vector<1024x2048xbf16>, vector<2048x1024xbf16>, vector<1024x1024xf32> -> vector<1024x1024xf32>
      %add3A_45 = arith.addf %get3A_36, %dot_general3A_44 : vector<1024x1024xf32>
      %swap3A = arith.constant 0 : index
      %swap3A_46 = arith.constant 0 : index
      %swap3A_47 = vector.load %arg9[%swap3A, %swap3A_46] : memref<1024x1024xf32, #tpu.memory_space<vmem>>, vector<1024x1024xf32>
      tpu.vector_store %arg9[%swap3A, %swap3A_46], %add3A_45 {strides = array<i32>} : memref<1024x1024xf32, #tpu.memory_space<vmem>>, vector<1024x1024xf32>,
    } else {
    }
    %eq3A_8 = arith.constant 1 : i32
    %eq3A_9 = arith.cmpi eq, %arg1, %eq3A_8 : i32
    %convert_element_type3A_10 = arith.extui %eq3A_9 : i1 to i32
    %cond3A_11 = arith.constant 0 : i32
    %cond3A_12 = arith.cmpi ne, %convert_element_type3A_10, %cond3A_11 : i32
    scf.if %cond3A_12 {
      %lt3A_13 = arith.constant 8 : i32
      %lt3A_14 = arith.cmpi slt, %arg0, %lt3A_13 : i32
      %convert_element_type3A_15 = arith.extui %lt3A_14 : i1 to i32
      %cond3A_16 = arith.constant 0 : i32
      %cond3A_17 = arith.cmpi ne, %convert_element_type3A_15, %cond3A_16 : i32
      scf.if %cond3A_17 {
        %get3A = arith.constant 0 : index
        %get3A_23 = arith.constant 0 : index
        %get3A_24 = vector.load %arg9[%get3A, %get3A_23] : memref<1024x1024xf32, #tpu.memory_space<vmem>>, vector<1024x1024xf32>
        %get3A_25 = arith.constant 0 : index
        %get3A_26 = arith.constant 0 : index
        %get3A_27 = arith.constant 0 : index
        %get3A_28 = vector.load %arg6[%get3A_25, %get3A_26, %get3A_27] : memref<1x1x1024xf32, #tpu.memory_space<vmem>>, vector<1x1x1024xf32>
        %get3A_29 = vector.shape_cast %get3A_28 : vector<1x1x1024xf32> to vector<1x1024xf32>
        %add3A = vector.broadcast %get3A_29 : vector<1x1024xf32> to vector<1024x1024xf32>
        %add3A_30 = arith.addf %get3A_24, %add3A : vector<1024x1024xf32>
        %get3A_31 = arith.constant 0 : index
        %get3A_32 = arith.constant 0 : index
        %get3A_33 = arith.constant 0 : index
        %get3A_34 = vector.load %arg7[%get3A_31, %get3A_32, %get3A_33] : memref<1x1024x1xf32, #tpu.memory_space<vmem>>, vector<1x1024x1xf32>
        %get3A_35 = vector.shape_cast %get3A_34 : vector<1x1024x1xf32> to vector<1024x1xf32>
        %mul3A = vector.broadcast %get3A_35 : vector<1024x1xf32> to vector<1024x1024xf32>
        %mul3A_36 = arith.mulf %add3A_30, %mul3A : vector<1024x1024xf32>
        %swap3A = arith.constant 0 : index
        %swap3A_37 = arith.constant 0 : index
        %swap3A_38 = arith.constant 0 : index
        %swap3A_39 = vector.load %arg8[%swap3A, %swap3A_37, %swap3A_38] : memref<1x1024x1024xf32, #tpu.memory_space<vmem>>, vector<1x1024x1024xf32>
        %swap3A_40 = vector.shape_cast %swap3A_39 : vector<1x1024x1024xf32> to vector<1024x1024xf32>
        %swap3A_41 = vector.shape_cast %mul3A_36 : vector<1024x1024xf32> to vector<1x1024x1024xf32>
        tpu.vector_store %arg8[%swap3A, %swap3A_37, %swap3A_38], %swap3A_41 {strides = array<i32>} : memref<1x1024x1024xf32, #tpu.memory_space<vmem>>, vector<1x1024x1024xf32>,
      } else {
      }
      %eq3A_18 = arith.constant 8 : i32
      %eq3A_19 = arith.cmpi eq, %arg0, %eq3A_18 : i32
      %convert_element_type3A_20 = arith.extui %eq3A_19 : i1 to i32
      %cond3A_21 = arith.constant 0 : i32
      %cond3A_22 = arith.cmpi ne, %convert_element_type3A_20, %cond3A_21 : i32
      scf.if %cond3A_22 {
        %broadcast_in_dim3A = arith.constant 0.000000e+00 : f32
        %broadcast_in_dim3A_23 = vector.broadcast %broadcast_in_dim3A : f32 to vector<1024x1024xf32>
        %swap3A = arith.constant 0 : index
        %swap3A_24 = arith.constant 0 : index
        %swap3A_25 = arith.constant 0 : index
        %swap3A_26 = vector.load %arg8[%swap3A, %swap3A_24, %swap3A_25] : memref<1x1024x1024xf32, #tpu.memory_space<vmem>>, vector<1x1024x1024xf32>
        %swap3A_27 = vector.shape_cast %swap3A_26 : vector<1x1024x1024xf32> to vector<1024x1024xf32>
        %swap3A_28 = vector.shape_cast %broadcast_in_dim3A_23 : vector<1024x1024xf32> to vector<1x1024x1024xf32>
        tpu.vector_store %arg8[%swap3A, %swap3A_24, %swap3A_25], %swap3A_28 {strides = array<i32>} : memref<1x1024x1024xf32, #tpu.memory_space<vmem>>, vector<1x1024x1024xf32>,
      } else {
      }
    } else {
    }
    return
  }
  func.func @transform_0(%arg0: i32, %arg1: i32) -> (i32, i32, i32) {
    %min3A = arith.constant 7 : i32
    %min3A_0 = arith.minsi %arg0, %min3A : i32
    %c0_i32 = arith.constant 0 : i32
    %c0_i32_1 = arith.constant 0 : i32
    %c0_i32_2 = arith.constant 0 : i32
    return %min3A_0, %c0_i32, %c0_i32_1 : i32, i32, i32
  }
  func.func @transform_1(%arg0: i32, %arg1: i32) -> (i32, i32, i32) {
    %min3A = arith.constant 7 : i32
    %min3A_0 = arith.minsi %arg0, %min3A : i32
    %add3A = arith.constant 0 : i32
    %add3A_1 = arith.addi %add3A, %min3A_0 : i32
    %lt3A = arith.constant 8 : i32
    %lt3A_2 = arith.cmpi slt, %arg0, %lt3A : i32
    %jit3A = arith.constant 1 : i32
    %select_n3A = arith.select %lt3A_2, %arg1, %jit3A : i32
    %c0_i32 = arith.constant 0 : i32
    %c0_i32_3 = arith.constant 0 : i32
    return %add3A_1, %c0_i32, %select_n3A : i32, i32, i32
  }
  func.func @transform_2(%arg0: i32, %arg1: i32) -> (i32, i32, i32) {
    %min3A = arith.constant 7 : i32
    %min3A_0 = arith.minsi %arg0, %min3A : i32
    %add3A = arith.constant 0 : i32
    %add3A_1 = arith.addi %add3A, %min3A_0 : i32
    %lt3A = arith.constant 8 : i32
    %lt3A_2 = arith.cmpi slt, %arg0, %lt3A : i32
    %jit3A = arith.constant 1 : i32
    %select_n3A = arith.select %lt3A_2, %arg1, %jit3A : i32
    %c0_i32 = arith.constant 0 : i32
    %c0_i32_3 = arith.constant 0 : i32
    return %add3A_1, %c0_i32, %select_n3A : i32, i32, i32
  }
  func.func @transform_3(%arg0: i32, %arg1: i32) -> (i32, i32, i32) {
    %min3A = arith.constant 7 : i32
    %min3A_0 = arith.minsi %arg0, %min3A : i32
    %add3A = arith.constant 0 : i32
    %add3A_1 = arith.addi %add3A, %min3A_0 : i32
    %lt3A = arith.constant 8 : i32
    %lt3A_2 = arith.cmpi slt, %arg0, %lt3A : i32
    %jit3A = arith.constant 1 : i32
    %select_n3A = arith.select %lt3A_2, %arg1, %jit3A : i32
    %c0_i32 = arith.constant 0 : i32
    %c0_i32_3 = arith.constant 0 : i32
    return %add3A_1, %select_n3A, %c0_i32 : i32, i32, i32
  }
  func.func @transform_4(%arg0: i32, %arg1: i32) -> (i32, i32, i32) {
    %min3A = arith.constant 7 : i32
    %min3A_0 = arith.minsi %arg0, %min3A : i32
    %add3A = arith.constant 0 : i32
    %add3A_1 = arith.addi %add3A, %min3A_0 : i32
    %c0_i32 = arith.constant 0 : i32
    %c0_i32_2 = arith.constant 0 : i32
    %c0_i32_3 = arith.constant 0 : i32
    return %add3A_1, %c0_i32, %c0_i32_2 : i32, i32, i32
  }
  func.func @transform_5(%arg0: i32, %arg1: i32) -> (i32, i32, i32) {
    %min3A = arith.constant 7 : i32
    %min3A_0 = arith.minsi %arg0, %min3A : i32
    %add3A = arith.constant 0 : i32
    %add3A_1 = arith.addi %add3A, %min3A_0 : i32
    %c0_i32 = arith.constant 0 : i32
    %c0_i32_2 = arith.constant 0 : i32
    %c0_i32_3 = arith.constant 0 : i32
    return %add3A_1, %c0_i32, %c0_i32_2 : i32, i32, i32
  }
  func.func @transform_6(%arg0: i32, %arg1: i32) -> (i32, i32, i32) {
    %lt3A = arith.constant 8 : i32
    %lt3A_0 = arith.cmpi slt, %arg0, %lt3A : i32
    %add3A = arith.constant 0 : i32
    %add3A_1 = arith.addi %add3A, %arg0 : i32
    %jit3A = arith.constant 8 : i32
    %select_n3A = arith.select %lt3A_0, %add3A_1, %jit3A : i32
    %c0_i32 = arith.constant 0 : i32
    %c0_i32_2 = arith.constant 0 : i32
    %c0_i32_3 = arith.constant 0 : i32
    return %select_n3A, %c0_i32, %c0_i32_2 : i32, i32, i32
  }
}

</mosaic_0001>

<sc_bundles>
// kernel: kernel.10.cloned.1.call-start
scs
__scs_entry_jumppad:
0x0: {  	(pc) =	sbr.rel $0x88, $3  }
0x1: {  	(tag) =	ssettag $0x0;
	lr =	simm.s32 $0x1  }
0x2: {  	[smem:$0x3F9A] =	sst lr;
	_ =	strace $0xD0000000  }
0x3: {  	_ = 	snop  }
0x4: {  	_ = 	snop  }
0x5: {  	_ = 	snop  }
0x6: {  	_ = 	snop  }
0x7: {  	_ = 	snop  }
__scs_overlays_trampoline_lowered:
0x8: {  	[smem:$0x3FA9] =	sst s0  }
0x9: {  	[smem:$0x3FAA] =	sst s1  }
0xa: {  	[smem:$0x3FAB] =	sst s2  }
0xb: {  	[smem:$0x3FAC] =	sst s3  }
0xc: {  	[smem:$0x3FAD] =	sst s4  }
0xd: {  	[smem:$0x3FAE] =	sst s5  }
0xe: {  	[smem:$0x3FAF] =	sst s6  }
0xf: {  	[smem:$0x3FB0] =	sst s7  }
0x10: {  	[smem:$0x3FB1] =	sst s8  }
0x11: {  	[smem:$0x3FB2] =	sst s9;
	s0 =	simm.s32 @!p0 $0x0  }
0x12: {  	s1 =	sld [smem:$0x3F98];
	s0 =	simm.s32 @p0 $0x1  }
0x13: {  	[smem:$0x3FB3] =	sst s0;
	s0 =	simm.s32 @!p1 $0x0  }
0x14: {  	s2 =	sld [smem:$0x3F97];
	s0 =	simm.s32 @p1 $0x1  }
0x15: {  	[smem:$0x3FB4] =	sst s0;
	s0 =	simm.s32 @!p2 $0x0  }
0x16: {  	s3 =	sld [smem:$0x3FDB];
	s0 =	simm.s32 @p2 $0x1  }
0x17: {  	s4 =	simm.s32 $0x1BF5;
	[smem:$0x3FB6] =	sst s0  }
0x18: {  	s0 =	sld [smem:$0x3F99];
	_ =	swait.ge [sflag:s4], $0x0  }
0x19: {  	s7 =	sld [smem:$0x3F9A]  }
0x1a: {  	s8 =	sadd.s32 $0xFFFFE003, lr  }
0x1b: {  	s9 =	sadd.s32 $0xFFFFFEF7, lr;
	s5 =	simm.s32 $0xFFFFFFFF;
	p2 =	slt.u32 s8, $0xFFFFF086  }
0x1c: {  	p1 =	slt.u32 s9, $0xF7A;
	s5 =	simm.s32 @!p2 $0x0  }
0x1d: {  	s5 =	simm.s32 @p1 $0x1;
	p0 =	seq.s32 s7, s2  }
0x1e: {  	s7 =	smul.u32 @!p0 $0xF7A, s2;
	p2 =	seq.s32 @!p0 s5, $0x0  }
0x1f: {  	s9 =	smul.u32 $0xF7A, s1;
	s8 =	simm.s32 @!p0 $0x1BF5;
	p2 =	por !p2, p0  }
0x20: {  	[sflag:s8] =	ssyncset.s32 @!p0 $0xFFFFF086;
	s6 =	sadd.s32 @!p0 s3, s7;
	s7 =	simm.s32 @!p0 $0x108  }
0x21: {  	s3 =	sadd.s32 s3, s9;
	s6 =	sadd.s32 @!p0 $0x88, s6;
	s7 =	simm.s32 @p2 $0x1082  }
0x22: {  	[simem:s7], [sflag:s8] =	dma.local @!p0 [hbm:s6], $0xF7A  }
0x23: {  	s9 =	sor.u32 $0xD0000000, s2;
	s6 =	simm.s32 $0x108;
	_ =	swait.ge @!p0 [sflag:s8], $0x0  }
0x24: {  	s3 =	sadd.s32 $0x88, s3;
	s6 =	simm.s32 @!p1 $0x1082;
	[sflag:s4] =	ssyncset.s32 $0xFFFFF086  }
0x25: {  	[simem:s6], [sflag:s4] =	dma.local [hbm:s3], $0xF7A  }
0x26: {  	[smem:$0x3F9A] =	sst s1;
	(tag) =	ssettag s2;
	_ =	strace s9  }
0x27: {  	s1 =	sld [smem:$0x3FAA]  }
0x28: {  	s2 =	sld [smem:$0x3FAB]  }
0x29: {  	s4 =	sld [smem:$0x3FAD]  }
0x2a: {  	p0 =	seq.s32 s5, $0x0;
	s5 =	sld [smem:$0x3FAE]  }
0x2b: {  	s6 =	sld [smem:$0x3FAF]  }
0x2c: {  	s7 =	sld [smem:$0x3FB0]  }
0x2d: {  	s3 =	simm.s32 $0x108;
	s8 =	sld [smem:$0x3FB1]  }
0x2e: {  	s3 =	simm.s32 @!p0 $0x1082;
	s9 =	sld [smem:$0x3FB2]  }
0x2f: {  	lr =	sadd.s32 s0, s3;
	s0 =	sld [smem:$0x3FA9]  }
0x30: {  	s3 =	sld [smem:$0x3FAC]  }
0x31: {  	[smem:$0x3FB5] =	sst s10  }
0x32: {  	s10 =	sld [smem:$0x3FB3];
	_ =	sdelay $0x3  }
0x33: {  	p0 =	seq.s32 s10, $0x1;
	s10 =	sld [smem:$0x3FB5];
	_ =	sdelay $0x3  }
0x34: {  	[smem:$0x3FB5] =	sst s10  }
0x35: {  	s10 =	sld [smem:$0x3FB4];
	_ =	sdelay $0x3  }
0x36: {  	p1 =	seq.s32 s10, $0x1;
	s10 =	sld [smem:$0x3FB5];
	_ =	sdelay $0x3  }
0x37: {  	[smem:$0x3FB5] =	sst s10  }
0x38: {  	s10 =	sld [smem:$0x3FB6]  }
0x39: {  	_ = 	snop;
	(pc) =	sbr.ind lr, $3  }
0x3a: {  	_ = 	snop  }
0x3b: {  	_ = 	snop  }
0x3c: {  	p2 =	seq.s32 s10, $0x1;
	s10 =	sld [smem:$0x3FB5]  }
0x3d: {  	_ =	shalt  }
0x3e: {  	_ =	shalt  }
0x3f: {  	_ =	shalt  }
0x40: {  	_ =	shalt  }
0x41: {  	_ =	shalt  }
0x42: {  	_ =	shalt  }
0x43: {  	_ =	shalt  }
0x44: {  	_ =	shalt  }
0x45: {  	_ =	shalt  }
0x46: {  	_ =	shalt  }
0x47: {  	_ =	shalt  }
0x48: {  	_ =	shalt  }
0x49: {  	_ =	shalt  }
0x4a: {  	_ =	shalt  }
0x4b: {  	_ =	shalt  }
0x4c: {  	_ =	shalt  }
0x4d: {  	_ =	shalt  }
0x4e: {  	_ =	shalt  }
0x4f: {  	_ =	shalt  }
0x50: {  	_ =	shalt  }
0x51: {  	_ =	shalt  }
0x52: {  	_ =	shalt  }
0x53: {  	_ =	shalt  }
0x54: {  	_ =	shalt  }
0x55: {  	_ =	shalt  }
0x56: {  	_ =	shalt  }
0x57: {  	_ =	shalt  }
0x58: {  	_ =	shalt  }
0x59: {  	_ =	shalt  }
0x5a: {  	_ =	shalt  }
0x5b: {  	_ =	shalt  }
0x5c: {  	_ =	shalt  }
0x5d: {  	_ =	shalt  }
0x5e: {  	_ =	shalt  }
0x5f: {  	_ =	shalt  }
0x60: {  	_ =	shalt  }
0x61: {  	_ =	shalt  }
0x62: {  	_ =	shalt  }
0x63: {  	_ =	shalt  }
0x64: {  	_ =	shalt  }
0x65: {  	_ =	shalt  }
0x66: {  	_ =	shalt  }
0x67: {  	_ =	shalt  }
0x68: {  	_ =	shalt  }
0x69: {  	_ =	shalt  }
0x6a: {  	_ =	shalt  }
0x6b: {  	_ =	shalt  }
0x6c: {  	_ =	shalt  }
0x6d: {  	_ =	shalt  }
0x6e: {  	_ =	shalt  }
0x6f: {  	_ =	shalt  }
0x70: {  	_ =	shalt  }
0x71: {  	_ =	shalt  }
0x72: {  	_ =	shalt  }
0x73: {  	_ =	shalt  }
0x74: {  	_ =	shalt  }
0x75: {  	_ =	shalt  }
0x76: {  	_ =	shalt  }
0x77: {  	_ =	shalt  }
0x78: {  	_ =	shalt  }
0x79: {  	_ =	shalt  }
0x7a: {  	_ =	shalt  }
0x7b: {  	_ =	shalt  }
0x7c: {  	_ =	shalt  }
0x7d: {  	_ =	shalt  }
0x7e: {  	_ =	shalt  }
0x7f: {  	_ =	shalt  }
0x80: {  	_ =	shalt  }
0x81: {  	_ =	shalt  }
0x82: {  	_ =	shalt  }
0x83: {  	_ =	shalt  }
0x84: {  	_ =	shalt  }
0x85: {  	_ =	shalt  }
0x86: {  	_ =	shalt  }
0x87: {  	_ =	shalt  }
.Lfunc_end0:
.L_simem_size_0:
called_computation.1_lowered:
.L_overlay_start_0:
0x88: {  	s2 =	sld [smem:$0x3FD9]  }
0x89: {  	s3 =	sld [smem:$0x3FFE];
	_ =	sdelay $0x1  }
0x8a: {  	s1 =	srdreg.scid  }
0x8b: {  	s0 =	sand.u32 $0x1, s1  }
0x8c: {  	s17 =	sshll.u32 s0, $0xA;
	s2 =	sadd.s32 s3, s2  }
0x8d: {  	s2 =	sadd.s32 s2, s17  }
0x8e: {  	[smem:$0x3FC1] =	sst s2  }
0x8f: {  	_ = 	snop  }
0x90: {  	s2 =	sld [smem:$0x3FC9]  }
0x91: {  	s18 =	sld [smem:$0x3FD0];
	(tm) =	ssettm $0x1  }
0x92: {  	s4 =	sld [smem:$0x3FFB];
	_ =	sdelay $0x3  }
0x93: {  	_ =	strace s4  }
0x94: {  	s4 =	sld [smem:$0x3FFC];
	_ =	sdelay $0x3  }
0x95: {  	_ =	strace s4  }
0x96: {  	s4 =	sld [smem:$0x3FFD];
	_ =	sdelay $0x3  }
0x97: {  	_ =	strace s4  }
0x98: {  	_ =	strace $0x8FFFFFFF  }
0x99: {  	s19 =	sld [smem:$0x3FDB];
	_ =	sdelay $0x1  }
0x9a: {  	s5 =	simm.s32 $_scs_section_size  }
0x9b: {  	s6 =	simm.s32 $_size__tile_overlayer_lowered;
	s7 =	simm.s32 $_tile_overlayer_lowered  }
0x9c: {  	s22 =	simm.s32 $0x1BFF;
	s21 =	sshll.u32 s7, $0x1;
	s4 =	sadd.s32 s5, s19  }
0x9d: {  	s8 =	simm.s32 $0x0;
	s20 =	sshll.u32 s6, $0x1;
	s6 =	sadd.s32 s21, s4  }
0x9e: {  	[timem:s8], [sflag:s22] =	dma.local [hbm:s6], s20  }
0x9f: {  	_ =	swait.ge [sflag:s22], s20  }
0xa0: {  	s5 =	ssub.s32 $0x0, s20;
	[sflag:s22] =	ssyncset.done $0x0  }
0xa1: {  	[sflag:s22] =	ssyncadd.s32 s5;
	_ =	sdelay $0x1  }
0xa2: {  	s23 =	simm.s32 $0x1B8B  }
0xa3: {  	_ =	swait.ge [sflag:s23], $0x1  }
0xa4: {  	[sflag:s23] =	ssyncset.done $0x0  }
0xa5: {  	s25 =	simm.s32 $0x1B8E;
	s24 =	sld [smem:$0x3FFE];
	[sflag:s23] =	ssyncadd.s32 $0xFFFFFFFF  }
0xa6: {  	s26 =	simm.s32 $execute0_lowered;
	[smem:$0x3FD2] =	sst s25  }
0xa7: {  	s6 =	sshll.u32 s26, $0x1;
	_ =	strace $0x80000049;
	[dreg:$0x1] =	wrdreg $0xFFFFFFFF  }
0xa8: {  	s28 =	simm.s32 $_size_execute0_lowered;
	s4 =	sadd.s32 s4, s6;
	[dreg:$0x0] =	wrdreg $0x0  }
0xa9: {  	s6 =	sshll.u32 s28, $0x1;
	[dreg:$0x2] =	wrdreg s4  }
0xaa: {  	[dreg:$0x3] =	wrdreg s6  }
0xab: {  	[dreg:$0x4] =	wrdreg $0xC0  }
0xac: {  	_ =	task [dreg:s8], $0x5FFFF  }
0xad: {  	[dreg:$0x1] =	wrdreg $0xFFFFFFFF  }
0xae: {  	[dreg:$0x0] =	wrdreg $0x60  }
0xaf: {  	[dreg:$0x2] =	wrdreg s2  }
0xb0: {  	[dreg:$0x3] =	wrdreg s24  }
0xb1: {  	[dreg:$0x4] =	wrdreg s18  }
0xb2: {  	[dreg:$0x5] =	wrdreg $0x9  }
0xb3: {  	_ =	task.clear_ibuf [dreg:s8], $0x6FFFF;
	_ =	strace $0x90000049  }
0xb4: {  	s29 =	simm.s32 $0x9;
	_ =	strace $0x8000004B  }
0xb5: {  	_ =	swait.ge [sflag:s29], $0x1  }
0xb6: {  	[sflag:s29] =	ssyncadd.s32 $0xFFFFFFFF  }
0xb7: {  	_ =	strace $0x9000004B  }
0xb8: {  	_ =	sfence  }
0xb9: {  	s30 =	sld [smem:$0x0];
	_ =	sdelay $0x2  }
0xba: {  	s31 =	sshll.u32 s1, $0xD;
	s1 =	sshrl.u32 s1, $0x2  }
0xbb: {  	s3 =	sand.u32 $0x4000, s31;
	s1 =	sadd.s32 s1, s30  }
0xbc: {  	s0 =	sor.u32 s3, s0;
	s1 =	sshll.u32 s1, $0x11  }
0xbd: {  	s0 =	sor.u32 s1, s0  }
0xbe: {  	s0 =	sadd.s32 $0x8F2B, s0  }
0xbf: {  	[sflag:s0] =	ssyncadd.remote.s32 $0x1  }
0xc0: {  	_ =	sfence.sel $0xFFFF  }
0xc1: {  	[dreg:$0x0] =	wrdreg $0xFFFFFFFF;
	(pc) =	sbr.abs _section_cstart, $3  }
0xc2: {  	[dreg:$0x1] =	wrdreg $0xFFFFFFFF  }
0xc3: {  	_ =	task.clear_ibuf [dreg:s8], $0x2FFFF;
	_ =	strace $0x9FFFFFFF  }
0xc4: {  	(tm) =	ssettm $0x7FFFFFFF  }
0xc5: {  	_ =	shalt  }
tec
execute0_lowered:
.L_overlay_start_1:
0x0: {  	(tag) =	ssettag $0x1  }
0x1: {  	s1 =	rddreg [dreg:$0x0]  }
0x2: {  	s2 =	rddreg [dreg:$0x1];
	s3 =	srdreg.scid  }
0x3: {  	s0 =	rddreg [dreg:$0x2];
	s6 =	stileid.u32;
	s4 =	sand.u32 $0x1, s3  }
0x4: {  	s3 =	simm.s32 $0x0;
	s6 =	sshll.u32 s6, $0x8;
	s2 =	sadd.s32 $0x1800, s2  }
0x5: {  	s5 =	sshll.u32 s4, $0xC;
	[smem:$0x7FF] =	sst s3;
	s4 =	ssub.s32 $0x2, s4  }
0x6: {  	s5 =	sor.u32 s6, s5;
	_ =	strace $0x8000004A;
	s18 =	sshrl.u32 s4, $0x1  }
0x7: {  	s6 =	sshrl.u32 s5, $0x3;
	s7 =	sor.u32 $0x20, s5;
	s31 =	sshll.u32 s5, $0x7  }
0x8: {  	s10 =	sor.u32 $0x40, s5;
	s17 =	sor.u32 $0x80, s5;
	s24 =	sor.u32 $0xC0, s5  }
0x9: {  	s6 =	sadd.s32 s2, s6;
	s8 =	sshrl.u32 s7, $0x3;
	s9 =	sadd.s32 s0, s31  }
0xa: {  	s11 =	sshrl.u32 s10, $0x3;
	s7 =	sshll.u32 s7, $0x7;
	s15 =	sshll.u32 s10, $0x7  }
0xb: {  	s19 =	sshrl.u32 s17, $0x3;
	s10 =	sor.u32 $0xA0, s5;
	[dreg:$0x4] =	wrdreg s6  }
0xc: {  	s25 =	sshrl.u32 s24, $0x3;
	s30 =	sadd.s32 s2, s8;
	[dreg:$0x6] =	wrdreg s9  }
0xd: {  	s6 =	sadd.s32 s2, s11;
	s9 =	sor.u32 $0x60, s5;
	s12 =	sadd.s32 s0, s7  }
0xe: {  	s16 =	sadd.s32 s0, s15;
	s21 =	sshrl.u32 s10, $0x3;
	s7 =	sshll.u32 s17, $0x7  }
0xf: {  	s8 =	ssub.s32 s4, s18;
	s4 =	sadd.s32 s2, s25;
	[dreg:$0x5] =	wrdreg s30  }
0x10: {  	s26 =	sshll.u32 s10, $0x7;
	s5 =	sor.u32 $0xE0, s5;
	[dreg:$0x7] =	wrdreg s6  }
0x11: {  	s25 =	simm.s32 $0x1;
	s13 =	sshrl.u32 s9, $0x3;
	[dreg:$0x8] =	wrdreg s12  }
0x12: {  	[dreg:$0xa] =	wrdreg s16;
	s6 =	sadd.s32 s2, s19;
	s9 =	sshll.u32 s9, $0x7  }
0x13: {  	s22 =	sadd.s32 s2, s21;
	s23 =	sadd.s32 s0, s7;
	[dreg:$0xf] =	wrdreg s4  }
0x14: {  	s28 =	sadd.s32 s0, s26;
	s29 =	sshrl.u32 s5, $0x3;
	[dreg:$0xb] =	wrdreg s6  }
0x15: {  	s30 =	sshll.u32 s24, $0x7;
	s5 =	sshll.u32 s5, $0x7;
	[dreg:$0xd] =	wrdreg s22  }
0x16: {  	s4 =	sadd.s32 $0x100, s1;
	s7 =	smax.u32 s8, $0x1;
	[dreg:$0xe] =	wrdreg s23  }
0x17: {  	s8 =	simm.s32 $0x5;
	s14 =	sadd.s32 s2, s13;
	[dreg:$0x10] =	wrdreg s28  }
0x18: {  	s21 =	simm.s32 $0x3;
	s20 =	sadd.s32 s0, s9;
	[dreg:$0x9] =	wrdreg s14  }
0x19: {  	s2 =	sadd.s32 s2, s29;
	s31 =	sadd.s32 s0, s30;
	[dreg:$0xc] =	wrdreg s20  }
0x1a: {  	v2 =	vlaneseq.u32;
	s0 =	sadd.s32 s0, s5;
	s5 =	sadd.s32 $0x200, s1;
	[dreg:$0x11] =	wrdreg s2  }
0x1b: {  	vm0 =	vmmov $0xffff;
	v1 =	vshrl.u32 v2, $0x3;
	s6 =	sadd.s32 $0x300, s1;
	s22 =	simm.s32 $0x4;
	[dreg:$0x12] =	wrdreg s31  }
0x1c: {  	v0 =	vand.u32 $0x7, v2;
	v2 =	vor.u32 $0x8, v2;
	v1 =	vmul.u32 $0x8, v1;
	[dreg:$0x13] =	wrdreg s0;
	s20 =	simm.s32 $0x2;
	s2 =	simm.s32 $0x8100  }
.LBB2_1:
0x1d: {  	s23 =	rddreg [dreg:$0x4]  }
0x1e: {  	[tilespmem:s3], [sflag:$0x5] =	stream.linear.gather [hbm4b:s23+s3], $0x20, $0x38;
	[tilespmem:$0x10100] =	vst v63  }
0x1f: {  	_ =	swait.ge [sflag:s8], $0x20  }
0x20: {  	[sflag:s8] =	ssyncset.done $0x0  }
0x21: {  	[sflag:s8] =	ssyncadd.s32 $0xFFFFFFE0  }
0x22: {  	v3 =	vld [tilespmem:$0x0];
	_ =	sdelay $0x4  }
0x23: {  	v4 =	vshll.u32 v3, $0x3  }
0x24: {  	v3 =	vand.u32 $0x7, v3;
	v4 =	vand.u32 $0xFFFFFFC0, v4  }
0x25: {  	v3 =	vor.u32 v3, v4  }
0x26: {  	v4 =	vperm.xlane v3, v0;
	_ =	sdelay $0x1  }
0x27: {  	v4 =	vadd.s32 v1, v4;
	_ =	sdelay $0x3  }
0x28: {  	s0 =	simm.s32 $0x100  }
0x29: {  	[tilespmem:s0], [sflag:$0x1] =	stream.indirect_vreg.gather [hbm4b:s1+s3], $0x80, v4, vm0, $0xb8;
	[tilespmem:$0x10100] =	vst v63  }
0x2a: {  	s10 =	simm.s32 $0x900;
	v3 =	vperm.xlane v3, v2  }
0x2b: {  	[tilespmem:s10], [sflag:$0x1] =	stream.indirect_vreg.gather [hbm4b:s4+s3], $0x80, v4, vm0, $0xb8;
	[tilespmem:$0x10100] =	vst v63  }
0x2c: {  	s11 =	simm.s32 $0x1100;
	v3 =	vadd.s32 v1, v3  }
0x2d: {  	[tilespmem:s11], [sflag:$0x1] =	stream.indirect_vreg.gather [hbm4b:s5+s3], $0x80, v4, vm0, $0xb8;
	[tilespmem:$0x10100] =	vst v63  }
0x2e: {  	s12 =	simm.s32 $0x1900  }
0x2f: {  	[tilespmem:s12], [sflag:$0x1] =	stream.indirect_vreg.gather [hbm4b:s6+s3], $0x80, v4, vm0, $0xb8;
	[tilespmem:$0x10100] =	vst v63  }
0x30: {  	s13 =	simm.s32 $0x2100  }
0x31: {  	[tilespmem:s13], [sflag:$0x1] =	stream.indirect_vreg.gather [hbm4b:s1+s3], $0x80, v3, vm0, $0xb8;
	[tilespmem:$0x10100] =	vst v63  }
0x32: {  	s14 =	simm.s32 $0x2900  }
0x33: {  	[tilespmem:s14], [sflag:$0x1] =	stream.indirect_vreg.gather [hbm4b:s4+s3], $0x80, v3, vm0, $0xb8;
	[tilespmem:$0x10100] =	vst v63  }
0x34: {  	s15 =	simm.s32 $0x3100  }
0x35: {  	[tilespmem:s15], [sflag:$0x1] =	stream.indirect_vreg.gather [hbm4b:s5+s3], $0x80, v3, vm0, $0xb8;
	[tilespmem:$0x10100] =	vst v63  }
0x36: {  	s17 =	simm.s32 $0x3900  }
0x37: {  	[tilespmem:s17], [sflag:$0x1] =	stream.indirect_vreg.gather [hbm4b:s6+s3], $0x80, v3, vm0, $0xb8;
	[tilespmem:$0x10100] =	vst v63  }
0x38: {  	v3 =	vld [tilespmem:$0x10];
	_ =	sdelay $0x4  }
0x39: {  	v49 =	vshll.u32 v3, $0x3  }
0x3a: {  	v3 =	vand.u32 $0x7, v3;
	v4 =	vand.u32 $0xFFFFFFC0, v49  }
0x3b: {  	v3 =	vor.u32 v3, v4  }
0x3c: {  	v4 =	vperm.xlane v3, v0;
	_ =	sdelay $0x1  }
0x3d: {  	v4 =	vadd.s32 v1, v4;
	_ =	sdelay $0x3  }
0x3e: {  	s18 =	simm.s32 $0x4100  }
0x3f: {  	[tilespmem:s18], [sflag:$0x1] =	stream.indirect_vreg.gather [hbm4b:s1+s3], $0x80, v4, vm0, $0xb8;
	[tilespmem:$0x10100] =	vst v63  }
0x40: {  	s19 =	simm.s32 $0x4900;
	v3 =	vperm.xlane v3, v2  }
0x41: {  	[tilespmem:s19], [sflag:$0x1] =	stream.indirect_vreg.gather [hbm4b:s4+s3], $0x80, v4, vm0, $0xb8;
	[tilespmem:$0x10100] =	vst v63  }
0x42: {  	s23 =	simm.s32 $0x5100;
	v3 =	vadd.s32 v1, v3  }
0x43: {  	[tilespmem:s23], [sflag:$0x1] =	stream.indirect_vreg.gather [hbm4b:s5+s3], $0x80, v4, vm0, $0xb8;
	[tilespmem:$0x10100] =	vst v63  }
0x44: {  	s28 =	simm.s32 $0x5900  }
0x45: {  	[tilespmem:s28], [sflag:$0x1] =	stream.indirect_vreg.gather [hbm4b:s6+s3], $0x80, v4, vm0, $0xb8;
	[tilespmem:$0x10100] =	vst v63  }
0x46: {  	s29 =	simm.s32 $0x6100  }
0x47: {  	[tilespmem:s29], [sflag:$0x1] =	stream.indirect_vreg.gather [hbm4b:s1+s3], $0x80, v3, vm0, $0xb8;
	[tilespmem:$0x10100] =	vst v63  }
0x48: {  	s30 =	simm.s32 $0x6900  }
0x49: {  	[tilespmem:s30], [sflag:$0x1] =	stream.indirect_vreg.gather [hbm4b:s4+s3], $0x80, v3, vm0, $0xb8;
	[tilespmem:$0x10100] =	vst v63  }
0x4a: {  	s31 =	simm.s32 $0x7100  }
0x4b: {  	[tilespmem:s31], [sflag:$0x1] =	stream.indirect_vreg.gather [hbm4b:s5+s3], $0x80, v3, vm0, $0xb8;
	[tilespmem:$0x10100] =	vst v63  }
0x4c: {  	s9 =	simm.s32 $0x7900  }
0x4d: {  	[tilespmem:s9], [sflag:$0x1] =	stream.indirect_vreg.gather [hbm4b:s6+s3], $0x80, v3, vm0, $0xb8;
	[tilespmem:$0x10100] =	vst v63  }
0x4e: {  	_ =	swait.ge [sflag:s25], $0x8000  }
0x4f: {  	[sflag:s25] =	ssyncset.done $0x0  }
0x50: {  	s18 =	simm.s32 $0x80;
	s11 =	rddreg [dreg:$0x5];
	[sflag:s25] =	ssyncadd.s32 $0xFFFF8000  }
0x51: {  	[tilespmem:s18], [sflag:$0x5] =	stream.linear.gather [hbm4b:s11+s3], $0x20, $0x38;
	[tilespmem:$0x10100] =	vst v63  }
0x52: {  	_ =	swait.ge [sflag:s8], $0x20  }
0x53: {  	[sflag:s8] =	ssyncset.done $0x0  }
0x54: {  	[sflag:s8] =	ssyncadd.s32 $0xFFFFFFE0  }
0x55: {  	v3 =	vld [tilespmem:$0x80];
	_ =	sdelay $0x4  }
0x56: {  	v50 =	vshll.u32 v3, $0x3  }
0x57: {  	v3 =	vand.u32 $0x7, v3;
	v4 =	vand.u32 $0xFFFFFFC0, v50  }
0x58: {  	v3 =	vor.u32 v3, v4  }
0x59: {  	v4 =	vperm.xlane v3, v0;
	_ =	sdelay $0x1  }
0x5a: {  	v4 =	vadd.s32 v1, v4;
	_ =	sdelay $0x4  }
0x5b: {  	[tilespmem:s2], [sflag:$0x2] =	stream.indirect_vreg.gather [hbm4b:s1+s3], $0x80, v4, vm0, $0xb8;
	[tilespmem:$0x10100] =	vst v63  }
0x5c: {  	s12 =	simm.s32 $0x8900;
	v3 =	vperm.xlane v3, v2  }
0x5d: {  	[tilespmem:s12], [sflag:$0x2] =	stream.indirect_vreg.gather [hbm4b:s4+s3], $0x80, v4, vm0, $0xb8;
	[tilespmem:$0x10100] =	vst v63  }
0x5e: {  	s13 =	simm.s32 $0x9100;
	v3 =	vadd.s32 v1, v3  }
0x5f: {  	[tilespmem:s13], [sflag:$0x2] =	stream.indirect_vreg.gather [hbm4b:s5+s3], $0x80, v4, vm0, $0xb8;
	[tilespmem:$0x10100] =	vst v63  }
0x60: {  	s18 =	simm.s32 $0x9900  }
0x61: {  	[tilespmem:s18], [sflag:$0x2] =	stream.indirect_vreg.gather [hbm4b:s6+s3], $0x80, v4, vm0, $0xb8;
	[tilespmem:$0x10100] =	vst v63  }
0x62: {  	s29 =	simm.s32 $0xA100  }
0x63: {  	[tilespmem:s29], [sflag:$0x2] =	stream.indirect_vreg.gather [hbm4b:s1+s3], $0x80, v3, vm0, $0xb8;
	[tilespmem:$0x10100] =	vst v63  }
0x64: {  	s30 =	simm.s32 $0xA900  }
0x65: {  	[tilespmem:s30], [sflag:$0x2] =	stream.indirect_vreg.gather [hbm4b:s4+s3], $0x80, v3, vm0, $0xb8;
	[tilespmem:$0x10100] =	vst v63  }
0x66: {  	s31 =	simm.s32 $0xB100  }
0x67: {  	[tilespmem:s31], [sflag:$0x2] =	stream.indirect_vreg.gather [hbm4b:s5+s3], $0x80, v3, vm0, $0xb8;
	[tilespmem:$0x10100] =	vst v63  }
0x68: {  	s11 =	simm.s32 $0xB900  }
0x69: {  	[tilespmem:s11], [sflag:$0x2] =	stream.indirect_vreg.gather [hbm4b:s6+s3], $0x80, v3, vm0, $0xb8;
	[tilespmem:$0x10100] =	vst v63  }
0x6a: {  	v3 =	vld [tilespmem:$0x90];
	_ =	sdelay $0x4  }
0x6b: {  	v51 =	vshll.u32 v3, $0x3  }
0x6c: {  	v3 =	vand.u32 $0x7, v3;
	v4 =	vand.u32 $0xFFFFFFC0, v51  }
0x6d: {  	v3 =	vor.u32 v3, v4  }
0x6e: {  	v4 =	vperm.xlane v3, v0;
	_ =	sdelay $0x1  }
0x6f: {  	v4 =	vadd.s32 v1, v4;
	_ =	sdelay $0x3  }
0x70: {  	s12 =	simm.s32 $0xC100  }
0x71: {  	[tilespmem:s12], [sflag:$0x2] =	stream.indirect_vreg.gather [hbm4b:s1+s3], $0x80, v4, vm0, $0xb8;
	[tilespmem:$0x10100] =	vst v63  }
0x72: {  	s13 =	simm.s32 $0xC900;
	v3 =	vperm.xlane v3, v2  }
0x73: {  	[tilespmem:s13], [sflag:$0x2] =	stream.indirect_vreg.gather [hbm4b:s4+s3], $0x80, v4, vm0, $0xb8;
	[tilespmem:$0x10100] =	vst v63  }
0x74: {  	s18 =	simm.s32 $0xD100;
	v3 =	vadd.s32 v1, v3  }
0x75: {  	[tilespmem:s18], [sflag:$0x2] =	stream.indirect_vreg.gather [hbm4b:s5+s3], $0x80, v4, vm0, $0xb8;
	[tilespmem:$0x10100] =	vst v63  }
0x76: {  	s29 =	simm.s32 $0xD900  }
0x77: {  	[tilespmem:s29], [sflag:$0x2] =	stream.indirect_vreg.gather [hbm4b:s6+s3], $0x80, v4, vm0, $0xb8;
	[tilespmem:$0x10100] =	vst v63  }
0x78: {  	s30 =	simm.s32 $0xE100  }
0x79: {  	[tilespmem:s30], [sflag:$0x2] =	stream.indirect_vreg.gather [hbm4b:s1+s3], $0x80, v3, vm0, $0xb8;
	[tilespmem:$0x10100] =	vst v63  }
0x7a: {  	s31 =	simm.s32 $0xE900  }
0x7b: {  	[tilespmem:s31], [sflag:$0x2] =	stream.indirect_vreg.gather [hbm4b:s4+s3], $0x80, v3, vm0, $0xb8;
	[tilespmem:$0x10100] =	vst v63  }
0x7c: {  	s18 =	simm.s32 $0xF100  }
0x7d: {  	[tilespmem:s18], [sflag:$0x2] =	stream.indirect_vreg.gather [hbm4b:s5+s3], $0x80, v3, vm0, $0xb8;
	[tilespmem:$0x10100] =	vst v63  }
0x7e: {  	s30 =	simm.s32 $0xF900  }
0x7f: {  	[tilespmem:s30], [sflag:$0x2] =	stream.indirect_vreg.gather [hbm4b:s6+s3], $0x80, v3, vm0, $0xb8;
	[tilespmem:$0x10100] =	vst v63  }
0x80: {  	s24 =	simm.s32 $0x100;
	s29 =	rddreg [dreg:$0x6]  }
0x81: {  	[hbm4b:s29+s3] =	stream.linear.scatter [tilespmem:s24], [sflag:$0x3], $0x8000, $0x38;
	[tilespmem:$0x10100] =	vst v63  }
0x82: {  	_ =	swait.ge [sflag:s20], $0x8000  }
0x83: {  	[sflag:s20] =	ssyncset.done $0x0  }
0x84: {  	[sflag:s20] =	ssyncadd.s32 $0xFFFF8000  }
0x85: {  	_ =	swait.ge [sflag:s21], $0x8000  }
0x86: {  	[sflag:s21] =	ssyncset.done $0x0  }
0x87: {  	s31 =	rddreg [dreg:$0x7];
	[sflag:s21] =	ssyncadd.s32 $0xFFFF8000  }
0x88: {  	[tilespmem:s3], [sflag:$0x5] =	stream.linear.gather [hbm4b:s31+s3], $0x20, $0x38;
	[tilespmem:$0x10100] =	vst v63  }
0x89: {  	_ =	swait.ge [sflag:s8], $0x20  }
0x8a: {  	[sflag:s8] =	ssyncset.done $0x0  }
0x8b: {  	[sflag:s8] =	ssyncadd.s32 $0xFFFFFFE0  }
0x8c: {  	v3 =	vld [tilespmem:$0x0];
	_ =	sdelay $0x4  }
0x8d: {  	v52 =	vshll.u32 v3, $0x3  }
0x8e: {  	v3 =	vand.u32 $0x7, v3;
	v4 =	vand.u32 $0xFFFFFFC0, v52  }
0x8f: {  	v3 =	vor.u32 v3, v4  }
0x90: {  	v4 =	vperm.xlane v3, v0;
	_ =	sdelay $0x1  }
0x91: {  	v4 =	vadd.s32 v1, v4;
	_ =	sdelay $0x4  }
0x92: {  	[tilespmem:s24], [sflag:$0x1] =	stream.indirect_vreg.gather [hbm4b:s1+s3], $0x80, v4, vm0, $0xb8;
	[tilespmem:$0x10100] =	vst v63  }
0x93: {  	v3 =	vperm.xlane v3, v2;
	s24 =	simm.s32 $0x900  }
0x94: {  	[tilespmem:s24], [sflag:$0x1] =	stream.indirect_vreg.gather [hbm4b:s4+s3], $0x80, v4, vm0, $0xb8;
	[tilespmem:$0x10100] =	vst v63  }
0x95: {  	s16 =	simm.s32 $0x1100;
	v3 =	vadd.s32 v1, v3  }
0x96: {  	[tilespmem:s16], [sflag:$0x1] =	stream.indirect_vreg.gather [hbm4b:s5+s3], $0x80, v4, vm0, $0xb8;
	[tilespmem:$0x10100] =	vst v63  }
0x97: {  	s26 =	simm.s32 $0x1900  }
0x98: {  	[tilespmem:s26], [sflag:$0x1] =	stream.indirect_vreg.gather [hbm4b:s6+s3], $0x80, v4, vm0, $0xb8;
	[tilespmem:$0x10100] =	vst v63  }
0x99: {  	s29 =	simm.s32 $0x2100  }
0x9a: {  	[tilespmem:s29], [sflag:$0x1] =	stream.indirect_vreg.gather [hbm4b:s1+s3], $0x80, v3, vm0, $0xb8;
	[tilespmem:$0x10100] =	vst v63  }
0x9b: {  	s31 =	simm.s32 $0x2900  }
0x9c: {  	[tilespmem:s31], [sflag:$0x1] =	stream.indirect_vreg.gather [hbm4b:s4+s3], $0x80, v3, vm0, $0xb8;
	[tilespmem:$0x10100] =	vst v63  }
0x9d: {  	s10 =	simm.s32 $0x3100  }
0x9e: {  	[tilespmem:s10], [sflag:$0x1] =	stream.indirect_vreg.gather [hbm4b:s5+s3], $0x80, v3, vm0, $0xb8;
	[tilespmem:$0x10100] =	vst v63  }
0x9f: {  	s26 =	simm.s32 $0x3900  }
0xa0: {  	[tilespmem:s26], [sflag:$0x1] =	stream.indirect_vreg.gather [hbm4b:s6+s3], $0x80, v3, vm0, $0xb8;
	[tilespmem:$0x10100] =	vst v63  }
0xa1: {  	v3 =	vld [tilespmem:$0x10];
	_ =	sdelay $0x4  }
0xa2: {  	v53 =	vshll.u32 v3, $0x3  }
0xa3: {  	v3 =	vand.u32 $0x7, v3;
	v4 =	vand.u32 $0xFFFFFFC0, v53  }
0xa4: {  	v3 =	vor.u32 v3, v4  }
0xa5: {  	v4 =	vperm.xlane v3, v0;
	_ =	sdelay $0x1  }
0xa6: {  	v4 =	vadd.s32 v1, v4;
	_ =	sdelay $0x3  }
0xa7: {  	s17 =	simm.s32 $0x4100  }
0xa8: {  	[tilespmem:s17], [sflag:$0x1] =	stream.indirect_vreg.gather [hbm4b:s1+s3], $0x80, v4, vm0, $0xb8;
	[tilespmem:$0x10100] =	vst v63  }
0xa9: {  	s19 =	simm.s32 $0x4900;
	v3 =	vperm.xlane v3, v2  }
0xaa: {  	[tilespmem:s19], [sflag:$0x1] =	stream.indirect_vreg.gather [hbm4b:s4+s3], $0x80, v4, vm0, $0xb8;
	[tilespmem:$0x10100] =	vst v63  }
0xab: {  	s14 =	simm.s32 $0x5100;
	v3 =	vadd.s32 v1, v3  }
0xac: {  	[tilespmem:s14], [sflag:$0x1] =	stream.indirect_vreg.gather [hbm4b:s5+s3], $0x80, v4, vm0, $0xb8;
	[tilespmem:$0x10100] =	vst v63  }
0xad: {  	s15 =	simm.s32 $0x5900  }
0xae: {  	[tilespmem:s15], [sflag:$0x1] =	stream.indirect_vreg.gather [hbm4b:s6+s3], $0x80, v4, vm0, $0xb8;
	[tilespmem:$0x10100] =	vst v63  }
0xaf: {  	s16 =	simm.s32 $0x6100  }
0xb0: {  	[tilespmem:s16], [sflag:$0x1] =	stream.indirect_vreg.gather [hbm4b:s1+s3], $0x80, v3, vm0, $0xb8;
	[tilespmem:$0x10100] =	vst v63  }
0xb1: {  	s17 =	simm.s32 $0x6900  }
0xb2: {  	[tilespmem:s17], [sflag:$0x1] =	stream.indirect_vreg.gather [hbm4b:s4+s3], $0x80, v3, vm0, $0xb8;
	[tilespmem:$0x10100] =	vst v63  }
0xb3: {  	s19 =	simm.s32 $0x7100  }
0xb4: {  	[tilespmem:s19], [sflag:$0x1] =	stream.indirect_vreg.gather [hbm4b:s5+s3], $0x80, v3, vm0, $0xb8;
	[tilespmem:$0x10100] =	vst v63  }
0xb5: {  	s9 =	simm.s32 $0x7900  }
0xb6: {  	[tilespmem:s9], [sflag:$0x1] =	stream.indirect_vreg.gather [hbm4b:s6+s3], $0x80, v3, vm0, $0xb8;
	[tilespmem:$0x10100] =	vst v63  }
0xb7: {  	s15 =	rddreg [dreg:$0x8]  }
0xb8: {  	[hbm4b:s15+s3] =	stream.linear.scatter [tilespmem:s2], [sflag:$0x4], $0x8000, $0x38;
	[tilespmem:$0x10100] =	vst v63  }
0xb9: {  	_ =	swait.ge [sflag:s25], $0x8000  }
0xba: {  	[sflag:s25] =	ssyncset.done $0x0  }
0xbb: {  	[sflag:s25] =	ssyncadd.s32 $0xFFFF8000  }
0xbc: {  	_ =	swait.ge [sflag:s22], $0x8000  }
0xbd: {  	[sflag:s22] =	ssyncset.done $0x0  }
0xbe: {  	s28 =	simm.s32 $0x80;
	s18 =	rddreg [dreg:$0x9];
	[sflag:s22] =	ssyncadd.s32 $0xFFFF8000  }
0xbf: {  	[tilespmem:s28], [sflag:$0x5] =	stream.linear.gather [hbm4b:s18+s3], $0x20, $0x38;
	[tilespmem:$0x10100] =	vst v63  }
0xc0: {  	_ =	swait.ge [sflag:s8], $0x20  }
0xc1: {  	[sflag:s8] =	ssyncset.done $0x0  }
0xc2: {  	[sflag:s8] =	ssyncadd.s32 $0xFFFFFFE0  }
0xc3: {  	v3 =	vld [tilespmem:$0x80];
	_ =	sdelay $0x4  }
0xc4: {  	v54 =	vshll.u32 v3, $0x3  }
0xc5: {  	v3 =	vand.u32 $0x7, v3;
	v4 =	vand.u32 $0xFFFFFFC0, v54  }
0xc6: {  	v3 =	vor.u32 v3, v4  }
0xc7: {  	v4 =	vperm.xlane v3, v0;
	_ =	sdelay $0x1  }
0xc8: {  	v4 =	vadd.s32 v1, v4;
	_ =	sdelay $0x4  }
0xc9: {  	[tilespmem:s2], [sflag:$0x2] =	stream.indirect_vreg.gather [hbm4b:s1+s3], $0x80, v4, vm0, $0xb8;
	[tilespmem:$0x10100] =	vst v63  }
0xca: {  	s0 =	simm.s32 $0x8900;
	v3 =	vperm.xlane v3, v2  }
0xcb: {  	[tilespmem:s0], [sflag:$0x2] =	stream.indirect_vreg.gather [hbm4b:s4+s3], $0x80, v4, vm0, $0xb8;
	[tilespmem:$0x10100] =	vst v63  }
0xcc: {  	s18 =	simm.s32 $0x9100;
	v3 =	vadd.s32 v1, v3  }
0xcd: {  	[tilespmem:s18], [sflag:$0x2] =	stream.indirect_vreg.gather [hbm4b:s5+s3], $0x80, v4, vm0, $0xb8;
	[tilespmem:$0x10100] =	vst v63  }
0xce: {  	s0 =	simm.s32 $0x9900  }
0xcf: {  	[tilespmem:s0], [sflag:$0x2] =	stream.indirect_vreg.gather [hbm4b:s6+s3], $0x80, v4, vm0, $0xb8;
	[tilespmem:$0x10100] =	vst v63  }
0xd0: {  	s28 =	simm.s32 $0xA100  }
0xd1: {  	[tilespmem:s28], [sflag:$0x2] =	stream.indirect_vreg.gather [hbm4b:s1+s3], $0x80, v3, vm0, $0xb8;
	[tilespmem:$0x10100] =	vst v63  }
0xd2: {  	s9 =	simm.s32 $0xA900  }
0xd3: {  	[tilespmem:s9], [sflag:$0x2] =	stream.indirect_vreg.gather [hbm4b:s4+s3], $0x80, v3, vm0, $0xb8;
	[tilespmem:$0x10100] =	vst v63  }
0xd4: {  	s10 =	simm.s32 $0xB100  }
0xd5: {  	[tilespmem:s10], [sflag:$0x2] =	stream.indirect_vreg.gather [hbm4b:s5+s3], $0x80, v3, vm0, $0xb8;
	[tilespmem:$0x10100] =	vst v63  }
0xd6: {  	s11 =	simm.s32 $0xB900  }
0xd7: {  	[tilespmem:s11], [sflag:$0x2] =	stream.indirect_vreg.gather [hbm4b:s6+s3], $0x80, v3, vm0, $0xb8;
	[tilespmem:$0x10100] =	vst v63  }
0xd8: {  	v3 =	vld [tilespmem:$0x90];
	_ =	sdelay $0x4  }
0xd9: {  	v55 =	vshll.u32 v3, $0x3  }
0xda: {  	v3 =	vand.u32 $0x7, v3;
	v4 =	vand.u32 $0xFFFFFFC0, v55  }
0xdb: {  	v3 =	vor.u32 v3, v4  }
0xdc: {  	v4 =	vperm.xlane v3, v0;
	_ =	sdelay $0x1  }
0xdd: {  	v4 =	vadd.s32 v1, v4;
	_ =	sdelay $0x3  }
0xde: {  	s12 =	simm.s32 $0xC100  }
0xdf: {  	[tilespmem:s12], [sflag:$0x2] =	stream.indirect_vreg.gather [hbm4b:s1+s3], $0x80, v4, vm0, $0xb8;
	[tilespmem:$0x10100] =	vst v63  }
0xe0: {  	s13 =	simm.s32 $0xC900;
	v3 =	vperm.xlane v3, v2  }
0xe1: {  	[tilespmem:s13], [sflag:$0x2] =	stream.indirect_vreg.gather [hbm4b:s4+s3], $0x80, v4, vm0, $0xb8;
	[tilespmem:$0x10100] =	vst v63  }
0xe2: {  	s11 =	simm.s32 $0xD100;
	v3 =	vadd.s32 v1, v3  }
0xe3: {  	[tilespmem:s11], [sflag:$0x2] =	stream.indirect_vreg.gather [hbm4b:s5+s3], $0x80, v4, vm0, $0xb8;
	[tilespmem:$0x10100] =	vst v63  }
0xe4: {  	s12 =	simm.s32 $0xD900  }
0xe5: {  	[tilespmem:s12], [sflag:$0x2] =	stream.indirect_vreg.gather [hbm4b:s6+s3], $0x80, v4, vm0, $0xb8;
	[tilespmem:$0x10100] =	vst v63  }
0xe6: {  	s13 =	simm.s32 $0xE100  }
0xe7: {  	[tilespmem:s13], [sflag:$0x2] =	stream.indirect_vreg.gather [hbm4b:s1+s3], $0x80, v3, vm0, $0xb8;
	[tilespmem:$0x10100] =	vst v63  }
0xe8: {  	s14 =	simm.s32 $0xE900  }
0xe9: {  	[tilespmem:s14], [sflag:$0x2] =	stream.indirect_vreg.gather [hbm4b:s4+s3], $0x80, v3, vm0, $0xb8;
	[tilespmem:$0x10100] =	vst v63  }
0xea: {  	s15 =	simm.s32 $0xF100  }
0xeb: {  	[tilespmem:s15], [sflag:$0x2] =	stream.indirect_vreg.gather [hbm4b:s5+s3], $0x80, v3, vm0, $0xb8;
	[tilespmem:$0x10100] =	vst v63  }
0xec: {  	s30 =	simm.s32 $0xF900  }
0xed: {  	[tilespmem:s30], [sflag:$0x2] =	stream.indirect_vreg.gather [hbm4b:s6+s3], $0x80, v3, vm0, $0xb8;
	[tilespmem:$0x10100] =	vst v63  }
0xee: {  	s23 =	rddreg [dreg:$0xa];
	s30 =	simm.s32 $0x100  }
0xef: {  	[hbm4b:s23+s3] =	stream.linear.scatter [tilespmem:s30], [sflag:$0x3], $0x8000, $0x38;
	[tilespmem:$0x10100] =	vst v63  }
0xf0: {  	_ =	swait.ge [sflag:s20], $0x8000  }
0xf1: {  	[sflag:s20] =	ssyncset.done $0x0  }
0xf2: {  	[sflag:s20] =	ssyncadd.s32 $0xFFFF8000  }
0xf3: {  	_ =	swait.ge [sflag:s21], $0x8000  }
0xf4: {  	[sflag:s21] =	ssyncset.done $0x0  }
0xf5: {  	s23 =	rddreg [dreg:$0xb];
	[sflag:s21] =	ssyncadd.s32 $0xFFFF8000  }
0xf6: {  	[tilespmem:s3], [sflag:$0x5] =	stream.linear.gather [hbm4b:s23+s3], $0x20, $0x38;
	[tilespmem:$0x10100] =	vst v63  }
0xf7: {  	_ =	swait.ge [sflag:s8], $0x20  }
0xf8: {  	[sflag:s8] =	ssyncset.done $0x0  }
0xf9: {  	[sflag:s8] =	ssyncadd.s32 $0xFFFFFFE0  }
0xfa: {  	v3 =	vld [tilespmem:$0x0];
	_ =	sdelay $0x4  }
0xfb: {  	v56 =	vshll.u32 v3, $0x3  }
0xfc: {  	v3 =	vand.u32 $0x7, v3;
	v4 =	vand.u32 $0xFFFFFFC0, v56  }
0xfd: {  	v3 =	vor.u32 v3, v4  }
0xfe: {  	v4 =	vperm.xlane v3, v0;
	_ =	sdelay $0x1  }
0xff: {  	v4 =	vadd.s32 v1, v4;
	_ =	sdelay $0x4  }
0x100: {  	[tilespmem:s30], [sflag:$0x1] =	stream.indirect_vreg.gather [hbm4b:s1+s3], $0x80, v4, vm0, $0xb8;
	[tilespmem:$0x10100] =	vst v63  }
0x101: {  	v3 =	vperm.xlane v3, v2  }
0x102: {  	[tilespmem:s24], [sflag:$0x1] =	stream.indirect_vreg.gather [hbm4b:s4+s3], $0x80, v4, vm0, $0xb8;
	[tilespmem:$0x10100] =	vst v63  }
0x103: {  	v3 =	vadd.s32 v1, v3;
	s24 =	simm.s32 $0x1100  }
0x104: {  	[tilespmem:s24], [sflag:$0x1] =	stream.indirect_vreg.gather [hbm4b:s5+s3], $0x80, v4, vm0, $0xb8;
	[tilespmem:$0x10100] =	vst v63  }
0x105: {  	s24 =	simm.s32 $0x1900  }
0x106: {  	[tilespmem:s24], [sflag:$0x1] =	stream.indirect_vreg.gather [hbm4b:s6+s3], $0x80, v4, vm0, $0xb8;
	[tilespmem:$0x10100] =	vst v63  }
0x107: {  	_ = 	snop  }
0x108: {  	[tilespmem:s29], [sflag:$0x1] =	stream.indirect_vreg.gather [hbm4b:s1+s3], $0x80, v3, vm0, $0xb8;
	[tilespmem:$0x10100] =	vst v63  }
0x109: {  	_ = 	snop  }
0x10a: {  	[tilespmem:s31], [sflag:$0x1] =	stream.indirect_vreg.gather [hbm4b:s4+s3], $0x80, v3, vm0, $0xb8;
	[tilespmem:$0x10100] =	vst v63  }
0x10b: {  	s24 =	simm.s32 $0x3100  }
0x10c: {  	[tilespmem:s24], [sflag:$0x1] =	stream.indirect_vreg.gather [hbm4b:s5+s3], $0x80, v3, vm0, $0xb8;
	[tilespmem:$0x10100] =	vst v63  }
0x10d: {  	_ = 	snop  }
0x10e: {  	[tilespmem:s26], [sflag:$0x1] =	stream.indirect_vreg.gather [hbm4b:s6+s3], $0x80, v3, vm0, $0xb8;
	[tilespmem:$0x10100] =	vst v63  }
0x10f: {  	v3 =	vld [tilespmem:$0x10];
	_ =	sdelay $0x4  }
0x110: {  	v57 =	vshll.u32 v3, $0x3  }
0x111: {  	v3 =	vand.u32 $0x7, v3;
	v4 =	vand.u32 $0xFFFFFFC0, v57  }
0x112: {  	v3 =	vor.u32 v3, v4  }
0x113: {  	v4 =	vperm.xlane v3, v0;
	_ =	sdelay $0x1  }
0x114: {  	v4 =	vadd.s32 v1, v4;
	_ =	sdelay $0x3  }
0x115: {  	s26 =	simm.s32 $0x4100  }
0x116: {  	[tilespmem:s26], [sflag:$0x1] =	stream.indirect_vreg.gather [hbm4b:s1+s3], $0x80, v4, vm0, $0xb8;
	[tilespmem:$0x10100] =	vst v63  }
0x117: {  	v3 =	vperm.xlane v3, v2;
	s26 =	simm.s32 $0x4900  }
0x118: {  	[tilespmem:s26], [sflag:$0x1] =	stream.indirect_vreg.gather [hbm4b:s4+s3], $0x80, v4, vm0, $0xb8;
	[tilespmem:$0x10100] =	vst v63  }
0x119: {  	v3 =	vadd.s32 v1, v3;
	s26 =	simm.s32 $0x5100  }
0x11a: {  	[tilespmem:s26], [sflag:$0x1] =	stream.indirect_vreg.gather [hbm4b:s5+s3], $0x80, v4, vm0, $0xb8;
	[tilespmem:$0x10100] =	vst v63  }
0x11b: {  	s26 =	simm.s32 $0x5900  }
0x11c: {  	[tilespmem:s26], [sflag:$0x1] =	stream.indirect_vreg.gather [hbm4b:s6+s3], $0x80, v4, vm0, $0xb8;
	[tilespmem:$0x10100] =	vst v63  }
0x11d: {  	_ = 	snop  }
0x11e: {  	[tilespmem:s16], [sflag:$0x1] =	stream.indirect_vreg.gather [hbm4b:s1+s3], $0x80, v3, vm0, $0xb8;
	[tilespmem:$0x10100] =	vst v63  }
0x11f: {  	_ = 	snop  }
0x120: {  	[tilespmem:s17], [sflag:$0x1] =	stream.indirect_vreg.gather [hbm4b:s4+s3], $0x80, v3, vm0, $0xb8;
	[tilespmem:$0x10100] =	vst v63  }
0x121: {  	_ = 	snop  }
0x122: {  	[tilespmem:s19], [sflag:$0x1] =	stream.indirect_vreg.gather [hbm4b:s5+s3], $0x80, v3, vm0, $0xb8;
	[tilespmem:$0x10100] =	vst v63  }
0x123: {  	s26 =	simm.s32 $0x7900  }
0x124: {  	[tilespmem:s26], [sflag:$0x1] =	stream.indirect_vreg.gather [hbm4b:s6+s3], $0x80, v3, vm0, $0xb8;
	[tilespmem:$0x10100] =	vst v63  }
0x125: {  	s23 =	rddreg [dreg:$0xc]  }
0x126: {  	[hbm4b:s23+s3] =	stream.linear.scatter [tilespmem:s2], [sflag:$0x4], $0x8000, $0x38;
	[tilespmem:$0x10100] =	vst v63  }
0x127: {  	_ =	swait.ge [sflag:s25], $0x8000  }
0x128: {  	[sflag:s25] =	ssyncset.done $0x0  }
0x129: {  	[sflag:s25] =	ssyncadd.s32 $0xFFFF8000  }
0x12a: {  	_ =	swait.ge [sflag:s22], $0x8000  }
0x12b: {  	[sflag:s22] =	ssyncset.done $0x0  }
0x12c: {  	s16 =	simm.s32 $0x80;
	s26 =	rddreg [dreg:$0xd];
	[sflag:s22] =	ssyncadd.s32 $0xFFFF8000  }
0x12d: {  	[tilespmem:s16], [sflag:$0x5] =	stream.linear.gather [hbm4b:s26+s3], $0x20, $0x38;
	[tilespmem:$0x10100] =	vst v63  }
0x12e: {  	_ =	swait.ge [sflag:s8], $0x20  }
0x12f: {  	[sflag:s8] =	ssyncset.done $0x0  }
0x130: {  	[sflag:s8] =	ssyncadd.s32 $0xFFFFFFE0  }
0x131: {  	v3 =	vld [tilespmem:$0x80];
	_ =	sdelay $0x4  }
0x132: {  	v58 =	vshll.u32 v3, $0x3  }
0x133: {  	v3 =	vand.u32 $0x7, v3;
	v4 =	vand.u32 $0xFFFFFFC0, v58  }
0x134: {  	v3 =	vor.u32 v3, v4  }
0x135: {  	v4 =	vperm.xlane v3, v0;
	_ =	sdelay $0x1  }
0x136: {  	v4 =	vadd.s32 v1, v4;
	_ =	sdelay $0x4  }
0x137: {  	[tilespmem:s2], [sflag:$0x2] =	stream.indirect_vreg.gather [hbm4b:s1+s3], $0x80, v4, vm0, $0xb8;
	[tilespmem:$0x10100] =	vst v63  }
0x138: {  	s16 =	simm.s32 $0x8900;
	v3 =	vperm.xlane v3, v2  }
0x139: {  	[tilespmem:s16], [sflag:$0x2] =	stream.indirect_vreg.gather [hbm4b:s4+s3], $0x80, v4, vm0, $0xb8;
	[tilespmem:$0x10100] =	vst v63  }
0x13a: {  	v3 =	vadd.s32 v1, v3  }
0x13b: {  	[tilespmem:s18], [sflag:$0x2] =	stream.indirect_vreg.gather [hbm4b:s5+s3], $0x80, v4, vm0, $0xb8;
	[tilespmem:$0x10100] =	vst v63  }
0x13c: {  	_ = 	snop  }
0x13d: {  	[tilespmem:s0], [sflag:$0x2] =	stream.indirect_vreg.gather [hbm4b:s6+s3], $0x80, v4, vm0, $0xb8;
	[tilespmem:$0x10100] =	vst v63  }
0x13e: {  	_ = 	snop  }
0x13f: {  	[tilespmem:s28], [sflag:$0x2] =	stream.indirect_vreg.gather [hbm4b:s1+s3], $0x80, v3, vm0, $0xb8;
	[tilespmem:$0x10100] =	vst v63  }
0x140: {  	_ = 	snop  }
0x141: {  	[tilespmem:s9], [sflag:$0x2] =	stream.indirect_vreg.gather [hbm4b:s4+s3], $0x80, v3, vm0, $0xb8;
	[tilespmem:$0x10100] =	vst v63  }
0x142: {  	_ = 	snop  }
0x143: {  	[tilespmem:s10], [sflag:$0x2] =	stream.indirect_vreg.gather [hbm4b:s5+s3], $0x80, v3, vm0, $0xb8;
	[tilespmem:$0x10100] =	vst v63  }
0x144: {  	s26 =	simm.s32 $0xB900  }
0x145: {  	[tilespmem:s26], [sflag:$0x2] =	stream.indirect_vreg.gather [hbm4b:s6+s3], $0x80, v3, vm0, $0xb8;
	[tilespmem:$0x10100] =	vst v63  }
0x146: {  	v3 =	vld [tilespmem:$0x90];
	_ =	sdelay $0x4  }
0x147: {  	v59 =	vshll.u32 v3, $0x3  }
0x148: {  	v3 =	vand.u32 $0x7, v3;
	v4 =	vand.u32 $0xFFFFFFC0, v59  }
0x149: {  	v3 =	vor.u32 v3, v4  }
0x14a: {  	v4 =	vperm.xlane v3, v0;
	_ =	sdelay $0x1  }
0x14b: {  	v4 =	vadd.s32 v1, v4;
	_ =	sdelay $0x3  }
0x14c: {  	s0 =	simm.s32 $0xC100  }
0x14d: {  	[tilespmem:s0], [sflag:$0x2] =	stream.indirect_vreg.gather [hbm4b:s1+s3], $0x80, v4, vm0, $0xb8;
	[tilespmem:$0x10100] =	vst v63  }
0x14e: {  	v3 =	vperm.xlane v3, v2;
	s0 =	simm.s32 $0xC900  }
0x14f: {  	[tilespmem:s0], [sflag:$0x2] =	stream.indirect_vreg.gather [hbm4b:s4+s3], $0x80, v4, vm0, $0xb8;
	[tilespmem:$0x10100] =	vst v63  }
0x150: {  	v3 =	vadd.s32 v1, v3  }
0x151: {  	[tilespmem:s11], [sflag:$0x2] =	stream.indirect_vreg.gather [hbm4b:s5+s3], $0x80, v4, vm0, $0xb8;
	[tilespmem:$0x10100] =	vst v63  }
0x152: {  	_ = 	snop  }
0x153: {  	[tilespmem:s12], [sflag:$0x2] =	stream.indirect_vreg.gather [hbm4b:s6+s3], $0x80, v4, vm0, $0xb8;
	[tilespmem:$0x10100] =	vst v63  }
0x154: {  	_ = 	snop  }
0x155: {  	[tilespmem:s13], [sflag:$0x2] =	stream.indirect_vreg.gather [hbm4b:s1+s3], $0x80, v3, vm0, $0xb8;
	[tilespmem:$0x10100] =	vst v63  }
0x156: {  	_ = 	snop  }
0x157: {  	[tilespmem:s14], [sflag:$0x2] =	stream.indirect_vreg.gather [hbm4b:s4+s3], $0x80, v3, vm0, $0xb8;
	[tilespmem:$0x10100] =	vst v63  }
0x158: {  	_ = 	snop  }
0x159: {  	[tilespmem:s15], [sflag:$0x2] =	stream.indirect_vreg.gather [hbm4b:s5+s3], $0x80, v3, vm0, $0xb8;
	[tilespmem:$0x10100] =	vst v63  }
0x15a: {  	s0 =	simm.s32 $0xF900  }
0x15b: {  	[tilespmem:s0], [sflag:$0x2] =	stream.indirect_vreg.gather [hbm4b:s6+s3], $0x80, v3, vm0, $0xb8;
	[tilespmem:$0x10100] =	vst v63  }
0x15c: {  	s30 =	simm.s32 $0x100;
	s23 =	rddreg [dreg:$0xe]  }
0x15d: {  	[hbm4b:s23+s3] =	stream.linear.scatter [tilespmem:s30], [sflag:$0x3], $0x8000, $0x38;
	[tilespmem:$0x10100] =	vst v63  }
0x15e: {  	_ =	swait.ge [sflag:s20], $0x8000  }
0x15f: {  	[sflag:s20] =	ssyncset.done $0x0  }
0x160: {  	[sflag:s20] =	ssyncadd.s32 $0xFFFF8000  }
0x161: {  	_ =	swait.ge [sflag:s21], $0x8000  }
0x162: {  	[sflag:s21] =	ssyncset.done $0x0  }
0x163: {  	s0 =	rddreg [dreg:$0xf];
	[sflag:s21] =	ssyncadd.s32 $0xFFFF8000  }
0x164: {  	[tilespmem:s3], [sflag:$0x5] =	stream.linear.gather [hbm4b:s0+s3], $0x20, $0x38;
	[tilespmem:$0x10100] =	vst v63  }
0x165: {  	_ =	swait.ge [sflag:s8], $0x20  }
0x166: {  	[sflag:s8] =	ssyncset.done $0x0  }
0x167: {  	[sflag:s8] =	ssyncadd.s32 $0xFFFFFFE0  }
0x168: {  	v3 =	vld [tilespmem:$0x0];
	_ =	sdelay $0x4  }
0x169: {  	v60 =	vshll.u32 v3, $0x3  }
0x16a: {  	v3 =	vand.u32 $0x7, v3;
	v4 =	vand.u32 $0xFFFFFFC0, v60  }
0x16b: {  	v3 =	vor.u32 v3, v4  }
0x16c: {  	v4 =	vperm.xlane v3, v0;
	_ =	sdelay $0x1  }
0x16d: {  	v4 =	vadd.s32 v1, v4;
	_ =	sdelay $0x4  }
0x16e: {  	[tilespmem:s30], [sflag:$0x1] =	stream.indirect_vreg.gather [hbm4b:s1+s3], $0x80, v4, vm0, $0xb8;
	[tilespmem:$0x10100] =	vst v63  }
0x16f: {  	s23 =	simm.s32 $0x900;
	v3 =	vperm.xlane v3, v2  }
0x170: {  	[tilespmem:s23], [sflag:$0x1] =	stream.indirect_vreg.gather [hbm4b:s4+s3], $0x80, v4, vm0, $0xb8;
	[tilespmem:$0x10100] =	vst v63  }
0x171: {  	v3 =	vadd.s32 v1, v3;
	s23 =	simm.s32 $0x1100  }
0x172: {  	[tilespmem:s23], [sflag:$0x1] =	stream.indirect_vreg.gather [hbm4b:s5+s3], $0x80, v4, vm0, $0xb8;
	[tilespmem:$0x10100] =	vst v63  }
0x173: {  	s23 =	simm.s32 $0x1900  }
0x174: {  	[tilespmem:s23], [sflag:$0x1] =	stream.indirect_vreg.gather [hbm4b:s6+s3], $0x80, v4, vm0, $0xb8;
	[tilespmem:$0x10100] =	vst v63  }
0x175: {  	s29 =	simm.s32 $0x2100  }
0x176: {  	[tilespmem:s29], [sflag:$0x1] =	stream.indirect_vreg.gather [hbm4b:s1+s3], $0x80, v3, vm0, $0xb8;
	[tilespmem:$0x10100] =	vst v63  }
0x177: {  	s31 =	simm.s32 $0x2900  }
0x178: {  	[tilespmem:s31], [sflag:$0x1] =	stream.indirect_vreg.gather [hbm4b:s4+s3], $0x80, v3, vm0, $0xb8;
	[tilespmem:$0x10100] =	vst v63  }
0x179: {  	s23 =	simm.s32 $0x3100  }
0x17a: {  	[tilespmem:s23], [sflag:$0x1] =	stream.indirect_vreg.gather [hbm4b:s5+s3], $0x80, v3, vm0, $0xb8;
	[tilespmem:$0x10100] =	vst v63  }
0x17b: {  	s24 =	simm.s32 $0x3900  }
0x17c: {  	[tilespmem:s24], [sflag:$0x1] =	stream.indirect_vreg.gather [hbm4b:s6+s3], $0x80, v3, vm0, $0xb8;
	[tilespmem:$0x10100] =	vst v63  }
0x17d: {  	v3 =	vld [tilespmem:$0x10];
	_ =	sdelay $0x4  }
0x17e: {  	v61 =	vshll.u32 v3, $0x3  }
0x17f: {  	v3 =	vand.u32 $0x7, v3;
	v4 =	vand.u32 $0xFFFFFFC0, v61  }
0x180: {  	v3 =	vor.u32 v3, v4  }
0x181: {  	v4 =	vperm.xlane v3, v0;
	_ =	sdelay $0x1  }
0x182: {  	v4 =	vadd.s32 v1, v4;
	_ =	sdelay $0x3  }
0x183: {  	s24 =	simm.s32 $0x4100  }
0x184: {  	[tilespmem:s24], [sflag:$0x1] =	stream.indirect_vreg.gather [hbm4b:s1+s3], $0x80, v4, vm0, $0xb8;
	[tilespmem:$0x10100] =	vst v63  }
0x185: {  	s29 =	simm.s32 $0x4900;
	v3 =	vperm.xlane v3, v2  }
0x186: {  	[tilespmem:s29], [sflag:$0x1] =	stream.indirect_vreg.gather [hbm4b:s4+s3], $0x80, v4, vm0, $0xb8;
	[tilespmem:$0x10100] =	vst v63  }
0x187: {  	s31 =	simm.s32 $0x5100;
	v3 =	vadd.s32 v1, v3  }
0x188: {  	[tilespmem:s31], [sflag:$0x1] =	stream.indirect_vreg.gather [hbm4b:s5+s3], $0x80, v4, vm0, $0xb8;
	[tilespmem:$0x10100] =	vst v63  }
0x189: {  	s23 =	simm.s32 $0x5900  }
0x18a: {  	[tilespmem:s23], [sflag:$0x1] =	stream.indirect_vreg.gather [hbm4b:s6+s3], $0x80, v4, vm0, $0xb8;
	[tilespmem:$0x10100] =	vst v63  }
0x18b: {  	s24 =	simm.s32 $0x6100  }
0x18c: {  	[tilespmem:s24], [sflag:$0x1] =	stream.indirect_vreg.gather [hbm4b:s1+s3], $0x80, v3, vm0, $0xb8;
	[tilespmem:$0x10100] =	vst v63  }
0x18d: {  	s17 =	simm.s32 $0x6900  }
0x18e: {  	[tilespmem:s17], [sflag:$0x1] =	stream.indirect_vreg.gather [hbm4b:s4+s3], $0x80, v3, vm0, $0xb8;
	[tilespmem:$0x10100] =	vst v63  }
0x18f: {  	s19 =	simm.s32 $0x7100  }
0x190: {  	[tilespmem:s19], [sflag:$0x1] =	stream.indirect_vreg.gather [hbm4b:s5+s3], $0x80, v3, vm0, $0xb8;
	[tilespmem:$0x10100] =	vst v63  }
0x191: {  	s31 =	simm.s32 $0x7900  }
0x192: {  	[tilespmem:s31], [sflag:$0x1] =	stream.indirect_vreg.gather [hbm4b:s6+s3], $0x80, v3, vm0, $0xb8;
	[tilespmem:$0x10100] =	vst v63  }
0x193: {  	s29 =	rddreg [dreg:$0x10]  }
0x194: {  	[hbm4b:s29+s3] =	stream.linear.scatter [tilespmem:s2], [sflag:$0x4], $0x8000, $0x38;
	[tilespmem:$0x10100] =	vst v63  }
0x195: {  	_ =	swait.ge [sflag:s25], $0x8000  }
0x196: {  	[sflag:s25] =	ssyncset.done $0x0  }
0x197: {  	[sflag:s25] =	ssyncadd.s32 $0xFFFF8000  }
0x198: {  	_ =	swait.ge [sflag:s22], $0x8000  }
0x199: {  	[sflag:s22] =	ssyncset.done $0x0  }
0x19a: {  	s19 =	simm.s32 $0x80;
	s17 =	rddreg [dreg:$0x11];
	[sflag:s22] =	ssyncadd.s32 $0xFFFF8000  }
0x19b: {  	[tilespmem:s19], [sflag:$0x5] =	stream.linear.gather [hbm4b:s17+s3], $0x20, $0x38;
	[tilespmem:$0x10100] =	vst v63  }
0x19c: {  	_ =	swait.ge [sflag:s8], $0x20  }
0x19d: {  	[sflag:s8] =	ssyncset.done $0x0  }
0x19e: {  	[sflag:s8] =	ssyncadd.s32 $0xFFFFFFE0  }
0x19f: {  	v3 =	vld [tilespmem:$0x80];
	_ =	sdelay $0x4  }
0x1a0: {  	v62 =	vshll.u32 v3, $0x3  }
0x1a1: {  	v3 =	vand.u32 $0x7, v3;
	v4 =	vand.u32 $0xFFFFFFC0, v62  }
0x1a2: {  	v3 =	vor.u32 v3, v4  }
0x1a3: {  	v4 =	vperm.xlane v3, v0;
	_ =	sdelay $0x1  }
0x1a4: {  	v4 =	vadd.s32 v1, v4;
	_ =	sdelay $0x4  }
0x1a5: {  	[tilespmem:s2], [sflag:$0x2] =	stream.indirect_vreg.gather [hbm4b:s1+s3], $0x80, v4, vm0, $0xb8;
	[tilespmem:$0x10100] =	vst v63  }
0x1a6: {  	v3 =	vperm.xlane v3, v2  }
0x1a7: {  	[tilespmem:s16], [sflag:$0x2] =	stream.indirect_vreg.gather [hbm4b:s4+s3], $0x80, v4, vm0, $0xb8;
	[tilespmem:$0x10100] =	vst v63  }
0x1a8: {  	s18 =	simm.s32 $0x9100;
	v3 =	vadd.s32 v1, v3  }
0x1a9: {  	[tilespmem:s18], [sflag:$0x2] =	stream.indirect_vreg.gather [hbm4b:s5+s3], $0x80, v4, vm0, $0xb8;
	[tilespmem:$0x10100] =	vst v63  }
0x1aa: {  	s23 =	simm.s32 $0x9900  }
0x1ab: {  	[tilespmem:s23], [sflag:$0x2] =	stream.indirect_vreg.gather [hbm4b:s6+s3], $0x80, v4, vm0, $0xb8;
	[tilespmem:$0x10100] =	vst v63  }
0x1ac: {  	s28 =	simm.s32 $0xA100  }
0x1ad: {  	[tilespmem:s28], [sflag:$0x2] =	stream.indirect_vreg.gather [hbm4b:s1+s3], $0x80, v3, vm0, $0xb8;
	[tilespmem:$0x10100] =	vst v63  }
0x1ae: {  	s9 =	simm.s32 $0xA900  }
0x1af: {  	[tilespmem:s9], [sflag:$0x2] =	stream.indirect_vreg.gather [hbm4b:s4+s3], $0x80, v3, vm0, $0xb8;
	[tilespmem:$0x10100] =	vst v63  }
0x1b0: {  	s10 =	simm.s32 $0xB100  }
0x1b1: {  	[tilespmem:s10], [sflag:$0x2] =	stream.indirect_vreg.gather [hbm4b:s5+s3], $0x80, v3, vm0, $0xb8;
	[tilespmem:$0x10100] =	vst v63  }
0x1b2: {  	s26 =	simm.s32 $0xB900  }
0x1b3: {  	[tilespmem:s26], [sflag:$0x2] =	stream.indirect_vreg.gather [hbm4b:s6+s3], $0x80, v3, vm0, $0xb8;
	[tilespmem:$0x10100] =	vst v63  }
0x1b4: {  	v3 =	vld [tilespmem:$0x90];
	_ =	sdelay $0x4  }
0x1b5: {  	v63 =	vshll.u32 v3, $0x3  }
0x1b6: {  	v3 =	vand.u32 $0x7, v3;
	v4 =	vand.u32 $0xFFFFFFC0, v63  }
0x1b7: {  	v3 =	vor.u32 v3, v4  }
0x1b8: {  	v4 =	vperm.xlane v3, v0;
	_ =	sdelay $0x1  }
0x1b9: {  	v4 =	vadd.s32 v1, v4;
	_ =	sdelay $0x3  }
0x1ba: {  	s24 =	simm.s32 $0xC100  }
0x1bb: {  	[tilespmem:s24], [sflag:$0x2] =	stream.indirect_vreg.gather [hbm4b:s1+s3], $0x80, v4, vm0, $0xb8;
	[tilespmem:$0x10100] =	vst v63  }
0x1bc: {  	s26 =	simm.s32 $0xC900;
	v3 =	vperm.xlane v3, v2  }
0x1bd: {  	[tilespmem:s26], [sflag:$0x2] =	stream.indirect_vreg.gather [hbm4b:s4+s3], $0x80, v4, vm0, $0xb8;
	[tilespmem:$0x10100] =	vst v63  }
0x1be: {  	s11 =	simm.s32 $0xD100;
	v3 =	vadd.s32 v1, v3  }
0x1bf: {  	[tilespmem:s11], [sflag:$0x2] =	stream.indirect_vreg.gather [hbm4b:s5+s3], $0x80, v4, vm0, $0xb8;
	[tilespmem:$0x10100] =	vst v63  }
0x1c0: {  	s12 =	simm.s32 $0xD900  }
0x1c1: {  	[tilespmem:s12], [sflag:$0x2] =	stream.indirect_vreg.gather [hbm4b:s6+s3], $0x80, v4, vm0, $0xb8;
	[tilespmem:$0x10100] =	vst v63  }
0x1c2: {  	s13 =	simm.s32 $0xE100  }
0x1c3: {  	[tilespmem:s13], [sflag:$0x2] =	stream.indirect_vreg.gather [hbm4b:s1+s3], $0x80, v3, vm0, $0xb8;
	[tilespmem:$0x10100] =	vst v63  }
0x1c4: {  	s14 =	simm.s32 $0xE900  }
0x1c5: {  	[tilespmem:s14], [sflag:$0x2] =	stream.indirect_vreg.gather [hbm4b:s4+s3], $0x80, v3, vm0, $0xb8;
	[tilespmem:$0x10100] =	vst v63  }
0x1c6: {  	s15 =	simm.s32 $0xF100  }
0x1c7: {  	[tilespmem:s15], [sflag:$0x2] =	stream.indirect_vreg.gather [hbm4b:s5+s3], $0x80, v3, vm0, $0xb8;
	[tilespmem:$0x10100] =	vst v63  }
0x1c8: {  	s29 =	simm.s32 $0xF900  }
0x1c9: {  	[tilespmem:s29], [sflag:$0x2] =	stream.indirect_vreg.gather [hbm4b:s6+s3], $0x80, v3, vm0, $0xb8;
	[tilespmem:$0x10100] =	vst v63  }
0x1ca: {  	s28 =	rddreg [dreg:$0x12]  }
0x1cb: {  	[hbm4b:s28+s3] =	stream.linear.scatter [tilespmem:s30], [sflag:$0x3], $0x8000, $0x38;
	[tilespmem:$0x10100] =	vst v63  }
0x1cc: {  	_ =	swait.ge [sflag:s20], $0x8000  }
0x1cd: {  	[sflag:s20] =	ssyncset.done $0x0  }
0x1ce: {  	s31 =	rddreg [dreg:$0x13];
	[sflag:s20] =	ssyncadd.s32 $0xFFFF8000  }
0x1cf: {  	[hbm4b:s31+s3] =	stream.linear.scatter [tilespmem:s2], [sflag:$0x4], $0x8000, $0x38;
	[tilespmem:$0x10100] =	vst v63  }
0x1d0: {  	p0 =	sne.s32 s7, $0x1;
	_ =	swait.ge [sflag:s22], $0x8000  }
.Ltmp0:
0x1d1: {  	[sflag:s22] =	ssyncset.done $0x0;
	(pc) =	sbr.rel @p0 .LBB2_1-.Ltmp0, $4  }
0x1d2: {  	[sflag:s22] =	ssyncadd.s32 $0xFFFF8000  }
0x1d3: {  	_ =	swait.ge [sflag:s21], $0x8000  }
0x1d4: {  	[sflag:s21] =	ssyncset.done $0x0  }
0x1d5: {  	s7 =	sadd.s32 $0xFFFFFFFF, s7;
	[sflag:s21] =	ssyncadd.s32 $0xFFFF8000  }
0x1d6: {  	_ =	sfence.sel $0x180000  }
0x1d7: {  	[bflag:$0x0] =	sbarrier.arrive $0xFFFF  }
0x1d8: {  	_ =	strace $0x9000004A  }
0x1d9: {  	s0 =	stileid.u32;
	[bflag:$0x2] =	sbarrier.arrive $0xFFFF  }
0x1da: {  	p0 =	sne.s32 s0, $0x0;
	s0 =	rddreg [dreg:$0x3]  }
0x1db: {  	s0 =	sadd.s32 @!p0 $0x100000, s0  }
0x1dc: {  	[sflag:s0] =	ssyncadd.tile.s32 @!p0 $0x1;
	_ =	shalt  }
.Lfunc_end2:
_tile_overlayer_lowered:
.L_overlay_start_2:
0x1dd: {  	(tag) =	ssettag $0x2  }
0x1de: {  	s0 =	rddreg [dreg:$0x0];
	s2 =	stileid.u32  }
0x1df: {  	s1 =	rddreg [dreg:$0x1];
	p0 =	sne.s32 s2, $0x0  }
0x1e0: {  	s3 =	rddreg [dreg:$0x2];
	[bflag:$0x3] =	sbarrier.arrive $0xFFFF;
	s2 =	simm.s32 @!p0 $0x1C05  }
0x1e1: {  	[timem:s3], [sflag:s2] =	dma.local @!p0 [hbm:s0], s1  }
0x1e2: {  	s0 =	simm.s32 @!p0 $0x5  }
0x1e3: {  	_ =	swait.ge @!p0 [sflag:s0], s1  }
0x1e4: {  	s1 =	ssub.s32 @!p0 $0x0, s1;
	[sflag:s0] =	ssyncset.done @!p0 $0x0  }
0x1e5: {  	[sflag:s0] =	ssyncadd.s32 @!p0 s1  }
0x1e6: {  	[bflag:$0x3] =	sbarrier.arrive $0xFFFF  }
0x1e7: {  	_ =	shalt  }

// kernel: kernel.13.cloned.1.call-start
scs
__scs_entry_jumppad:
0x0: {  	(pc) =	sbr.rel $0x88, $3  }
0x1: {  	(tag) =	ssettag $0x0;
	lr =	simm.s32 $0x1  }
0x2: {  	[smem:$0x3F9A] =	sst lr;
	_ =	strace $0xD0000000  }
0x3: {  	_ = 	snop  }
0x4: {  	_ = 	snop  }
0x5: {  	_ = 	snop  }
0x6: {  	_ = 	snop  }
0x7: {  	_ = 	snop  }
__scs_overlays_trampoline_lowered:
0x8: {  	[smem:$0x3FA9] =	sst s0  }
0x9: {  	[smem:$0x3FAA] =	sst s1  }
0xa: {  	[smem:$0x3FAB] =	sst s2  }
0xb: {  	[smem:$0x3FAC] =	sst s3  }
0xc: {  	[smem:$0x3FAD] =	sst s4  }
0xd: {  	[smem:$0x3FAE] =	sst s5  }
0xe: {  	[smem:$0x3FAF] =	sst s6  }
0xf: {  	[smem:$0x3FB0] =	sst s7  }
0x10: {  	[smem:$0x3FB1] =	sst s8  }
0x11: {  	[smem:$0x3FB2] =	sst s9;
	s0 =	simm.s32 @!p0 $0x0  }
0x12: {  	s1 =	sld [smem:$0x3F98];
	s0 =	simm.s32 @p0 $0x1  }
0x13: {  	[smem:$0x3FB3] =	sst s0;
	s0 =	simm.s32 @!p1 $0x0  }
0x14: {  	s2 =	sld [smem:$0x3F97];
	s0 =	simm.s32 @p1 $0x1  }
0x15: {  	[smem:$0x3FB4] =	sst s0;
	s0 =	simm.s32 @!p2 $0x0  }
0x16: {  	s3 =	sld [smem:$0x3FDB];
	s0 =	simm.s32 @p2 $0x1  }
0x17: {  	s4 =	simm.s32 $0x1BF5;
	[smem:$0x3FB6] =	sst s0  }
0x18: {  	s0 =	sld [smem:$0x3F99];
	_ =	swait.ge [sflag:s4], $0x0  }
0x19: {  	s7 =	sld [smem:$0x3F9A]  }
0x1a: {  	s8 =	sadd.s32 $0xFFFFE003, lr  }
0x1b: {  	s9 =	sadd.s32 $0xFFFFFEF7, lr;
	s5 =	simm.s32 $0xFFFFFFFF;
	p2 =	slt.u32 s8, $0xFFFFF086  }
0x1c: {  	p1 =	slt.u32 s9, $0xF7A;
	s5 =	simm.s32 @!p2 $0x0  }
0x1d: {  	s5 =	simm.s32 @p1 $0x1;
	p0 =	seq.s32 s7, s2  }
0x1e: {  	s7 =	smul.u32 @!p0 $0xF7A, s2;
	p2 =	seq.s32 @!p0 s5, $0x0  }
0x1f: {  	s9 =	smul.u32 $0xF7A, s1;
	s8 =	simm.s32 @!p0 $0x1BF5;
	p2 =	por !p2, p0  }
0x20: {  	[sflag:s8] =	ssyncset.s32 @!p0 $0xFFFFF086;
	s6 =	sadd.s32 @!p0 s3, s7;
	s7 =	simm.s32 @!p0 $0x108  }
0x21: {  	s3 =	sadd.s32 s3, s9;
	s6 =	sadd.s32 @!p0 $0x88, s6;
	s7 =	simm.s32 @p2 $0x1082  }
0x22: {  	[simem:s7], [sflag:s8] =	dma.local @!p0 [hbm:s6], $0xF7A  }
0x23: {  	s9 =	sor.u32 $0xD0000000, s2;
	s6 =	simm.s32 $0x108;
	_ =	swait.ge @!p0 [sflag:s8], $0x0  }
0x24: {  	s3 =	sadd.s32 $0x88, s3;
	s6 =	simm.s32 @!p1 $0x1082;
	[sflag:s4] =	ssyncset.s32 $0xFFFFF086  }
0x25: {  	[simem:s6], [sflag:s4] =	dma.local [hbm:s3], $0xF7A  }
0x26: {  	[smem:$0x3F9A] =	sst s1;
	(tag) =	ssettag s2;
	_ =	strace s9  }
0x27: {  	s1 =	sld [smem:$0x3FAA]  }
0x28: {  	s2 =	sld [smem:$0x3FAB]  }
0x29: {  	s4 =	sld [smem:$0x3FAD]  }
0x2a: {  	p0 =	seq.s32 s5, $0x0;
	s5 =	sld [smem:$0x3FAE]  }
0x2b: {  	s6 =	sld [smem:$0x3FAF]  }
0x2c: {  	s7 =	sld [smem:$0x3FB0]  }
0x2d: {  	s3 =	simm.s32 $0x108;
	s8 =	sld [smem:$0x3FB1]  }
0x2e: {  	s3 =	simm.s32 @!p0 $0x1082;
	s9 =	sld [smem:$0x3FB2]  }
0x2f: {  	lr =	sadd.s32 s0, s3;
	s0 =	sld [smem:$0x3FA9]  }
0x30: {  	s3 =	sld [smem:$0x3FAC]  }
0x31: {  	[smem:$0x3FB5] =	sst s10  }
0x32: {  	s10 =	sld [smem:$0x3FB3];
	_ =	sdelay $0x3  }
0x33: {  	p0 =	seq.s32 s10, $0x1;
	s10 =	sld [smem:$0x3FB5];
	_ =	sdelay $0x3  }
0x34: {  	[smem:$0x3FB5] =	sst s10  }
0x35: {  	s10 =	sld [smem:$0x3FB4];
	_ =	sdelay $0x3  }
0x36: {  	p1 =	seq.s32 s10, $0x1;
	s10 =	sld [smem:$0x3FB5];
	_ =	sdelay $0x3  }
0x37: {  	[smem:$0x3FB5] =	sst s10  }
0x38: {  	s10 =	sld [smem:$0x3FB6]  }
0x39: {  	_ = 	snop;
	(pc) =	sbr.ind lr, $3  }
0x3a: {  	_ = 	snop  }
0x3b: {  	_ = 	snop  }
0x3c: {  	p2 =	seq.s32 s10, $0x1;
	s10 =	sld [smem:$0x3FB5]  }
0x3d: {  	_ =	shalt  }
0x3e: {  	_ =	shalt  }
0x3f: {  	_ =	shalt  }
0x40: {  	_ =	shalt  }
0x41: {  	_ =	shalt  }
0x42: {  	_ =	shalt  }
0x43: {  	_ =	shalt  }
0x44: {  	_ =	shalt  }
0x45: {  	_ =	shalt  }
0x46: {  	_ =	shalt  }
0x47: {  	_ =	shalt  }
0x48: {  	_ =	shalt  }
0x49: {  	_ =	shalt  }
0x4a: {  	_ =	shalt  }
0x4b: {  	_ =	shalt  }
0x4c: {  	_ =	shalt  }
0x4d: {  	_ =	shalt  }
0x4e: {  	_ =	shalt  }
0x4f: {  	_ =	shalt  }
0x50: {  	_ =	shalt  }
0x51: {  	_ =	shalt  }
0x52: {  	_ =	shalt  }
0x53: {  	_ =	shalt  }
0x54: {  	_ =	shalt  }
0x55: {  	_ =	shalt  }
0x56: {  	_ =	shalt  }
0x57: {  	_ =	shalt  }
0x58: {  	_ =	shalt  }
0x59: {  	_ =	shalt  }
0x5a: {  	_ =	shalt  }
0x5b: {  	_ =	shalt  }
0x5c: {  	_ =	shalt  }
0x5d: {  	_ =	shalt  }
0x5e: {  	_ =	shalt  }
0x5f: {  	_ =	shalt  }
0x60: {  	_ =	shalt  }
0x61: {  	_ =	shalt  }
0x62: {  	_ =	shalt  }
0x63: {  	_ =	shalt  }
0x64: {  	_ =	shalt  }
0x65: {  	_ =	shalt  }
0x66: {  	_ =	shalt  }
0x67: {  	_ =	shalt  }
0x68: {  	_ =	shalt  }
0x69: {  	_ =	shalt  }
0x6a: {  	_ =	shalt  }
0x6b: {  	_ =	shalt  }
0x6c: {  	_ =	shalt  }
0x6d: {  	_ =	shalt  }
0x6e: {  	_ =	shalt  }
0x6f: {  	_ =	shalt  }
0x70: {  	_ =	shalt  }
0x71: {  	_ =	shalt  }
0x72: {  	_ =	shalt  }
0x73: {  	_ =	shalt  }
0x74: {  	_ =	shalt  }
0x75: {  	_ =	shalt  }
0x76: {  	_ =	shalt  }
0x77: {  	_ =	shalt  }
0x78: {  	_ =	shalt  }
0x79: {  	_ =	shalt  }
0x7a: {  	_ =	shalt  }
0x7b: {  	_ =	shalt  }
0x7c: {  	_ =	shalt  }
0x7d: {  	_ =	shalt  }
0x7e: {  	_ =	shalt  }
0x7f: {  	_ =	shalt  }
0x80: {  	_ =	shalt  }
0x81: {  	_ =	shalt  }
0x82: {  	_ =	shalt  }
0x83: {  	_ =	shalt  }
0x84: {  	_ =	shalt  }
0x85: {  	_ =	shalt  }
0x86: {  	_ =	shalt  }
0x87: {  	_ =	shalt  }
.Lfunc_end0:
.L_simem_size_0:
called_computation.2_lowered:
.L_overlay_start_0:
0x88: {  	s2 =	sld [smem:$0x3FD9]  }
0x89: {  	s3 =	sld [smem:$0x3FFE];
	_ =	sdelay $0x1  }
0x8a: {  	s1 =	srdreg.scid  }
0x8b: {  	s0 =	sand.u32 $0x1, s1  }
0x8c: {  	s17 =	sshll.u32 s0, $0xA;
	s2 =	sadd.s32 s3, s2  }
0x8d: {  	s2 =	sadd.s32 s2, s17  }
0x8e: {  	[smem:$0x3FC1] =	sst s2  }
0x8f: {  	_ = 	snop  }
0x90: {  	s2 =	sld [smem:$0x3FD0];
	(tm) =	ssettm $0x1  }
0x91: {  	s18 =	sld [smem:$0x3FFB];
	_ =	sdelay $0x3  }
0x92: {  	_ =	strace s18  }
0x93: {  	s3 =	sld [smem:$0x3FFC];
	_ =	sdelay $0x3  }
0x94: {  	_ =	strace s3  }
0x95: {  	s3 =	sld [smem:$0x3FFD];
	_ =	sdelay $0x3  }
0x96: {  	_ =	strace s3  }
0x97: {  	_ =	strace $0x8FFFFFFF  }
0x98: {  	s19 =	sld [smem:$0x3FDB];
	_ =	sdelay $0x1  }
0x99: {  	s4 =	simm.s32 $_scs_section_size  }
0x9a: {  	s5 =	simm.s32 $_size__tile_overlayer_lowered;
	s6 =	simm.s32 $_tile_overlayer_lowered  }
0x9b: {  	s22 =	simm.s32 $0x1BFF;
	s21 =	sshll.u32 s6, $0x1;
	s3 =	sadd.s32 s4, s19  }
0x9c: {  	s7 =	simm.s32 $0x0;
	s20 =	sshll.u32 s5, $0x1;
	s5 =	sadd.s32 s21, s3  }
0x9d: {  	[timem:s7], [sflag:s22] =	dma.local [hbm:s5], s20  }
0x9e: {  	_ =	swait.ge [sflag:s22], s20  }
0x9f: {  	s4 =	ssub.s32 $0x0, s20;
	[sflag:s22] =	ssyncset.done $0x0  }
0xa0: {  	[sflag:s22] =	ssyncadd.s32 s4;
	_ =	sdelay $0x1  }
0xa1: {  	s23 =	simm.s32 $0x1B8B  }
0xa2: {  	_ =	swait.ge [sflag:s23], $0x1  }
0xa3: {  	[sflag:s23] =	ssyncset.done $0x0  }
0xa4: {  	s25 =	simm.s32 $0x1B8E;
	s24 =	sld [smem:$0x3FFE];
	[sflag:s23] =	ssyncadd.s32 $0xFFFFFFFF  }
0xa5: {  	s26 =	simm.s32 $execute0_lowered;
	[smem:$0x3FD2] =	sst s25  }
0xa6: {  	s5 =	sshll.u32 s26, $0x1;
	_ =	strace $0x8000004C;
	[dreg:$0x1] =	wrdreg $0xFFFFFFFF  }
0xa7: {  	s28 =	simm.s32 $_size_execute0_lowered;
	s3 =	sadd.s32 s3, s5;
	[dreg:$0x0] =	wrdreg $0x0  }
0xa8: {  	s5 =	sshll.u32 s28, $0x1;
	[dreg:$0x2] =	wrdreg s3  }
0xa9: {  	[dreg:$0x3] =	wrdreg s5  }
0xaa: {  	[dreg:$0x4] =	wrdreg $0xC0  }
0xab: {  	_ =	task [dreg:s7], $0x5FFFF  }
0xac: {  	[dreg:$0x1] =	wrdreg $0xFFFFFFFF  }
0xad: {  	[dreg:$0x0] =	wrdreg $0x60  }
0xae: {  	[dreg:$0x2] =	wrdreg s24  }
0xaf: {  	[dreg:$0x3] =	wrdreg s2  }
0xb0: {  	[dreg:$0x4] =	wrdreg $0x9  }
0xb1: {  	_ =	task.clear_ibuf [dreg:s7], $0x5FFFF;
	_ =	strace $0x9000004C  }
0xb2: {  	s29 =	simm.s32 $0x9;
	_ =	strace $0x8000004E  }
0xb3: {  	_ =	swait.ge [sflag:s29], $0x1  }
0xb4: {  	[sflag:s29] =	ssyncadd.s32 $0xFFFFFFFF  }
0xb5: {  	_ =	strace $0x9000004E  }
0xb6: {  	_ =	sfence  }
0xb7: {  	s30 =	sld [smem:$0x0];
	_ =	sdelay $0x2  }
0xb8: {  	s31 =	sshll.u32 s1, $0xD;
	s1 =	sshrl.u32 s1, $0x2  }
0xb9: {  	s3 =	sand.u32 $0x4000, s31;
	s1 =	sadd.s32 s1, s30  }
0xba: {  	s0 =	sor.u32 s3, s0;
	s1 =	sshll.u32 s1, $0x11  }
0xbb: {  	s0 =	sor.u32 s1, s0  }
0xbc: {  	s0 =	sadd.s32 $0x8F2B, s0  }
0xbd: {  	[sflag:s0] =	ssyncadd.remote.s32 $0x1  }
0xbe: {  	_ =	sfence.sel $0xFFFF  }
0xbf: {  	[dreg:$0x0] =	wrdreg $0xFFFFFFFF;
	(pc) =	sbr.abs _section_cstart, $3  }
0xc0: {  	[dreg:$0x1] =	wrdreg $0xFFFFFFFF  }
0xc1: {  	_ =	task.clear_ibuf [dreg:s7], $0x2FFFF;
	_ =	strace $0x9FFFFFFF  }
0xc2: {  	(tm) =	ssettm $0x7FFFFFFF  }
0xc3: {  	_ =	shalt  }
tec
execute0_lowered:
.L_overlay_start_1:
0x0: {  	(tag) =	ssettag $0x1  }
0x1: {  	s0 =	rddreg [dreg:$0x0]  }
0x2: {  	s1 =	rddreg [dreg:$0x1];
	s3 =	srdreg.scid  }
0x3: {  	s2 =	simm.s32 $0x0;
	s5 =	stileid.u32;
	s4 =	sand.u32 $0x1, s3  }
0x4: {  	[smem:$0x7FF] =	sst s2;
	s5 =	sshll.u32 s5, $0x8;
	s6 =	sadd.s32 $0x1000, s0  }
0x5: {  	s3 =	sshll.u32 s4, $0xC;
	_ =	strace $0x8000004D;
	s4 =	ssub.s32 $0x2, s4  }
0x6: {  	s5 =	sor.u32 s5, s3;
	s3 =	sadd.s32 $0x23000, s0;
	s18 =	sshrl.u32 s4, $0x1  }
0x7: {  	s7 =	sshrl.u32 s5, $0x3;
	s8 =	sor.u32 $0x20, s5;
	s29 =	sshll.u32 s5, $0x7  }
0x8: {  	s31 =	sor.u32 $0x40, s5;
	s10 =	sor.u32 $0x60, s5;
	s17 =	sor.u32 $0x80, s5  }
0x9: {  	s24 =	sor.u32 $0xC0, s5;
	s7 =	sadd.s32 s6, s7;
	s9 =	sshrl.u32 s8, $0x3  }
0xa: {  	s30 =	sadd.s32 s1, s29;
	s11 =	sshrl.u32 s31, $0x3;
	s8 =	sshll.u32 s8, $0x7  }
0xb: {  	s13 =	sshrl.u32 s10, $0x3;
	s15 =	sshll.u32 s31, $0x7;
	s19 =	sshrl.u32 s17, $0x3  }
0xc: {  	s10 =	sshll.u32 s10, $0x7;
	s25 =	sshrl.u32 s24, $0x3;
	[dreg:$0x3] =	wrdreg s7  }
0xd: {  	s31 =	sshll.u32 s24, $0x7;
	s28 =	sadd.s32 s6, s9;
	[dreg:$0x5] =	wrdreg s30  }
0xe: {  	s7 =	sadd.s32 s6, s11;
	s12 =	sadd.s32 s1, s8;
	s14 =	sadd.s32 s6, s13  }
0xf: {  	s16 =	sadd.s32 s1, s15;
	s11 =	sor.u32 $0xA0, s5;
	[dreg:$0x4] =	wrdreg s28  }
0x10: {  	s20 =	sadd.s32 s1, s10;
	s8 =	sshll.u32 s17, $0x7;
	[dreg:$0x6] =	wrdreg s7  }
0x11: {  	s9 =	ssub.s32 s4, s18;
	s4 =	sadd.s32 s6, s25;
	[dreg:$0x7] =	wrdreg s12  }
0x12: {  	s5 =	sor.u32 $0xE0, s5;
	s25 =	simm.s32 $0x1;
	[dreg:$0x8] =	wrdreg s14  }
0x13: {  	[dreg:$0x9] =	wrdreg s16;
	s7 =	sadd.s32 s6, s19;
	s21 =	sshrl.u32 s11, $0x3  }
0x14: {  	[dreg:$0xb] =	wrdreg s20;
	s23 =	sadd.s32 s1, s8;
	s26 =	sshll.u32 s11, $0x7  }
0x15: {  	[dreg:$0xe] =	wrdreg s4;
	s29 =	sshrl.u32 s5, $0x3;
	s5 =	sshll.u32 s5, $0x7  }
0x16: {  	s4 =	sadd.s32 $0x23100, s0;
	s8 =	simm.s32 $0x5;
	[dreg:$0xa] =	wrdreg s7  }
0x17: {  	s20 =	simm.s32 $0x2;
	s22 =	sadd.s32 s6, s21;
	[dreg:$0xd] =	wrdreg s23  }
0x18: {  	s28 =	sadd.s32 s1, s26;
	s30 =	sadd.s32 s6, s29;
	[dreg:$0xc] =	wrdreg s22  }
0x19: {  	s6 =	sadd.s32 s1, s31;
	s1 =	sadd.s32 s1, s5;
	[dreg:$0xf] =	wrdreg s28  }
0x1a: {  	v2 =	vlaneseq.u32;
	s5 =	sadd.s32 $0x23200, s0;
	s7 =	smax.u32 s9, $0x1;
	[dreg:$0x10] =	wrdreg s30  }
0x1b: {  	vm0 =	vmmov $0xffff;
	v1 =	vshrl.u32 v2, $0x3;
	s21 =	simm.s32 $0x3;
	[dreg:$0x11] =	wrdreg s6;
	s6 =	sadd.s32 $0x23300, s0  }
0x1c: {  	v0 =	vand.u32 $0x7, v2;
	v2 =	vor.u32 $0x8, v2;
	v1 =	vmul.u32 $0x8, v1;
	[dreg:$0x12] =	wrdreg s1;
	s22 =	simm.s32 $0x4;
	s1 =	simm.s32 $0x8100  }
.LBB2_1:
0x1d: {  	s23 =	rddreg [dreg:$0x3]  }
0x1e: {  	[tilespmem:s2], [sflag:$0x5] =	stream.linear.gather [hbm4b:s23+s2], $0x20, $0x38;
	[tilespmem:$0x10100] =	vst v63  }
0x1f: {  	_ =	swait.ge [sflag:s8], $0x20  }
0x20: {  	[sflag:s8] =	ssyncset.done $0x0  }
0x21: {  	[sflag:s8] =	ssyncadd.s32 $0xFFFFFFE0  }
0x22: {  	v3 =	vld [tilespmem:$0x0];
	_ =	sdelay $0x4  }
0x23: {  	v4 =	vshll.u32 v3, $0x3  }
0x24: {  	v3 =	vand.u32 $0x7, v3;
	v4 =	vand.u32 $0xFFFFFFC0, v4  }
0x25: {  	v3 =	vor.u32 v3, v4  }
0x26: {  	v4 =	vperm.xlane v3, v0;
	_ =	sdelay $0x1  }
0x27: {  	v4 =	vadd.s32 v1, v4;
	_ =	sdelay $0x3  }
0x28: {  	s0 =	simm.s32 $0x100  }
0x29: {  	[tilespmem:s0], [sflag:$0x1] =	stream.indirect_vreg.gather [hbm4b:s3+s2], $0x80, v4, vm0, $0xb8;
	[tilespmem:$0x10100] =	vst v63  }
0x2a: {  	s10 =	simm.s32 $0x900;
	v3 =	vperm.xlane v3, v2  }
0x2b: {  	[tilespmem:s10], [sflag:$0x1] =	stream.indirect_vreg.gather [hbm4b:s4+s2], $0x80, v4, vm0, $0xb8;
	[tilespmem:$0x10100] =	vst v63  }
0x2c: {  	s11 =	simm.s32 $0x1100;
	v3 =	vadd.s32 v1, v3  }
0x2d: {  	[tilespmem:s11], [sflag:$0x1] =	stream.indirect_vreg.gather [hbm4b:s5+s2], $0x80, v4, vm0, $0xb8;
	[tilespmem:$0x10100] =	vst v63  }
0x2e: {  	s12 =	simm.s32 $0x1900  }
0x2f: {  	[tilespmem:s12], [sflag:$0x1] =	stream.indirect_vreg.gather [hbm4b:s6+s2], $0x80, v4, vm0, $0xb8;
	[tilespmem:$0x10100] =	vst v63  }
0x30: {  	s13 =	simm.s32 $0x2100  }
0x31: {  	[tilespmem:s13], [sflag:$0x1] =	stream.indirect_vreg.gather [hbm4b:s3+s2], $0x80, v3, vm0, $0xb8;
	[tilespmem:$0x10100] =	vst v63  }
0x32: {  	s14 =	simm.s32 $0x2900  }
0x33: {  	[tilespmem:s14], [sflag:$0x1] =	stream.indirect_vreg.gather [hbm4b:s4+s2], $0x80, v3, vm0, $0xb8;
	[tilespmem:$0x10100] =	vst v63  }
0x34: {  	s15 =	simm.s32 $0x3100  }
0x35: {  	[tilespmem:s15], [sflag:$0x1] =	stream.indirect_vreg.gather [hbm4b:s5+s2], $0x80, v3, vm0, $0xb8;
	[tilespmem:$0x10100] =	vst v63  }
0x36: {  	s17 =	simm.s32 $0x3900  }
0x37: {  	[tilespmem:s17], [sflag:$0x1] =	stream.indirect_vreg.gather [hbm4b:s6+s2], $0x80, v3, vm0, $0xb8;
	[tilespmem:$0x10100] =	vst v63  }
0x38: {  	v3 =	vld [tilespmem:$0x10];
	_ =	sdelay $0x4  }
0x39: {  	v49 =	vshll.u32 v3, $0x3  }
0x3a: {  	v3 =	vand.u32 $0x7, v3;
	v4 =	vand.u32 $0xFFFFFFC0, v49  }
0x3b: {  	v3 =	vor.u32 v3, v4  }
0x3c: {  	v4 =	vperm.xlane v3, v0;
	_ =	sdelay $0x1  }
0x3d: {  	v4 =	vadd.s32 v1, v4;
	_ =	sdelay $0x3  }
0x3e: {  	s18 =	simm.s32 $0x4100  }
0x3f: {  	[tilespmem:s18], [sflag:$0x1] =	stream.indirect_vreg.gather [hbm4b:s3+s2], $0x80, v4, vm0, $0xb8;
	[tilespmem:$0x10100] =	vst v63  }
0x40: {  	s19 =	simm.s32 $0x4900;
	v3 =	vperm.xlane v3, v2  }
0x41: {  	[tilespmem:s19], [sflag:$0x1] =	stream.indirect_vreg.gather [hbm4b:s4+s2], $0x80, v4, vm0, $0xb8;
	[tilespmem:$0x10100] =	vst v63  }
0x42: {  	s23 =	simm.s32 $0x5100;
	v3 =	vadd.s32 v1, v3  }
0x43: {  	[tilespmem:s23], [sflag:$0x1] =	stream.indirect_vreg.gather [hbm4b:s5+s2], $0x80, v4, vm0, $0xb8;
	[tilespmem:$0x10100] =	vst v63  }
0x44: {  	s28 =	simm.s32 $0x5900  }
0x45: {  	[tilespmem:s28], [sflag:$0x1] =	stream.indirect_vreg.gather [hbm4b:s6+s2], $0x80, v4, vm0, $0xb8;
	[tilespmem:$0x10100] =	vst v63  }
0x46: {  	s29 =	simm.s32 $0x6100  }
0x47: {  	[tilespmem:s29], [sflag:$0x1] =	stream.indirect_vreg.gather [hbm4b:s3+s2], $0x80, v3, vm0, $0xb8;
	[tilespmem:$0x10100] =	vst v63  }
0x48: {  	s30 =	simm.s32 $0x6900  }
0x49: {  	[tilespmem:s30], [sflag:$0x1] =	stream.indirect_vreg.gather [hbm4b:s4+s2], $0x80, v3, vm0, $0xb8;
	[tilespmem:$0x10100] =	vst v63  }
0x4a: {  	s31 =	simm.s32 $0x7100  }
0x4b: {  	[tilespmem:s31], [sflag:$0x1] =	stream.indirect_vreg.gather [hbm4b:s5+s2], $0x80, v3, vm0, $0xb8;
	[tilespmem:$0x10100] =	vst v63  }
0x4c: {  	s9 =	simm.s32 $0x7900  }
0x4d: {  	[tilespmem:s9], [sflag:$0x1] =	stream.indirect_vreg.gather [hbm4b:s6+s2], $0x80, v3, vm0, $0xb8;
	[tilespmem:$0x10100] =	vst v63  }
0x4e: {  	_ =	swait.ge [sflag:s25], $0x8000  }
0x4f: {  	[sflag:s25] =	ssyncset.done $0x0  }
0x50: {  	s18 =	simm.s32 $0x80;
	s11 =	rddreg [dreg:$0x4];
	[sflag:s25] =	ssyncadd.s32 $0xFFFF8000  }
0x51: {  	[tilespmem:s18], [sflag:$0x5] =	stream.linear.gather [hbm4b:s11+s2], $0x20, $0x38;
	[tilespmem:$0x10100] =	vst v63  }
0x52: {  	_ =	swait.ge [sflag:s8], $0x20  }
0x53: {  	[sflag:s8] =	ssyncset.done $0x0  }
0x54: {  	[sflag:s8] =	ssyncadd.s32 $0xFFFFFFE0  }
0x55: {  	v3 =	vld [tilespmem:$0x80];
	_ =	sdelay $0x4  }
0x56: {  	v50 =	vshll.u32 v3, $0x3  }
0x57: {  	v3 =	vand.u32 $0x7, v3;
	v4 =	vand.u32 $0xFFFFFFC0, v50  }
0x58: {  	v3 =	vor.u32 v3, v4  }
0x59: {  	v4 =	vperm.xlane v3, v0;
	_ =	sdelay $0x1  }
0x5a: {  	v4 =	vadd.s32 v1, v4;
	_ =	sdelay $0x4  }
0x5b: {  	[tilespmem:s1], [sflag:$0x2] =	stream.indirect_vreg.gather [hbm4b:s3+s2], $0x80, v4, vm0, $0xb8;
	[tilespmem:$0x10100] =	vst v63  }
0x5c: {  	s12 =	simm.s32 $0x8900;
	v3 =	vperm.xlane v3, v2  }
0x5d: {  	[tilespmem:s12], [sflag:$0x2] =	stream.indirect_vreg.gather [hbm4b:s4+s2], $0x80, v4, vm0, $0xb8;
	[tilespmem:$0x10100] =	vst v63  }
0x5e: {  	s13 =	simm.s32 $0x9100;
	v3 =	vadd.s32 v1, v3  }
0x5f: {  	[tilespmem:s13], [sflag:$0x2] =	stream.indirect_vreg.gather [hbm4b:s5+s2], $0x80, v4, vm0, $0xb8;
	[tilespmem:$0x10100] =	vst v63  }
0x60: {  	s18 =	simm.s32 $0x9900  }
0x61: {  	[tilespmem:s18], [sflag:$0x2] =	stream.indirect_vreg.gather [hbm4b:s6+s2], $0x80, v4, vm0, $0xb8;
	[tilespmem:$0x10100] =	vst v63  }
0x62: {  	s29 =	simm.s32 $0xA100  }
0x63: {  	[tilespmem:s29], [sflag:$0x2] =	stream.indirect_vreg.gather [hbm4b:s3+s2], $0x80, v3, vm0, $0xb8;
	[tilespmem:$0x10100] =	vst v63  }
0x64: {  	s30 =	simm.s32 $0xA900  }
0x65: {  	[tilespmem:s30], [sflag:$0x2] =	stream.indirect_vreg.gather [hbm4b:s4+s2], $0x80, v3, vm0, $0xb8;
	[tilespmem:$0x10100] =	vst v63  }
0x66: {  	s31 =	simm.s32 $0xB100  }
0x67: {  	[tilespmem:s31], [sflag:$0x2] =	stream.indirect_vreg.gather [hbm4b:s5+s2], $0x80, v3, vm0, $0xb8;
	[tilespmem:$0x10100] =	vst v63  }
0x68: {  	s11 =	simm.s32 $0xB900  }
0x69: {  	[tilespmem:s11], [sflag:$0x2] =	stream.indirect_vreg.gather [hbm4b:s6+s2], $0x80, v3, vm0, $0xb8;
	[tilespmem:$0x10100] =	vst v63  }
0x6a: {  	v3 =	vld [tilespmem:$0x90];
	_ =	sdelay $0x4  }
0x6b: {  	v51 =	vshll.u32 v3, $0x3  }
0x6c: {  	v3 =	vand.u32 $0x7, v3;
	v4 =	vand.u32 $0xFFFFFFC0, v51  }
0x6d: {  	v3 =	vor.u32 v3, v4  }
0x6e: {  	v4 =	vperm.xlane v3, v0;
	_ =	sdelay $0x1  }
0x6f: {  	v4 =	vadd.s32 v1, v4;
	_ =	sdelay $0x3  }
0x70: {  	s12 =	simm.s32 $0xC100  }
0x71: {  	[tilespmem:s12], [sflag:$0x2] =	stream.indirect_vreg.gather [hbm4b:s3+s2], $0x80, v4, vm0, $0xb8;
	[tilespmem:$0x10100] =	vst v63  }
0x72: {  	s13 =	simm.s32 $0xC900;
	v3 =	vperm.xlane v3, v2  }
0x73: {  	[tilespmem:s13], [sflag:$0x2] =	stream.indirect_vreg.gather [hbm4b:s4+s2], $0x80, v4, vm0, $0xb8;
	[tilespmem:$0x10100] =	vst v63  }
0x74: {  	s18 =	simm.s32 $0xD100;
	v3 =	vadd.s32 v1, v3  }
0x75: {  	[tilespmem:s18], [sflag:$0x2] =	stream.indirect_vreg.gather [hbm4b:s5+s2], $0x80, v4, vm0, $0xb8;
	[tilespmem:$0x10100] =	vst v63  }
0x76: {  	s29 =	simm.s32 $0xD900  }
0x77: {  	[tilespmem:s29], [sflag:$0x2] =	stream.indirect_vreg.gather [hbm4b:s6+s2], $0x80, v4, vm0, $0xb8;
	[tilespmem:$0x10100] =	vst v63  }
0x78: {  	s30 =	simm.s32 $0xE100  }
0x79: {  	[tilespmem:s30], [sflag:$0x2] =	stream.indirect_vreg.gather [hbm4b:s3+s2], $0x80, v3, vm0, $0xb8;
	[tilespmem:$0x10100] =	vst v63  }
0x7a: {  	s31 =	simm.s32 $0xE900  }
0x7b: {  	[tilespmem:s31], [sflag:$0x2] =	stream.indirect_vreg.gather [hbm4b:s4+s2], $0x80, v3, vm0, $0xb8;
	[tilespmem:$0x10100] =	vst v63  }
0x7c: {  	s18 =	simm.s32 $0xF100  }
0x7d: {  	[tilespmem:s18], [sflag:$0x2] =	stream.indirect_vreg.gather [hbm4b:s5+s2], $0x80, v3, vm0, $0xb8;
	[tilespmem:$0x10100] =	vst v63  }
0x7e: {  	s30 =	simm.s32 $0xF900  }
0x7f: {  	[tilespmem:s30], [sflag:$0x2] =	stream.indirect_vreg.gather [hbm4b:s6+s2], $0x80, v3, vm0, $0xb8;
	[tilespmem:$0x10100] =	vst v63  }
0x80: {  	s24 =	simm.s32 $0x100;
	s29 =	rddreg [dreg:$0x5]  }
0x81: {  	[hbm4b:s29+s2] =	stream.linear.scatter [tilespmem:s24], [sflag:$0x3], $0x8000, $0x38;
	[tilespmem:$0x10100] =	vst v63  }
0x82: {  	_ =	swait.ge [sflag:s20], $0x8000  }
0x83: {  	[sflag:s20] =	ssyncset.done $0x0  }
0x84: {  	[sflag:s20] =	ssyncadd.s32 $0xFFFF8000  }
0x85: {  	_ =	swait.ge [sflag:s21], $0x8000  }
0x86: {  	[sflag:s21] =	ssyncset.done $0x0  }
0x87: {  	s31 =	rddreg [dreg:$0x6];
	[sflag:s21] =	ssyncadd.s32 $0xFFFF8000  }
0x88: {  	[tilespmem:s2], [sflag:$0x5] =	stream.linear.gather [hbm4b:s31+s2], $0x20, $0x38;
	[tilespmem:$0x10100] =	vst v63  }
0x89: {  	_ =	swait.ge [sflag:s8], $0x20  }
0x8a: {  	[sflag:s8] =	ssyncset.done $0x0  }
0x8b: {  	[sflag:s8] =	ssyncadd.s32 $0xFFFFFFE0  }
0x8c: {  	v3 =	vld [tilespmem:$0x0];
	_ =	sdelay $0x4  }
0x8d: {  	v52 =	vshll.u32 v3, $0x3  }
0x8e: {  	v3 =	vand.u32 $0x7, v3;
	v4 =	vand.u32 $0xFFFFFFC0, v52  }
0x8f: {  	v3 =	vor.u32 v3, v4  }
0x90: {  	v4 =	vperm.xlane v3, v0;
	_ =	sdelay $0x1  }
0x91: {  	v4 =	vadd.s32 v1, v4;
	_ =	sdelay $0x4  }
0x92: {  	[tilespmem:s24], [sflag:$0x1] =	stream.indirect_vreg.gather [hbm4b:s3+s2], $0x80, v4, vm0, $0xb8;
	[tilespmem:$0x10100] =	vst v63  }
0x93: {  	v3 =	vperm.xlane v3, v2;
	s24 =	simm.s32 $0x900  }
0x94: {  	[tilespmem:s24], [sflag:$0x1] =	stream.indirect_vreg.gather [hbm4b:s4+s2], $0x80, v4, vm0, $0xb8;
	[tilespmem:$0x10100] =	vst v63  }
0x95: {  	s16 =	simm.s32 $0x1100;
	v3 =	vadd.s32 v1, v3  }
0x96: {  	[tilespmem:s16], [sflag:$0x1] =	stream.indirect_vreg.gather [hbm4b:s5+s2], $0x80, v4, vm0, $0xb8;
	[tilespmem:$0x10100] =	vst v63  }
0x97: {  	s26 =	simm.s32 $0x1900  }
0x98: {  	[tilespmem:s26], [sflag:$0x1] =	stream.indirect_vreg.gather [hbm4b:s6+s2], $0x80, v4, vm0, $0xb8;
	[tilespmem:$0x10100] =	vst v63  }
0x99: {  	s29 =	simm.s32 $0x2100  }
0x9a: {  	[tilespmem:s29], [sflag:$0x1] =	stream.indirect_vreg.gather [hbm4b:s3+s2], $0x80, v3, vm0, $0xb8;
	[tilespmem:$0x10100] =	vst v63  }
0x9b: {  	s31 =	simm.s32 $0x2900  }
0x9c: {  	[tilespmem:s31], [sflag:$0x1] =	stream.indirect_vreg.gather [hbm4b:s4+s2], $0x80, v3, vm0, $0xb8;
	[tilespmem:$0x10100] =	vst v63  }
0x9d: {  	s10 =	simm.s32 $0x3100  }
0x9e: {  	[tilespmem:s10], [sflag:$0x1] =	stream.indirect_vreg.gather [hbm4b:s5+s2], $0x80, v3, vm0, $0xb8;
	[tilespmem:$0x10100] =	vst v63  }
0x9f: {  	s26 =	simm.s32 $0x3900  }
0xa0: {  	[tilespmem:s26], [sflag:$0x1] =	stream.indirect_vreg.gather [hbm4b:s6+s2], $0x80, v3, vm0, $0xb8;
	[tilespmem:$0x10100] =	vst v63  }
0xa1: {  	v3 =	vld [tilespmem:$0x10];
	_ =	sdelay $0x4  }
0xa2: {  	v53 =	vshll.u32 v3, $0x3  }
0xa3: {  	v3 =	vand.u32 $0x7, v3;
	v4 =	vand.u32 $0xFFFFFFC0, v53  }
0xa4: {  	v3 =	vor.u32 v3, v4  }
0xa5: {  	v4 =	vperm.xlane v3, v0;
	_ =	sdelay $0x1  }
0xa6: {  	v4 =	vadd.s32 v1, v4;
	_ =	sdelay $0x3  }
0xa7: {  	s17 =	simm.s32 $0x4100  }
0xa8: {  	[tilespmem:s17], [sflag:$0x1] =	stream.indirect_vreg.gather [hbm4b:s3+s2], $0x80, v4, vm0, $0xb8;
	[tilespmem:$0x10100] =	vst v63  }
0xa9: {  	s19 =	simm.s32 $0x4900;
	v3 =	vperm.xlane v3, v2  }
0xaa: {  	[tilespmem:s19], [sflag:$0x1] =	stream.indirect_vreg.gather [hbm4b:s4+s2], $0x80, v4, vm0, $0xb8;
	[tilespmem:$0x10100] =	vst v63  }
0xab: {  	s14 =	simm.s32 $0x5100;
	v3 =	vadd.s32 v1, v3  }
0xac: {  	[tilespmem:s14], [sflag:$0x1] =	stream.indirect_vreg.gather [hbm4b:s5+s2], $0x80, v4, vm0, $0xb8;
	[tilespmem:$0x10100] =	vst v63  }
0xad: {  	s15 =	simm.s32 $0x5900  }
0xae: {  	[tilespmem:s15], [sflag:$0x1] =	stream.indirect_vreg.gather [hbm4b:s6+s2], $0x80, v4, vm0, $0xb8;
	[tilespmem:$0x10100] =	vst v63  }
0xaf: {  	s16 =	simm.s32 $0x6100  }
0xb0: {  	[tilespmem:s16], [sflag:$0x1] =	stream.indirect_vreg.gather [hbm4b:s3+s2], $0x80, v3, vm0, $0xb8;
	[tilespmem:$0x10100] =	vst v63  }
0xb1: {  	s17 =	simm.s32 $0x6900  }
0xb2: {  	[tilespmem:s17], [sflag:$0x1] =	stream.indirect_vreg.gather [hbm4b:s4+s2], $0x80, v3, vm0, $0xb8;
	[tilespmem:$0x10100] =	vst v63  }
0xb3: {  	s19 =	simm.s32 $0x7100  }
0xb4: {  	[tilespmem:s19], [sflag:$0x1] =	stream.indirect_vreg.gather [hbm4b:s5+s2], $0x80, v3, vm0, $0xb8;
	[tilespmem:$0x10100] =	vst v63  }
0xb5: {  	s9 =	simm.s32 $0x7900  }
0xb6: {  	[tilespmem:s9], [sflag:$0x1] =	stream.indirect_vreg.gather [hbm4b:s6+s2], $0x80, v3, vm0, $0xb8;
	[tilespmem:$0x10100] =	vst v63  }
0xb7: {  	s15 =	rddreg [dreg:$0x7]  }
0xb8: {  	[hbm4b:s15+s2] =	stream.linear.scatter [tilespmem:s1], [sflag:$0x4], $0x8000, $0x38;
	[tilespmem:$0x10100] =	vst v63  }
0xb9: {  	_ =	swait.ge [sflag:s25], $0x8000  }
0xba: {  	[sflag:s25] =	ssyncset.done $0x0  }
0xbb: {  	[sflag:s25] =	ssyncadd.s32 $0xFFFF8000  }
0xbc: {  	_ =	swait.ge [sflag:s22], $0x8000  }
0xbd: {  	[sflag:s22] =	ssyncset.done $0x0  }
0xbe: {  	s28 =	simm.s32 $0x80;
	s18 =	rddreg [dreg:$0x8];
	[sflag:s22] =	ssyncadd.s32 $0xFFFF8000  }
0xbf: {  	[tilespmem:s28], [sflag:$0x5] =	stream.linear.gather [hbm4b:s18+s2], $0x20, $0x38;
	[tilespmem:$0x10100] =	vst v63  }
0xc0: {  	_ =	swait.ge [sflag:s8], $0x20  }
0xc1: {  	[sflag:s8] =	ssyncset.done $0x0  }
0xc2: {  	[sflag:s8] =	ssyncadd.s32 $0xFFFFFFE0  }
0xc3: {  	v3 =	vld [tilespmem:$0x80];
	_ =	sdelay $0x4  }
0xc4: {  	v54 =	vshll.u32 v3, $0x3  }
0xc5: {  	v3 =	vand.u32 $0x7, v3;
	v4 =	vand.u32 $0xFFFFFFC0, v54  }
0xc6: {  	v3 =	vor.u32 v3, v4  }
0xc7: {  	v4 =	vperm.xlane v3, v0;
	_ =	sdelay $0x1  }
0xc8: {  	v4 =	vadd.s32 v1, v4;
	_ =	sdelay $0x4  }
0xc9: {  	[tilespmem:s1], [sflag:$0x2] =	stream.indirect_vreg.gather [hbm4b:s3+s2], $0x80, v4, vm0, $0xb8;
	[tilespmem:$0x10100] =	vst v63  }
0xca: {  	s0 =	simm.s32 $0x8900;
	v3 =	vperm.xlane v3, v2  }
0xcb: {  	[tilespmem:s0], [sflag:$0x2] =	stream.indirect_vreg.gather [hbm4b:s4+s2], $0x80, v4, vm0, $0xb8;
	[tilespmem:$0x10100] =	vst v63  }
0xcc: {  	s18 =	simm.s32 $0x9100;
	v3 =	vadd.s32 v1, v3  }
0xcd: {  	[tilespmem:s18], [sflag:$0x2] =	stream.indirect_vreg.gather [hbm4b:s5+s2], $0x80, v4, vm0, $0xb8;
	[tilespmem:$0x10100] =	vst v63  }
0xce: {  	s0 =	simm.s32 $0x9900  }
0xcf: {  	[tilespmem:s0], [sflag:$0x2] =	stream.indirect_vreg.gather [hbm4b:s6+s2], $0x80, v4, vm0, $0xb8;
	[tilespmem:$0x10100] =	vst v63  }
0xd0: {  	s28 =	simm.s32 $0xA100  }
0xd1: {  	[tilespmem:s28], [sflag:$0x2] =	stream.indirect_vreg.gather [hbm4b:s3+s2], $0x80, v3, vm0, $0xb8;
	[tilespmem:$0x10100] =	vst v63  }
0xd2: {  	s9 =	simm.s32 $0xA900  }
0xd3: {  	[tilespmem:s9], [sflag:$0x2] =	stream.indirect_vreg.gather [hbm4b:s4+s2], $0x80, v3, vm0, $0xb8;
	[tilespmem:$0x10100] =	vst v63  }
0xd4: {  	s10 =	simm.s32 $0xB100  }
0xd5: {  	[tilespmem:s10], [sflag:$0x2] =	stream.indirect_vreg.gather [hbm4b:s5+s2], $0x80, v3, vm0, $0xb8;
	[tilespmem:$0x10100] =	vst v63  }
0xd6: {  	s11 =	simm.s32 $0xB900  }
0xd7: {  	[tilespmem:s11], [sflag:$0x2] =	stream.indirect_vreg.gather [hbm4b:s6+s2], $0x80, v3, vm0, $0xb8;
	[tilespmem:$0x10100] =	vst v63  }
0xd8: {  	v3 =	vld [tilespmem:$0x90];
	_ =	sdelay $0x4  }
0xd9: {  	v55 =	vshll.u32 v3, $0x3  }
0xda: {  	v3 =	vand.u32 $0x7, v3;
	v4 =	vand.u32 $0xFFFFFFC0, v55  }
0xdb: {  	v3 =	vor.u32 v3, v4  }
0xdc: {  	v4 =	vperm.xlane v3, v0;
	_ =	sdelay $0x1  }
0xdd: {  	v4 =	vadd.s32 v1, v4;
	_ =	sdelay $0x3  }
0xde: {  	s12 =	simm.s32 $0xC100  }
0xdf: {  	[tilespmem:s12], [sflag:$0x2] =	stream.indirect_vreg.gather [hbm4b:s3+s2], $0x80, v4, vm0, $0xb8;
	[tilespmem:$0x10100] =	vst v63  }
0xe0: {  	s13 =	simm.s32 $0xC900;
	v3 =	vperm.xlane v3, v2  }
0xe1: {  	[tilespmem:s13], [sflag:$0x2] =	stream.indirect_vreg.gather [hbm4b:s4+s2], $0x80, v4, vm0, $0xb8;
	[tilespmem:$0x10100] =	vst v63  }
0xe2: {  	s11 =	simm.s32 $0xD100;
	v3 =	vadd.s32 v1, v3  }
0xe3: {  	[tilespmem:s11], [sflag:$0x2] =	stream.indirect_vreg.gather [hbm4b:s5+s2], $0x80, v4, vm0, $0xb8;
	[tilespmem:$0x10100] =	vst v63  }
0xe4: {  	s12 =	simm.s32 $0xD900  }
0xe5: {  	[tilespmem:s12], [sflag:$0x2] =	stream.indirect_vreg.gather [hbm4b:s6+s2], $0x80, v4, vm0, $0xb8;
	[tilespmem:$0x10100] =	vst v63  }
0xe6: {  	s13 =	simm.s32 $0xE100  }
0xe7: {  	[tilespmem:s13], [sflag:$0x2] =	stream.indirect_vreg.gather [hbm4b:s3+s2], $0x80, v3, vm0, $0xb8;
	[tilespmem:$0x10100] =	vst v63  }
0xe8: {  	s14 =	simm.s32 $0xE900  }
0xe9: {  	[tilespmem:s14], [sflag:$0x2] =	stream.indirect_vreg.gather [hbm4b:s4+s2], $0x80, v3, vm0, $0xb8;
	[tilespmem:$0x10100] =	vst v63  }
0xea: {  	s15 =	simm.s32 $0xF100  }
0xeb: {  	[tilespmem:s15], [sflag:$0x2] =	stream.indirect_vreg.gather [hbm4b:s5+s2], $0x80, v3, vm0, $0xb8;
	[tilespmem:$0x10100] =	vst v63  }
0xec: {  	s30 =	simm.s32 $0xF900  }
0xed: {  	[tilespmem:s30], [sflag:$0x2] =	stream.indirect_vreg.gather [hbm4b:s6+s2], $0x80, v3, vm0, $0xb8;
	[tilespmem:$0x10100] =	vst v63  }
0xee: {  	s23 =	rddreg [dreg:$0x9];
	s30 =	simm.s32 $0x100  }
0xef: {  	[hbm4b:s23+s2] =	stream.linear.scatter [tilespmem:s30], [sflag:$0x3], $0x8000, $0x38;
	[tilespmem:$0x10100] =	vst v63  }
0xf0: {  	_ =	swait.ge [sflag:s20], $0x8000  }
0xf1: {  	[sflag:s20] =	ssyncset.done $0x0  }
0xf2: {  	[sflag:s20] =	ssyncadd.s32 $0xFFFF8000  }
0xf3: {  	_ =	swait.ge [sflag:s21], $0x8000  }
0xf4: {  	[sflag:s21] =	ssyncset.done $0x0  }
0xf5: {  	s23 =	rddreg [dreg:$0xa];
	[sflag:s21] =	ssyncadd.s32 $0xFFFF8000  }
0xf6: {  	[tilespmem:s2], [sflag:$0x5] =	stream.linear.gather [hbm4b:s23+s2], $0x20, $0x38;
	[tilespmem:$0x10100] =	vst v63  }
0xf7: {  	_ =	swait.ge [sflag:s8], $0x20  }
0xf8: {  	[sflag:s8] =	ssyncset.done $0x0  }
0xf9: {  	[sflag:s8] =	ssyncadd.s32 $0xFFFFFFE0  }
0xfa: {  	v3 =	vld [tilespmem:$0x0];
	_ =	sdelay $0x4  }
0xfb: {  	v56 =	vshll.u32 v3, $0x3  }
0xfc: {  	v3 =	vand.u32 $0x7, v3;
	v4 =	vand.u32 $0xFFFFFFC0, v56  }
0xfd: {  	v3 =	vor.u32 v3, v4  }
0xfe: {  	v4 =	vperm.xlane v3, v0;
	_ =	sdelay $0x1  }
0xff: {  	v4 =	vadd.s32 v1, v4;
	_ =	sdelay $0x4  }
0x100: {  	[tilespmem:s30], [sflag:$0x1] =	stream.indirect_vreg.gather [hbm4b:s3+s2], $0x80, v4, vm0, $0xb8;
	[tilespmem:$0x10100] =	vst v63  }
0x101: {  	v3 =	vperm.xlane v3, v2  }
0x102: {  	[tilespmem:s24], [sflag:$0x1] =	stream.indirect_vreg.gather [hbm4b:s4+s2], $0x80, v4, vm0, $0xb8;
	[tilespmem:$0x10100] =	vst v63  }
0x103: {  	v3 =	vadd.s32 v1, v3;
	s24 =	simm.s32 $0x1100  }
0x104: {  	[tilespmem:s24], [sflag:$0x1] =	stream.indirect_vreg.gather [hbm4b:s5+s2], $0x80, v4, vm0, $0xb8;
	[tilespmem:$0x10100] =	vst v63  }
0x105: {  	s24 =	simm.s32 $0x1900  }
0x106: {  	[tilespmem:s24], [sflag:$0x1] =	stream.indirect_vreg.gather [hbm4b:s6+s2], $0x80, v4, vm0, $0xb8;
	[tilespmem:$0x10100] =	vst v63  }
0x107: {  	_ = 	snop  }
0x108: {  	[tilespmem:s29], [sflag:$0x1] =	stream.indirect_vreg.gather [hbm4b:s3+s2], $0x80, v3, vm0, $0xb8;
	[tilespmem:$0x10100] =	vst v63  }
0x109: {  	_ = 	snop  }
0x10a: {  	[tilespmem:s31], [sflag:$0x1] =	stream.indirect_vreg.gather [hbm4b:s4+s2], $0x80, v3, vm0, $0xb8;
	[tilespmem:$0x10100] =	vst v63  }
0x10b: {  	s24 =	simm.s32 $0x3100  }
0x10c: {  	[tilespmem:s24], [sflag:$0x1] =	stream.indirect_vreg.gather [hbm4b:s5+s2], $0x80, v3, vm0, $0xb8;
	[tilespmem:$0x10100] =	vst v63  }
0x10d: {  	_ = 	snop  }
0x10e: {  	[tilespmem:s26], [sflag:$0x1] =	stream.indirect_vreg.gather [hbm4b:s6+s2], $0x80, v3, vm0, $0xb8;
	[tilespmem:$0x10100] =	vst v63  }
0x10f: {  	v3 =	vld [tilespmem:$0x10];
	_ =	sdelay $0x4  }
0x110: {  	v57 =	vshll.u32 v3, $0x3  }
0x111: {  	v3 =	vand.u32 $0x7, v3;
	v4 =	vand.u32 $0xFFFFFFC0, v57  }
0x112: {  	v3 =	vor.u32 v3, v4  }
0x113: {  	v4 =	vperm.xlane v3, v0;
	_ =	sdelay $0x1  }
0x114: {  	v4 =	vadd.s32 v1, v4;
	_ =	sdelay $0x3  }
0x115: {  	s26 =	simm.s32 $0x4100  }
0x116: {  	[tilespmem:s26], [sflag:$0x1] =	stream.indirect_vreg.gather [hbm4b:s3+s2], $0x80, v4, vm0, $0xb8;
	[tilespmem:$0x10100] =	vst v63  }
0x117: {  	v3 =	vperm.xlane v3, v2;
	s26 =	simm.s32 $0x4900  }
0x118: {  	[tilespmem:s26], [sflag:$0x1] =	stream.indirect_vreg.gather [hbm4b:s4+s2], $0x80, v4, vm0, $0xb8;
	[tilespmem:$0x10100] =	vst v63  }
0x119: {  	v3 =	vadd.s32 v1, v3;
	s26 =	simm.s32 $0x5100  }
0x11a: {  	[tilespmem:s26], [sflag:$0x1] =	stream.indirect_vreg.gather [hbm4b:s5+s2], $0x80, v4, vm0, $0xb8;
	[tilespmem:$0x10100] =	vst v63  }
0x11b: {  	s26 =	simm.s32 $0x5900  }
0x11c: {  	[tilespmem:s26], [sflag:$0x1] =	stream.indirect_vreg.gather [hbm4b:s6+s2], $0x80, v4, vm0, $0xb8;
	[tilespmem:$0x10100] =	vst v63  }
0x11d: {  	_ = 	snop  }
0x11e: {  	[tilespmem:s16], [sflag:$0x1] =	stream.indirect_vreg.gather [hbm4b:s3+s2], $0x80, v3, vm0, $0xb8;
	[tilespmem:$0x10100] =	vst v63  }
0x11f: {  	_ = 	snop  }
0x120: {  	[tilespmem:s17], [sflag:$0x1] =	stream.indirect_vreg.gather [hbm4b:s4+s2], $0x80, v3, vm0, $0xb8;
	[tilespmem:$0x10100] =	vst v63  }
0x121: {  	_ = 	snop  }
0x122: {  	[tilespmem:s19], [sflag:$0x1] =	stream.indirect_vreg.gather [hbm4b:s5+s2], $0x80, v3, vm0, $0xb8;
	[tilespmem:$0x10100] =	vst v63  }
0x123: {  	s26 =	simm.s32 $0x7900  }
0x124: {  	[tilespmem:s26], [sflag:$0x1] =	stream.indirect_vreg.gather [hbm4b:s6+s2], $0x80, v3, vm0, $0xb8;
	[tilespmem:$0x10100] =	vst v63  }
0x125: {  	s23 =	rddreg [dreg:$0xb]  }
0x126: {  	[hbm4b:s23+s2] =	stream.linear.scatter [tilespmem:s1], [sflag:$0x4], $0x8000, $0x38;
	[tilespmem:$0x10100] =	vst v63  }
0x127: {  	_ =	swait.ge [sflag:s25], $0x8000  }
0x128: {  	[sflag:s25] =	ssyncset.done $0x0  }
0x129: {  	[sflag:s25] =	ssyncadd.s32 $0xFFFF8000  }
0x12a: {  	_ =	swait.ge [sflag:s22], $0x8000  }
0x12b: {  	[sflag:s22] =	ssyncset.done $0x0  }
0x12c: {  	s16 =	simm.s32 $0x80;
	s26 =	rddreg [dreg:$0xc];
	[sflag:s22] =	ssyncadd.s32 $0xFFFF8000  }
0x12d: {  	[tilespmem:s16], [sflag:$0x5] =	stream.linear.gather [hbm4b:s26+s2], $0x20, $0x38;
	[tilespmem:$0x10100] =	vst v63  }
0x12e: {  	_ =	swait.ge [sflag:s8], $0x20  }
0x12f: {  	[sflag:s8] =	ssyncset.done $0x0  }
0x130: {  	[sflag:s8] =	ssyncadd.s32 $0xFFFFFFE0  }
0x131: {  	v3 =	vld [tilespmem:$0x80];
	_ =	sdelay $0x4  }
0x132: {  	v58 =	vshll.u32 v3, $0x3  }
0x133: {  	v3 =	vand.u32 $0x7, v3;
	v4 =	vand.u32 $0xFFFFFFC0, v58  }
0x134: {  	v3 =	vor.u32 v3, v4  }
0x135: {  	v4 =	vperm.xlane v3, v0;
	_ =	sdelay $0x1  }
0x136: {  	v4 =	vadd.s32 v1, v4;
	_ =	sdelay $0x4  }
0x137: {  	[tilespmem:s1], [sflag:$0x2] =	stream.indirect_vreg.gather [hbm4b:s3+s2], $0x80, v4, vm0, $0xb8;
	[tilespmem:$0x10100] =	vst v63  }
0x138: {  	s16 =	simm.s32 $0x8900;
	v3 =	vperm.xlane v3, v2  }
0x139: {  	[tilespmem:s16], [sflag:$0x2] =	stream.indirect_vreg.gather [hbm4b:s4+s2], $0x80, v4, vm0, $0xb8;
	[tilespmem:$0x10100] =	vst v63  }
0x13a: {  	v3 =	vadd.s32 v1, v3  }
0x13b: {  	[tilespmem:s18], [sflag:$0x2] =	stream.indirect_vreg.gather [hbm4b:s5+s2], $0x80, v4, vm0, $0xb8;
	[tilespmem:$0x10100] =	vst v63  }
0x13c: {  	_ = 	snop  }
0x13d: {  	[tilespmem:s0], [sflag:$0x2] =	stream.indirect_vreg.gather [hbm4b:s6+s2], $0x80, v4, vm0, $0xb8;
	[tilespmem:$0x10100] =	vst v63  }
0x13e: {  	_ = 	snop  }
0x13f: {  	[tilespmem:s28], [sflag:$0x2] =	stream.indirect_vreg.gather [hbm4b:s3+s2], $0x80, v3, vm0, $0xb8;
	[tilespmem:$0x10100] =	vst v63  }
0x140: {  	_ = 	snop  }
0x141: {  	[tilespmem:s9], [sflag:$0x2] =	stream.indirect_vreg.gather [hbm4b:s4+s2], $0x80, v3, vm0, $0xb8;
	[tilespmem:$0x10100] =	vst v63  }
0x142: {  	_ = 	snop  }
0x143: {  	[tilespmem:s10], [sflag:$0x2] =	stream.indirect_vreg.gather [hbm4b:s5+s2], $0x80, v3, vm0, $0xb8;
	[tilespmem:$0x10100] =	vst v63  }
0x144: {  	s26 =	simm.s32 $0xB900  }
0x145: {  	[tilespmem:s26], [sflag:$0x2] =	stream.indirect_vreg.gather [hbm4b:s6+s2], $0x80, v3, vm0, $0xb8;
	[tilespmem:$0x10100] =	vst v63  }
0x146: {  	v3 =	vld [tilespmem:$0x90];
	_ =	sdelay $0x4  }
0x147: {  	v59 =	vshll.u32 v3, $0x3  }
0x148: {  	v3 =	vand.u32 $0x7, v3;
	v4 =	vand.u32 $0xFFFFFFC0, v59  }
0x149: {  	v3 =	vor.u32 v3, v4  }
0x14a: {  	v4 =	vperm.xlane v3, v0;
	_ =	sdelay $0x1  }
0x14b: {  	v4 =	vadd.s32 v1, v4;
	_ =	sdelay $0x3  }
0x14c: {  	s0 =	simm.s32 $0xC100  }
0x14d: {  	[tilespmem:s0], [sflag:$0x2] =	stream.indirect_vreg.gather [hbm4b:s3+s2], $0x80, v4, vm0, $0xb8;
	[tilespmem:$0x10100] =	vst v63  }
0x14e: {  	v3 =	vperm.xlane v3, v2;
	s0 =	simm.s32 $0xC900  }
0x14f: {  	[tilespmem:s0], [sflag:$0x2] =	stream.indirect_vreg.gather [hbm4b:s4+s2], $0x80, v4, vm0, $0xb8;
	[tilespmem:$0x10100] =	vst v63  }
0x150: {  	v3 =	vadd.s32 v1, v3  }
0x151: {  	[tilespmem:s11], [sflag:$0x2] =	stream.indirect_vreg.gather [hbm4b:s5+s2], $0x80, v4, vm0, $0xb8;
	[tilespmem:$0x10100] =	vst v63  }
0x152: {  	_ = 	snop  }
0x153: {  	[tilespmem:s12], [sflag:$0x2] =	stream.indirect_vreg.gather [hbm4b:s6+s2], $0x80, v4, vm0, $0xb8;
	[tilespmem:$0x10100] =	vst v63  }
0x154: {  	_ = 	snop  }
0x155: {  	[tilespmem:s13], [sflag:$0x2] =	stream.indirect_vreg.gather [hbm4b:s3+s2], $0x80, v3, vm0, $0xb8;
	[tilespmem:$0x10100] =	vst v63  }
0x156: {  	_ = 	snop  }
0x157: {  	[tilespmem:s14], [sflag:$0x2] =	stream.indirect_vreg.gather [hbm4b:s4+s2], $0x80, v3, vm0, $0xb8;
	[tilespmem:$0x10100] =	vst v63  }
0x158: {  	_ = 	snop  }
0x159: {  	[tilespmem:s15], [sflag:$0x2] =	stream.indirect_vreg.gather [hbm4b:s5+s2], $0x80, v3, vm0, $0xb8;
	[tilespmem:$0x10100] =	vst v63  }
0x15a: {  	s0 =	simm.s32 $0xF900  }
0x15b: {  	[tilespmem:s0], [sflag:$0x2] =	stream.indirect_vreg.gather [hbm4b:s6+s2], $0x80, v3, vm0, $0xb8;
	[tilespmem:$0x10100] =	vst v63  }
0x15c: {  	s30 =	simm.s32 $0x100;
	s23 =	rddreg [dreg:$0xd]  }
0x15d: {  	[hbm4b:s23+s2] =	stream.linear.scatter [tilespmem:s30], [sflag:$0x3], $0x8000, $0x38;
	[tilespmem:$0x10100] =	vst v63  }
0x15e: {  	_ =	swait.ge [sflag:s20], $0x8000  }
0x15f: {  	[sflag:s20] =	ssyncset.done $0x0  }
0x160: {  	[sflag:s20] =	ssyncadd.s32 $0xFFFF8000  }
0x161: {  	_ =	swait.ge [sflag:s21], $0x8000  }
0x162: {  	[sflag:s21] =	ssyncset.done $0x0  }
0x163: {  	s0 =	rddreg [dreg:$0xe];
	[sflag:s21] =	ssyncadd.s32 $0xFFFF8000  }
0x164: {  	[tilespmem:s2], [sflag:$0x5] =	stream.linear.gather [hbm4b:s0+s2], $0x20, $0x38;
	[tilespmem:$0x10100] =	vst v63  }
0x165: {  	_ =	swait.ge [sflag:s8], $0x20  }
0x166: {  	[sflag:s8] =	ssyncset.done $0x0  }
0x167: {  	[sflag:s8] =	ssyncadd.s32 $0xFFFFFFE0  }
0x168: {  	v3 =	vld [tilespmem:$0x0];
	_ =	sdelay $0x4  }
0x169: {  	v60 =	vshll.u32 v3, $0x3  }
0x16a: {  	v3 =	vand.u32 $0x7, v3;
	v4 =	vand.u32 $0xFFFFFFC0, v60  }
0x16b: {  	v3 =	vor.u32 v3, v4  }
0x16c: {  	v4 =	vperm.xlane v3, v0;
	_ =	sdelay $0x1  }
0x16d: {  	v4 =	vadd.s32 v1, v4;
	_ =	sdelay $0x4  }
0x16e: {  	[tilespmem:s30], [sflag:$0x1] =	stream.indirect_vreg.gather [hbm4b:s3+s2], $0x80, v4, vm0, $0xb8;
	[tilespmem:$0x10100] =	vst v63  }
0x16f: {  	s23 =	simm.s32 $0x900;
	v3 =	vperm.xlane v3, v2  }
0x170: {  	[tilespmem:s23], [sflag:$0x1] =	stream.indirect_vreg.gather [hbm4b:s4+s2], $0x80, v4, vm0, $0xb8;
	[tilespmem:$0x10100] =	vst v63  }
0x171: {  	v3 =	vadd.s32 v1, v3;
	s23 =	simm.s32 $0x1100  }
0x172: {  	[tilespmem:s23], [sflag:$0x1] =	stream.indirect_vreg.gather [hbm4b:s5+s2], $0x80, v4, vm0, $0xb8;
	[tilespmem:$0x10100] =	vst v63  }
0x173: {  	s23 =	simm.s32 $0x1900  }
0x174: {  	[tilespmem:s23], [sflag:$0x1] =	stream.indirect_vreg.gather [hbm4b:s6+s2], $0x80, v4, vm0, $0xb8;
	[tilespmem:$0x10100] =	vst v63  }
0x175: {  	s29 =	simm.s32 $0x2100  }
0x176: {  	[tilespmem:s29], [sflag:$0x1] =	stream.indirect_vreg.gather [hbm4b:s3+s2], $0x80, v3, vm0, $0xb8;
	[tilespmem:$0x10100] =	vst v63  }
0x177: {  	s31 =	simm.s32 $0x2900  }
0x178: {  	[tilespmem:s31], [sflag:$0x1] =	stream.indirect_vreg.gather [hbm4b:s4+s2], $0x80, v3, vm0, $0xb8;
	[tilespmem:$0x10100] =	vst v63  }
0x179: {  	s23 =	simm.s32 $0x3100  }
0x17a: {  	[tilespmem:s23], [sflag:$0x1] =	stream.indirect_vreg.gather [hbm4b:s5+s2], $0x80, v3, vm0, $0xb8;
	[tilespmem:$0x10100] =	vst v63  }
0x17b: {  	s24 =	simm.s32 $0x3900  }
0x17c: {  	[tilespmem:s24], [sflag:$0x1] =	stream.indirect_vreg.gather [hbm4b:s6+s2], $0x80, v3, vm0, $0xb8;
	[tilespmem:$0x10100] =	vst v63  }
0x17d: {  	v3 =	vld [tilespmem:$0x10];
	_ =	sdelay $0x4  }
0x17e: {  	v61 =	vshll.u32 v3, $0x3  }
0x17f: {  	v3 =	vand.u32 $0x7, v3;
	v4 =	vand.u32 $0xFFFFFFC0, v61  }
0x180: {  	v3 =	vor.u32 v3, v4  }
0x181: {  	v4 =	vperm.xlane v3, v0;
	_ =	sdelay $0x1  }
0x182: {  	v4 =	vadd.s32 v1, v4;
	_ =	sdelay $0x3  }
0x183: {  	s24 =	simm.s32 $0x4100  }
0x184: {  	[tilespmem:s24], [sflag:$0x1] =	stream.indirect_vreg.gather [hbm4b:s3+s2], $0x80, v4, vm0, $0xb8;
	[tilespmem:$0x10100] =	vst v63  }
0x185: {  	s29 =	simm.s32 $0x4900;
	v3 =	vperm.xlane v3, v2  }
0x186: {  	[tilespmem:s29], [sflag:$0x1] =	stream.indirect_vreg.gather [hbm4b:s4+s2], $0x80, v4, vm0, $0xb8;
	[tilespmem:$0x10100] =	vst v63  }
0x187: {  	s31 =	simm.s32 $0x5100;
	v3 =	vadd.s32 v1, v3  }
0x188: {  	[tilespmem:s31], [sflag:$0x1] =	stream.indirect_vreg.gather [hbm4b:s5+s2], $0x80, v4, vm0, $0xb8;
	[tilespmem:$0x10100] =	vst v63  }
0x189: {  	s23 =	simm.s32 $0x5900  }
0x18a: {  	[tilespmem:s23], [sflag:$0x1] =	stream.indirect_vreg.gather [hbm4b:s6+s2], $0x80, v4, vm0, $0xb8;
	[tilespmem:$0x10100] =	vst v63  }
0x18b: {  	s24 =	simm.s32 $0x6100  }
0x18c: {  	[tilespmem:s24], [sflag:$0x1] =	stream.indirect_vreg.gather [hbm4b:s3+s2], $0x80, v3, vm0, $0xb8;
	[tilespmem:$0x10100] =	vst v63  }
0x18d: {  	s17 =	simm.s32 $0x6900  }
0x18e: {  	[tilespmem:s17], [sflag:$0x1] =	stream.indirect_vreg.gather [hbm4b:s4+s2], $0x80, v3, vm0, $0xb8;
	[tilespmem:$0x10100] =	vst v63  }
0x18f: {  	s19 =	simm.s32 $0x7100  }
0x190: {  	[tilespmem:s19], [sflag:$0x1] =	stream.indirect_vreg.gather [hbm4b:s5+s2], $0x80, v3, vm0, $0xb8;
	[tilespmem:$0x10100] =	vst v63  }
0x191: {  	s31 =	simm.s32 $0x7900  }
0x192: {  	[tilespmem:s31], [sflag:$0x1] =	stream.indirect_vreg.gather [hbm4b:s6+s2], $0x80, v3, vm0, $0xb8;
	[tilespmem:$0x10100] =	vst v63  }
0x193: {  	s29 =	rddreg [dreg:$0xf]  }
0x194: {  	[hbm4b:s29+s2] =	stream.linear.scatter [tilespmem:s1], [sflag:$0x4], $0x8000, $0x38;
	[tilespmem:$0x10100] =	vst v63  }
0x195: {  	_ =	swait.ge [sflag:s25], $0x8000  }
0x196: {  	[sflag:s25] =	ssyncset.done $0x0  }
0x197: {  	[sflag:s25] =	ssyncadd.s32 $0xFFFF8000  }
0x198: {  	_ =	swait.ge [sflag:s22], $0x8000  }
0x199: {  	[sflag:s22] =	ssyncset.done $0x0  }
0x19a: {  	s19 =	simm.s32 $0x80;
	s17 =	rddreg [dreg:$0x10];
	[sflag:s22] =	ssyncadd.s32 $0xFFFF8000  }
0x19b: {  	[tilespmem:s19], [sflag:$0x5] =	stream.linear.gather [hbm4b:s17+s2], $0x20, $0x38;
	[tilespmem:$0x10100] =	vst v63  }
0x19c: {  	_ =	swait.ge [sflag:s8], $0x20  }
0x19d: {  	[sflag:s8] =	ssyncset.done $0x0  }
0x19e: {  	[sflag:s8] =	ssyncadd.s32 $0xFFFFFFE0  }
0x19f: {  	v3 =	vld [tilespmem:$0x80];
	_ =	sdelay $0x4  }
0x1a0: {  	v62 =	vshll.u32 v3, $0x3  }
0x1a1: {  	v3 =	vand.u32 $0x7, v3;
	v4 =	vand.u32 $0xFFFFFFC0, v62  }
0x1a2: {  	v3 =	vor.u32 v3, v4  }
0x1a3: {  	v4 =	vperm.xlane v3, v0;
	_ =	sdelay $0x1  }
0x1a4: {  	v4 =	vadd.s32 v1, v4;
	_ =	sdelay $0x4  }
0x1a5: {  	[tilespmem:s1], [sflag:$0x2] =	stream.indirect_vreg.gather [hbm4b:s3+s2], $0x80, v4, vm0, $0xb8;
	[tilespmem:$0x10100] =	vst v63  }
0x1a6: {  	v3 =	vperm.xlane v3, v2  }
0x1a7: {  	[tilespmem:s16], [sflag:$0x2] =	stream.indirect_vreg.gather [hbm4b:s4+s2], $0x80, v4, vm0, $0xb8;
	[tilespmem:$0x10100] =	vst v63  }
0x1a8: {  	s18 =	simm.s32 $0x9100;
	v3 =	vadd.s32 v1, v3  }
0x1a9: {  	[tilespmem:s18], [sflag:$0x2] =	stream.indirect_vreg.gather [hbm4b:s5+s2], $0x80, v4, vm0, $0xb8;
	[tilespmem:$0x10100] =	vst v63  }
0x1aa: {  	s23 =	simm.s32 $0x9900  }
0x1ab: {  	[tilespmem:s23], [sflag:$0x2] =	stream.indirect_vreg.gather [hbm4b:s6+s2], $0x80, v4, vm0, $0xb8;
	[tilespmem:$0x10100] =	vst v63  }
0x1ac: {  	s28 =	simm.s32 $0xA100  }
0x1ad: {  	[tilespmem:s28], [sflag:$0x2] =	stream.indirect_vreg.gather [hbm4b:s3+s2], $0x80, v3, vm0, $0xb8;
	[tilespmem:$0x10100] =	vst v63  }
0x1ae: {  	s9 =	simm.s32 $0xA900  }
0x1af: {  	[tilespmem:s9], [sflag:$0x2] =	stream.indirect_vreg.gather [hbm4b:s4+s2], $0x80, v3, vm0, $0xb8;
	[tilespmem:$0x10100] =	vst v63  }
0x1b0: {  	s10 =	simm.s32 $0xB100  }
0x1b1: {  	[tilespmem:s10], [sflag:$0x2] =	stream.indirect_vreg.gather [hbm4b:s5+s2], $0x80, v3, vm0, $0xb8;
	[tilespmem:$0x10100] =	vst v63  }
0x1b2: {  	s26 =	simm.s32 $0xB900  }
0x1b3: {  	[tilespmem:s26], [sflag:$0x2] =	stream.indirect_vreg.gather [hbm4b:s6+s2], $0x80, v3, vm0, $0xb8;
	[tilespmem:$0x10100] =	vst v63  }
0x1b4: {  	v3 =	vld [tilespmem:$0x90];
	_ =	sdelay $0x4  }
0x1b5: {  	v63 =	vshll.u32 v3, $0x3  }
0x1b6: {  	v3 =	vand.u32 $0x7, v3;
	v4 =	vand.u32 $0xFFFFFFC0, v63  }
0x1b7: {  	v3 =	vor.u32 v3, v4  }
0x1b8: {  	v4 =	vperm.xlane v3, v0;
	_ =	sdelay $0x1  }
0x1b9: {  	v4 =	vadd.s32 v1, v4;
	_ =	sdelay $0x3  }
0x1ba: {  	s24 =	simm.s32 $0xC100  }
0x1bb: {  	[tilespmem:s24], [sflag:$0x2] =	stream.indirect_vreg.gather [hbm4b:s3+s2], $0x80, v4, vm0, $0xb8;
	[tilespmem:$0x10100] =	vst v63  }
0x1bc: {  	s26 =	simm.s32 $0xC900;
	v3 =	vperm.xlane v3, v2  }
0x1bd: {  	[tilespmem:s26], [sflag:$0x2] =	stream.indirect_vreg.gather [hbm4b:s4+s2], $0x80, v4, vm0, $0xb8;
	[tilespmem:$0x10100] =	vst v63  }
0x1be: {  	s11 =	simm.s32 $0xD100;
	v3 =	vadd.s32 v1, v3  }
0x1bf: {  	[tilespmem:s11], [sflag:$0x2] =	stream.indirect_vreg.gather [hbm4b:s5+s2], $0x80, v4, vm0, $0xb8;
	[tilespmem:$0x10100] =	vst v63  }
0x1c0: {  	s12 =	simm.s32 $0xD900  }
0x1c1: {  	[tilespmem:s12], [sflag:$0x2] =	stream.indirect_vreg.gather [hbm4b:s6+s2], $0x80, v4, vm0, $0xb8;
	[tilespmem:$0x10100] =	vst v63  }
0x1c2: {  	s13 =	simm.s32 $0xE100  }
0x1c3: {  	[tilespmem:s13], [sflag:$0x2] =	stream.indirect_vreg.gather [hbm4b:s3+s2], $0x80, v3, vm0, $0xb8;
	[tilespmem:$0x10100] =	vst v63  }
0x1c4: {  	s14 =	simm.s32 $0xE900  }
0x1c5: {  	[tilespmem:s14], [sflag:$0x2] =	stream.indirect_vreg.gather [hbm4b:s4+s2], $0x80, v3, vm0, $0xb8;
	[tilespmem:$0x10100] =	vst v63  }
0x1c6: {  	s15 =	simm.s32 $0xF100  }
0x1c7: {  	[tilespmem:s15], [sflag:$0x2] =	stream.indirect_vreg.gather [hbm4b:s5+s2], $0x80, v3, vm0, $0xb8;
	[tilespmem:$0x10100] =	vst v63  }
0x1c8: {  	s29 =	simm.s32 $0xF900  }
0x1c9: {  	[tilespmem:s29], [sflag:$0x2] =	stream.indirect_vreg.gather [hbm4b:s6+s2], $0x80, v3, vm0, $0xb8;
	[tilespmem:$0x10100] =	vst v63  }
0x1ca: {  	s28 =	rddreg [dreg:$0x11]  }
0x1cb: {  	[hbm4b:s28+s2] =	stream.linear.scatter [tilespmem:s30], [sflag:$0x3], $0x8000, $0x38;
	[tilespmem:$0x10100] =	vst v63  }
0x1cc: {  	_ =	swait.ge [sflag:s20], $0x8000  }
0x1cd: {  	[sflag:s20] =	ssyncset.done $0x0  }
0x1ce: {  	s31 =	rddreg [dreg:$0x12];
	[sflag:s20] =	ssyncadd.s32 $0xFFFF8000  }
0x1cf: {  	[hbm4b:s31+s2] =	stream.linear.scatter [tilespmem:s1], [sflag:$0x4], $0x8000, $0x38;
	[tilespmem:$0x10100] =	vst v63  }
0x1d0: {  	p0 =	sne.s32 s7, $0x1;
	_ =	swait.ge [sflag:s22], $0x8000  }
.Ltmp0:
0x1d1: {  	[sflag:s22] =	ssyncset.done $0x0;
	(pc) =	sbr.rel @p0 .LBB2_1-.Ltmp0, $4  }
0x1d2: {  	[sflag:s22] =	ssyncadd.s32 $0xFFFF8000  }
0x1d3: {  	_ =	swait.ge [sflag:s21], $0x8000  }
0x1d4: {  	[sflag:s21] =	ssyncset.done $0x0  }
0x1d5: {  	s7 =	sadd.s32 $0xFFFFFFFF, s7;
	[sflag:s21] =	ssyncadd.s32 $0xFFFF8000  }
0x1d6: {  	_ =	sfence.sel $0x180000  }
0x1d7: {  	[bflag:$0x0] =	sbarrier.arrive $0xFFFF  }
0x1d8: {  	_ =	strace $0x9000004D  }
0x1d9: {  	s0 =	stileid.u32;
	[bflag:$0x2] =	sbarrier.arrive $0xFFFF  }
0x1da: {  	p0 =	sne.s32 s0, $0x0;
	s0 =	rddreg [dreg:$0x2]  }
0x1db: {  	s0 =	sadd.s32 @!p0 $0x100000, s0  }
0x1dc: {  	[sflag:s0] =	ssyncadd.tile.s32 @!p0 $0x1;
	_ =	shalt  }
.Lfunc_end2:
_tile_overlayer_lowered:
.L_overlay_start_2:
0x1dd: {  	(tag) =	ssettag $0x2  }
0x1de: {  	s0 =	rddreg [dreg:$0x0];
	s2 =	stileid.u32  }
0x1df: {  	s1 =	rddreg [dreg:$0x1];
	p0 =	sne.s32 s2, $0x0  }
0x1e0: {  	s3 =	rddreg [dreg:$0x2];
	[bflag:$0x3] =	sbarrier.arrive $0xFFFF;
	s2 =	simm.s32 @!p0 $0x1C05  }
0x1e1: {  	[timem:s3], [sflag:s2] =	dma.local @!p0 [hbm:s0], s1  }
0x1e2: {  	s0 =	simm.s32 @!p0 $0x5  }
0x1e3: {  	_ =	swait.ge @!p0 [sflag:s0], s1  }
0x1e4: {  	s1 =	ssub.s32 @!p0 $0x0, s1;
	[sflag:s0] =	ssyncset.done @!p0 $0x0  }
0x1e5: {  	[sflag:s0] =	ssyncadd.s32 @!p0 s1  }
0x1e6: {  	[bflag:$0x3] =	sbarrier.arrive $0xFFFF  }
0x1e7: {  	_ =	shalt  }

// kernel: kernel.7.cloned.1.call-start
scs
__scs_entry_jumppad:
0x0: {  	(pc) =	sbr.rel $0x88, $3  }
0x1: {  	(tag) =	ssettag $0x0;
	lr =	simm.s32 $0x1  }
0x2: {  	[smem:$0x3F9A] =	sst lr;
	_ =	strace $0xD0000000  }
0x3: {  	_ = 	snop  }
0x4: {  	_ = 	snop  }
0x5: {  	_ = 	snop  }
0x6: {  	_ = 	snop  }
0x7: {  	_ = 	snop  }
__scs_overlays_trampoline_lowered:
0x8: {  	[smem:$0x3FA9] =	sst s0  }
0x9: {  	[smem:$0x3FAA] =	sst s1  }
0xa: {  	[smem:$0x3FAB] =	sst s2  }
0xb: {  	[smem:$0x3FAC] =	sst s3  }
0xc: {  	[smem:$0x3FAD] =	sst s4  }
0xd: {  	[smem:$0x3FAE] =	sst s5  }
0xe: {  	[smem:$0x3FAF] =	sst s6  }
0xf: {  	[smem:$0x3FB0] =	sst s7  }
0x10: {  	[smem:$0x3FB1] =	sst s8  }
0x11: {  	[smem:$0x3FB2] =	sst s9;
	s0 =	simm.s32 @!p0 $0x0  }
0x12: {  	s1 =	sld [smem:$0x3F98];
	s0 =	simm.s32 @p0 $0x1  }
0x13: {  	[smem:$0x3FB3] =	sst s0;
	s0 =	simm.s32 @!p1 $0x0  }
0x14: {  	s2 =	sld [smem:$0x3F97];
	s0 =	simm.s32 @p1 $0x1  }
0x15: {  	[smem:$0x3FB4] =	sst s0;
	s0 =	simm.s32 @!p2 $0x0  }
0x16: {  	s3 =	sld [smem:$0x3FDB];
	s0 =	simm.s32 @p2 $0x1  }
0x17: {  	s4 =	simm.s32 $0x1BF5;
	[smem:$0x3FB6] =	sst s0  }
0x18: {  	s0 =	sld [smem:$0x3F99];
	_ =	swait.ge [sflag:s4], $0x0  }
0x19: {  	s7 =	sld [smem:$0x3F9A]  }
0x1a: {  	s8 =	sadd.s32 $0xFFFFE003, lr  }
0x1b: {  	s9 =	sadd.s32 $0xFFFFFEF7, lr;
	s5 =	simm.s32 $0xFFFFFFFF;
	p2 =	slt.u32 s8, $0xFFFFF086  }
0x1c: {  	p1 =	slt.u32 s9, $0xF7A;
	s5 =	simm.s32 @!p2 $0x0  }
0x1d: {  	s5 =	simm.s32 @p1 $0x1;
	p0 =	seq.s32 s7, s2  }
0x1e: {  	s7 =	smul.u32 @!p0 $0xF7A, s2;
	p2 =	seq.s32 @!p0 s5, $0x0  }
0x1f: {  	s9 =	smul.u32 $0xF7A, s1;
	s8 =	simm.s32 @!p0 $0x1BF5;
	p2 =	por !p2, p0  }
0x20: {  	[sflag:s8] =	ssyncset.s32 @!p0 $0xFFFFF086;
	s6 =	sadd.s32 @!p0 s3, s7;
	s7 =	simm.s32 @!p0 $0x108  }
0x21: {  	s3 =	sadd.s32 s3, s9;
	s6 =	sadd.s32 @!p0 $0x88, s6;
	s7 =	simm.s32 @p2 $0x1082  }
0x22: {  	[simem:s7], [sflag:s8] =	dma.local @!p0 [hbm:s6], $0xF7A  }
0x23: {  	s9 =	sor.u32 $0xD0000000, s2;
	s6 =	simm.s32 $0x108;
	_ =	swait.ge @!p0 [sflag:s8], $0x0  }
0x24: {  	s3 =	sadd.s32 $0x88, s3;
	s6 =	simm.s32 @!p1 $0x1082;
	[sflag:s4] =	ssyncset.s32 $0xFFFFF086  }
0x25: {  	[simem:s6], [sflag:s4] =	dma.local [hbm:s3], $0xF7A  }
0x26: {  	[smem:$0x3F9A] =	sst s1;
	(tag) =	ssettag s2;
	_ =	strace s9  }
0x27: {  	s1 =	sld [smem:$0x3FAA]  }
0x28: {  	s2 =	sld [smem:$0x3FAB]  }
0x29: {  	s4 =	sld [smem:$0x3FAD]  }
0x2a: {  	p0 =	seq.s32 s5, $0x0;
	s5 =	sld [smem:$0x3FAE]  }
0x2b: {  	s6 =	sld [smem:$0x3FAF]  }
0x2c: {  	s7 =	sld [smem:$0x3FB0]  }
0x2d: {  	s3 =	simm.s32 $0x108;
	s8 =	sld [smem:$0x3FB1]  }
0x2e: {  	s3 =	simm.s32 @!p0 $0x1082;
	s9 =	sld [smem:$0x3FB2]  }
0x2f: {  	lr =	sadd.s32 s0, s3;
	s0 =	sld [smem:$0x3FA9]  }
0x30: {  	s3 =	sld [smem:$0x3FAC]  }
0x31: {  	[smem:$0x3FB5] =	sst s10  }
0x32: {  	s10 =	sld [smem:$0x3FB3];
	_ =	sdelay $0x3  }
0x33: {  	p0 =	seq.s32 s10, $0x1;
	s10 =	sld [smem:$0x3FB5];
	_ =	sdelay $0x3  }
0x34: {  	[smem:$0x3FB5] =	sst s10  }
0x35: {  	s10 =	sld [smem:$0x3FB4];
	_ =	sdelay $0x3  }
0x36: {  	p1 =	seq.s32 s10, $0x1;
	s10 =	sld [smem:$0x3FB5];
	_ =	sdelay $0x3  }
0x37: {  	[smem:$0x3FB5] =	sst s10  }
0x38: {  	s10 =	sld [smem:$0x3FB6]  }
0x39: {  	_ = 	snop;
	(pc) =	sbr.ind lr, $3  }
0x3a: {  	_ = 	snop  }
0x3b: {  	_ = 	snop  }
0x3c: {  	p2 =	seq.s32 s10, $0x1;
	s10 =	sld [smem:$0x3FB5]  }
0x3d: {  	_ =	shalt  }
0x3e: {  	_ =	shalt  }
0x3f: {  	_ =	shalt  }
0x40: {  	_ =	shalt  }
0x41: {  	_ =	shalt  }
0x42: {  	_ =	shalt  }
0x43: {  	_ =	shalt  }
0x44: {  	_ =	shalt  }
0x45: {  	_ =	shalt  }
0x46: {  	_ =	shalt  }
0x47: {  	_ =	shalt  }
0x48: {  	_ =	shalt  }
0x49: {  	_ =	shalt  }
0x4a: {  	_ =	shalt  }
0x4b: {  	_ =	shalt  }
0x4c: {  	_ =	shalt  }
0x4d: {  	_ =	shalt  }
0x4e: {  	_ =	shalt  }
0x4f: {  	_ =	shalt  }
0x50: {  	_ =	shalt  }
0x51: {  	_ =	shalt  }
0x52: {  	_ =	shalt  }
0x53: {  	_ =	shalt  }
0x54: {  	_ =	shalt  }
0x55: {  	_ =	shalt  }
0x56: {  	_ =	shalt  }
0x57: {  	_ =	shalt  }
0x58: {  	_ =	shalt  }
0x59: {  	_ =	shalt  }
0x5a: {  	_ =	shalt  }
0x5b: {  	_ =	shalt  }
0x5c: {  	_ =	shalt  }
0x5d: {  	_ =	shalt  }
0x5e: {  	_ =	shalt  }
0x5f: {  	_ =	shalt  }
0x60: {  	_ =	shalt  }
0x61: {  	_ =	shalt  }
0x62: {  	_ =	shalt  }
0x63: {  	_ =	shalt  }
0x64: {  	_ =	shalt  }
0x65: {  	_ =	shalt  }
0x66: {  	_ =	shalt  }
0x67: {  	_ =	shalt  }
0x68: {  	_ =	shalt  }
0x69: {  	_ =	shalt  }
0x6a: {  	_ =	shalt  }
0x6b: {  	_ =	shalt  }
0x6c: {  	_ =	shalt  }
0x6d: {  	_ =	shalt  }
0x6e: {  	_ =	shalt  }
0x6f: {  	_ =	shalt  }
0x70: {  	_ =	shalt  }
0x71: {  	_ =	shalt  }
0x72: {  	_ =	shalt  }
0x73: {  	_ =	shalt  }
0x74: {  	_ =	shalt  }
0x75: {  	_ =	shalt  }
0x76: {  	_ =	shalt  }
0x77: {  	_ =	shalt  }
0x78: {  	_ =	shalt  }
0x79: {  	_ =	shalt  }
0x7a: {  	_ =	shalt  }
0x7b: {  	_ =	shalt  }
0x7c: {  	_ =	shalt  }
0x7d: {  	_ =	shalt  }
0x7e: {  	_ =	shalt  }
0x7f: {  	_ =	shalt  }
0x80: {  	_ =	shalt  }
0x81: {  	_ =	shalt  }
0x82: {  	_ =	shalt  }
0x83: {  	_ =	shalt  }
0x84: {  	_ =	shalt  }
0x85: {  	_ =	shalt  }
0x86: {  	_ =	shalt  }
0x87: {  	_ =	shalt  }
.Lfunc_end0:
.L_simem_size_0:
called_computation_lowered:
.L_overlay_start_0:
0x88: {  	s2 =	sld [smem:$0x3FD9]  }
0x89: {  	s3 =	sld [smem:$0x3FFE];
	_ =	sdelay $0x1  }
0x8a: {  	s1 =	srdreg.scid  }
0x8b: {  	s0 =	sand.u32 $0x1, s1  }
0x8c: {  	s17 =	sshll.u32 s0, $0xA;
	s2 =	sadd.s32 s3, s2  }
0x8d: {  	s2 =	sadd.s32 s2, s17  }
0x8e: {  	[smem:$0x3FC1] =	sst s2  }
0x8f: {  	_ = 	snop  }
0x90: {  	s2 =	sld [smem:$0x3FD0];
	(tm) =	ssettm $0x1  }
0x91: {  	s18 =	sld [smem:$0x3FFB];
	_ =	sdelay $0x3  }
0x92: {  	_ =	strace s18  }
0x93: {  	s3 =	sld [smem:$0x3FFC];
	_ =	sdelay $0x3  }
0x94: {  	_ =	strace s3  }
0x95: {  	s3 =	sld [smem:$0x3FFD];
	_ =	sdelay $0x3  }
0x96: {  	_ =	strace s3  }
0x97: {  	_ =	strace $0x8FFFFFFF  }
0x98: {  	s19 =	sld [smem:$0x3FDB];
	_ =	sdelay $0x1  }
0x99: {  	s4 =	simm.s32 $_scs_section_size  }
0x9a: {  	s5 =	simm.s32 $_size__tile_overlayer_lowered;
	s6 =	simm.s32 $_tile_overlayer_lowered  }
0x9b: {  	s22 =	simm.s32 $0x1BFF;
	s21 =	sshll.u32 s6, $0x1;
	s3 =	sadd.s32 s4, s19  }
0x9c: {  	s7 =	simm.s32 $0x0;
	s20 =	sshll.u32 s5, $0x1;
	s5 =	sadd.s32 s21, s3  }
0x9d: {  	[timem:s7], [sflag:s22] =	dma.local [hbm:s5], s20  }
0x9e: {  	_ =	swait.ge [sflag:s22], s20  }
0x9f: {  	s4 =	ssub.s32 $0x0, s20;
	[sflag:s22] =	ssyncset.done $0x0  }
0xa0: {  	[sflag:s22] =	ssyncadd.s32 s4;
	_ =	sdelay $0x1  }
0xa1: {  	s23 =	simm.s32 $0x1B8B  }
0xa2: {  	_ =	swait.ge [sflag:s23], $0x1  }
0xa3: {  	[sflag:s23] =	ssyncset.done $0x0  }
0xa4: {  	s25 =	simm.s32 $0x1B8E;
	s24 =	sld [smem:$0x3FFE];
	[sflag:s23] =	ssyncadd.s32 $0xFFFFFFFF  }
0xa5: {  	s26 =	simm.s32 $execute0_lowered;
	[smem:$0x3FD2] =	sst s25  }
0xa6: {  	s5 =	sshll.u32 s26, $0x1;
	_ =	strace $0x80000046;
	[dreg:$0x1] =	wrdreg $0xFFFFFFFF  }
0xa7: {  	s28 =	simm.s32 $_size_execute0_lowered;
	s3 =	sadd.s32 s3, s5;
	[dreg:$0x0] =	wrdreg $0x0  }
0xa8: {  	s5 =	sshll.u32 s28, $0x1;
	[dreg:$0x2] =	wrdreg s3  }
0xa9: {  	[dreg:$0x3] =	wrdreg s5  }
0xaa: {  	[dreg:$0x4] =	wrdreg $0xC0  }
0xab: {  	_ =	task [dreg:s7], $0x5FFFF  }
0xac: {  	[dreg:$0x1] =	wrdreg $0xFFFFFFFF  }
0xad: {  	[dreg:$0x0] =	wrdreg $0x60  }
0xae: {  	[dreg:$0x2] =	wrdreg s24  }
0xaf: {  	[dreg:$0x3] =	wrdreg s2  }
0xb0: {  	[dreg:$0x4] =	wrdreg $0x9  }
0xb1: {  	_ =	task.clear_ibuf [dreg:s7], $0x5FFFF;
	_ =	strace $0x90000046  }
0xb2: {  	s29 =	simm.s32 $0x9;
	_ =	strace $0x80000048  }
0xb3: {  	_ =	swait.ge [sflag:s29], $0x1  }
0xb4: {  	[sflag:s29] =	ssyncadd.s32 $0xFFFFFFFF  }
0xb5: {  	_ =	strace $0x90000048  }
0xb6: {  	_ =	sfence  }
0xb7: {  	s30 =	sld [smem:$0x0];
	_ =	sdelay $0x2  }
0xb8: {  	s31 =	sshll.u32 s1, $0xD;
	s1 =	sshrl.u32 s1, $0x2  }
0xb9: {  	s3 =	sand.u32 $0x4000, s31;
	s1 =	sadd.s32 s1, s30  }
0xba: {  	s0 =	sor.u32 s3, s0;
	s1 =	sshll.u32 s1, $0x11  }
0xbb: {  	s0 =	sor.u32 s1, s0  }
0xbc: {  	s0 =	sadd.s32 $0x8F2B, s0  }
0xbd: {  	[sflag:s0] =	ssyncadd.remote.s32 $0x1  }
0xbe: {  	_ =	sfence.sel $0xFFFF  }
0xbf: {  	[dreg:$0x0] =	wrdreg $0xFFFFFFFF;
	(pc) =	sbr.abs _section_cstart, $3  }
0xc0: {  	[dreg:$0x1] =	wrdreg $0xFFFFFFFF  }
0xc1: {  	_ =	task.clear_ibuf [dreg:s7], $0x2FFFF;
	_ =	strace $0x9FFFFFFF  }
0xc2: {  	(tm) =	ssettm $0x7FFFFFFF  }
0xc3: {  	_ =	shalt  }
tec
execute0_lowered:
.L_overlay_start_1:
0x0: {  	(tag) =	ssettag $0x1  }
0x1: {  	s0 =	srdreg.scid  }
0x2: {  	s3 =	sand.u32 $0x1, s0;
	s0 =	stileid.u32  }
0x3: {  	s4 =	sshll.u32 s3, $0x4;
	s6 =	ssub.s32 $0x0, s0  }
0x4: {  	p0 =	sne.s32 s4, s6  }
.Ltmp0:
0x5: {  	_ = 	snop;
	(pc) =	sbr.rel @p0 .LBB2_9-.Ltmp0, $4  }
0x6: {  	_ = 	snop  }
0x7: {  	s5 =	rddreg [dreg:$0x0]  }
0x8: {  	s2 =	rddreg [dreg:$0x1]  }
0x9: {  	s1 =	rddreg [dreg:$0x2];
	_ =	strace $0x80000047  }
0xa: {  	s4 =	ssub.s32 $0x2, s3  }
0xb: {  	s3 =	sadd.s32 $0x1000, s5;
	s7 =	simm.s32 $0x0;
	s8 =	simm.s32 $0x1  }
0xc: {  	s9 =	simm.s32 $0x2000;
	s10 =	simm.s32 $0x4000;
	s6 =	sshrl.u32 s4, $0x1  }
0xd: {  	s11 =	simm.s32 $0x6000;
	s12 =	simm.s32 $0x0;
	s6 =	ssub.s32 s4, s6  }
0xe: {  	v0 =	vimm.s32 $0x0;
	v1 =	vimm.f32 $0.0e+00;
	v2 =	vlaneseq.u32;
	s4 =	sadd.s32 $0x1800, s5;
	s5 =	sadd.s32 $0x1400, s5;
	s6 =	smax.u32 s6, $0x1  }
.LBB2_2:
0xf: {  	[tilespmem:s7], [sflag:$0x1] =	stream.linear.gather [hbm4b:s3+s7], $0x2000, $0x38;
	[tilespmem:$0x8000] =	vst v63  }
0x10: {  	_ =	swait.ge [sflag:s8], $0x2000  }
0x11: {  	[sflag:s8] =	ssyncset.done $0x0  }
0x12: {  	[sflag:s8] =	ssyncadd.s32 $0xFFFFE000  }
0x13: {  	[tilespmem:s9], [sflag:$0x1] =	stream.linear.gather [hbm4b:s2+s7], $0x2000, $0x38;
	[tilespmem:$0x8000] =	vst v63  }
0x14: {  	_ =	swait.ge [sflag:s8], $0x2000  }
0x15: {  	[sflag:s8] =	ssyncset.done $0x0  }
0x16: {  	s13 =	simm.s32 $0x0;
	s14 =	simm.s32 $0x100;
	[sflag:s8] =	ssyncadd.s32 $0xFFFFE000  }
.LBB2_3:
0x17: {  	p0 =	sne.s32 s14, $0x7F00;
	[tilespmem:s13+$0x6030] =	vst v1  }
0x18: {  	[tilespmem:s13+$0x4000] =	vst v0  }
0x19: {  	[tilespmem:s13+$0x6000] =	vst v1  }
.Ltmp1:
0x1a: {  	[tilespmem:s13+$0x4010] =	vst v0;
	(pc) =	sbr.rel @p0 .LBB2_3-.Ltmp1, $4  }
0x1b: {  	[tilespmem:s13+$0x6010] =	vst v1  }
0x1c: {  	[tilespmem:s13+$0x4020] =	vst v0  }
0x1d: {  	[tilespmem:s13+$0x6020] =	vst v1  }
0x1e: {  	[tilespmem:s13+$0x4030] =	vst v0;
	s13 =	sshra.s32 s14, $0x2;
	s14 =	sadd.s32 $0x100, s14  }
0x1f: {  	[tilespmem:s13+$0x6030] =	vst v1  }
0x20: {  	[tilespmem:s13+$0x4000] =	vst v0  }
0x21: {  	[tilespmem:s13+$0x6000] =	vst v1  }
0x22: {  	[tilespmem:s13+$0x4010] =	vst v0  }
0x23: {  	[tilespmem:s13+$0x6010] =	vst v1  }
0x24: {  	[tilespmem:s13+$0x4020] =	vst v0  }
0x25: {  	[tilespmem:s13+$0x6020] =	vst v1  }
0x26: {  	[tilespmem:s13+$0x4030] =	vst v0;
	s13 =	simm.s32 $0x0;
	s14 =	simm.s32 $0x20  }
.LBB2_5:
0x27: {  	v3 =	vld [tilespmem:s14+$0xFFFFFFE0];
	_ =	sdelay $0x4  }
0x28: {  	vm0 =	vlt.s32 v3, $0x2000;
	_ =	sdelay $0x4  }
0x29: {  	v4 =	vor.u32 s13, v2  }
0x2a: {  	[tilespmem:v3+s10+$0x0] =	vst.idx.msk vm0, v4  }
0x2b: {  	v3 =	vld [tilespmem:s14+$0xFFFFFFF0];
	_ =	sdelay $0x4  }
0x2c: {  	vm13 =	vlt.s32 v3, $0x2000;
	_ =	sdelay $0x3  }
0x2d: {  	s15 =	sadd.s32 $0x10, s13  }
0x2e: {  	v61 =	vor.u32 s15, v2  }
0x2f: {  	[tilespmem:v3+s10+$0x0] =	vst.idx.msk vm13, v61  }
0x30: {  	v3 =	vld [tilespmem:s14+$0x0];
	_ =	sdelay $0x4  }
0x31: {  	vm14 =	vlt.s32 v3, $0x2000;
	_ =	sdelay $0x3  }
0x32: {  	s30 =	sadd.s32 $0x20, s13  }
0x33: {  	v62 =	vor.u32 s30, v2  }
0x34: {  	[tilespmem:v3+s10+$0x0] =	vst.idx.msk vm14, v62  }
0x35: {  	v3 =	vld [tilespmem:s14+$0x10];
	_ =	sdelay $0x4  }
0x36: {  	vm15 =	vlt.s32 v3, $0x2000  }
0x37: {  	p0 =	sne.s32 s13, $0x1FC0  }
.Ltmp2:
0x38: {  	_ = 	snop;
	(pc) =	sbr.rel @p0 .LBB2_5-.Ltmp2, $4  }
0x39: {  	_ = 	snop  }
0x3a: {  	s31 =	sadd.s32 $0x30, s13  }
0x3b: {  	v63 =	vor.u32 s31, v2  }
0x3c: {  	s13 =	sadd.s32 $0x40, s13;
	s14 =	sadd.s32 $0x40, s14;
	[tilespmem:v3+s10+$0x0] =	vst.idx.msk vm15, v63  }
0x3d: {  	s13 =	simm.s32 $0x0  }
0x3e: {  	v3 =	vld [tilespmem:s13+$0x4000];
	_ =	sdelay $0x5  }
0x3f: {  	v4 =	vld [tilespmem:s13+$0x4010];
	_ =	sdelay $0x1  }
0x40: {  	v3 =	vld.idx.msk [tilespmem:v3+s9+$0x0], $0xffff;
	_ =	sdelay $0x4  }
0x41: {  	v5 =	vld [tilespmem:s13+$0x4020];
	[tilespmem:s13+$0x6000] =	vst v3  }
0x42: {  	v3 =	vld.idx.msk [tilespmem:v4+s9+$0x0], $0xffff;
	_ =	sdelay $0x4  }
0x43: {  	[tilespmem:s13+$0x6010] =	vst v3;
	v3 =	vld [tilespmem:s13+$0x4030];
	_ =	sdelay $0x1  }
0x44: {  	v4 =	vld.idx.msk [tilespmem:v5+s9+$0x0], $0xffff;
	_ =	sdelay $0x3  }
0x45: {  	s15 =	simm.s32 $0x40;
	s14 =	simm.s32 $0x200  }
.LBB2_7:
0x46: {  	p0 =	sne.s32 s14, $0x7F00;
	v5 =	vld [tilespmem:s15+$0x4000];
	[tilespmem:s13+$0x6020] =	vst v4  }
0x47: {  	v3 =	vld.idx.msk [tilespmem:v3+s9+$0x0], $0xffff;
	_ =	sdelay $0x5  }
0x48: {  	v4 =	vld [tilespmem:s15+$0x4010];
	[tilespmem:s13+$0x6030] =	vst v3;
	s13 =	smov.u32 s15  }
0x49: {  	v3 =	vld.idx.msk [tilespmem:v5+s9+$0x0], $0xffff;
	_ =	sdelay $0x5  }
0x4a: {  	[tilespmem:s13+$0x6000] =	vst v3;
	v5 =	vld [tilespmem:s13+$0x4020]  }
0x4b: {  	v3 =	vld.idx.msk [tilespmem:v4+s9+$0x0], $0xffff;
	_ =	sdelay $0x5  }
0x4c: {  	[tilespmem:s13+$0x6010] =	vst v3;
	v3 =	vld [tilespmem:s13+$0x4030]  }
0x4d: {  	v4 =	vld.idx.msk [tilespmem:v5+s9+$0x0], $0xffff  }
.Ltmp3:
0x4e: {  	(pc) =	sbr.rel @p0 .LBB2_7-.Ltmp3, $2  }
0x4f: {  	_ =	sdelay $0x2  }
0x50: {  	s15 =	sshra.s32 s14, $0x2;
	s14 =	sadd.s32 $0x100, s14  }
0x51: {  	_ =	sdelay $0x1  }
0x52: {  	v5 =	vld [tilespmem:s15+$0x4000]  }
0x53: {  	[tilespmem:s13+$0x6020] =	vst v4  }
0x54: {  	v3 =	vld.idx.msk [tilespmem:v3+s9+$0x0], $0xffff;
	_ =	sdelay $0x4  }
0x55: {  	v4 =	vld [tilespmem:s15+$0x4010];
	[tilespmem:s13+$0x6030] =	vst v3  }
0x56: {  	v3 =	vld.idx.msk [tilespmem:v5+s9+$0x0], $0xffff;
	_ =	sdelay $0x4  }
0x57: {  	[tilespmem:s15+$0x6000] =	vst v3;
	v3 =	vld [tilespmem:s15+$0x4020];
	_ =	sdelay $0x1  }
0x58: {  	v4 =	vld.idx.msk [tilespmem:v4+s9+$0x0], $0xffff;
	_ =	sdelay $0x3  }
0x59: {  	v63 =	vld [tilespmem:s15+$0x4030]  }
0x5a: {  	[tilespmem:s15+$0x6010] =	vst v4  }
0x5b: {  	v3 =	vld.idx.msk [tilespmem:v3+s9+$0x0], $0xffff;
	_ =	sdelay $0x4  }
0x5c: {  	[tilespmem:s15+$0x6020] =	vst v3  }
0x5d: {  	v3 =	vld.idx.msk [tilespmem:v63+s9+$0x0], $0xffff;
	_ =	sdelay $0x4  }
0x5e: {  	[tilespmem:s15+$0x6030] =	vst v3  }
0x5f: {  	[hbm4b:s4+s7] =	stream.linear.scatter [tilespmem:s10], [sflag:$0x1], $0x2000, $0x38;
	[tilespmem:$0x8000] =	vst v63  }
0x60: {  	s12 =	sadd.s32 $0x1, s12;
	_ =	swait.ge [sflag:s8], $0x2000  }
0x61: {  	p0 =	sne.s32 s12, s6;
	[sflag:s8] =	ssyncset.done $0x0  }
.Ltmp4:
0x62: {  	[sflag:s8] =	ssyncadd.s32 $0xFFFFE000;
	(pc) =	sbr.rel @p0 .LBB2_2-.Ltmp4, $4  }
0x63: {  	[hbm4b:s5+s7] =	stream.linear.scatter [tilespmem:s11], [sflag:$0x1], $0x2000, $0x38;
	[tilespmem:$0x8000] =	vst v63  }
0x64: {  	_ =	swait.ge [sflag:s8], $0x2000  }
0x65: {  	[sflag:s8] =	ssyncset.done $0x0  }
0x66: {  	[sflag:s8] =	ssyncadd.s32 $0xFFFFE000  }
.LBB2_9:
0x67: {  	_ =	sfence.sel $0x180000  }
0x68: {  	[bflag:$0x0] =	sbarrier.arrive $0xFFFF  }
0x69: {  	p0 =	sne.s32 s0, $0x0;
	_ =	strace $0x90000047  }
0x6a: {  	s0 =	sadd.s32 @!p0 $0x100000, s1;
	[bflag:$0x2] =	sbarrier.arrive $0xFFFF  }
0x6b: {  	[sflag:s0] =	ssyncadd.tile.s32 @!p0 $0x1;
	_ =	shalt  }
.Lfunc_end2:
_tile_overlayer_lowered:
.L_overlay_start_2:
0x6c: {  	(tag) =	ssettag $0x2  }
0x6d: {  	s0 =	rddreg [dreg:$0x0];
	s2 =	stileid.u32  }
0x6e: {  	s1 =	rddreg [dreg:$0x1];
	p0 =	sne.s32 s2, $0x0  }
0x6f: {  	s3 =	rddreg [dreg:$0x2];
	[bflag:$0x3] =	sbarrier.arrive $0xFFFF;
	s2 =	simm.s32 @!p0 $0x1C01  }
0x70: {  	[timem:s3], [sflag:s2] =	dma.local @!p0 [hbm:s0], s1  }
0x71: {  	s0 =	simm.s32 @!p0 $0x1  }
0x72: {  	_ =	swait.ge @!p0 [sflag:s0], s1  }
0x73: {  	s1 =	ssub.s32 @!p0 $0x0, s1;
	[sflag:s0] =	ssyncset.done @!p0 $0x0  }
0x74: {  	[sflag:s0] =	ssyncadd.s32 @!p0 s1  }
0x75: {  	[bflag:$0x3] =	sbarrier.arrive $0xFFFF  }
0x76: {  	_ =	shalt  }

</sc_bundles>
